<compile_context>
chip_gen: v7x
topology: tpu7x:2x2x1
jax: 0.10.2.dev20260603
libtpu: 0.0.44.dev20260713+nightly
codegen_flags: <defaults>
</compile_context>

<pallas_src>
import functools

import jax
import jax.numpy as jnp
from jax import lax
from jax.experimental import pallas as pl
from jax.experimental.pallas import tpu as pltpu
from jax.experimental.pallas import tpu_sc as plsc

N_USER = 50000
N_ITEM = 50000
N_ATTR = 1000
N_ENT = N_USER + N_ITEM + N_ATTR + 1
D = 16
E = 3200000
B = 4096

NC = 2
NS = 16
NEPAD = 101120
ROWS_TILE = NEPAD // NS
K = 80
EP_TILE = E // (NC * NS)
NCHUNK = EP_TILE // K
FLAT_ROWS = NEPAD * D // 128
INV_ROWS = NEPAD // 128

_mesh = functools.partial(
    plsc.VectorSubcoreMesh, core_axis_name="c", subcore_axis_name="s")
_SC_PARAMS = pltpu.CompilerParams(
    needs_layout_passes=False, use_tc_tiling_on_sc=False)


def _iota16():
    return lax.iota(jnp.int32, 16)


def _zero_vmem_2d(ref, rows):
    z = jnp.zeros((16,), jnp.float32)
    for i in range(rows):
        ref[i, :] = z


def _zero_vmem_1d(ref, n):
    z = jnp.zeros((16,), jnp.float32)
    for g in range(n // 16):
        ref[pl.ds(g * 16, 16)] = z


def _edge_softmax_body(emb, src, dst, ex_out, dpart,
                       sidx, didx, srows, drows, exbuf, zbuf, dspm,
                       sem1, sem2):
    c = lax.axis_index("c")
    s = lax.axis_index("s")
    ebase = c * (NS * EP_TILE) + s * EP_TILE

    _zero_vmem_1d(zbuf, K)
    rbase = s * ROWS_TILE

    def zinit(i, _):
        pltpu.sync_copy(zbuf, dspm.at[pl.ds(rbase + i * K, K)])
        return 0

    lax.fori_loop(0, ROWS_TILE // K, zinit, 0)
    plsc.subcore_barrier()

    def step(ci, _):
        off = ebase + ci * K
        pltpu.sync_copy(src.at[pl.ds(off, K)], sidx)
        pltpu.sync_copy(dst.at[pl.ds(off, K)], didx)
        d1 = pltpu.async_copy(emb.at[sidx], srows, sem1)
        d2 = pltpu.async_copy(emb.at[didx], drows, sem2)
        d1.wait()
        d2.wait()
        for g in range(K // 16):
            row16 = g * 16 + _iota16()
            acc = jnp.zeros((16,), jnp.float32)
            for j in range(D):
                cj = jnp.full((16,), j, jnp.int32)
                a = plsc.load_gather(srows, [row16, cj])
                b = plsc.load_gather(drows, [row16, cj])
                acc = acc + a * b
            exbuf[pl.ds(g * 16, 16)] = jnp.exp(acc)
        pltpu.sync_copy(exbuf, ex_out.at[pl.ds(off, K)])
        pltpu.sync_copy(exbuf, dspm.at[didx], add=True)
        return 0

    lax.fori_loop(0, NCHUNK, step, 0)
    plsc.subcore_barrier()
    pltpu.sync_copy(dspm.at[pl.ds(rbase, ROWS_TILE)],
                    dpart.at[pl.ds(c * NEPAD + rbase, ROWS_TILE)])


_edge_softmax = pl.kernel(
    _edge_softmax_body,
    out_type=(jax.ShapeDtypeStruct((E,), jnp.float32),
              jax.ShapeDtypeStruct((NC * NEPAD,), jnp.float32)),
    mesh=_mesh(),
    compiler_params=_SC_PARAMS,
    scratch_types=[
        pltpu.VMEM((K,), jnp.int32),
        pltpu.VMEM((K,), jnp.int32),
        pltpu.VMEM((K, D), jnp.float32),
        pltpu.VMEM((K, D), jnp.float32),
        pltpu.VMEM((K,), jnp.float32),
        pltpu.VMEM((K,), jnp.float32),
        pltpu.VMEM_SHARED((NEPAD,), jnp.float32),
        pltpu.SemaphoreType.DMA,
        pltpu.SemaphoreType.DMA,
    ],
)


def _agg1_body(htab, src, dst, ex, inv, w_out, part,
               sidx, didx, exv, wv, ivals, rows, zbuf, invspm, accspm,
               sem1, sem2):
    c = lax.axis_index("c")
    s = lax.axis_index("s")
    ebase = c * (NS * EP_TILE) + s * EP_TILE

    _zero_vmem_2d(zbuf, K)
    rbase = s * ROWS_TILE
    pltpu.sync_copy(inv.at[pl.ds(rbase, ROWS_TILE)],
                    invspm.at[pl.ds(rbase, ROWS_TILE)])

    def zinit(i, _):
        pltpu.sync_copy(zbuf, accspm.at[pl.ds(rbase + i * K, K), :])
        return 0

    lax.fori_loop(0, ROWS_TILE // K, zinit, 0)
    plsc.subcore_barrier()

    def step(ci, _):
        off = ebase + ci * K
        pltpu.sync_copy(src.at[pl.ds(off, K)], sidx)
        pltpu.sync_copy(dst.at[pl.ds(off, K)], didx)
        pltpu.sync_copy(ex.at[pl.ds(off, K)], exv)
        d1 = pltpu.async_copy(htab.at[sidx], rows, sem1)
        d2 = pltpu.async_copy(invspm.at[didx], ivals, sem2)
        d1.wait()
        d2.wait()
        for g in range(K // 16):
            w16 = (exv[pl.ds(g * 16, 16)] * ivals[pl.ds(g * 16, 16)])
            wv[pl.ds(g * 16, 16)] = w16
            row16 = g * 16 + _iota16()
            for j in range(D):
                cj = jnp.full((16,), j, jnp.int32)
                v = plsc.load_gather(rows, [row16, cj])
                plsc.store_scatter(rows, [row16, cj], v * w16)
        pltpu.sync_copy(wv, w_out.at[pl.ds(off, K)])
        pltpu.sync_copy(rows, accspm.at[didx], add=True)
        return 0

    lax.fori_loop(0, NCHUNK, step, 0)
    plsc.subcore_barrier()
    pltpu.sync_copy(accspm.at[pl.ds(rbase, ROWS_TILE), :],
                    part.at[c, pl.ds(rbase, ROWS_TILE), :])


_agg1 = pl.kernel(
    _agg1_body,
    out_type=(jax.ShapeDtypeStruct((E,), jnp.float32),
              jax.ShapeDtypeStruct((NC, NEPAD, D), jnp.float32)),
    mesh=_mesh(),
    compiler_params=_SC_PARAMS,
    scratch_types=[
        pltpu.VMEM((K,), jnp.int32),
        pltpu.VMEM((K,), jnp.int32),
        pltpu.VMEM((K,), jnp.float32),
        pltpu.VMEM((K,), jnp.float32),
        pltpu.VMEM((K,), jnp.float32),
        pltpu.VMEM((K, D), jnp.float32),
        pltpu.VMEM((K, D), jnp.float32),
        pltpu.VMEM_SHARED((NEPAD,), jnp.float32),
        pltpu.VMEM_SHARED((NEPAD, D), jnp.float32),
        pltpu.SemaphoreType.DMA,
        pltpu.SemaphoreType.DMA,
    ],
)


def _agg2_body(htab, src, dst, w, part,
               sidx, didx, wv, rows, zbuf, accspm, sem1):
    c = lax.axis_index("c")
    s = lax.axis_index("s")
    ebase = c * (NS * EP_TILE) + s * EP_TILE

    _zero_vmem_2d(zbuf, K)
    rbase = s * ROWS_TILE

    def zinit(i, _):
        pltpu.sync_copy(zbuf, accspm.at[pl.ds(rbase + i * K, K), :])
        return 0

    lax.fori_loop(0, ROWS_TILE // K, zinit, 0)
    plsc.subcore_barrier()

    def step(ci, _):
        off = ebase + ci * K
        pltpu.sync_copy(src.at[pl.ds(off, K)], sidx)
        pltpu.sync_copy(dst.at[pl.ds(off, K)], didx)
        pltpu.sync_copy(w.at[pl.ds(off, K)], wv)
        pltpu.async_copy(htab.at[sidx], rows, sem1).wait()
        for g in range(K // 16):
            w16 = wv[pl.ds(g * 16, 16)]
            row16 = g * 16 + _iota16()
            for j in range(D):
                cj = jnp.full((16,), j, jnp.int32)
                v = plsc.load_gather(rows, [row16, cj])
                plsc.store_scatter(rows, [row16, cj], v * w16)
        pltpu.sync_copy(rows, accspm.at[didx], add=True)
        return 0

    lax.fori_loop(0, NCHUNK, step, 0)
    plsc.subcore_barrier()
    pltpu.sync_copy(accspm.at[pl.ds(rbase, ROWS_TILE), :],
                    part.at[c, pl.ds(rbase, ROWS_TILE), :])


_agg2 = pl.kernel(
    _agg2_body,
    out_type=jax.ShapeDtypeStruct((NC, NEPAD, D), jnp.float32),
    mesh=_mesh(),
    compiler_params=_SC_PARAMS,
    scratch_types=[
        pltpu.VMEM((K,), jnp.int32),
        pltpu.VMEM((K,), jnp.int32),
        pltpu.VMEM((K,), jnp.float32),
        pltpu.VMEM((K, D), jnp.float32),
        pltpu.VMEM((K, D), jnp.float32),
        pltpu.VMEM_SHARED((NEPAD, D), jnp.float32),
        pltpu.SemaphoreType.DMA,
    ],
)


BT = B // (NC * NS)


def _batch_gather_body(final, user, item, attr, out, idxv, rowsv, sem):
    c = lax.axis_index("c")
    s = lax.axis_index("s")
    tbase = (c * NS + s) * BT
    ids = (user, item, attr)
    offs = (0, N_USER, N_USER + N_ITEM)
    for sec in range(3):
        pltpu.sync_copy(ids[sec].at[pl.ds(tbase, BT)], idxv)
        if offs[sec]:
            off = jnp.full((16,), offs[sec], jnp.int32)
            for g in range(BT // 16):
                idxv[pl.ds(g * 16, 16)] = idxv[pl.ds(g * 16, 16)] + off
        pltpu.async_copy(final.at[idxv], rowsv, sem).wait()
        pltpu.sync_copy(rowsv, out.at[sec, pl.ds(tbase, BT), :])


_batch_gather = pl.kernel(
    _batch_gather_body,
    out_type=jax.ShapeDtypeStruct((3, B, D), jnp.float32),
    mesh=_mesh(),
    compiler_params=_SC_PARAMS,
    scratch_types=[
        pltpu.VMEM((BT,), jnp.int32),
        pltpu.VMEM((BT, D), jnp.float32),
        pltpu.SemaphoreType.DMA,
    ],
)


def _inv_body(d0, d1, o):
    o[...] = 1.0 / (d0[...] + d1[...] + 1e-9)


def _tc_inv(d0, d1):
    return pl.pallas_call(
        _inv_body,
        out_shape=jax.ShapeDtypeStruct((INV_ROWS, 128), jnp.float32),
    )(d0, d1)


def _fin_body(scale, p0, p1, acc, h, accn):
    hp = jnp.tanh(p0[...] + p1[...])
    h[...] = hp
    accn[...] = (acc[...] + hp) * scale


def _tc_finalize(p0, p1, acc, scale):
    blk = FLAT_ROWS // 10
    body = functools.partial(_fin_body, scale)
    return pl.pallas_call(
        body,
        grid=(10,),
        in_specs=[pl.BlockSpec((blk, 128), lambda i: (i, 0))] * 3,
        out_specs=[pl.BlockSpec((blk, 128), lambda i: (i, 0))] * 2,
        out_shape=(jax.ShapeDtypeStruct((FLAT_ROWS, 128), jnp.float32),
                   jax.ShapeDtypeStruct((FLAT_ROWS, 128), jnp.float32)),
    )(p0, p1, acc)


def _mlp_body(ue, ie, ae, w1, b1, w2, b2, w3, b3, o):
    x = (jnp.dot(ue[...], w1[0:D, :], preferred_element_type=jnp.float32)
         + jnp.dot(ie[...], w1[D:2 * D, :], preferred_element_type=jnp.float32)
         + jnp.dot(ae[...], w1[2 * D:3 * D, :],
                   preferred_element_type=jnp.float32))
    h1 = jnp.tanh(x + b1[...])
    h2 = jnp.tanh(jnp.dot(h1, w2[...], preferred_element_type=jnp.float32)
                  + b2[...])
    o[...] = jnp.dot(h2, w3[...], preferred_element_type=jnp.float32) + b3[...]


def _tc_mlp(ue, ie, ae, w1, b1, w2, b2, w3, b3):
    rb = 512
    full = lambda shape: pl.BlockSpec(shape, lambda i: (0, 0))
    return pl.pallas_call(
        _mlp_body,
        grid=(B // rb,),
        in_specs=[
            pl.BlockSpec((rb, D), lambda i: (i, 0)),
            pl.BlockSpec((rb, D), lambda i: (i, 0)),
            pl.BlockSpec((rb, D), lambda i: (i, 0)),
            full((3 * D, 64)), full((1, 64)),
            full((64, 32)), full((1, 32)),
            full((32, 1)), full((1, 1)),
        ],
        out_specs=pl.BlockSpec((rb, 1), lambda i: (i, 0)),
        out_shape=jax.ShapeDtypeStruct((B, 1), jnp.float32),
    )(ue, ie, ae, w1, b1, w2, b2, w3, b3)


def kernel(user, item, attr, edge_index, ent_emb, W1, b1, W2, b2, W3, b3):
    src = edge_index[0]
    dst = edge_index[1]

    ex, dparts = _edge_softmax(ent_emb, src, dst)
    dparts = dparts.reshape(NC, INV_ROWS, 128)
    inv = _tc_inv(dparts[0], dparts[1]).reshape(NEPAD)

    acc0 = jnp.pad(ent_emb, ((0, NEPAD - N_ENT), (0, 0)))
    w, p = _agg1(ent_emb, src, dst, ex, inv)
    h1f, acc1 = _tc_finalize(p[0].reshape(FLAT_ROWS, 128),
                             p[1].reshape(FLAT_ROWS, 128),
                             acc0.reshape(FLAT_ROWS, 128), 1.0)
    h1 = h1f.reshape(NEPAD, D)

    q = _agg2(h1, src, dst, w)
    _, finalf = _tc_finalize(q[0].reshape(FLAT_ROWS, 128),
                             q[1].reshape(FLAT_ROWS, 128),
                             acc1, 1.0 / 3.0)
    final = finalf.reshape(NEPAD, D)

    g3 = _batch_gather(final, user, item, attr)
    return _tc_mlp(g3[0], g3[1], g3[2],
                   W1, b1.reshape(1, 64), W2, b2.reshape(1, 32),
                   W3, b3.reshape(1, 1))

# --- scband reference (transcript-rebuilt; emitter-appended) ---
"""Pipeline reference for scband-graph-rec-50766513439159 (READ-ONLY COPY).

The authoritative reference and input builder live on the scoring server;
editing this copy changes nothing except your own understanding.
"""

import jax, jax.numpy as jnp
import numpy as np

N_USER = 50000
N_ITEM = 50000
N_ATTR = 1000
N_ENT = N_USER + N_ITEM + N_ATTR + 1
EMBED = 16
N_LAYER = 2
BATCH = 4096
N_EDGES = 3200000


def setup_inputs(seed: int = 0) -> dict:
    key = jax.random.key(seed)
    ks = jax.random.split(key, 12)
    user = jax.random.randint(ks[0], (BATCH,), 0, N_USER, dtype=jnp.int64) if jax.config.jax_enable_x64 else jax.random.randint(ks[0], (BATCH,), 0, N_USER, dtype=jnp.int32)
    item = jax.random.randint(ks[1], (BATCH,), 0, N_ITEM, dtype=user.dtype)
    attr = jax.random.randint(ks[2], (BATCH,), 0, N_ATTR, dtype=user.dtype)
    edge_index = jax.random.randint(ks[3], (2, N_EDGES), 0, N_ENT, dtype=user.dtype)
    ent_emb = jax.random.normal(ks[4], (N_ENT, EMBED), dtype=jnp.float32) * 0.1
    W1 = jax.random.normal(ks[5], (3 * EMBED, 64), dtype=jnp.float32) * 0.1
    b1 = jnp.zeros((64,), dtype=jnp.float32)
    W2 = jax.random.normal(ks[6], (64, 32), dtype=jnp.float32) * 0.1
    b2 = jnp.zeros((32,), dtype=jnp.float32)
    W3 = jax.random.normal(ks[7], (32, 1), dtype=jnp.float32) * 0.1
    b3 = jnp.zeros((1,), dtype=jnp.float32)
    return {"user": user, "item": item, "attr": attr, "edge_index": edge_index,
            "ent_emb": ent_emb, "W1": W1, "b1": b1, "W2": W2, "b2": b2, "W3": W3, "b3": b3}


def reference(user, item, attr, edge_index, ent_emb, W1, b1, W2, b2, W3, b3):
    # Attention weights over KG neighbors: softmax per destination node of
    # dot(h[dst], h[src]) -- mirrors the sp_weight construction in update_weight().
    src = edge_index[0]
    dst = edge_index[1]
    logits = jnp.sum(ent_emb[src] * ent_emb[dst], axis=-1)
    seg_max = jax.ops.segment_max(logits, dst, num_segments=N_ENT)
    seg_max = jnp.where(jnp.isfinite(seg_max), seg_max, 0.0)
    ex = jnp.exp(logits - seg_max[dst])
    denom = jax.ops.segment_sum(ex, dst, num_segments=N_ENT)
    w = ex / (denom[dst] + 1e-9)
    # Multi-layer propagation (propagation_train): h_{k} = tanh(A_sp @ h_{k-1}),
    # accumulating all layer embeddings like all_embedding list.
    h = ent_emb
    acc = ent_emb
    for _ in range(N_LAYER):
        h = jnp.tanh(jax.ops.segment_sum(w[:, None] * h[src], dst, num_segments=N_ENT))
        acc = acc + h
    final = acc / float(N_LAYER + 1)
    # Gather (user, item, attr) embeddings with global id offsets, then MLP scorer.
    ue = final[user]
    ie = final[N_USER + item]
    ae = final[N_USER + N_ITEM + attr]
    x = jnp.concatenate([ue, ie, ae], axis=-1)
    h1 = jnp.tanh(x @ W1 + b1)
    h2 = jnp.tanh(h1 @ W2 + b2)
    out = h2 @ W3 + b3
    return out

if __name__ == "__main__":
    import jax
    _d = setup_inputs()
    print(jax.jit(kernel)(*tuple(_d.values())))

</pallas_src>

<mosaic_0001>
#map = affine_map<(d0, d1) -> (0, 0)>
#map1 = affine_map<(d0, d1) -> (0)>
#map2 = affine_map<(d0, d1) -> (0, 0, 0)>
module attributes {stable_mosaic.version = 14 : i64} {
  func.func @_agg2_body(%arg0: i32, %arg1: i32, %arg2: memref<101120x16xf32, #tpu.memory_space<hbm>>, %arg3: memref<3200000xi32, #tpu.memory_space<hbm>>, %arg4: memref<3200000xi32, #tpu.memory_space<hbm>>, %arg5: memref<3200000xf32, #tpu.memory_space<hbm>>, %arg6: memref<2x101120x16xf32, #tpu.memory_space<hbm>>, %arg7: memref<80xi32, #tpu.memory_space<vmem>>, %arg8: memref<80xi32, #tpu.memory_space<vmem>>, %arg9: memref<80xf32, #tpu.memory_space<vmem>>, %arg10: memref<80x16xf32, #tpu.memory_space<vmem>>, %arg11: memref<80x16xf32, #tpu.memory_space<vmem>>, %arg12: memref<101120x16xf32, #tpu.memory_space<vmem_shared>>, %arg13: memref<!tpu.dma_semaphore, #tpu.memory_space<semaphore_mem>>) attributes {dimension_semantics = [#tpu.dimension_semantics<core_parallel>, #tpu.dimension_semantics<subcore_parallel>], iteration_bounds = array<i64: 2, 16>, scalar_prefetch = 0 : i64, scratch_operands = 7 : i64, tpu.core_type = #tpu.core_type<sc_vector_subcore>, window_params = [{transform_indices = #map}, {transform_indices = #map1}, {transform_indices = #map1}, {transform_indices = #map1}, {transform_indices = #map2}]} {
    %mul3A = arith.constant 1600000 : i32
    %mul3A_0 = arith.muli %arg0, %mul3A : i32
    %mul3A_1 = arith.constant 100000 : i32
    %mul3A_2 = arith.muli %arg1, %mul3A_1 : i32
    %add3A = arith.addi %mul3A_0, %mul3A_2 : i32
    %broadcast_in_dim3A = arith.constant 0.000000e+00 : f32
    %broadcast_in_dim3A_3 = vector.broadcast %broadcast_in_dim3A : f32 to vector<16xf32>
    %swap3A = arith.constant 0 : i32
    %swap3A_4 = arith.index_cast %swap3A : i32 to index
    %swap3A_5 = arith.constant 0 : index
    %swap3A_6 = tpu.vector_load %arg11[%swap3A_4, %swap3A_5] {strides = array<i32>} : memref<80x16xf32, #tpu.memory_space<vmem>>, vector<16xf32>,
    tpu.vector_store %arg11[%swap3A_4, %swap3A_5], %broadcast_in_dim3A_3 {strides = array<i32>} : memref<80x16xf32, #tpu.memory_space<vmem>>, vector<16xf32>,
    %swap3A_7 = arith.constant 1 : i32
    %swap3A_8 = arith.index_cast %swap3A_7 : i32 to index
    %swap3A_9 = arith.constant 0 : index
    %swap3A_10 = tpu.vector_load %arg11[%swap3A_8, %swap3A_9] {strides = array<i32>} : memref<80x16xf32, #tpu.memory_space<vmem>>, vector<16xf32>,
    tpu.vector_store %arg11[%swap3A_8, %swap3A_9], %broadcast_in_dim3A_3 {strides = array<i32>} : memref<80x16xf32, #tpu.memory_space<vmem>>, vector<16xf32>,
    %swap3A_11 = arith.constant 2 : i32
    %swap3A_12 = arith.index_cast %swap3A_11 : i32 to index
    %swap3A_13 = arith.constant 0 : index
    %swap3A_14 = tpu.vector_load %arg11[%swap3A_12, %swap3A_13] {strides = array<i32>} : memref<80x16xf32, #tpu.memory_space<vmem>>, vector<16xf32>,
    tpu.vector_store %arg11[%swap3A_12, %swap3A_13], %broadcast_in_dim3A_3 {strides = array<i32>} : memref<80x16xf32, #tpu.memory_space<vmem>>, vector<16xf32>,
    %swap3A_15 = arith.constant 3 : i32
    %swap3A_16 = arith.index_cast %swap3A_15 : i32 to index
    %swap3A_17 = arith.constant 0 : index
    %swap3A_18 = tpu.vector_load %arg11[%swap3A_16, %swap3A_17] {strides = array<i32>} : memref<80x16xf32, #tpu.memory_space<vmem>>, vector<16xf32>,
    tpu.vector_store %arg11[%swap3A_16, %swap3A_17], %broadcast_in_dim3A_3 {strides = array<i32>} : memref<80x16xf32, #tpu.memory_space<vmem>>, vector<16xf32>,
    %swap3A_19 = arith.constant 4 : i32
    %swap3A_20 = arith.index_cast %swap3A_19 : i32 to index
    %swap3A_21 = arith.constant 0 : index
    %swap3A_22 = tpu.vector_load %arg11[%swap3A_20, %swap3A_21] {strides = array<i32>} : memref<80x16xf32, #tpu.memory_space<vmem>>, vector<16xf32>,
    tpu.vector_store %arg11[%swap3A_20, %swap3A_21], %broadcast_in_dim3A_3 {strides = array<i32>} : memref<80x16xf32, #tpu.memory_space<vmem>>, vector<16xf32>,
    %swap3A_23 = arith.constant 5 : i32
    %swap3A_24 = arith.index_cast %swap3A_23 : i32 to index
    %swap3A_25 = arith.constant 0 : index
    %swap3A_26 = tpu.vector_load %arg11[%swap3A_24, %swap3A_25] {strides = array<i32>} : memref<80x16xf32, #tpu.memory_space<vmem>>, vector<16xf32>,
    tpu.vector_store %arg11[%swap3A_24, %swap3A_25], %broadcast_in_dim3A_3 {strides = array<i32>} : memref<80x16xf32, #tpu.memory_space<vmem>>, vector<16xf32>,
    %swap3A_27 = arith.constant 6 : i32
    %swap3A_28 = arith.index_cast %swap3A_27 : i32 to index
    %swap3A_29 = arith.constant 0 : index
    %swap3A_30 = tpu.vector_load %arg11[%swap3A_28, %swap3A_29] {strides = array<i32>} : memref<80x16xf32, #tpu.memory_space<vmem>>, vector<16xf32>,
    tpu.vector_store %arg11[%swap3A_28, %swap3A_29], %broadcast_in_dim3A_3 {strides = array<i32>} : memref<80x16xf32, #tpu.memory_space<vmem>>, vector<16xf32>,
    %swap3A_31 = arith.constant 7 : i32
    %swap3A_32 = arith.index_cast %swap3A_31 : i32 to index
    %swap3A_33 = arith.constant 0 : index
    %swap3A_34 = tpu.vector_load %arg11[%swap3A_32, %swap3A_33] {strides = array<i32>} : memref<80x16xf32, #tpu.memory_space<vmem>>, vector<16xf32>,
    tpu.vector_store %arg11[%swap3A_32, %swap3A_33], %broadcast_in_dim3A_3 {strides = array<i32>} : memref<80x16xf32, #tpu.memory_space<vmem>>, vector<16xf32>,
    %swap3A_35 = arith.constant 8 : i32
    %swap3A_36 = arith.index_cast %swap3A_35 : i32 to index
    %swap3A_37 = arith.constant 0 : index
    %swap3A_38 = tpu.vector_load %arg11[%swap3A_36, %swap3A_37] {strides = array<i32>} : memref<80x16xf32, #tpu.memory_space<vmem>>, vector<16xf32>,
    tpu.vector_store %arg11[%swap3A_36, %swap3A_37], %broadcast_in_dim3A_3 {strides = array<i32>} : memref<80x16xf32, #tpu.memory_space<vmem>>, vector<16xf32>,
    %swap3A_39 = arith.constant 9 : i32
    %swap3A_40 = arith.index_cast %swap3A_39 : i32 to index
    %swap3A_41 = arith.constant 0 : index
    %swap3A_42 = tpu.vector_load %arg11[%swap3A_40, %swap3A_41] {strides = array<i32>} : memref<80x16xf32, #tpu.memory_space<vmem>>, vector<16xf32>,
    tpu.vector_store %arg11[%swap3A_40, %swap3A_41], %broadcast_in_dim3A_3 {strides = array<i32>} : memref<80x16xf32, #tpu.memory_space<vmem>>, vector<16xf32>,
    %swap3A_43 = arith.constant 10 : i32
    %swap3A_44 = arith.index_cast %swap3A_43 : i32 to index
    %swap3A_45 = arith.constant 0 : index
    %swap3A_46 = tpu.vector_load %arg11[%swap3A_44, %swap3A_45] {strides = array<i32>} : memref<80x16xf32, #tpu.memory_space<vmem>>, vector<16xf32>,
    tpu.vector_store %arg11[%swap3A_44, %swap3A_45], %broadcast_in_dim3A_3 {strides = array<i32>} : memref<80x16xf32, #tpu.memory_space<vmem>>, vector<16xf32>,
    %swap3A_47 = arith.constant 11 : i32
    %swap3A_48 = arith.index_cast %swap3A_47 : i32 to index
    %swap3A_49 = arith.constant 0 : index
    %swap3A_50 = tpu.vector_load %arg11[%swap3A_48, %swap3A_49] {strides = array<i32>} : memref<80x16xf32, #tpu.memory_space<vmem>>, vector<16xf32>,
    tpu.vector_store %arg11[%swap3A_48, %swap3A_49], %broadcast_in_dim3A_3 {strides = array<i32>} : memref<80x16xf32, #tpu.memory_space<vmem>>, vector<16xf32>,
    %swap3A_51 = arith.constant 12 : i32
    %swap3A_52 = arith.index_cast %swap3A_51 : i32 to index
    %swap3A_53 = arith.constant 0 : index
    %swap3A_54 = tpu.vector_load %arg11[%swap3A_52, %swap3A_53] {strides = array<i32>} : memref<80x16xf32, #tpu.memory_space<vmem>>, vector<16xf32>,
    tpu.vector_store %arg11[%swap3A_52, %swap3A_53], %broadcast_in_dim3A_3 {strides = array<i32>} : memref<80x16xf32, #tpu.memory_space<vmem>>, vector<16xf32>,
    %swap3A_55 = arith.constant 13 : i32
    %swap3A_56 = arith.index_cast %swap3A_55 : i32 to index
    %swap3A_57 = arith.constant 0 : index
    %swap3A_58 = tpu.vector_load %arg11[%swap3A_56, %swap3A_57] {strides = array<i32>} : memref<80x16xf32, #tpu.memory_space<vmem>>, vector<16xf32>,
    tpu.vector_store %arg11[%swap3A_56, %swap3A_57], %broadcast_in_dim3A_3 {strides = array<i32>} : memref<80x16xf32, #tpu.memory_space<vmem>>, vector<16xf32>,
    %swap3A_59 = arith.constant 14 : i32
    %swap3A_60 = arith.index_cast %swap3A_59 : i32 to index
    %swap3A_61 = arith.constant 0 : index
    %swap3A_62 = tpu.vector_load %arg11[%swap3A_60, %swap3A_61] {strides = array<i32>} : memref<80x16xf32, #tpu.memory_space<vmem>>, vector<16xf32>,
    tpu.vector_store %arg11[%swap3A_60, %swap3A_61], %broadcast_in_dim3A_3 {strides = array<i32>} : memref<80x16xf32, #tpu.memory_space<vmem>>, vector<16xf32>,
    %swap3A_63 = arith.constant 15 : i32
    %swap3A_64 = arith.index_cast %swap3A_63 : i32 to index
    %swap3A_65 = arith.constant 0 : index
    %swap3A_66 = tpu.vector_load %arg11[%swap3A_64, %swap3A_65] {strides = array<i32>} : memref<80x16xf32, #tpu.memory_space<vmem>>, vector<16xf32>,
    tpu.vector_store %arg11[%swap3A_64, %swap3A_65], %broadcast_in_dim3A_3 {strides = array<i32>} : memref<80x16xf32, #tpu.memory_space<vmem>>, vector<16xf32>,
    %swap3A_67 = arith.constant 16 : i32
    %swap3A_68 = arith.index_cast %swap3A_67 : i32 to index
    %swap3A_69 = arith.constant 0 : index
    %swap3A_70 = tpu.vector_load %arg11[%swap3A_68, %swap3A_69] {strides = array<i32>} : memref<80x16xf32, #tpu.memory_space<vmem>>, vector<16xf32>,
    tpu.vector_store %arg11[%swap3A_68, %swap3A_69], %broadcast_in_dim3A_3 {strides = array<i32>} : memref<80x16xf32, #tpu.memory_space<vmem>>, vector<16xf32>,
    %swap3A_71 = arith.constant 17 : i32
    %swap3A_72 = arith.index_cast %swap3A_71 : i32 to index
    %swap3A_73 = arith.constant 0 : index
    %swap3A_74 = tpu.vector_load %arg11[%swap3A_72, %swap3A_73] {strides = array<i32>} : memref<80x16xf32, #tpu.memory_space<vmem>>, vector<16xf32>,
    tpu.vector_store %arg11[%swap3A_72, %swap3A_73], %broadcast_in_dim3A_3 {strides = array<i32>} : memref<80x16xf32, #tpu.memory_space<vmem>>, vector<16xf32>,
    %swap3A_75 = arith.constant 18 : i32
    %swap3A_76 = arith.index_cast %swap3A_75 : i32 to index
    %swap3A_77 = arith.constant 0 : index
    %swap3A_78 = tpu.vector_load %arg11[%swap3A_76, %swap3A_77] {strides = array<i32>} : memref<80x16xf32, #tpu.memory_space<vmem>>, vector<16xf32>,
    tpu.vector_store %arg11[%swap3A_76, %swap3A_77], %broadcast_in_dim3A_3 {strides = array<i32>} : memref<80x16xf32, #tpu.memory_space<vmem>>, vector<16xf32>,
    %swap3A_79 = arith.constant 19 : i32
    %swap3A_80 = arith.index_cast %swap3A_79 : i32 to index
    %swap3A_81 = arith.constant 0 : index
    %swap3A_82 = tpu.vector_load %arg11[%swap3A_80, %swap3A_81] {strides = array<i32>} : memref<80x16xf32, #tpu.memory_space<vmem>>, vector<16xf32>,
    tpu.vector_store %arg11[%swap3A_80, %swap3A_81], %broadcast_in_dim3A_3 {strides = array<i32>} : memref<80x16xf32, #tpu.memory_space<vmem>>, vector<16xf32>,
    %swap3A_83 = arith.constant 20 : i32
    %swap3A_84 = arith.index_cast %swap3A_83 : i32 to index
    %swap3A_85 = arith.constant 0 : index
    %swap3A_86 = tpu.vector_load %arg11[%swap3A_84, %swap3A_85] {strides = array<i32>} : memref<80x16xf32, #tpu.memory_space<vmem>>, vector<16xf32>,
    tpu.vector_store %arg11[%swap3A_84, %swap3A_85], %broadcast_in_dim3A_3 {strides = array<i32>} : memref<80x16xf32, #tpu.memory_space<vmem>>, vector<16xf32>,
    %swap3A_87 = arith.constant 21 : i32
    %swap3A_88 = arith.index_cast %swap3A_87 : i32 to index
    %swap3A_89 = arith.constant 0 : index
    %swap3A_90 = tpu.vector_load %arg11[%swap3A_88, %swap3A_89] {strides = array<i32>} : memref<80x16xf32, #tpu.memory_space<vmem>>, vector<16xf32>,
    tpu.vector_store %arg11[%swap3A_88, %swap3A_89], %broadcast_in_dim3A_3 {strides = array<i32>} : memref<80x16xf32, #tpu.memory_space<vmem>>, vector<16xf32>,
    %swap3A_91 = arith.constant 22 : i32
    %swap3A_92 = arith.index_cast %swap3A_91 : i32 to index
    %swap3A_93 = arith.constant 0 : index
    %swap3A_94 = tpu.vector_load %arg11[%swap3A_92, %swap3A_93] {strides = array<i32>} : memref<80x16xf32, #tpu.memory_space<vmem>>, vector<16xf32>,
    tpu.vector_store %arg11[%swap3A_92, %swap3A_93], %broadcast_in_dim3A_3 {strides = array<i32>} : memref<80x16xf32, #tpu.memory_space<vmem>>, vector<16xf32>,
    %swap3A_95 = arith.constant 23 : i32
    %swap3A_96 = arith.index_cast %swap3A_95 : i32 to index
    %swap3A_97 = arith.constant 0 : index
    %swap3A_98 = tpu.vector_load %arg11[%swap3A_96, %swap3A_97] {strides = array<i32>} : memref<80x16xf32, #tpu.memory_space<vmem>>, vector<16xf32>,
    tpu.vector_store %arg11[%swap3A_96, %swap3A_97], %broadcast_in_dim3A_3 {strides = array<i32>} : memref<80x16xf32, #tpu.memory_space<vmem>>, vector<16xf32>,
    %swap3A_99 = arith.constant 24 : i32
    %swap3A_100 = arith.index_cast %swap3A_99 : i32 to index
    %swap3A_101 = arith.constant 0 : index
    %swap3A_102 = tpu.vector_load %arg11[%swap3A_100, %swap3A_101] {strides = array<i32>} : memref<80x16xf32, #tpu.memory_space<vmem>>, vector<16xf32>,
    tpu.vector_store %arg11[%swap3A_100, %swap3A_101], %broadcast_in_dim3A_3 {strides = array<i32>} : memref<80x16xf32, #tpu.memory_space<vmem>>, vector<16xf32>,
    %swap3A_103 = arith.constant 25 : i32
    %swap3A_104 = arith.index_cast %swap3A_103 : i32 to index
    %swap3A_105 = arith.constant 0 : index
    %swap3A_106 = tpu.vector_load %arg11[%swap3A_104, %swap3A_105] {strides = array<i32>} : memref<80x16xf32, #tpu.memory_space<vmem>>, vector<16xf32>,
    tpu.vector_store %arg11[%swap3A_104, %swap3A_105], %broadcast_in_dim3A_3 {strides = array<i32>} : memref<80x16xf32, #tpu.memory_space<vmem>>, vector<16xf32>,
    %swap3A_107 = arith.constant 26 : i32
    %swap3A_108 = arith.index_cast %swap3A_107 : i32 to index
    %swap3A_109 = arith.constant 0 : index
    %swap3A_110 = tpu.vector_load %arg11[%swap3A_108, %swap3A_109] {strides = array<i32>} : memref<80x16xf32, #tpu.memory_space<vmem>>, vector<16xf32>,
    tpu.vector_store %arg11[%swap3A_108, %swap3A_109], %broadcast_in_dim3A_3 {strides = array<i32>} : memref<80x16xf32, #tpu.memory_space<vmem>>, vector<16xf32>,
    %swap3A_111 = arith.constant 27 : i32
    %swap3A_112 = arith.index_cast %swap3A_111 : i32 to index
    %swap3A_113 = arith.constant 0 : index
    %swap3A_114 = tpu.vector_load %arg11[%swap3A_112, %swap3A_113] {strides = array<i32>} : memref<80x16xf32, #tpu.memory_space<vmem>>, vector<16xf32>,
    tpu.vector_store %arg11[%swap3A_112, %swap3A_113], %broadcast_in_dim3A_3 {strides = array<i32>} : memref<80x16xf32, #tpu.memory_space<vmem>>, vector<16xf32>,
    %swap3A_115 = arith.constant 28 : i32
    %swap3A_116 = arith.index_cast %swap3A_115 : i32 to index
    %swap3A_117 = arith.constant 0 : index
    %swap3A_118 = tpu.vector_load %arg11[%swap3A_116, %swap3A_117] {strides = array<i32>} : memref<80x16xf32, #tpu.memory_space<vmem>>, vector<16xf32>,
    tpu.vector_store %arg11[%swap3A_116, %swap3A_117], %broadcast_in_dim3A_3 {strides = array<i32>} : memref<80x16xf32, #tpu.memory_space<vmem>>, vector<16xf32>,
    %swap3A_119 = arith.constant 29 : i32
    %swap3A_120 = arith.index_cast %swap3A_119 : i32 to index
    %swap3A_121 = arith.constant 0 : index
    %swap3A_122 = tpu.vector_load %arg11[%swap3A_120, %swap3A_121] {strides = array<i32>} : memref<80x16xf32, #tpu.memory_space<vmem>>, vector<16xf32>,
    tpu.vector_store %arg11[%swap3A_120, %swap3A_121], %broadcast_in_dim3A_3 {strides = array<i32>} : memref<80x16xf32, #tpu.memory_space<vmem>>, vector<16xf32>,
    %swap3A_123 = arith.constant 30 : i32
    %swap3A_124 = arith.index_cast %swap3A_123 : i32 to index
    %swap3A_125 = arith.constant 0 : index
    %swap3A_126 = tpu.vector_load %arg11[%swap3A_124, %swap3A_125] {strides = array<i32>} : memref<80x16xf32, #tpu.memory_space<vmem>>, vector<16xf32>,
    tpu.vector_store %arg11[%swap3A_124, %swap3A_125], %broadcast_in_dim3A_3 {strides = array<i32>} : memref<80x16xf32, #tpu.memory_space<vmem>>, vector<16xf32>,
    %swap3A_127 = arith.constant 31 : i32
    %swap3A_128 = arith.index_cast %swap3A_127 : i32 to index
    %swap3A_129 = arith.constant 0 : index
    %swap3A_130 = tpu.vector_load %arg11[%swap3A_128, %swap3A_129] {strides = array<i32>} : memref<80x16xf32, #tpu.memory_space<vmem>>, vector<16xf32>,
    tpu.vector_store %arg11[%swap3A_128, %swap3A_129], %broadcast_in_dim3A_3 {strides = array<i32>} : memref<80x16xf32, #tpu.memory_space<vmem>>, vector<16xf32>,
    %swap3A_131 = arith.constant 32 : i32
    %swap3A_132 = arith.index_cast %swap3A_131 : i32 to index
    %swap3A_133 = arith.constant 0 : index
    %swap3A_134 = tpu.vector_load %arg11[%swap3A_132, %swap3A_133] {strides = array<i32>} : memref<80x16xf32, #tpu.memory_space<vmem>>, vector<16xf32>,
    tpu.vector_store %arg11[%swap3A_132, %swap3A_133], %broadcast_in_dim3A_3 {strides = array<i32>} : memref<80x16xf32, #tpu.memory_space<vmem>>, vector<16xf32>,
    %swap3A_135 = arith.constant 33 : i32
    %swap3A_136 = arith.index_cast %swap3A_135 : i32 to index
    %swap3A_137 = arith.constant 0 : index
    %swap3A_138 = tpu.vector_load %arg11[%swap3A_136, %swap3A_137] {strides = array<i32>} : memref<80x16xf32, #tpu.memory_space<vmem>>, vector<16xf32>,
    tpu.vector_store %arg11[%swap3A_136, %swap3A_137], %broadcast_in_dim3A_3 {strides = array<i32>} : memref<80x16xf32, #tpu.memory_space<vmem>>, vector<16xf32>,
    %swap3A_139 = arith.constant 34 : i32
    %swap3A_140 = arith.index_cast %swap3A_139 : i32 to index
    %swap3A_141 = arith.constant 0 : index
    %swap3A_142 = tpu.vector_load %arg11[%swap3A_140, %swap3A_141] {strides = array<i32>} : memref<80x16xf32, #tpu.memory_space<vmem>>, vector<16xf32>,
    tpu.vector_store %arg11[%swap3A_140, %swap3A_141], %broadcast_in_dim3A_3 {strides = array<i32>} : memref<80x16xf32, #tpu.memory_space<vmem>>, vector<16xf32>,
    %swap3A_143 = arith.constant 35 : i32
    %swap3A_144 = arith.index_cast %swap3A_143 : i32 to index
    %swap3A_145 = arith.constant 0 : index
    %swap3A_146 = tpu.vector_load %arg11[%swap3A_144, %swap3A_145] {strides = array<i32>} : memref<80x16xf32, #tpu.memory_space<vmem>>, vector<16xf32>,
    tpu.vector_store %arg11[%swap3A_144, %swap3A_145], %broadcast_in_dim3A_3 {strides = array<i32>} : memref<80x16xf32, #tpu.memory_space<vmem>>, vector<16xf32>,
    %swap3A_147 = arith.constant 36 : i32
    %swap3A_148 = arith.index_cast %swap3A_147 : i32 to index
    %swap3A_149 = arith.constant 0 : index
    %swap3A_150 = tpu.vector_load %arg11[%swap3A_148, %swap3A_149] {strides = array<i32>} : memref<80x16xf32, #tpu.memory_space<vmem>>, vector<16xf32>,
    tpu.vector_store %arg11[%swap3A_148, %swap3A_149], %broadcast_in_dim3A_3 {strides = array<i32>} : memref<80x16xf32, #tpu.memory_space<vmem>>, vector<16xf32>,
    %swap3A_151 = arith.constant 37 : i32
    %swap3A_152 = arith.index_cast %swap3A_151 : i32 to index
    %swap3A_153 = arith.constant 0 : index
    %swap3A_154 = tpu.vector_load %arg11[%swap3A_152, %swap3A_153] {strides = array<i32>} : memref<80x16xf32, #tpu.memory_space<vmem>>, vector<16xf32>,
    tpu.vector_store %arg11[%swap3A_152, %swap3A_153], %broadcast_in_dim3A_3 {strides = array<i32>} : memref<80x16xf32, #tpu.memory_space<vmem>>, vector<16xf32>,
    %swap3A_155 = arith.constant 38 : i32
    %swap3A_156 = arith.index_cast %swap3A_155 : i32 to index
    %swap3A_157 = arith.constant 0 : index
    %swap3A_158 = tpu.vector_load %arg11[%swap3A_156, %swap3A_157] {strides = array<i32>} : memref<80x16xf32, #tpu.memory_space<vmem>>, vector<16xf32>,
    tpu.vector_store %arg11[%swap3A_156, %swap3A_157], %broadcast_in_dim3A_3 {strides = array<i32>} : memref<80x16xf32, #tpu.memory_space<vmem>>, vector<16xf32>,
    %swap3A_159 = arith.constant 39 : i32
    %swap3A_160 = arith.index_cast %swap3A_159 : i32 to index
    %swap3A_161 = arith.constant 0 : index
    %swap3A_162 = tpu.vector_load %arg11[%swap3A_160, %swap3A_161] {strides = array<i32>} : memref<80x16xf32, #tpu.memory_space<vmem>>, vector<16xf32>,
    tpu.vector_store %arg11[%swap3A_160, %swap3A_161], %broadcast_in_dim3A_3 {strides = array<i32>} : memref<80x16xf32, #tpu.memory_space<vmem>>, vector<16xf32>,
    %swap3A_163 = arith.constant 40 : i32
    %swap3A_164 = arith.index_cast %swap3A_163 : i32 to index
    %swap3A_165 = arith.constant 0 : index
    %swap3A_166 = tpu.vector_load %arg11[%swap3A_164, %swap3A_165] {strides = array<i32>} : memref<80x16xf32, #tpu.memory_space<vmem>>, vector<16xf32>,
    tpu.vector_store %arg11[%swap3A_164, %swap3A_165], %broadcast_in_dim3A_3 {strides = array<i32>} : memref<80x16xf32, #tpu.memory_space<vmem>>, vector<16xf32>,
    %swap3A_167 = arith.constant 41 : i32
    %swap3A_168 = arith.index_cast %swap3A_167 : i32 to index
    %swap3A_169 = arith.constant 0 : index
    %swap3A_170 = tpu.vector_load %arg11[%swap3A_168, %swap3A_169] {strides = array<i32>} : memref<80x16xf32, #tpu.memory_space<vmem>>, vector<16xf32>,
    tpu.vector_store %arg11[%swap3A_168, %swap3A_169], %broadcast_in_dim3A_3 {strides = array<i32>} : memref<80x16xf32, #tpu.memory_space<vmem>>, vector<16xf32>,
    %swap3A_171 = arith.constant 42 : i32
    %swap3A_172 = arith.index_cast %swap3A_171 : i32 to index
    %swap3A_173 = arith.constant 0 : index
    %swap3A_174 = tpu.vector_load %arg11[%swap3A_172, %swap3A_173] {strides = array<i32>} : memref<80x16xf32, #tpu.memory_space<vmem>>, vector<16xf32>,
    tpu.vector_store %arg11[%swap3A_172, %swap3A_173], %broadcast_in_dim3A_3 {strides = array<i32>} : memref<80x16xf32, #tpu.memory_space<vmem>>, vector<16xf32>,
    %swap3A_175 = arith.constant 43 : i32
    %swap3A_176 = arith.index_cast %swap3A_175 : i32 to index
    %swap3A_177 = arith.constant 0 : index
    %swap3A_178 = tpu.vector_load %arg11[%swap3A_176, %swap3A_177] {strides = array<i32>} : memref<80x16xf32, #tpu.memory_space<vmem>>, vector<16xf32>,
    tpu.vector_store %arg11[%swap3A_176, %swap3A_177], %broadcast_in_dim3A_3 {strides = array<i32>} : memref<80x16xf32, #tpu.memory_space<vmem>>, vector<16xf32>,
    %swap3A_179 = arith.constant 44 : i32
    %swap3A_180 = arith.index_cast %swap3A_179 : i32 to index
    %swap3A_181 = arith.constant 0 : index
    %swap3A_182 = tpu.vector_load %arg11[%swap3A_180, %swap3A_181] {strides = array<i32>} : memref<80x16xf32, #tpu.memory_space<vmem>>, vector<16xf32>,
    tpu.vector_store %arg11[%swap3A_180, %swap3A_181], %broadcast_in_dim3A_3 {strides = array<i32>} : memref<80x16xf32, #tpu.memory_space<vmem>>, vector<16xf32>,
    %swap3A_183 = arith.constant 45 : i32
    %swap3A_184 = arith.index_cast %swap3A_183 : i32 to index
    %swap3A_185 = arith.constant 0 : index
    %swap3A_186 = tpu.vector_load %arg11[%swap3A_184, %swap3A_185] {strides = array<i32>} : memref<80x16xf32, #tpu.memory_space<vmem>>, vector<16xf32>,
    tpu.vector_store %arg11[%swap3A_184, %swap3A_185], %broadcast_in_dim3A_3 {strides = array<i32>} : memref<80x16xf32, #tpu.memory_space<vmem>>, vector<16xf32>,
    %swap3A_187 = arith.constant 46 : i32
    %swap3A_188 = arith.index_cast %swap3A_187 : i32 to index
    %swap3A_189 = arith.constant 0 : index
    %swap3A_190 = tpu.vector_load %arg11[%swap3A_188, %swap3A_189] {strides = array<i32>} : memref<80x16xf32, #tpu.memory_space<vmem>>, vector<16xf32>,
    tpu.vector_store %arg11[%swap3A_188, %swap3A_189], %broadcast_in_dim3A_3 {strides = array<i32>} : memref<80x16xf32, #tpu.memory_space<vmem>>, vector<16xf32>,
    %swap3A_191 = arith.constant 47 : i32
    %swap3A_192 = arith.index_cast %swap3A_191 : i32 to index
    %swap3A_193 = arith.constant 0 : index
    %swap3A_194 = tpu.vector_load %arg11[%swap3A_192, %swap3A_193] {strides = array<i32>} : memref<80x16xf32, #tpu.memory_space<vmem>>, vector<16xf32>,
    tpu.vector_store %arg11[%swap3A_192, %swap3A_193], %broadcast_in_dim3A_3 {strides = array<i32>} : memref<80x16xf32, #tpu.memory_space<vmem>>, vector<16xf32>,
    %swap3A_195 = arith.constant 48 : i32
    %swap3A_196 = arith.index_cast %swap3A_195 : i32 to index
    %swap3A_197 = arith.constant 0 : index
    %swap3A_198 = tpu.vector_load %arg11[%swap3A_196, %swap3A_197] {strides = array<i32>} : memref<80x16xf32, #tpu.memory_space<vmem>>, vector<16xf32>,
    tpu.vector_store %arg11[%swap3A_196, %swap3A_197], %broadcast_in_dim3A_3 {strides = array<i32>} : memref<80x16xf32, #tpu.memory_space<vmem>>, vector<16xf32>,
    %swap3A_199 = arith.constant 49 : i32
    %swap3A_200 = arith.index_cast %swap3A_199 : i32 to index
    %swap3A_201 = arith.constant 0 : index
    %swap3A_202 = tpu.vector_load %arg11[%swap3A_200, %swap3A_201] {strides = array<i32>} : memref<80x16xf32, #tpu.memory_space<vmem>>, vector<16xf32>,
    tpu.vector_store %arg11[%swap3A_200, %swap3A_201], %broadcast_in_dim3A_3 {strides = array<i32>} : memref<80x16xf32, #tpu.memory_space<vmem>>, vector<16xf32>,
    %swap3A_203 = arith.constant 50 : i32
    %swap3A_204 = arith.index_cast %swap3A_203 : i32 to index
    %swap3A_205 = arith.constant 0 : index
    %swap3A_206 = tpu.vector_load %arg11[%swap3A_204, %swap3A_205] {strides = array<i32>} : memref<80x16xf32, #tpu.memory_space<vmem>>, vector<16xf32>,
    tpu.vector_store %arg11[%swap3A_204, %swap3A_205], %broadcast_in_dim3A_3 {strides = array<i32>} : memref<80x16xf32, #tpu.memory_space<vmem>>, vector<16xf32>,
    %swap3A_207 = arith.constant 51 : i32
    %swap3A_208 = arith.index_cast %swap3A_207 : i32 to index
    %swap3A_209 = arith.constant 0 : index
    %swap3A_210 = tpu.vector_load %arg11[%swap3A_208, %swap3A_209] {strides = array<i32>} : memref<80x16xf32, #tpu.memory_space<vmem>>, vector<16xf32>,
    tpu.vector_store %arg11[%swap3A_208, %swap3A_209], %broadcast_in_dim3A_3 {strides = array<i32>} : memref<80x16xf32, #tpu.memory_space<vmem>>, vector<16xf32>,
    %swap3A_211 = arith.constant 52 : i32
    %swap3A_212 = arith.index_cast %swap3A_211 : i32 to index
    %swap3A_213 = arith.constant 0 : index
    %swap3A_214 = tpu.vector_load %arg11[%swap3A_212, %swap3A_213] {strides = array<i32>} : memref<80x16xf32, #tpu.memory_space<vmem>>, vector<16xf32>,
    tpu.vector_store %arg11[%swap3A_212, %swap3A_213], %broadcast_in_dim3A_3 {strides = array<i32>} : memref<80x16xf32, #tpu.memory_space<vmem>>, vector<16xf32>,
    %swap3A_215 = arith.constant 53 : i32
    %swap3A_216 = arith.index_cast %swap3A_215 : i32 to index
    %swap3A_217 = arith.constant 0 : index
    %swap3A_218 = tpu.vector_load %arg11[%swap3A_216, %swap3A_217] {strides = array<i32>} : memref<80x16xf32, #tpu.memory_space<vmem>>, vector<16xf32>,
    tpu.vector_store %arg11[%swap3A_216, %swap3A_217], %broadcast_in_dim3A_3 {strides = array<i32>} : memref<80x16xf32, #tpu.memory_space<vmem>>, vector<16xf32>,
    %swap3A_219 = arith.constant 54 : i32
    %swap3A_220 = arith.index_cast %swap3A_219 : i32 to index
    %swap3A_221 = arith.constant 0 : index
    %swap3A_222 = tpu.vector_load %arg11[%swap3A_220, %swap3A_221] {strides = array<i32>} : memref<80x16xf32, #tpu.memory_space<vmem>>, vector<16xf32>,
    tpu.vector_store %arg11[%swap3A_220, %swap3A_221], %broadcast_in_dim3A_3 {strides = array<i32>} : memref<80x16xf32, #tpu.memory_space<vmem>>, vector<16xf32>,
    %swap3A_223 = arith.constant 55 : i32
    %swap3A_224 = arith.index_cast %swap3A_223 : i32 to index
    %swap3A_225 = arith.constant 0 : index
    %swap3A_226 = tpu.vector_load %arg11[%swap3A_224, %swap3A_225] {strides = array<i32>} : memref<80x16xf32, #tpu.memory_space<vmem>>, vector<16xf32>,
    tpu.vector_store %arg11[%swap3A_224, %swap3A_225], %broadcast_in_dim3A_3 {strides = array<i32>} : memref<80x16xf32, #tpu.memory_space<vmem>>, vector<16xf32>,
    %swap3A_227 = arith.constant 56 : i32
    %swap3A_228 = arith.index_cast %swap3A_227 : i32 to index
    %swap3A_229 = arith.constant 0 : index
    %swap3A_230 = tpu.vector_load %arg11[%swap3A_228, %swap3A_229] {strides = array<i32>} : memref<80x16xf32, #tpu.memory_space<vmem>>, vector<16xf32>,
    tpu.vector_store %arg11[%swap3A_228, %swap3A_229], %broadcast_in_dim3A_3 {strides = array<i32>} : memref<80x16xf32, #tpu.memory_space<vmem>>, vector<16xf32>,
    %swap3A_231 = arith.constant 57 : i32
    %swap3A_232 = arith.index_cast %swap3A_231 : i32 to index
    %swap3A_233 = arith.constant 0 : index
    %swap3A_234 = tpu.vector_load %arg11[%swap3A_232, %swap3A_233] {strides = array<i32>} : memref<80x16xf32, #tpu.memory_space<vmem>>, vector<16xf32>,
    tpu.vector_store %arg11[%swap3A_232, %swap3A_233], %broadcast_in_dim3A_3 {strides = array<i32>} : memref<80x16xf32, #tpu.memory_space<vmem>>, vector<16xf32>,
    %swap3A_235 = arith.constant 58 : i32
    %swap3A_236 = arith.index_cast %swap3A_235 : i32 to index
    %swap3A_237 = arith.constant 0 : index
    %swap3A_238 = tpu.vector_load %arg11[%swap3A_236, %swap3A_237] {strides = array<i32>} : memref<80x16xf32, #tpu.memory_space<vmem>>, vector<16xf32>,
    tpu.vector_store %arg11[%swap3A_236, %swap3A_237], %broadcast_in_dim3A_3 {strides = array<i32>} : memref<80x16xf32, #tpu.memory_space<vmem>>, vector<16xf32>,
    %swap3A_239 = arith.constant 59 : i32
    %swap3A_240 = arith.index_cast %swap3A_239 : i32 to index
    %swap3A_241 = arith.constant 0 : index
    %swap3A_242 = tpu.vector_load %arg11[%swap3A_240, %swap3A_241] {strides = array<i32>} : memref<80x16xf32, #tpu.memory_space<vmem>>, vector<16xf32>,
    tpu.vector_store %arg11[%swap3A_240, %swap3A_241], %broadcast_in_dim3A_3 {strides = array<i32>} : memref<80x16xf32, #tpu.memory_space<vmem>>, vector<16xf32>,
    %swap3A_243 = arith.constant 60 : i32
    %swap3A_244 = arith.index_cast %swap3A_243 : i32 to index
    %swap3A_245 = arith.constant 0 : index
    %swap3A_246 = tpu.vector_load %arg11[%swap3A_244, %swap3A_245] {strides = array<i32>} : memref<80x16xf32, #tpu.memory_space<vmem>>, vector<16xf32>,
    tpu.vector_store %arg11[%swap3A_244, %swap3A_245], %broadcast_in_dim3A_3 {strides = array<i32>} : memref<80x16xf32, #tpu.memory_space<vmem>>, vector<16xf32>,
    %swap3A_247 = arith.constant 61 : i32
    %swap3A_248 = arith.index_cast %swap3A_247 : i32 to index
    %swap3A_249 = arith.constant 0 : index
    %swap3A_250 = tpu.vector_load %arg11[%swap3A_248, %swap3A_249] {strides = array<i32>} : memref<80x16xf32, #tpu.memory_space<vmem>>, vector<16xf32>,
    tpu.vector_store %arg11[%swap3A_248, %swap3A_249], %broadcast_in_dim3A_3 {strides = array<i32>} : memref<80x16xf32, #tpu.memory_space<vmem>>, vector<16xf32>,
    %swap3A_251 = arith.constant 62 : i32
    %swap3A_252 = arith.index_cast %swap3A_251 : i32 to index
    %swap3A_253 = arith.constant 0 : index
    %swap3A_254 = tpu.vector_load %arg11[%swap3A_252, %swap3A_253] {strides = array<i32>} : memref<80x16xf32, #tpu.memory_space<vmem>>, vector<16xf32>,
    tpu.vector_store %arg11[%swap3A_252, %swap3A_253], %broadcast_in_dim3A_3 {strides = array<i32>} : memref<80x16xf32, #tpu.memory_space<vmem>>, vector<16xf32>,
    %swap3A_255 = arith.constant 63 : i32
    %swap3A_256 = arith.index_cast %swap3A_255 : i32 to index
    %swap3A_257 = arith.constant 0 : index
    %swap3A_258 = tpu.vector_load %arg11[%swap3A_256, %swap3A_257] {strides = array<i32>} : memref<80x16xf32, #tpu.memory_space<vmem>>, vector<16xf32>,
    tpu.vector_store %arg11[%swap3A_256, %swap3A_257], %broadcast_in_dim3A_3 {strides = array<i32>} : memref<80x16xf32, #tpu.memory_space<vmem>>, vector<16xf32>,
    %swap3A_259 = arith.constant 64 : i32
    %swap3A_260 = arith.index_cast %swap3A_259 : i32 to index
    %swap3A_261 = arith.constant 0 : index
    %swap3A_262 = tpu.vector_load %arg11[%swap3A_260, %swap3A_261] {strides = array<i32>} : memref<80x16xf32, #tpu.memory_space<vmem>>, vector<16xf32>,
    tpu.vector_store %arg11[%swap3A_260, %swap3A_261], %broadcast_in_dim3A_3 {strides = array<i32>} : memref<80x16xf32, #tpu.memory_space<vmem>>, vector<16xf32>,
    %swap3A_263 = arith.constant 65 : i32
    %swap3A_264 = arith.index_cast %swap3A_263 : i32 to index
    %swap3A_265 = arith.constant 0 : index
    %swap3A_266 = tpu.vector_load %arg11[%swap3A_264, %swap3A_265] {strides = array<i32>} : memref<80x16xf32, #tpu.memory_space<vmem>>, vector<16xf32>,
    tpu.vector_store %arg11[%swap3A_264, %swap3A_265], %broadcast_in_dim3A_3 {strides = array<i32>} : memref<80x16xf32, #tpu.memory_space<vmem>>, vector<16xf32>,
    %swap3A_267 = arith.constant 66 : i32
    %swap3A_268 = arith.index_cast %swap3A_267 : i32 to index
    %swap3A_269 = arith.constant 0 : index
    %swap3A_270 = tpu.vector_load %arg11[%swap3A_268, %swap3A_269] {strides = array<i32>} : memref<80x16xf32, #tpu.memory_space<vmem>>, vector<16xf32>,
    tpu.vector_store %arg11[%swap3A_268, %swap3A_269], %broadcast_in_dim3A_3 {strides = array<i32>} : memref<80x16xf32, #tpu.memory_space<vmem>>, vector<16xf32>,
    %swap3A_271 = arith.constant 67 : i32
    %swap3A_272 = arith.index_cast %swap3A_271 : i32 to index
    %swap3A_273 = arith.constant 0 : index
    %swap3A_274 = tpu.vector_load %arg11[%swap3A_272, %swap3A_273] {strides = array<i32>} : memref<80x16xf32, #tpu.memory_space<vmem>>, vector<16xf32>,
    tpu.vector_store %arg11[%swap3A_272, %swap3A_273], %broadcast_in_dim3A_3 {strides = array<i32>} : memref<80x16xf32, #tpu.memory_space<vmem>>, vector<16xf32>,
    %swap3A_275 = arith.constant 68 : i32
    %swap3A_276 = arith.index_cast %swap3A_275 : i32 to index
    %swap3A_277 = arith.constant 0 : index
    %swap3A_278 = tpu.vector_load %arg11[%swap3A_276, %swap3A_277] {strides = array<i32>} : memref<80x16xf32, #tpu.memory_space<vmem>>, vector<16xf32>,
    tpu.vector_store %arg11[%swap3A_276, %swap3A_277], %broadcast_in_dim3A_3 {strides = array<i32>} : memref<80x16xf32, #tpu.memory_space<vmem>>, vector<16xf32>,
    %swap3A_279 = arith.constant 69 : i32
    %swap3A_280 = arith.index_cast %swap3A_279 : i32 to index
    %swap3A_281 = arith.constant 0 : index
    %swap3A_282 = tpu.vector_load %arg11[%swap3A_280, %swap3A_281] {strides = array<i32>} : memref<80x16xf32, #tpu.memory_space<vmem>>, vector<16xf32>,
    tpu.vector_store %arg11[%swap3A_280, %swap3A_281], %broadcast_in_dim3A_3 {strides = array<i32>} : memref<80x16xf32, #tpu.memory_space<vmem>>, vector<16xf32>,
    %swap3A_283 = arith.constant 70 : i32
    %swap3A_284 = arith.index_cast %swap3A_283 : i32 to index
    %swap3A_285 = arith.constant 0 : index
    %swap3A_286 = tpu.vector_load %arg11[%swap3A_284, %swap3A_285] {strides = array<i32>} : memref<80x16xf32, #tpu.memory_space<vmem>>, vector<16xf32>,
    tpu.vector_store %arg11[%swap3A_284, %swap3A_285], %broadcast_in_dim3A_3 {strides = array<i32>} : memref<80x16xf32, #tpu.memory_space<vmem>>, vector<16xf32>,
    %swap3A_287 = arith.constant 71 : i32
    %swap3A_288 = arith.index_cast %swap3A_287 : i32 to index
    %swap3A_289 = arith.constant 0 : index
    %swap3A_290 = tpu.vector_load %arg11[%swap3A_288, %swap3A_289] {strides = array<i32>} : memref<80x16xf32, #tpu.memory_space<vmem>>, vector<16xf32>,
    tpu.vector_store %arg11[%swap3A_288, %swap3A_289], %broadcast_in_dim3A_3 {strides = array<i32>} : memref<80x16xf32, #tpu.memory_space<vmem>>, vector<16xf32>,
    %swap3A_291 = arith.constant 72 : i32
    %swap3A_292 = arith.index_cast %swap3A_291 : i32 to index
    %swap3A_293 = arith.constant 0 : index
    %swap3A_294 = tpu.vector_load %arg11[%swap3A_292, %swap3A_293] {strides = array<i32>} : memref<80x16xf32, #tpu.memory_space<vmem>>, vector<16xf32>,
    tpu.vector_store %arg11[%swap3A_292, %swap3A_293], %broadcast_in_dim3A_3 {strides = array<i32>} : memref<80x16xf32, #tpu.memory_space<vmem>>, vector<16xf32>,
    %swap3A_295 = arith.constant 73 : i32
    %swap3A_296 = arith.index_cast %swap3A_295 : i32 to index
    %swap3A_297 = arith.constant 0 : index
    %swap3A_298 = tpu.vector_load %arg11[%swap3A_296, %swap3A_297] {strides = array<i32>} : memref<80x16xf32, #tpu.memory_space<vmem>>, vector<16xf32>,
    tpu.vector_store %arg11[%swap3A_296, %swap3A_297], %broadcast_in_dim3A_3 {strides = array<i32>} : memref<80x16xf32, #tpu.memory_space<vmem>>, vector<16xf32>,
    %swap3A_299 = arith.constant 74 : i32
    %swap3A_300 = arith.index_cast %swap3A_299 : i32 to index
    %swap3A_301 = arith.constant 0 : index
    %swap3A_302 = tpu.vector_load %arg11[%swap3A_300, %swap3A_301] {strides = array<i32>} : memref<80x16xf32, #tpu.memory_space<vmem>>, vector<16xf32>,
    tpu.vector_store %arg11[%swap3A_300, %swap3A_301], %broadcast_in_dim3A_3 {strides = array<i32>} : memref<80x16xf32, #tpu.memory_space<vmem>>, vector<16xf32>,
    %swap3A_303 = arith.constant 75 : i32
    %swap3A_304 = arith.index_cast %swap3A_303 : i32 to index
    %swap3A_305 = arith.constant 0 : index
    %swap3A_306 = tpu.vector_load %arg11[%swap3A_304, %swap3A_305] {strides = array<i32>} : memref<80x16xf32, #tpu.memory_space<vmem>>, vector<16xf32>,
    tpu.vector_store %arg11[%swap3A_304, %swap3A_305], %broadcast_in_dim3A_3 {strides = array<i32>} : memref<80x16xf32, #tpu.memory_space<vmem>>, vector<16xf32>,
    %swap3A_307 = arith.constant 76 : i32
    %swap3A_308 = arith.index_cast %swap3A_307 : i32 to index
    %swap3A_309 = arith.constant 0 : index
    %swap3A_310 = tpu.vector_load %arg11[%swap3A_308, %swap3A_309] {strides = array<i32>} : memref<80x16xf32, #tpu.memory_space<vmem>>, vector<16xf32>,
    tpu.vector_store %arg11[%swap3A_308, %swap3A_309], %broadcast_in_dim3A_3 {strides = array<i32>} : memref<80x16xf32, #tpu.memory_space<vmem>>, vector<16xf32>,
    %swap3A_311 = arith.constant 77 : i32
    %swap3A_312 = arith.index_cast %swap3A_311 : i32 to index
    %swap3A_313 = arith.constant 0 : index
    %swap3A_314 = tpu.vector_load %arg11[%swap3A_312, %swap3A_313] {strides = array<i32>} : memref<80x16xf32, #tpu.memory_space<vmem>>, vector<16xf32>,
    tpu.vector_store %arg11[%swap3A_312, %swap3A_313], %broadcast_in_dim3A_3 {strides = array<i32>} : memref<80x16xf32, #tpu.memory_space<vmem>>, vector<16xf32>,
    %swap3A_315 = arith.constant 78 : i32
    %swap3A_316 = arith.index_cast %swap3A_315 : i32 to index
    %swap3A_317 = arith.constant 0 : index
    %swap3A_318 = tpu.vector_load %arg11[%swap3A_316, %swap3A_317] {strides = array<i32>} : memref<80x16xf32, #tpu.memory_space<vmem>>, vector<16xf32>,
    tpu.vector_store %arg11[%swap3A_316, %swap3A_317], %broadcast_in_dim3A_3 {strides = array<i32>} : memref<80x16xf32, #tpu.memory_space<vmem>>, vector<16xf32>,
    %swap3A_319 = arith.constant 79 : i32
    %swap3A_320 = arith.index_cast %swap3A_319 : i32 to index
    %swap3A_321 = arith.constant 0 : index
    %swap3A_322 = tpu.vector_load %arg11[%swap3A_320, %swap3A_321] {strides = array<i32>} : memref<80x16xf32, #tpu.memory_space<vmem>>, vector<16xf32>,
    tpu.vector_store %arg11[%swap3A_320, %swap3A_321], %broadcast_in_dim3A_3 {strides = array<i32>} : memref<80x16xf32, #tpu.memory_space<vmem>>, vector<16xf32>,
    %mul3A_323 = arith.constant 6320 : i32
    %mul3A_324 = arith.muli %arg1, %mul3A_323 : i32
    %scan3A = arith.constant 0 : i32
    %scan3A_325 = arith.constant 0 : i32
    %scan3A_326 = arith.constant 79 : i32
    %scan3A_327 = arith.addi %scan3A_325, %scan3A_326 : i32
    %scan3A_328 = arith.constant 1 : i32
    %scan3A_329 = scf.for %scan3A_339 = %scan3A_325 to %scan3A_327 step %scan3A_328 iter_args(%scan3A_340 = %scan3A) -> (i32)  : i32 {
      %mul3A_341 = arith.constant 80 : i32
      %mul3A_342 = arith.muli %scan3A_339, %mul3A_341 : i32
      %add3A_343 = arith.addi %mul3A_324, %mul3A_342 : i32
      "tpu.region"() ({
        %run_scoped3A = tpu.sem_alloc : memref<!tpu.dma_semaphore, #tpu.memory_space<semaphore_mem>>
        %dma_start3A = arith.constant 0 : i32
        %dma_start3A_345 = tpu.memref_slice %arg12[%add3A_343, %dma_start3A] : memref<101120x16xf32, #tpu.memory_space<vmem_shared>> -> memref<80x16xf32, #tpu.memory_space<vmem_shared>>
        %dma_start3A_346 = arith.constant 0 : i32
        %dma_start3A_347 = tpu.memref_slice %arg12[%add3A_343, %dma_start3A_346] : memref<101120x16xf32, #tpu.memory_space<vmem_shared>> -> memref<80x16xf32, #tpu.memory_space<vmem_shared>>
        tpu.enqueue_dma source(%arg11 : memref<80x16xf32, #tpu.memory_space<vmem>>) target(%dma_start3A_347 : memref<80x16xf32, #tpu.memory_space<vmem_shared>>) target_semaphore(%run_scoped3A : memref<!tpu.dma_semaphore, #tpu.memory_space<semaphore_mem>>)
        %dma_wait3A = arith.constant 0 : i32
        %dma_wait3A_348 = tpu.memref_slice %arg12[%add3A_343, %dma_wait3A] : memref<101120x16xf32, #tpu.memory_space<vmem_shared>> -> memref<80x16xf32, #tpu.memory_space<vmem_shared>>
        %dma_wait3A_349 = arith.constant 0 : i32
        %dma_wait3A_350 = tpu.memref_slice %arg12[%add3A_343, %dma_wait3A_349] : memref<101120x16xf32, #tpu.memory_space<vmem_shared>> -> memref<80x16xf32, #tpu.memory_space<vmem_shared>>
        tpu.wait_dma2 semaphore(%run_scoped3A : memref<!tpu.dma_semaphore, #tpu.memory_space<semaphore_mem>>) src(%arg11 : memref<80x16xf32, #tpu.memory_space<vmem>>) dst(%dma_wait3A_350 : memref<80x16xf32, #tpu.memory_space<vmem_shared>>)
        tpu.yield
      }) : () -> ()
      %scan3A_344 = arith.constant 0 : i32
      scf.yield %scan3A_344 : i32
    }
    %scan3A_330 = arith.constant 79 : i32
    %barrier3A = arith.constant 0 : index
    tpu.barrier barrier_id(%barrier3A)
    %scan3A_331 = arith.constant 0 : i32
    %scan3A_332 = arith.constant 0 : i32
    %scan3A_333 = arith.constant 1250 : i32
    %scan3A_334 = arith.addi %scan3A_332, %scan3A_333 : i32
    %scan3A_335 = arith.constant 1 : i32
    %scan3A_336 = scf.for %scan3A_339 = %scan3A_332 to %scan3A_334 step %scan3A_335 iter_args(%scan3A_340 = %scan3A_331) -> (i32)  : i32 {
      %mul3A_341 = arith.constant 80 : i32
      %mul3A_342 = arith.muli %scan3A_339, %mul3A_341 : i32
      %add3A_343 = arith.addi %add3A, %mul3A_342 : i32
      "tpu.region"() ({
        %run_scoped3A = tpu.sem_alloc : memref<!tpu.dma_semaphore, #tpu.memory_space<semaphore_mem>>
        %dma_start3A_696 = tpu.memref_slice %arg3[%add3A_343] : memref<3200000xi32, #tpu.memory_space<hbm>> -> memref<80xi32, #tpu.memory_space<hbm>>
        %dma_start3A_697 = tpu.memref_slice %arg3[%add3A_343] : memref<3200000xi32, #tpu.memory_space<hbm>> -> memref<80xi32, #tpu.memory_space<hbm>>
        tpu.enqueue_dma source(%dma_start3A_697 : memref<80xi32, #tpu.memory_space<hbm>>) target(%arg7 : memref<80xi32, #tpu.memory_space<vmem>>) target_semaphore(%run_scoped3A : memref<!tpu.dma_semaphore, #tpu.memory_space<semaphore_mem>>)
        %dma_wait3A_698 = tpu.memref_slice %arg3[%add3A_343] : memref<3200000xi32, #tpu.memory_space<hbm>> -> memref<80xi32, #tpu.memory_space<hbm>>
        %dma_wait3A_699 = tpu.memref_slice %arg3[%add3A_343] : memref<3200000xi32, #tpu.memory_space<hbm>> -> memref<80xi32, #tpu.memory_space<hbm>>
        tpu.wait_dma2 semaphore(%run_scoped3A : memref<!tpu.dma_semaphore, #tpu.memory_space<semaphore_mem>>) src(%dma_wait3A_699 : memref<80xi32, #tpu.memory_space<hbm>>) dst(%arg7 : memref<80xi32, #tpu.memory_space<vmem>>)
        tpu.yield
      }) : () -> ()
      "tpu.region"() ({
        %run_scoped3A = tpu.sem_alloc : memref<!tpu.dma_semaphore, #tpu.memory_space<semaphore_mem>>
        %dma_start3A_696 = tpu.memref_slice %arg4[%add3A_343] : memref<3200000xi32, #tpu.memory_space<hbm>> -> memref<80xi32, #tpu.memory_space<hbm>>
        %dma_start3A_697 = tpu.memref_slice %arg4[%add3A_343] : memref<3200000xi32, #tpu.memory_space<hbm>> -> memref<80xi32, #tpu.memory_space<hbm>>
        tpu.enqueue_dma source(%dma_start3A_697 : memref<80xi32, #tpu.memory_space<hbm>>) target(%arg8 : memref<80xi32, #tpu.memory_space<vmem>>) target_semaphore(%run_scoped3A : memref<!tpu.dma_semaphore, #tpu.memory_space<semaphore_mem>>)
        %dma_wait3A_698 = tpu.memref_slice %arg4[%add3A_343] : memref<3200000xi32, #tpu.memory_space<hbm>> -> memref<80xi32, #tpu.memory_space<hbm>>
        %dma_wait3A_699 = tpu.memref_slice %arg4[%add3A_343] : memref<3200000xi32, #tpu.memory_space<hbm>> -> memref<80xi32, #tpu.memory_space<hbm>>
        tpu.wait_dma2 semaphore(%run_scoped3A : memref<!tpu.dma_semaphore, #tpu.memory_space<semaphore_mem>>) src(%dma_wait3A_699 : memref<80xi32, #tpu.memory_space<hbm>>) dst(%arg8 : memref<80xi32, #tpu.memory_space<vmem>>)
        tpu.yield
      }) : () -> ()
      "tpu.region"() ({
        %run_scoped3A = tpu.sem_alloc : memref<!tpu.dma_semaphore, #tpu.memory_space<semaphore_mem>>
        %dma_start3A_696 = tpu.memref_slice %arg5[%add3A_343] : memref<3200000xf32, #tpu.memory_space<hbm>> -> memref<80xf32, #tpu.memory_space<hbm>>
        %dma_start3A_697 = tpu.memref_slice %arg5[%add3A_343] : memref<3200000xf32, #tpu.memory_space<hbm>> -> memref<80xf32, #tpu.memory_space<hbm>>
        tpu.enqueue_dma source(%dma_start3A_697 : memref<80xf32, #tpu.memory_space<hbm>>) target(%arg9 : memref<80xf32, #tpu.memory_space<vmem>>) target_semaphore(%run_scoped3A : memref<!tpu.dma_semaphore, #tpu.memory_space<semaphore_mem>>)
        %dma_wait3A_698 = tpu.memref_slice %arg5[%add3A_343] : memref<3200000xf32, #tpu.memory_space<hbm>> -> memref<80xf32, #tpu.memory_space<hbm>>
        %dma_wait3A_699 = tpu.memref_slice %arg5[%add3A_343] : memref<3200000xf32, #tpu.memory_space<hbm>> -> memref<80xf32, #tpu.memory_space<hbm>>
        tpu.wait_dma2 semaphore(%run_scoped3A : memref<!tpu.dma_semaphore, #tpu.memory_space<semaphore_mem>>) src(%dma_wait3A_699 : memref<80xf32, #tpu.memory_space<hbm>>) dst(%arg9 : memref<80xf32, #tpu.memory_space<vmem>>)
        tpu.yield
      }) : () -> ()
      %dma_start3A = arith.constant 0 : i32
      %dma_start3A_344 = arith.constant 0 : i32
      %dma_start3A_345 = tpu.memref_slice %arg2[%dma_start3A, %dma_start3A_344] : memref<101120x16xf32, #tpu.memory_space<hbm>> -> memref<101120x16xf32, #tpu.memory_space<hbm>>
      tpu.enqueue_indirect_dma source(%dma_start3A_345 : memref<101120x16xf32, #tpu.memory_space<hbm>>) target(%arg10 : memref<80x16xf32, #tpu.memory_space<vmem>>) offsets(%arg7 : memref<80xi32, #tpu.memory_space<vmem>>) semaphore(%arg13 : memref<!tpu.dma_semaphore, #tpu.memory_space<semaphore_mem>>)
      %dma_wait3A = arith.constant 0 : i32
      %dma_wait3A_346 = arith.constant 0 : i32
      %dma_wait3A_347 = tpu.memref_slice %arg2[%dma_wait3A, %dma_wait3A_346] : memref<101120x16xf32, #tpu.memory_space<hbm>> -> memref<101120x16xf32, #tpu.memory_space<hbm>>
      tpu.wait_indirect_dma semaphore(%arg13 : memref<!tpu.dma_semaphore, #tpu.memory_space<semaphore_mem>>) src(%dma_wait3A_347 : memref<101120x16xf32, #tpu.memory_space<hbm>>) dst(%arg10 : memref<80x16xf32, #tpu.memory_space<vmem>>)
      %get3A = arith.constant 0 : index
      %get3A_348 = tpu.vector_load %arg9[%get3A] {strides = array<i32>} : memref<80xf32, #tpu.memory_space<vmem>>, vector<16xf32>,
      %iota3A = tpu.iota {dimensions = array<i32: 0>} : vector<16xi32>
      %add3A_349 = arith.constant 0 : i32
      %add3A_350 = vector.broadcast %add3A_349 : i32 to vector<16xi32>
      %add3A_351 = arith.addi %add3A_350, %iota3A : vector<16xi32>
      %broadcast_in_dim3A_352 = arith.constant 0 : i32
      %broadcast_in_dim3A_353 = vector.broadcast %broadcast_in_dim3A_352 : i32 to vector<16xi32>
      %gather3A = tpu.vector_load_idx %arg10[%add3A_351, %broadcast_in_dim3A_353] : memref<80x16xf32, #tpu.memory_space<vmem>>[vector<16xi32>, vector<16xi32>], vector<16xf32>,
      %mul3A_354 = arith.mulf %gather3A, %get3A_348 : vector<16xf32>
      tpu.vector_store_idx %arg10[%add3A_351, %broadcast_in_dim3A_353], %mul3A_354 : memref<80x16xf32, #tpu.memory_space<vmem>>[vector<16xi32>, vector<16xi32>], vector<16xf32>,
      %broadcast_in_dim3A_355 = arith.constant 1 : i32
      %broadcast_in_dim3A_356 = vector.broadcast %broadcast_in_dim3A_355 : i32 to vector<16xi32>
      %gather3A_357 = tpu.vector_load_idx %arg10[%add3A_351, %broadcast_in_dim3A_356] : memref<80x16xf32, #tpu.memory_space<vmem>>[vector<16xi32>, vector<16xi32>], vector<16xf32>,
      %mul3A_358 = arith.mulf %gather3A_357, %get3A_348 : vector<16xf32>
      tpu.vector_store_idx %arg10[%add3A_351, %broadcast_in_dim3A_356], %mul3A_358 : memref<80x16xf32, #tpu.memory_space<vmem>>[vector<16xi32>, vector<16xi32>], vector<16xf32>,
      %broadcast_in_dim3A_359 = arith.constant 2 : i32
      %broadcast_in_dim3A_360 = vector.broadcast %broadcast_in_dim3A_359 : i32 to vector<16xi32>
      %gather3A_361 = tpu.vector_load_idx %arg10[%add3A_351, %broadcast_in_dim3A_360] : memref<80x16xf32, #tpu.memory_space<vmem>>[vector<16xi32>, vector<16xi32>], vector<16xf32>,
      %mul3A_362 = arith.mulf %gather3A_361, %get3A_348 : vector<16xf32>
      tpu.vector_store_idx %arg10[%add3A_351, %broadcast_in_dim3A_360], %mul3A_362 : memref<80x16xf32, #tpu.memory_space<vmem>>[vector<16xi32>, vector<16xi32>], vector<16xf32>,
      %broadcast_in_dim3A_363 = arith.constant 3 : i32
      %broadcast_in_dim3A_364 = vector.broadcast %broadcast_in_dim3A_363 : i32 to vector<16xi32>
      %gather3A_365 = tpu.vector_load_idx %arg10[%add3A_351, %broadcast_in_dim3A_364] : memref<80x16xf32, #tpu.memory_space<vmem>>[vector<16xi32>, vector<16xi32>], vector<16xf32>,
      %mul3A_366 = arith.mulf %gather3A_365, %get3A_348 : vector<16xf32>
      tpu.vector_store_idx %arg10[%add3A_351, %broadcast_in_dim3A_364], %mul3A_366 : memref<80x16xf32, #tpu.memory_space<vmem>>[vector<16xi32>, vector<16xi32>], vector<16xf32>,
      %broadcast_in_dim3A_367 = arith.constant 4 : i32
      %broadcast_in_dim3A_368 = vector.broadcast %broadcast_in_dim3A_367 : i32 to vector<16xi32>
      %gather3A_369 = tpu.vector_load_idx %arg10[%add3A_351, %broadcast_in_dim3A_368] : memref<80x16xf32, #tpu.memory_space<vmem>>[vector<16xi32>, vector<16xi32>], vector<16xf32>,
      %mul3A_370 = arith.mulf %gather3A_369, %get3A_348 : vector<16xf32>
      tpu.vector_store_idx %arg10[%add3A_351, %broadcast_in_dim3A_368], %mul3A_370 : memref<80x16xf32, #tpu.memory_space<vmem>>[vector<16xi32>, vector<16xi32>], vector<16xf32>,
      %broadcast_in_dim3A_371 = arith.constant 5 : i32
      %broadcast_in_dim3A_372 = vector.broadcast %broadcast_in_dim3A_371 : i32 to vector<16xi32>
      %gather3A_373 = tpu.vector_load_idx %arg10[%add3A_351, %broadcast_in_dim3A_372] : memref<80x16xf32, #tpu.memory_space<vmem>>[vector<16xi32>, vector<16xi32>], vector<16xf32>,
      %mul3A_374 = arith.mulf %gather3A_373, %get3A_348 : vector<16xf32>
      tpu.vector_store_idx %arg10[%add3A_351, %broadcast_in_dim3A_372], %mul3A_374 : memref<80x16xf32, #tpu.memory_space<vmem>>[vector<16xi32>, vector<16xi32>], vector<16xf32>,
      %broadcast_in_dim3A_375 = arith.constant 6 : i32
      %broadcast_in_dim3A_376 = vector.broadcast %broadcast_in_dim3A_375 : i32 to vector<16xi32>
      %gather3A_377 = tpu.vector_load_idx %arg10[%add3A_351, %broadcast_in_dim3A_376] : memref<80x16xf32, #tpu.memory_space<vmem>>[vector<16xi32>, vector<16xi32>], vector<16xf32>,
      %mul3A_378 = arith.mulf %gather3A_377, %get3A_348 : vector<16xf32>
      tpu.vector_store_idx %arg10[%add3A_351, %broadcast_in_dim3A_376], %mul3A_378 : memref<80x16xf32, #tpu.memory_space<vmem>>[vector<16xi32>, vector<16xi32>], vector<16xf32>,
      %broadcast_in_dim3A_379 = arith.constant 7 : i32
      %broadcast_in_dim3A_380 = vector.broadcast %broadcast_in_dim3A_379 : i32 to vector<16xi32>
      %gather3A_381 = tpu.vector_load_idx %arg10[%add3A_351, %broadcast_in_dim3A_380] : memref<80x16xf32, #tpu.memory_space<vmem>>[vector<16xi32>, vector<16xi32>], vector<16xf32>,
      %mul3A_382 = arith.mulf %gather3A_381, %get3A_348 : vector<16xf32>
      tpu.vector_store_idx %arg10[%add3A_351, %broadcast_in_dim3A_380], %mul3A_382 : memref<80x16xf32, #tpu.memory_space<vmem>>[vector<16xi32>, vector<16xi32>], vector<16xf32>,
      %broadcast_in_dim3A_383 = arith.constant 8 : i32
      %broadcast_in_dim3A_384 = vector.broadcast %broadcast_in_dim3A_383 : i32 to vector<16xi32>
      %gather3A_385 = tpu.vector_load_idx %arg10[%add3A_351, %broadcast_in_dim3A_384] : memref<80x16xf32, #tpu.memory_space<vmem>>[vector<16xi32>, vector<16xi32>], vector<16xf32>,
      %mul3A_386 = arith.mulf %gather3A_385, %get3A_348 : vector<16xf32>
      tpu.vector_store_idx %arg10[%add3A_351, %broadcast_in_dim3A_384], %mul3A_386 : memref<80x16xf32, #tpu.memory_space<vmem>>[vector<16xi32>, vector<16xi32>], vector<16xf32>,
      %broadcast_in_dim3A_387 = arith.constant 9 : i32
      %broadcast_in_dim3A_388 = vector.broadcast %broadcast_in_dim3A_387 : i32 to vector<16xi32>
      %gather3A_389 = tpu.vector_load_idx %arg10[%add3A_351, %broadcast_in_dim3A_388] : memref<80x16xf32, #tpu.memory_space<vmem>>[vector<16xi32>, vector<16xi32>], vector<16xf32>,
      %mul3A_390 = arith.mulf %gather3A_389, %get3A_348 : vector<16xf32>
      tpu.vector_store_idx %arg10[%add3A_351, %broadcast_in_dim3A_388], %mul3A_390 : memref<80x16xf32, #tpu.memory_space<vmem>>[vector<16xi32>, vector<16xi32>], vector<16xf32>,
      %broadcast_in_dim3A_391 = arith.constant 10 : i32
      %broadcast_in_dim3A_392 = vector.broadcast %broadcast_in_dim3A_391 : i32 to vector<16xi32>
      %gather3A_393 = tpu.vector_load_idx %arg10[%add3A_351, %broadcast_in_dim3A_392] : memref<80x16xf32, #tpu.memory_space<vmem>>[vector<16xi32>, vector<16xi32>], vector<16xf32>,
      %mul3A_394 = arith.mulf %gather3A_393, %get3A_348 : vector<16xf32>
      tpu.vector_store_idx %arg10[%add3A_351, %broadcast_in_dim3A_392], %mul3A_394 : memref<80x16xf32, #tpu.memory_space<vmem>>[vector<16xi32>, vector<16xi32>], vector<16xf32>,
      %broadcast_in_dim3A_395 = arith.constant 11 : i32
      %broadcast_in_dim3A_396 = vector.broadcast %broadcast_in_dim3A_395 : i32 to vector<16xi32>
      %gather3A_397 = tpu.vector_load_idx %arg10[%add3A_351, %broadcast_in_dim3A_396] : memref<80x16xf32, #tpu.memory_space<vmem>>[vector<16xi32>, vector<16xi32>], vector<16xf32>,
      %mul3A_398 = arith.mulf %gather3A_397, %get3A_348 : vector<16xf32>
      tpu.vector_store_idx %arg10[%add3A_351, %broadcast_in_dim3A_396], %mul3A_398 : memref<80x16xf32, #tpu.memory_space<vmem>>[vector<16xi32>, vector<16xi32>], vector<16xf32>,
      %broadcast_in_dim3A_399 = arith.constant 12 : i32
      %broadcast_in_dim3A_400 = vector.broadcast %broadcast_in_dim3A_399 : i32 to vector<16xi32>
      %gather3A_401 = tpu.vector_load_idx %arg10[%add3A_351, %broadcast_in_dim3A_400] : memref<80x16xf32, #tpu.memory_space<vmem>>[vector<16xi32>, vector<16xi32>], vector<16xf32>,
      %mul3A_402 = arith.mulf %gather3A_401, %get3A_348 : vector<16xf32>
      tpu.vector_store_idx %arg10[%add3A_351, %broadcast_in_dim3A_400], %mul3A_402 : memref<80x16xf32, #tpu.memory_space<vmem>>[vector<16xi32>, vector<16xi32>], vector<16xf32>,
      %broadcast_in_dim3A_403 = arith.constant 13 : i32
      %broadcast_in_dim3A_404 = vector.broadcast %broadcast_in_dim3A_403 : i32 to vector<16xi32>
      %gather3A_405 = tpu.vector_load_idx %arg10[%add3A_351, %broadcast_in_dim3A_404] : memref<80x16xf32, #tpu.memory_space<vmem>>[vector<16xi32>, vector<16xi32>], vector<16xf32>,
      %mul3A_406 = arith.mulf %gather3A_405, %get3A_348 : vector<16xf32>
      tpu.vector_store_idx %arg10[%add3A_351, %broadcast_in_dim3A_404], %mul3A_406 : memref<80x16xf32, #tpu.memory_space<vmem>>[vector<16xi32>, vector<16xi32>], vector<16xf32>,
      %broadcast_in_dim3A_407 = arith.constant 14 : i32
      %broadcast_in_dim3A_408 = vector.broadcast %broadcast_in_dim3A_407 : i32 to vector<16xi32>
      %gather3A_409 = tpu.vector_load_idx %arg10[%add3A_351, %broadcast_in_dim3A_408] : memref<80x16xf32, #tpu.memory_space<vmem>>[vector<16xi32>, vector<16xi32>], vector<16xf32>,
      %mul3A_410 = arith.mulf %gather3A_409, %get3A_348 : vector<16xf32>
      tpu.vector_store_idx %arg10[%add3A_351, %broadcast_in_dim3A_408], %mul3A_410 : memref<80x16xf32, #tpu.memory_space<vmem>>[vector<16xi32>, vector<16xi32>], vector<16xf32>,
      %broadcast_in_dim3A_411 = arith.constant 15 : i32
      %broadcast_in_dim3A_412 = vector.broadcast %broadcast_in_dim3A_411 : i32 to vector<16xi32>
      %gather3A_413 = tpu.vector_load_idx %arg10[%add3A_351, %broadcast_in_dim3A_412] : memref<80x16xf32, #tpu.memory_space<vmem>>[vector<16xi32>, vector<16xi32>], vector<16xf32>,
      %mul3A_414 = arith.mulf %gather3A_413, %get3A_348 : vector<16xf32>
      tpu.vector_store_idx %arg10[%add3A_351, %broadcast_in_dim3A_412], %mul3A_414 : memref<80x16xf32, #tpu.memory_space<vmem>>[vector<16xi32>, vector<16xi32>], vector<16xf32>,
      %get3A_415 = arith.constant 16 : index
      %get3A_416 = tpu.vector_load %arg9[%get3A_415] {strides = array<i32>} : memref<80xf32, #tpu.memory_space<vmem>>, vector<16xf32>,
      %iota3A_417 = tpu.iota {dimensions = array<i32: 0>} : vector<16xi32>
      %add3A_418 = arith.constant 16 : i32
      %add3A_419 = vector.broadcast %add3A_418 : i32 to vector<16xi32>
      %add3A_420 = arith.addi %add3A_419, %iota3A_417 : vector<16xi32>
      %broadcast_in_dim3A_421 = arith.constant 0 : i32
      %broadcast_in_dim3A_422 = vector.broadcast %broadcast_in_dim3A_421 : i32 to vector<16xi32>
      %gather3A_423 = tpu.vector_load_idx %arg10[%add3A_420, %broadcast_in_dim3A_422] : memref<80x16xf32, #tpu.memory_space<vmem>>[vector<16xi32>, vector<16xi32>], vector<16xf32>,
      %mul3A_424 = arith.mulf %gather3A_423, %get3A_416 : vector<16xf32>
      tpu.vector_store_idx %arg10[%add3A_420, %broadcast_in_dim3A_422], %mul3A_424 : memref<80x16xf32, #tpu.memory_space<vmem>>[vector<16xi32>, vector<16xi32>], vector<16xf32>,
      %broadcast_in_dim3A_425 = arith.constant 1 : i32
      %broadcast_in_dim3A_426 = vector.broadcast %broadcast_in_dim3A_425 : i32 to vector<16xi32>
      %gather3A_427 = tpu.vector_load_idx %arg10[%add3A_420, %broadcast_in_dim3A_426] : memref<80x16xf32, #tpu.memory_space<vmem>>[vector<16xi32>, vector<16xi32>], vector<16xf32>,
      %mul3A_428 = arith.mulf %gather3A_427, %get3A_416 : vector<16xf32>
      tpu.vector_store_idx %arg10[%add3A_420, %broadcast_in_dim3A_426], %mul3A_428 : memref<80x16xf32, #tpu.memory_space<vmem>>[vector<16xi32>, vector<16xi32>], vector<16xf32>,
      %broadcast_in_dim3A_429 = arith.constant 2 : i32
      %broadcast_in_dim3A_430 = vector.broadcast %broadcast_in_dim3A_429 : i32 to vector<16xi32>
      %gather3A_431 = tpu.vector_load_idx %arg10[%add3A_420, %broadcast_in_dim3A_430] : memref<80x16xf32, #tpu.memory_space<vmem>>[vector<16xi32>, vector<16xi32>], vector<16xf32>,
      %mul3A_432 = arith.mulf %gather3A_431, %get3A_416 : vector<16xf32>
      tpu.vector_store_idx %arg10[%add3A_420, %broadcast_in_dim3A_430], %mul3A_432 : memref<80x16xf32, #tpu.memory_space<vmem>>[vector<16xi32>, vector<16xi32>], vector<16xf32>,
      %broadcast_in_dim3A_433 = arith.constant 3 : i32
      %broadcast_in_dim3A_434 = vector.broadcast %broadcast_in_dim3A_433 : i32 to vector<16xi32>
      %gather3A_435 = tpu.vector_load_idx %arg10[%add3A_420, %broadcast_in_dim3A_434] : memref<80x16xf32, #tpu.memory_space<vmem>>[vector<16xi32>, vector<16xi32>], vector<16xf32>,
      %mul3A_436 = arith.mulf %gather3A_435, %get3A_416 : vector<16xf32>
      tpu.vector_store_idx %arg10[%add3A_420, %broadcast_in_dim3A_434], %mul3A_436 : memref<80x16xf32, #tpu.memory_space<vmem>>[vector<16xi32>, vector<16xi32>], vector<16xf32>,
      %broadcast_in_dim3A_437 = arith.constant 4 : i32
      %broadcast_in_dim3A_438 = vector.broadcast %broadcast_in_dim3A_437 : i32 to vector<16xi32>
      %gather3A_439 = tpu.vector_load_idx %arg10[%add3A_420, %broadcast_in_dim3A_438] : memref<80x16xf32, #tpu.memory_space<vmem>>[vector<16xi32>, vector<16xi32>], vector<16xf32>,
      %mul3A_440 = arith.mulf %gather3A_439, %get3A_416 : vector<16xf32>
      tpu.vector_store_idx %arg10[%add3A_420, %broadcast_in_dim3A_438], %mul3A_440 : memref<80x16xf32, #tpu.memory_space<vmem>>[vector<16xi32>, vector<16xi32>], vector<16xf32>,
      %broadcast_in_dim3A_441 = arith.constant 5 : i32
      %broadcast_in_dim3A_442 = vector.broadcast %broadcast_in_dim3A_441 : i32 to vector<16xi32>
      %gather3A_443 = tpu.vector_load_idx %arg10[%add3A_420, %broadcast_in_dim3A_442] : memref<80x16xf32, #tpu.memory_space<vmem>>[vector<16xi32>, vector<16xi32>], vector<16xf32>,
      %mul3A_444 = arith.mulf %gather3A_443, %get3A_416 : vector<16xf32>
      tpu.vector_store_idx %arg10[%add3A_420, %broadcast_in_dim3A_442], %mul3A_444 : memref<80x16xf32, #tpu.memory_space<vmem>>[vector<16xi32>, vector<16xi32>], vector<16xf32>,
      %broadcast_in_dim3A_445 = arith.constant 6 : i32
      %broadcast_in_dim3A_446 = vector.broadcast %broadcast_in_dim3A_445 : i32 to vector<16xi32>
      %gather3A_447 = tpu.vector_load_idx %arg10[%add3A_420, %broadcast_in_dim3A_446] : memref<80x16xf32, #tpu.memory_space<vmem>>[vector<16xi32>, vector<16xi32>], vector<16xf32>,
      %mul3A_448 = arith.mulf %gather3A_447, %get3A_416 : vector<16xf32>
      tpu.vector_store_idx %arg10[%add3A_420, %broadcast_in_dim3A_446], %mul3A_448 : memref<80x16xf32, #tpu.memory_space<vmem>>[vector<16xi32>, vector<16xi32>], vector<16xf32>,
      %broadcast_in_dim3A_449 = arith.constant 7 : i32
      %broadcast_in_dim3A_450 = vector.broadcast %broadcast_in_dim3A_449 : i32 to vector<16xi32>
      %gather3A_451 = tpu.vector_load_idx %arg10[%add3A_420, %broadcast_in_dim3A_450] : memref<80x16xf32, #tpu.memory_space<vmem>>[vector<16xi32>, vector<16xi32>], vector<16xf32>,
      %mul3A_452 = arith.mulf %gather3A_451, %get3A_416 : vector<16xf32>
      tpu.vector_store_idx %arg10[%add3A_420, %broadcast_in_dim3A_450], %mul3A_452 : memref<80x16xf32, #tpu.memory_space<vmem>>[vector<16xi32>, vector<16xi32>], vector<16xf32>,
      %broadcast_in_dim3A_453 = arith.constant 8 : i32
      %broadcast_in_dim3A_454 = vector.broadcast %broadcast_in_dim3A_453 : i32 to vector<16xi32>
      %gather3A_455 = tpu.vector_load_idx %arg10[%add3A_420, %broadcast_in_dim3A_454] : memref<80x16xf32, #tpu.memory_space<vmem>>[vector<16xi32>, vector<16xi32>], vector<16xf32>,
      %mul3A_456 = arith.mulf %gather3A_455, %get3A_416 : vector<16xf32>
      tpu.vector_store_idx %arg10[%add3A_420, %broadcast_in_dim3A_454], %mul3A_456 : memref<80x16xf32, #tpu.memory_space<vmem>>[vector<16xi32>, vector<16xi32>], vector<16xf32>,
      %broadcast_in_dim3A_457 = arith.constant 9 : i32
      %broadcast_in_dim3A_458 = vector.broadcast %broadcast_in_dim3A_457 : i32 to vector<16xi32>
      %gather3A_459 = tpu.vector_load_idx %arg10[%add3A_420, %broadcast_in_dim3A_458] : memref<80x16xf32, #tpu.memory_space<vmem>>[vector<16xi32>, vector<16xi32>], vector<16xf32>,
      %mul3A_460 = arith.mulf %gather3A_459, %get3A_416 : vector<16xf32>
      tpu.vector_store_idx %arg10[%add3A_420, %broadcast_in_dim3A_458], %mul3A_460 : memref<80x16xf32, #tpu.memory_space<vmem>>[vector<16xi32>, vector<16xi32>], vector<16xf32>,
      %broadcast_in_dim3A_461 = arith.constant 10 : i32
      %broadcast_in_dim3A_462 = vector.broadcast %broadcast_in_dim3A_461 : i32 to vector<16xi32>
      %gather3A_463 = tpu.vector_load_idx %arg10[%add3A_420, %broadcast_in_dim3A_462] : memref<80x16xf32, #tpu.memory_space<vmem>>[vector<16xi32>, vector<16xi32>], vector<16xf32>,
      %mul3A_464 = arith.mulf %gather3A_463, %get3A_416 : vector<16xf32>
      tpu.vector_store_idx %arg10[%add3A_420, %broadcast_in_dim3A_462], %mul3A_464 : memref<80x16xf32, #tpu.memory_space<vmem>>[vector<16xi32>, vector<16xi32>], vector<16xf32>,
      %broadcast_in_dim3A_465 = arith.constant 11 : i32
      %broadcast_in_dim3A_466 = vector.broadcast %broadcast_in_dim3A_465 : i32 to vector<16xi32>
      %gather3A_467 = tpu.vector_load_idx %arg10[%add3A_420, %broadcast_in_dim3A_466] : memref<80x16xf32, #tpu.memory_space<vmem>>[vector<16xi32>, vector<16xi32>], vector<16xf32>,
      %mul3A_468 = arith.mulf %gather3A_467, %get3A_416 : vector<16xf32>
      tpu.vector_store_idx %arg10[%add3A_420, %broadcast_in_dim3A_466], %mul3A_468 : memref<80x16xf32, #tpu.memory_space<vmem>>[vector<16xi32>, vector<16xi32>], vector<16xf32>,
      %broadcast_in_dim3A_469 = arith.constant 12 : i32
      %broadcast_in_dim3A_470 = vector.broadcast %broadcast_in_dim3A_469 : i32 to vector<16xi32>
      %gather3A_471 = tpu.vector_load_idx %arg10[%add3A_420, %broadcast_in_dim3A_470] : memref<80x16xf32, #tpu.memory_space<vmem>>[vector<16xi32>, vector<16xi32>], vector<16xf32>,
      %mul3A_472 = arith.mulf %gather3A_471, %get3A_416 : vector<16xf32>
      tpu.vector_store_idx %arg10[%add3A_420, %broadcast_in_dim3A_470], %mul3A_472 : memref<80x16xf32, #tpu.memory_space<vmem>>[vector<16xi32>, vector<16xi32>], vector<16xf32>,
      %broadcast_in_dim3A_473 = arith.constant 13 : i32
      %broadcast_in_dim3A_474 = vector.broadcast %broadcast_in_dim3A_473 : i32 to vector<16xi32>
      %gather3A_475 = tpu.vector_load_idx %arg10[%add3A_420, %broadcast_in_dim3A_474] : memref<80x16xf32, #tpu.memory_space<vmem>>[vector<16xi32>, vector<16xi32>], vector<16xf32>,
      %mul3A_476 = arith.mulf %gather3A_475, %get3A_416 : vector<16xf32>
      tpu.vector_store_idx %arg10[%add3A_420, %broadcast_in_dim3A_474], %mul3A_476 : memref<80x16xf32, #tpu.memory_space<vmem>>[vector<16xi32>, vector<16xi32>], vector<16xf32>,
      %broadcast_in_dim3A_477 = arith.constant 14 : i32
      %broadcast_in_dim3A_478 = vector.broadcast %broadcast_in_dim3A_477 : i32 to vector<16xi32>
      %gather3A_479 = tpu.vector_load_idx %arg10[%add3A_420, %broadcast_in_dim3A_478] : memref<80x16xf32, #tpu.memory_space<vmem>>[vector<16xi32>, vector<16xi32>], vector<16xf32>,
      %mul3A_480 = arith.mulf %gather3A_479, %get3A_416 : vector<16xf32>
      tpu.vector_store_idx %arg10[%add3A_420, %broadcast_in_dim3A_478], %mul3A_480 : memref<80x16xf32, #tpu.memory_space<vmem>>[vector<16xi32>, vector<16xi32>], vector<16xf32>,
      %broadcast_in_dim3A_481 = arith.constant 15 : i32
      %broadcast_in_dim3A_482 = vector.broadcast %broadcast_in_dim3A_481 : i32 to vector<16xi32>
      %gather3A_483 = tpu.vector_load_idx %arg10[%add3A_420, %broadcast_in_dim3A_482] : memref<80x16xf32, #tpu.memory_space<vmem>>[vector<16xi32>, vector<16xi32>], vector<16xf32>,
      %mul3A_484 = arith.mulf %gather3A_483, %get3A_416 : vector<16xf32>
      tpu.vector_store_idx %arg10[%add3A_420, %broadcast_in_dim3A_482], %mul3A_484 : memref<80x16xf32, #tpu.memory_space<vmem>>[vector<16xi32>, vector<16xi32>], vector<16xf32>,
      %get3A_485 = arith.constant 32 : index
      %get3A_486 = tpu.vector_load %arg9[%get3A_485] {strides = array<i32>} : memref<80xf32, #tpu.memory_space<vmem>>, vector<16xf32>,
      %iota3A_487 = tpu.iota {dimensions = array<i32: 0>} : vector<16xi32>
      %add3A_488 = arith.constant 32 : i32
      %add3A_489 = vector.broadcast %add3A_488 : i32 to vector<16xi32>
      %add3A_490 = arith.addi %add3A_489, %iota3A_487 : vector<16xi32>
      %broadcast_in_dim3A_491 = arith.constant 0 : i32
      %broadcast_in_dim3A_492 = vector.broadcast %broadcast_in_dim3A_491 : i32 to vector<16xi32>
      %gather3A_493 = tpu.vector_load_idx %arg10[%add3A_490, %broadcast_in_dim3A_492] : memref<80x16xf32, #tpu.memory_space<vmem>>[vector<16xi32>, vector<16xi32>], vector<16xf32>,
      %mul3A_494 = arith.mulf %gather3A_493, %get3A_486 : vector<16xf32>
      tpu.vector_store_idx %arg10[%add3A_490, %broadcast_in_dim3A_492], %mul3A_494 : memref<80x16xf32, #tpu.memory_space<vmem>>[vector<16xi32>, vector<16xi32>], vector<16xf32>,
      %broadcast_in_dim3A_495 = arith.constant 1 : i32
      %broadcast_in_dim3A_496 = vector.broadcast %broadcast_in_dim3A_495 : i32 to vector<16xi32>
      %gather3A_497 = tpu.vector_load_idx %arg10[%add3A_490, %broadcast_in_dim3A_496] : memref<80x16xf32, #tpu.memory_space<vmem>>[vector<16xi32>, vector<16xi32>], vector<16xf32>,
      %mul3A_498 = arith.mulf %gather3A_497, %get3A_486 : vector<16xf32>
      tpu.vector_store_idx %arg10[%add3A_490, %broadcast_in_dim3A_496], %mul3A_498 : memref<80x16xf32, #tpu.memory_space<vmem>>[vector<16xi32>, vector<16xi32>], vector<16xf32>,
      %broadcast_in_dim3A_499 = arith.constant 2 : i32
      %broadcast_in_dim3A_500 = vector.broadcast %broadcast_in_dim3A_499 : i32 to vector<16xi32>
      %gather3A_501 = tpu.vector_load_idx %arg10[%add3A_490, %broadcast_in_dim3A_500] : memref<80x16xf32, #tpu.memory_space<vmem>>[vector<16xi32>, vector<16xi32>], vector<16xf32>,
      %mul3A_502 = arith.mulf %gather3A_501, %get3A_486 : vector<16xf32>
      tpu.vector_store_idx %arg10[%add3A_490, %broadcast_in_dim3A_500], %mul3A_502 : memref<80x16xf32, #tpu.memory_space<vmem>>[vector<16xi32>, vector<16xi32>], vector<16xf32>,
      %broadcast_in_dim3A_503 = arith.constant 3 : i32
      %broadcast_in_dim3A_504 = vector.broadcast %broadcast_in_dim3A_503 : i32 to vector<16xi32>
      %gather3A_505 = tpu.vector_load_idx %arg10[%add3A_490, %broadcast_in_dim3A_504] : memref<80x16xf32, #tpu.memory_space<vmem>>[vector<16xi32>, vector<16xi32>], vector<16xf32>,
      %mul3A_506 = arith.mulf %gather3A_505, %get3A_486 : vector<16xf32>
      tpu.vector_store_idx %arg10[%add3A_490, %broadcast_in_dim3A_504], %mul3A_506 : memref<80x16xf32, #tpu.memory_space<vmem>>[vector<16xi32>, vector<16xi32>], vector<16xf32>,
      %broadcast_in_dim3A_507 = arith.constant 4 : i32
      %broadcast_in_dim3A_508 = vector.broadcast %broadcast_in_dim3A_507 : i32 to vector<16xi32>
      %gather3A_509 = tpu.vector_load_idx %arg10[%add3A_490, %broadcast_in_dim3A_508] : memref<80x16xf32, #tpu.memory_space<vmem>>[vector<16xi32>, vector<16xi32>], vector<16xf32>,
      %mul3A_510 = arith.mulf %gather3A_509, %get3A_486 : vector<16xf32>
      tpu.vector_store_idx %arg10[%add3A_490, %broadcast_in_dim3A_508], %mul3A_510 : memref<80x16xf32, #tpu.memory_space<vmem>>[vector<16xi32>, vector<16xi32>], vector<16xf32>,
      %broadcast_in_dim3A_511 = arith.constant 5 : i32
      %broadcast_in_dim3A_512 = vector.broadcast %broadcast_in_dim3A_511 : i32 to vector<16xi32>
      %gather3A_513 = tpu.vector_load_idx %arg10[%add3A_490, %broadcast_in_dim3A_512] : memref<80x16xf32, #tpu.memory_space<vmem>>[vector<16xi32>, vector<16xi32>], vector<16xf32>,
      %mul3A_514 = arith.mulf %gather3A_513, %get3A_486 : vector<16xf32>
      tpu.vector_store_idx %arg10[%add3A_490, %broadcast_in_dim3A_512], %mul3A_514 : memref<80x16xf32, #tpu.memory_space<vmem>>[vector<16xi32>, vector<16xi32>], vector<16xf32>,
      %broadcast_in_dim3A_515 = arith.constant 6 : i32
      %broadcast_in_dim3A_516 = vector.broadcast %broadcast_in_dim3A_515 : i32 to vector<16xi32>
      %gather3A_517 = tpu.vector_load_idx %arg10[%add3A_490, %broadcast_in_dim3A_516] : memref<80x16xf32, #tpu.memory_space<vmem>>[vector<16xi32>, vector<16xi32>], vector<16xf32>,
      %mul3A_518 = arith.mulf %gather3A_517, %get3A_486 : vector<16xf32>
      tpu.vector_store_idx %arg10[%add3A_490, %broadcast_in_dim3A_516], %mul3A_518 : memref<80x16xf32, #tpu.memory_space<vmem>>[vector<16xi32>, vector<16xi32>], vector<16xf32>,
      %broadcast_in_dim3A_519 = arith.constant 7 : i32
      %broadcast_in_dim3A_520 = vector.broadcast %broadcast_in_dim3A_519 : i32 to vector<16xi32>
      %gather3A_521 = tpu.vector_load_idx %arg10[%add3A_490, %broadcast_in_dim3A_520] : memref<80x16xf32, #tpu.memory_space<vmem>>[vector<16xi32>, vector<16xi32>], vector<16xf32>,
      %mul3A_522 = arith.mulf %gather3A_521, %get3A_486 : vector<16xf32>
      tpu.vector_store_idx %arg10[%add3A_490, %broadcast_in_dim3A_520], %mul3A_522 : memref<80x16xf32, #tpu.memory_space<vmem>>[vector<16xi32>, vector<16xi32>], vector<16xf32>,
      %broadcast_in_dim3A_523 = arith.constant 8 : i32
      %broadcast_in_dim3A_524 = vector.broadcast %broadcast_in_dim3A_523 : i32 to vector<16xi32>
      %gather3A_525 = tpu.vector_load_idx %arg10[%add3A_490, %broadcast_in_dim3A_524] : memref<80x16xf32, #tpu.memory_space<vmem>>[vector<16xi32>, vector<16xi32>], vector<16xf32>,
      %mul3A_526 = arith.mulf %gather3A_525, %get3A_486 : vector<16xf32>
      tpu.vector_store_idx %arg10[%add3A_490, %broadcast_in_dim3A_524], %mul3A_526 : memref<80x16xf32, #tpu.memory_space<vmem>>[vector<16xi32>, vector<16xi32>], vector<16xf32>,
      %broadcast_in_dim3A_527 = arith.constant 9 : i32
      %broadcast_in_dim3A_528 = vector.broadcast %broadcast_in_dim3A_527 : i32 to vector<16xi32>
      %gather3A_529 = tpu.vector_load_idx %arg10[%add3A_490, %broadcast_in_dim3A_528] : memref<80x16xf32, #tpu.memory_space<vmem>>[vector<16xi32>, vector<16xi32>], vector<16xf32>,
      %mul3A_530 = arith.mulf %gather3A_529, %get3A_486 : vector<16xf32>
      tpu.vector_store_idx %arg10[%add3A_490, %broadcast_in_dim3A_528], %mul3A_530 : memref<80x16xf32, #tpu.memory_space<vmem>>[vector<16xi32>, vector<16xi32>], vector<16xf32>,
      %broadcast_in_dim3A_531 = arith.constant 10 : i32
      %broadcast_in_dim3A_532 = vector.broadcast %broadcast_in_dim3A_531 : i32 to vector<16xi32>
      %gather3A_533 = tpu.vector_load_idx %arg10[%add3A_490, %broadcast_in_dim3A_532] : memref<80x16xf32, #tpu.memory_space<vmem>>[vector<16xi32>, vector<16xi32>], vector<16xf32>,
      %mul3A_534 = arith.mulf %gather3A_533, %get3A_486 : vector<16xf32>
      tpu.vector_store_idx %arg10[%add3A_490, %broadcast_in_dim3A_532], %mul3A_534 : memref<80x16xf32, #tpu.memory_space<vmem>>[vector<16xi32>, vector<16xi32>], vector<16xf32>,
      %broadcast_in_dim3A_535 = arith.constant 11 : i32
      %broadcast_in_dim3A_536 = vector.broadcast %broadcast_in_dim3A_535 : i32 to vector<16xi32>
      %gather3A_537 = tpu.vector_load_idx %arg10[%add3A_490, %broadcast_in_dim3A_536] : memref<80x16xf32, #tpu.memory_space<vmem>>[vector<16xi32>, vector<16xi32>], vector<16xf32>,
      %mul3A_538 = arith.mulf %gather3A_537, %get3A_486 : vector<16xf32>
      tpu.vector_store_idx %arg10[%add3A_490, %broadcast_in_dim3A_536], %mul3A_538 : memref<80x16xf32, #tpu.memory_space<vmem>>[vector<16xi32>, vector<16xi32>], vector<16xf32>,
      %broadcast_in_dim3A_539 = arith.constant 12 : i32
      %broadcast_in_dim3A_540 = vector.broadcast %broadcast_in_dim3A_539 : i32 to vector<16xi32>
      %gather3A_541 = tpu.vector_load_idx %arg10[%add3A_490, %broadcast_in_dim3A_540] : memref<80x16xf32, #tpu.memory_space<vmem>>[vector<16xi32>, vector<16xi32>], vector<16xf32>,
      %mul3A_542 = arith.mulf %gather3A_541, %get3A_486 : vector<16xf32>
      tpu.vector_store_idx %arg10[%add3A_490, %broadcast_in_dim3A_540], %mul3A_542 : memref<80x16xf32, #tpu.memory_space<vmem>>[vector<16xi32>, vector<16xi32>], vector<16xf32>,
      %broadcast_in_dim3A_543 = arith.constant 13 : i32
      %broadcast_in_dim3A_544 = vector.broadcast %broadcast_in_dim3A_543 : i32 to vector<16xi32>
      %gather3A_545 = tpu.vector_load_idx %arg10[%add3A_490, %broadcast_in_dim3A_544] : memref<80x16xf32, #tpu.memory_space<vmem>>[vector<16xi32>, vector<16xi32>], vector<16xf32>,
      %mul3A_546 = arith.mulf %gather3A_545, %get3A_486 : vector<16xf32>
      tpu.vector_store_idx %arg10[%add3A_490, %broadcast_in_dim3A_544], %mul3A_546 : memref<80x16xf32, #tpu.memory_space<vmem>>[vector<16xi32>, vector<16xi32>], vector<16xf32>,
      %broadcast_in_dim3A_547 = arith.constant 14 : i32
      %broadcast_in_dim3A_548 = vector.broadcast %broadcast_in_dim3A_547 : i32 to vector<16xi32>
      %gather3A_549 = tpu.vector_load_idx %arg10[%add3A_490, %broadcast_in_dim3A_548] : memref<80x16xf32, #tpu.memory_space<vmem>>[vector<16xi32>, vector<16xi32>], vector<16xf32>,
      %mul3A_550 = arith.mulf %gather3A_549, %get3A_486 : vector<16xf32>
      tpu.vector_store_idx %arg10[%add3A_490, %broadcast_in_dim3A_548], %mul3A_550 : memref<80x16xf32, #tpu.memory_space<vmem>>[vector<16xi32>, vector<16xi32>], vector<16xf32>,
      %broadcast_in_dim3A_551 = arith.constant 15 : i32
      %broadcast_in_dim3A_552 = vector.broadcast %broadcast_in_dim3A_551 : i32 to vector<16xi32>
      %gather3A_553 = tpu.vector_load_idx %arg10[%add3A_490, %broadcast_in_dim3A_552] : memref<80x16xf32, #tpu.memory_space<vmem>>[vector<16xi32>, vector<16xi32>], vector<16xf32>,
      %mul3A_554 = arith.mulf %gather3A_553, %get3A_486 : vector<16xf32>
      tpu.vector_store_idx %arg10[%add3A_490, %broadcast_in_dim3A_552], %mul3A_554 : memref<80x16xf32, #tpu.memory_space<vmem>>[vector<16xi32>, vector<16xi32>], vector<16xf32>,
      %get3A_555 = arith.constant 48 : index
      %get3A_556 = tpu.vector_load %arg9[%get3A_555] {strides = array<i32>} : memref<80xf32, #tpu.memory_space<vmem>>, vector<16xf32>,
      %iota3A_557 = tpu.iota {dimensions = array<i32: 0>} : vector<16xi32>
      %add3A_558 = arith.constant 48 : i32
      %add3A_559 = vector.broadcast %add3A_558 : i32 to vector<16xi32>
      %add3A_560 = arith.addi %add3A_559, %iota3A_557 : vector<16xi32>
      %broadcast_in_dim3A_561 = arith.constant 0 : i32
      %broadcast_in_dim3A_562 = vector.broadcast %broadcast_in_dim3A_561 : i32 to vector<16xi32>
      %gather3A_563 = tpu.vector_load_idx %arg10[%add3A_560, %broadcast_in_dim3A_562] : memref<80x16xf32, #tpu.memory_space<vmem>>[vector<16xi32>, vector<16xi32>], vector<16xf32>,
      %mul3A_564 = arith.mulf %gather3A_563, %get3A_556 : vector<16xf32>
      tpu.vector_store_idx %arg10[%add3A_560, %broadcast_in_dim3A_562], %mul3A_564 : memref<80x16xf32, #tpu.memory_space<vmem>>[vector<16xi32>, vector<16xi32>], vector<16xf32>,
      %broadcast_in_dim3A_565 = arith.constant 1 : i32
      %broadcast_in_dim3A_566 = vector.broadcast %broadcast_in_dim3A_565 : i32 to vector<16xi32>
      %gather3A_567 = tpu.vector_load_idx %arg10[%add3A_560, %broadcast_in_dim3A_566] : memref<80x16xf32, #tpu.memory_space<vmem>>[vector<16xi32>, vector<16xi32>], vector<16xf32>,
      %mul3A_568 = arith.mulf %gather3A_567, %get3A_556 : vector<16xf32>
      tpu.vector_store_idx %arg10[%add3A_560, %broadcast_in_dim3A_566], %mul3A_568 : memref<80x16xf32, #tpu.memory_space<vmem>>[vector<16xi32>, vector<16xi32>], vector<16xf32>,
      %broadcast_in_dim3A_569 = arith.constant 2 : i32
      %broadcast_in_dim3A_570 = vector.broadcast %broadcast_in_dim3A_569 : i32 to vector<16xi32>
      %gather3A_571 = tpu.vector_load_idx %arg10[%add3A_560, %broadcast_in_dim3A_570] : memref<80x16xf32, #tpu.memory_space<vmem>>[vector<16xi32>, vector<16xi32>], vector<16xf32>,
      %mul3A_572 = arith.mulf %gather3A_571, %get3A_556 : vector<16xf32>
      tpu.vector_store_idx %arg10[%add3A_560, %broadcast_in_dim3A_570], %mul3A_572 : memref<80x16xf32, #tpu.memory_space<vmem>>[vector<16xi32>, vector<16xi32>], vector<16xf32>,
      %broadcast_in_dim3A_573 = arith.constant 3 : i32
      %broadcast_in_dim3A_574 = vector.broadcast %broadcast_in_dim3A_573 : i32 to vector<16xi32>
      %gather3A_575 = tpu.vector_load_idx %arg10[%add3A_560, %broadcast_in_dim3A_574] : memref<80x16xf32, #tpu.memory_space<vmem>>[vector<16xi32>, vector<16xi32>], vector<16xf32>,
      %mul3A_576 = arith.mulf %gather3A_575, %get3A_556 : vector<16xf32>
      tpu.vector_store_idx %arg10[%add3A_560, %broadcast_in_dim3A_574], %mul3A_576 : memref<80x16xf32, #tpu.memory_space<vmem>>[vector<16xi32>, vector<16xi32>], vector<16xf32>,
      %broadcast_in_dim3A_577 = arith.constant 4 : i32
      %broadcast_in_dim3A_578 = vector.broadcast %broadcast_in_dim3A_577 : i32 to vector<16xi32>
      %gather3A_579 = tpu.vector_load_idx %arg10[%add3A_560, %broadcast_in_dim3A_578] : memref<80x16xf32, #tpu.memory_space<vmem>>[vector<16xi32>, vector<16xi32>], vector<16xf32>,
      %mul3A_580 = arith.mulf %gather3A_579, %get3A_556 : vector<16xf32>
      tpu.vector_store_idx %arg10[%add3A_560, %broadcast_in_dim3A_578], %mul3A_580 : memref<80x16xf32, #tpu.memory_space<vmem>>[vector<16xi32>, vector<16xi32>], vector<16xf32>,
      %broadcast_in_dim3A_581 = arith.constant 5 : i32
      %broadcast_in_dim3A_582 = vector.broadcast %broadcast_in_dim3A_581 : i32 to vector<16xi32>
      %gather3A_583 = tpu.vector_load_idx %arg10[%add3A_560, %broadcast_in_dim3A_582] : memref<80x16xf32, #tpu.memory_space<vmem>>[vector<16xi32>, vector<16xi32>], vector<16xf32>,
      %mul3A_584 = arith.mulf %gather3A_583, %get3A_556 : vector<16xf32>
      tpu.vector_store_idx %arg10[%add3A_560, %broadcast_in_dim3A_582], %mul3A_584 : memref<80x16xf32, #tpu.memory_space<vmem>>[vector<16xi32>, vector<16xi32>], vector<16xf32>,
      %broadcast_in_dim3A_585 = arith.constant 6 : i32
      %broadcast_in_dim3A_586 = vector.broadcast %broadcast_in_dim3A_585 : i32 to vector<16xi32>
      %gather3A_587 = tpu.vector_load_idx %arg10[%add3A_560, %broadcast_in_dim3A_586] : memref<80x16xf32, #tpu.memory_space<vmem>>[vector<16xi32>, vector<16xi32>], vector<16xf32>,
      %mul3A_588 = arith.mulf %gather3A_587, %get3A_556 : vector<16xf32>
      tpu.vector_store_idx %arg10[%add3A_560, %broadcast_in_dim3A_586], %mul3A_588 : memref<80x16xf32, #tpu.memory_space<vmem>>[vector<16xi32>, vector<16xi32>], vector<16xf32>,
      %broadcast_in_dim3A_589 = arith.constant 7 : i32
      %broadcast_in_dim3A_590 = vector.broadcast %broadcast_in_dim3A_589 : i32 to vector<16xi32>
      %gather3A_591 = tpu.vector_load_idx %arg10[%add3A_560, %broadcast_in_dim3A_590] : memref<80x16xf32, #tpu.memory_space<vmem>>[vector<16xi32>, vector<16xi32>], vector<16xf32>,
      %mul3A_592 = arith.mulf %gather3A_591, %get3A_556 : vector<16xf32>
      tpu.vector_store_idx %arg10[%add3A_560, %broadcast_in_dim3A_590], %mul3A_592 : memref<80x16xf32, #tpu.memory_space<vmem>>[vector<16xi32>, vector<16xi32>], vector<16xf32>,
      %broadcast_in_dim3A_593 = arith.constant 8 : i32
      %broadcast_in_dim3A_594 = vector.broadcast %broadcast_in_dim3A_593 : i32 to vector<16xi32>
      %gather3A_595 = tpu.vector_load_idx %arg10[%add3A_560, %broadcast_in_dim3A_594] : memref<80x16xf32, #tpu.memory_space<vmem>>[vector<16xi32>, vector<16xi32>], vector<16xf32>,
      %mul3A_596 = arith.mulf %gather3A_595, %get3A_556 : vector<16xf32>
      tpu.vector_store_idx %arg10[%add3A_560, %broadcast_in_dim3A_594], %mul3A_596 : memref<80x16xf32, #tpu.memory_space<vmem>>[vector<16xi32>, vector<16xi32>], vector<16xf32>,
      %broadcast_in_dim3A_597 = arith.constant 9 : i32
      %broadcast_in_dim3A_598 = vector.broadcast %broadcast_in_dim3A_597 : i32 to vector<16xi32>
      %gather3A_599 = tpu.vector_load_idx %arg10[%add3A_560, %broadcast_in_dim3A_598] : memref<80x16xf32, #tpu.memory_space<vmem>>[vector<16xi32>, vector<16xi32>], vector<16xf32>,
      %mul3A_600 = arith.mulf %gather3A_599, %get3A_556 : vector<16xf32>
      tpu.vector_store_idx %arg10[%add3A_560, %broadcast_in_dim3A_598], %mul3A_600 : memref<80x16xf32, #tpu.memory_space<vmem>>[vector<16xi32>, vector<16xi32>], vector<16xf32>,
      %broadcast_in_dim3A_601 = arith.constant 10 : i32
      %broadcast_in_dim3A_602 = vector.broadcast %broadcast_in_dim3A_601 : i32 to vector<16xi32>
      %gather3A_603 = tpu.vector_load_idx %arg10[%add3A_560, %broadcast_in_dim3A_602] : memref<80x16xf32, #tpu.memory_space<vmem>>[vector<16xi32>, vector<16xi32>], vector<16xf32>,
      %mul3A_604 = arith.mulf %gather3A_603, %get3A_556 : vector<16xf32>
      tpu.vector_store_idx %arg10[%add3A_560, %broadcast_in_dim3A_602], %mul3A_604 : memref<80x16xf32, #tpu.memory_space<vmem>>[vector<16xi32>, vector<16xi32>], vector<16xf32>,
      %broadcast_in_dim3A_605 = arith.constant 11 : i32
      %broadcast_in_dim3A_606 = vector.broadcast %broadcast_in_dim3A_605 : i32 to vector<16xi32>
      %gather3A_607 = tpu.vector_load_idx %arg10[%add3A_560, %broadcast_in_dim3A_606] : memref<80x16xf32, #tpu.memory_space<vmem>>[vector<16xi32>, vector<16xi32>], vector<16xf32>,
      %mul3A_608 = arith.mulf %gather3A_607, %get3A_556 : vector<16xf32>
      tpu.vector_store_idx %arg10[%add3A_560, %broadcast_in_dim3A_606], %mul3A_608 : memref<80x16xf32, #tpu.memory_space<vmem>>[vector<16xi32>, vector<16xi32>], vector<16xf32>,
      %broadcast_in_dim3A_609 = arith.constant 12 : i32
      %broadcast_in_dim3A_610 = vector.broadcast %broadcast_in_dim3A_609 : i32 to vector<16xi32>
      %gather3A_611 = tpu.vector_load_idx %arg10[%add3A_560, %broadcast_in_dim3A_610] : memref<80x16xf32, #tpu.memory_space<vmem>>[vector<16xi32>, vector<16xi32>], vector<16xf32>,
      %mul3A_612 = arith.mulf %gather3A_611, %get3A_556 : vector<16xf32>
      tpu.vector_store_idx %arg10[%add3A_560, %broadcast_in_dim3A_610], %mul3A_612 : memref<80x16xf32, #tpu.memory_space<vmem>>[vector<16xi32>, vector<16xi32>], vector<16xf32>,
      %broadcast_in_dim3A_613 = arith.constant 13 : i32
      %broadcast_in_dim3A_614 = vector.broadcast %broadcast_in_dim3A_613 : i32 to vector<16xi32>
      %gather3A_615 = tpu.vector_load_idx %arg10[%add3A_560, %broadcast_in_dim3A_614] : memref<80x16xf32, #tpu.memory_space<vmem>>[vector<16xi32>, vector<16xi32>], vector<16xf32>,
      %mul3A_616 = arith.mulf %gather3A_615, %get3A_556 : vector<16xf32>
      tpu.vector_store_idx %arg10[%add3A_560, %broadcast_in_dim3A_614], %mul3A_616 : memref<80x16xf32, #tpu.memory_space<vmem>>[vector<16xi32>, vector<16xi32>], vector<16xf32>,
      %broadcast_in_dim3A_617 = arith.constant 14 : i32
      %broadcast_in_dim3A_618 = vector.broadcast %broadcast_in_dim3A_617 : i32 to vector<16xi32>
      %gather3A_619 = tpu.vector_load_idx %arg10[%add3A_560, %broadcast_in_dim3A_618] : memref<80x16xf32, #tpu.memory_space<vmem>>[vector<16xi32>, vector<16xi32>], vector<16xf32>,
      %mul3A_620 = arith.mulf %gather3A_619, %get3A_556 : vector<16xf32>
      tpu.vector_store_idx %arg10[%add3A_560, %broadcast_in_dim3A_618], %mul3A_620 : memref<80x16xf32, #tpu.memory_space<vmem>>[vector<16xi32>, vector<16xi32>], vector<16xf32>,
      %broadcast_in_dim3A_621 = arith.constant 15 : i32
      %broadcast_in_dim3A_622 = vector.broadcast %broadcast_in_dim3A_621 : i32 to vector<16xi32>
      %gather3A_623 = tpu.vector_load_idx %arg10[%add3A_560, %broadcast_in_dim3A_622] : memref<80x16xf32, #tpu.memory_space<vmem>>[vector<16xi32>, vector<16xi32>], vector<16xf32>,
      %mul3A_624 = arith.mulf %gather3A_623, %get3A_556 : vector<16xf32>
      tpu.vector_store_idx %arg10[%add3A_560, %broadcast_in_dim3A_622], %mul3A_624 : memref<80x16xf32, #tpu.memory_space<vmem>>[vector<16xi32>, vector<16xi32>], vector<16xf32>,
      %get3A_625 = arith.constant 64 : index
      %get3A_626 = tpu.vector_load %arg9[%get3A_625] {strides = array<i32>} : memref<80xf32, #tpu.memory_space<vmem>>, vector<16xf32>,
      %iota3A_627 = tpu.iota {dimensions = array<i32: 0>} : vector<16xi32>
      %add3A_628 = arith.constant 64 : i32
      %add3A_629 = vector.broadcast %add3A_628 : i32 to vector<16xi32>
      %add3A_630 = arith.addi %add3A_629, %iota3A_627 : vector<16xi32>
      %broadcast_in_dim3A_631 = arith.constant 0 : i32
      %broadcast_in_dim3A_632 = vector.broadcast %broadcast_in_dim3A_631 : i32 to vector<16xi32>
      %gather3A_633 = tpu.vector_load_idx %arg10[%add3A_630, %broadcast_in_dim3A_632] : memref<80x16xf32, #tpu.memory_space<vmem>>[vector<16xi32>, vector<16xi32>], vector<16xf32>,
      %mul3A_634 = arith.mulf %gather3A_633, %get3A_626 : vector<16xf32>
      tpu.vector_store_idx %arg10[%add3A_630, %broadcast_in_dim3A_632], %mul3A_634 : memref<80x16xf32, #tpu.memory_space<vmem>>[vector<16xi32>, vector<16xi32>], vector<16xf32>,
      %broadcast_in_dim3A_635 = arith.constant 1 : i32
      %broadcast_in_dim3A_636 = vector.broadcast %broadcast_in_dim3A_635 : i32 to vector<16xi32>
      %gather3A_637 = tpu.vector_load_idx %arg10[%add3A_630, %broadcast_in_dim3A_636] : memref<80x16xf32, #tpu.memory_space<vmem>>[vector<16xi32>, vector<16xi32>], vector<16xf32>,
      %mul3A_638 = arith.mulf %gather3A_637, %get3A_626 : vector<16xf32>
      tpu.vector_store_idx %arg10[%add3A_630, %broadcast_in_dim3A_636], %mul3A_638 : memref<80x16xf32, #tpu.memory_space<vmem>>[vector<16xi32>, vector<16xi32>], vector<16xf32>,
      %broadcast_in_dim3A_639 = arith.constant 2 : i32
      %broadcast_in_dim3A_640 = vector.broadcast %broadcast_in_dim3A_639 : i32 to vector<16xi32>
      %gather3A_641 = tpu.vector_load_idx %arg10[%add3A_630, %broadcast_in_dim3A_640] : memref<80x16xf32, #tpu.memory_space<vmem>>[vector<16xi32>, vector<16xi32>], vector<16xf32>,
      %mul3A_642 = arith.mulf %gather3A_641, %get3A_626 : vector<16xf32>
      tpu.vector_store_idx %arg10[%add3A_630, %broadcast_in_dim3A_640], %mul3A_642 : memref<80x16xf32, #tpu.memory_space<vmem>>[vector<16xi32>, vector<16xi32>], vector<16xf32>,
      %broadcast_in_dim3A_643 = arith.constant 3 : i32
      %broadcast_in_dim3A_644 = vector.broadcast %broadcast_in_dim3A_643 : i32 to vector<16xi32>
      %gather3A_645 = tpu.vector_load_idx %arg10[%add3A_630, %broadcast_in_dim3A_644] : memref<80x16xf32, #tpu.memory_space<vmem>>[vector<16xi32>, vector<16xi32>], vector<16xf32>,
      %mul3A_646 = arith.mulf %gather3A_645, %get3A_626 : vector<16xf32>
      tpu.vector_store_idx %arg10[%add3A_630, %broadcast_in_dim3A_644], %mul3A_646 : memref<80x16xf32, #tpu.memory_space<vmem>>[vector<16xi32>, vector<16xi32>], vector<16xf32>,
      %broadcast_in_dim3A_647 = arith.constant 4 : i32
      %broadcast_in_dim3A_648 = vector.broadcast %broadcast_in_dim3A_647 : i32 to vector<16xi32>
      %gather3A_649 = tpu.vector_load_idx %arg10[%add3A_630, %broadcast_in_dim3A_648] : memref<80x16xf32, #tpu.memory_space<vmem>>[vector<16xi32>, vector<16xi32>], vector<16xf32>,
      %mul3A_650 = arith.mulf %gather3A_649, %get3A_626 : vector<16xf32>
      tpu.vector_store_idx %arg10[%add3A_630, %broadcast_in_dim3A_648], %mul3A_650 : memref<80x16xf32, #tpu.memory_space<vmem>>[vector<16xi32>, vector<16xi32>], vector<16xf32>,
      %broadcast_in_dim3A_651 = arith.constant 5 : i32
      %broadcast_in_dim3A_652 = vector.broadcast %broadcast_in_dim3A_651 : i32 to vector<16xi32>
      %gather3A_653 = tpu.vector_load_idx %arg10[%add3A_630, %broadcast_in_dim3A_652] : memref<80x16xf32, #tpu.memory_space<vmem>>[vector<16xi32>, vector<16xi32>], vector<16xf32>,
      %mul3A_654 = arith.mulf %gather3A_653, %get3A_626 : vector<16xf32>
      tpu.vector_store_idx %arg10[%add3A_630, %broadcast_in_dim3A_652], %mul3A_654 : memref<80x16xf32, #tpu.memory_space<vmem>>[vector<16xi32>, vector<16xi32>], vector<16xf32>,
      %broadcast_in_dim3A_655 = arith.constant 6 : i32
      %broadcast_in_dim3A_656 = vector.broadcast %broadcast_in_dim3A_655 : i32 to vector<16xi32>
      %gather3A_657 = tpu.vector_load_idx %arg10[%add3A_630, %broadcast_in_dim3A_656] : memref<80x16xf32, #tpu.memory_space<vmem>>[vector<16xi32>, vector<16xi32>], vector<16xf32>,
      %mul3A_658 = arith.mulf %gather3A_657, %get3A_626 : vector<16xf32>
      tpu.vector_store_idx %arg10[%add3A_630, %broadcast_in_dim3A_656], %mul3A_658 : memref<80x16xf32, #tpu.memory_space<vmem>>[vector<16xi32>, vector<16xi32>], vector<16xf32>,
      %broadcast_in_dim3A_659 = arith.constant 7 : i32
      %broadcast_in_dim3A_660 = vector.broadcast %broadcast_in_dim3A_659 : i32 to vector<16xi32>
      %gather3A_661 = tpu.vector_load_idx %arg10[%add3A_630, %broadcast_in_dim3A_660] : memref<80x16xf32, #tpu.memory_space<vmem>>[vector<16xi32>, vector<16xi32>], vector<16xf32>,
      %mul3A_662 = arith.mulf %gather3A_661, %get3A_626 : vector<16xf32>
      tpu.vector_store_idx %arg10[%add3A_630, %broadcast_in_dim3A_660], %mul3A_662 : memref<80x16xf32, #tpu.memory_space<vmem>>[vector<16xi32>, vector<16xi32>], vector<16xf32>,
      %broadcast_in_dim3A_663 = arith.constant 8 : i32
      %broadcast_in_dim3A_664 = vector.broadcast %broadcast_in_dim3A_663 : i32 to vector<16xi32>
      %gather3A_665 = tpu.vector_load_idx %arg10[%add3A_630, %broadcast_in_dim3A_664] : memref<80x16xf32, #tpu.memory_space<vmem>>[vector<16xi32>, vector<16xi32>], vector<16xf32>,
      %mul3A_666 = arith.mulf %gather3A_665, %get3A_626 : vector<16xf32>
      tpu.vector_store_idx %arg10[%add3A_630, %broadcast_in_dim3A_664], %mul3A_666 : memref<80x16xf32, #tpu.memory_space<vmem>>[vector<16xi32>, vector<16xi32>], vector<16xf32>,
      %broadcast_in_dim3A_667 = arith.constant 9 : i32
      %broadcast_in_dim3A_668 = vector.broadcast %broadcast_in_dim3A_667 : i32 to vector<16xi32>
      %gather3A_669 = tpu.vector_load_idx %arg10[%add3A_630, %broadcast_in_dim3A_668] : memref<80x16xf32, #tpu.memory_space<vmem>>[vector<16xi32>, vector<16xi32>], vector<16xf32>,
      %mul3A_670 = arith.mulf %gather3A_669, %get3A_626 : vector<16xf32>
      tpu.vector_store_idx %arg10[%add3A_630, %broadcast_in_dim3A_668], %mul3A_670 : memref<80x16xf32, #tpu.memory_space<vmem>>[vector<16xi32>, vector<16xi32>], vector<16xf32>,
      %broadcast_in_dim3A_671 = arith.constant 10 : i32
      %broadcast_in_dim3A_672 = vector.broadcast %broadcast_in_dim3A_671 : i32 to vector<16xi32>
      %gather3A_673 = tpu.vector_load_idx %arg10[%add3A_630, %broadcast_in_dim3A_672] : memref<80x16xf32, #tpu.memory_space<vmem>>[vector<16xi32>, vector<16xi32>], vector<16xf32>,
      %mul3A_674 = arith.mulf %gather3A_673, %get3A_626 : vector<16xf32>
      tpu.vector_store_idx %arg10[%add3A_630, %broadcast_in_dim3A_672], %mul3A_674 : memref<80x16xf32, #tpu.memory_space<vmem>>[vector<16xi32>, vector<16xi32>], vector<16xf32>,
      %broadcast_in_dim3A_675 = arith.constant 11 : i32
      %broadcast_in_dim3A_676 = vector.broadcast %broadcast_in_dim3A_675 : i32 to vector<16xi32>
      %gather3A_677 = tpu.vector_load_idx %arg10[%add3A_630, %broadcast_in_dim3A_676] : memref<80x16xf32, #tpu.memory_space<vmem>>[vector<16xi32>, vector<16xi32>], vector<16xf32>,
      %mul3A_678 = arith.mulf %gather3A_677, %get3A_626 : vector<16xf32>
      tpu.vector_store_idx %arg10[%add3A_630, %broadcast_in_dim3A_676], %mul3A_678 : memref<80x16xf32, #tpu.memory_space<vmem>>[vector<16xi32>, vector<16xi32>], vector<16xf32>,
      %broadcast_in_dim3A_679 = arith.constant 12 : i32
      %broadcast_in_dim3A_680 = vector.broadcast %broadcast_in_dim3A_679 : i32 to vector<16xi32>
      %gather3A_681 = tpu.vector_load_idx %arg10[%add3A_630, %broadcast_in_dim3A_680] : memref<80x16xf32, #tpu.memory_space<vmem>>[vector<16xi32>, vector<16xi32>], vector<16xf32>,
      %mul3A_682 = arith.mulf %gather3A_681, %get3A_626 : vector<16xf32>
      tpu.vector_store_idx %arg10[%add3A_630, %broadcast_in_dim3A_680], %mul3A_682 : memref<80x16xf32, #tpu.memory_space<vmem>>[vector<16xi32>, vector<16xi32>], vector<16xf32>,
      %broadcast_in_dim3A_683 = arith.constant 13 : i32
      %broadcast_in_dim3A_684 = vector.broadcast %broadcast_in_dim3A_683 : i32 to vector<16xi32>
      %gather3A_685 = tpu.vector_load_idx %arg10[%add3A_630, %broadcast_in_dim3A_684] : memref<80x16xf32, #tpu.memory_space<vmem>>[vector<16xi32>, vector<16xi32>], vector<16xf32>,
      %mul3A_686 = arith.mulf %gather3A_685, %get3A_626 : vector<16xf32>
      tpu.vector_store_idx %arg10[%add3A_630, %broadcast_in_dim3A_684], %mul3A_686 : memref<80x16xf32, #tpu.memory_space<vmem>>[vector<16xi32>, vector<16xi32>], vector<16xf32>,
      %broadcast_in_dim3A_687 = arith.constant 14 : i32
      %broadcast_in_dim3A_688 = vector.broadcast %broadcast_in_dim3A_687 : i32 to vector<16xi32>
      %gather3A_689 = tpu.vector_load_idx %arg10[%add3A_630, %broadcast_in_dim3A_688] : memref<80x16xf32, #tpu.memory_space<vmem>>[vector<16xi32>, vector<16xi32>], vector<16xf32>,
      %mul3A_690 = arith.mulf %gather3A_689, %get3A_626 : vector<16xf32>
      tpu.vector_store_idx %arg10[%add3A_630, %broadcast_in_dim3A_688], %mul3A_690 : memref<80x16xf32, #tpu.memory_space<vmem>>[vector<16xi32>, vector<16xi32>], vector<16xf32>,
      %broadcast_in_dim3A_691 = arith.constant 15 : i32
      %broadcast_in_dim3A_692 = vector.broadcast %broadcast_in_dim3A_691 : i32 to vector<16xi32>
      %gather3A_693 = tpu.vector_load_idx %arg10[%add3A_630, %broadcast_in_dim3A_692] : memref<80x16xf32, #tpu.memory_space<vmem>>[vector<16xi32>, vector<16xi32>], vector<16xf32>,
      %mul3A_694 = arith.mulf %gather3A_693, %get3A_626 : vector<16xf32>
      tpu.vector_store_idx %arg10[%add3A_630, %broadcast_in_dim3A_692], %mul3A_694 : memref<80x16xf32, #tpu.memory_space<vmem>>[vector<16xi32>, vector<16xi32>], vector<16xf32>,
      "tpu.region"() ({
        %run_scoped3A = tpu.sem_alloc : memref<!tpu.dma_semaphore, #tpu.memory_space<semaphore_mem>>
        %dma_start3A_696 = arith.constant 0 : i32
        %dma_start3A_697 = arith.constant 0 : i32
        %dma_start3A_698 = tpu.memref_slice %arg12[%dma_start3A_696, %dma_start3A_697] : memref<101120x16xf32, #tpu.memory_space<vmem_shared>> -> memref<101120x16xf32, #tpu.memory_space<vmem_shared>>
        tpu.enqueue_indirect_dma source(%arg10 : memref<80x16xf32, #tpu.memory_space<vmem>>) target(%dma_start3A_698 : memref<101120x16xf32, #tpu.memory_space<vmem_shared>>) offsets(%arg8 : memref<80xi32, #tpu.memory_space<vmem>>) semaphore(%run_scoped3A : memref<!tpu.dma_semaphore, #tpu.memory_space<semaphore_mem>>) {add = true}
        %dma_wait3A_699 = arith.constant 0 : i32
        %dma_wait3A_700 = arith.constant 0 : i32
        %dma_wait3A_701 = tpu.memref_slice %arg12[%dma_wait3A_699, %dma_wait3A_700] : memref<101120x16xf32, #tpu.memory_space<vmem_shared>> -> memref<101120x16xf32, #tpu.memory_space<vmem_shared>>
        tpu.wait_indirect_dma semaphore(%run_scoped3A : memref<!tpu.dma_semaphore, #tpu.memory_space<semaphore_mem>>) src(%arg10 : memref<80x16xf32, #tpu.memory_space<vmem>>) dst(%dma_wait3A_701 : memref<101120x16xf32, #tpu.memory_space<vmem_shared>>)
        tpu.yield
      }) : () -> ()
      %scan3A_695 = arith.constant 0 : i32
      scf.yield %scan3A_695 : i32
    }
    %scan3A_337 = arith.constant 1250 : i32
    %barrier3A_338 = arith.constant 0 : index
    tpu.barrier barrier_id(%barrier3A_338)
    "tpu.region"() ({
      %run_scoped3A = tpu.sem_alloc : memref<!tpu.dma_semaphore, #tpu.memory_space<semaphore_mem>>
      %dma_start3A = arith.constant 0 : i32
      %dma_start3A_339 = tpu.memref_slice %arg6[%arg0, %mul3A_324, %dma_start3A] : memref<2x101120x16xf32, #tpu.memory_space<hbm>> -> memref<1x6320x16xf32, #tpu.memory_space<hbm>>
      %dma_start3A_340 = tpu.memref_squeeze %dma_start3A_339 : memref<1x6320x16xf32, #tpu.memory_space<hbm>> -> memref<6320x16xf32, #tpu.memory_space<hbm>>
      %dma_start3A_341 = arith.constant 0 : i32
      %dma_start3A_342 = tpu.memref_slice %arg12[%mul3A_324, %dma_start3A_341] : memref<101120x16xf32, #tpu.memory_space<vmem_shared>> -> memref<6320x16xf32, #tpu.memory_space<vmem_shared>>
      tpu.enqueue_dma source(%dma_start3A_342 : memref<6320x16xf32, #tpu.memory_space<vmem_shared>>) target(%dma_start3A_340 : memref<6320x16xf32, #tpu.memory_space<hbm>>) target_semaphore(%run_scoped3A : memref<!tpu.dma_semaphore, #tpu.memory_space<semaphore_mem>>)
      %dma_wait3A = arith.constant 0 : i32
      %dma_wait3A_343 = tpu.memref_slice %arg6[%arg0, %mul3A_324, %dma_wait3A] : memref<2x101120x16xf32, #tpu.memory_space<hbm>> -> memref<1x6320x16xf32, #tpu.memory_space<hbm>>
      %dma_wait3A_344 = tpu.memref_squeeze %dma_wait3A_343 : memref<1x6320x16xf32, #tpu.memory_space<hbm>> -> memref<6320x16xf32, #tpu.memory_space<hbm>>
      %dma_wait3A_345 = arith.constant 0 : i32
      %dma_wait3A_346 = tpu.memref_slice %arg12[%mul3A_324, %dma_wait3A_345] : memref<101120x16xf32, #tpu.memory_space<vmem_shared>> -> memref<6320x16xf32, #tpu.memory_space<vmem_shared>>
      tpu.wait_dma2 semaphore(%run_scoped3A : memref<!tpu.dma_semaphore, #tpu.memory_space<semaphore_mem>>) src(%dma_wait3A_346 : memref<6320x16xf32, #tpu.memory_space<vmem_shared>>) dst(%dma_wait3A_344 : memref<6320x16xf32, #tpu.memory_space<hbm>>)
      tpu.yield
    }) : () -> ()
    return
  }
}

#map = affine_map<(d0, d1) -> (0, 0)>
#map1 = affine_map<(d0, d1) -> (0)>
#map2 = affine_map<(d0, d1) -> (0, 0, 0)>
module attributes {stable_mosaic.version = 14 : i64} {
  func.func @_batch_gather_body(%arg0: i32, %arg1: i32, %arg2: memref<101120x16xf32, #tpu.memory_space<hbm>>, %arg3: memref<4096xi32, #tpu.memory_space<hbm>>, %arg4: memref<4096xi32, #tpu.memory_space<hbm>>, %arg5: memref<4096xi32, #tpu.memory_space<hbm>>, %arg6: memref<3x4096x16xf32, #tpu.memory_space<hbm>>, %arg7: memref<128xi32, #tpu.memory_space<vmem>>, %arg8: memref<128x16xf32, #tpu.memory_space<vmem>>, %arg9: memref<!tpu.dma_semaphore, #tpu.memory_space<semaphore_mem>>) attributes {dimension_semantics = [#tpu.dimension_semantics<core_parallel>, #tpu.dimension_semantics<subcore_parallel>], iteration_bounds = array<i64: 2, 16>, scalar_prefetch = 0 : i64, scratch_operands = 3 : i64, tpu.core_type = #tpu.core_type<sc_vector_subcore>, window_params = [{transform_indices = #map}, {transform_indices = #map1}, {transform_indices = #map1}, {transform_indices = #map1}, {transform_indices = #map2}]} {
    %mul3A = arith.constant 16 : i32
    %mul3A_0 = arith.muli %arg0, %mul3A : i32
    %add3A = arith.addi %mul3A_0, %arg1 : i32
    %mul3A_1 = arith.constant 128 : i32
    %mul3A_2 = arith.muli %add3A, %mul3A_1 : i32
    "tpu.region"() ({
      %run_scoped3A_102 = tpu.sem_alloc : memref<!tpu.dma_semaphore, #tpu.memory_space<semaphore_mem>>
      %dma_start3A_103 = tpu.memref_slice %arg3[%mul3A_2] : memref<4096xi32, #tpu.memory_space<hbm>> -> memref<128xi32, #tpu.memory_space<hbm>>
      %dma_start3A_104 = tpu.memref_slice %arg3[%mul3A_2] : memref<4096xi32, #tpu.memory_space<hbm>> -> memref<128xi32, #tpu.memory_space<hbm>>
      tpu.enqueue_dma source(%dma_start3A_104 : memref<128xi32, #tpu.memory_space<hbm>>) target(%arg7 : memref<128xi32, #tpu.memory_space<vmem>>) target_semaphore(%run_scoped3A_102 : memref<!tpu.dma_semaphore, #tpu.memory_space<semaphore_mem>>)
      %dma_wait3A_105 = tpu.memref_slice %arg3[%mul3A_2] : memref<4096xi32, #tpu.memory_space<hbm>> -> memref<128xi32, #tpu.memory_space<hbm>>
      %dma_wait3A_106 = tpu.memref_slice %arg3[%mul3A_2] : memref<4096xi32, #tpu.memory_space<hbm>> -> memref<128xi32, #tpu.memory_space<hbm>>
      tpu.wait_dma2 semaphore(%run_scoped3A_102 : memref<!tpu.dma_semaphore, #tpu.memory_space<semaphore_mem>>) src(%dma_wait3A_106 : memref<128xi32, #tpu.memory_space<hbm>>) dst(%arg7 : memref<128xi32, #tpu.memory_space<vmem>>)
      tpu.yield
    }) : () -> ()
    %dma_start3A = arith.constant 0 : i32
    %dma_start3A_3 = arith.constant 0 : i32
    %dma_start3A_4 = tpu.memref_slice %arg2[%dma_start3A, %dma_start3A_3] : memref<101120x16xf32, #tpu.memory_space<hbm>> -> memref<101120x16xf32, #tpu.memory_space<hbm>>
    tpu.enqueue_indirect_dma source(%dma_start3A_4 : memref<101120x16xf32, #tpu.memory_space<hbm>>) target(%arg8 : memref<128x16xf32, #tpu.memory_space<vmem>>) offsets(%arg7 : memref<128xi32, #tpu.memory_space<vmem>>) semaphore(%arg9 : memref<!tpu.dma_semaphore, #tpu.memory_space<semaphore_mem>>)
    %dma_wait3A = arith.constant 0 : i32
    %dma_wait3A_5 = arith.constant 0 : i32
    %dma_wait3A_6 = tpu.memref_slice %arg2[%dma_wait3A, %dma_wait3A_5] : memref<101120x16xf32, #tpu.memory_space<hbm>> -> memref<101120x16xf32, #tpu.memory_space<hbm>>
    tpu.wait_indirect_dma semaphore(%arg9 : memref<!tpu.dma_semaphore, #tpu.memory_space<semaphore_mem>>) src(%dma_wait3A_6 : memref<101120x16xf32, #tpu.memory_space<hbm>>) dst(%arg8 : memref<128x16xf32, #tpu.memory_space<vmem>>)
    %run_scoped3A = arith.constant 0 : i32
    "tpu.region"() ({
      %run_scoped3A_102 = tpu.sem_alloc : memref<!tpu.dma_semaphore, #tpu.memory_space<semaphore_mem>>
      %dma_start3A_103 = arith.constant 0 : i32
      %dma_start3A_104 = tpu.memref_slice %arg6[%run_scoped3A, %mul3A_2, %dma_start3A_103] : memref<3x4096x16xf32, #tpu.memory_space<hbm>> -> memref<1x128x16xf32, #tpu.memory_space<hbm>>
      %dma_start3A_105 = tpu.memref_squeeze %dma_start3A_104 : memref<1x128x16xf32, #tpu.memory_space<hbm>> -> memref<128x16xf32, #tpu.memory_space<hbm>>
      %dma_start3A_106 = arith.constant 0 : i32
      %dma_start3A_107 = tpu.memref_slice %arg6[%run_scoped3A, %mul3A_2, %dma_start3A_106] : memref<3x4096x16xf32, #tpu.memory_space<hbm>> -> memref<1x128x16xf32, #tpu.memory_space<hbm>>
      %dma_start3A_108 = tpu.memref_squeeze %dma_start3A_107 : memref<1x128x16xf32, #tpu.memory_space<hbm>> -> memref<128x16xf32, #tpu.memory_space<hbm>>
      tpu.enqueue_dma source(%arg8 : memref<128x16xf32, #tpu.memory_space<vmem>>) target(%dma_start3A_108 : memref<128x16xf32, #tpu.memory_space<hbm>>) target_semaphore(%run_scoped3A_102 : memref<!tpu.dma_semaphore, #tpu.memory_space<semaphore_mem>>)
      %dma_wait3A_109 = arith.constant 0 : i32
      %dma_wait3A_110 = tpu.memref_slice %arg6[%run_scoped3A, %mul3A_2, %dma_wait3A_109] : memref<3x4096x16xf32, #tpu.memory_space<hbm>> -> memref<1x128x16xf32, #tpu.memory_space<hbm>>
      %dma_wait3A_111 = tpu.memref_squeeze %dma_wait3A_110 : memref<1x128x16xf32, #tpu.memory_space<hbm>> -> memref<128x16xf32, #tpu.memory_space<hbm>>
      %dma_wait3A_112 = arith.constant 0 : i32
      %dma_wait3A_113 = tpu.memref_slice %arg6[%run_scoped3A, %mul3A_2, %dma_wait3A_112] : memref<3x4096x16xf32, #tpu.memory_space<hbm>> -> memref<1x128x16xf32, #tpu.memory_space<hbm>>
      %dma_wait3A_114 = tpu.memref_squeeze %dma_wait3A_113 : memref<1x128x16xf32, #tpu.memory_space<hbm>> -> memref<128x16xf32, #tpu.memory_space<hbm>>
      tpu.wait_dma2 semaphore(%run_scoped3A_102 : memref<!tpu.dma_semaphore, #tpu.memory_space<semaphore_mem>>) src(%arg8 : memref<128x16xf32, #tpu.memory_space<vmem>>) dst(%dma_wait3A_114 : memref<128x16xf32, #tpu.memory_space<hbm>>)
      tpu.yield
    }) : () -> ()
    "tpu.region"() ({
      %run_scoped3A_102 = tpu.sem_alloc : memref<!tpu.dma_semaphore, #tpu.memory_space<semaphore_mem>>
      %dma_start3A_103 = tpu.memref_slice %arg4[%mul3A_2] : memref<4096xi32, #tpu.memory_space<hbm>> -> memref<128xi32, #tpu.memory_space<hbm>>
      %dma_start3A_104 = tpu.memref_slice %arg4[%mul3A_2] : memref<4096xi32, #tpu.memory_space<hbm>> -> memref<128xi32, #tpu.memory_space<hbm>>
      tpu.enqueue_dma source(%dma_start3A_104 : memref<128xi32, #tpu.memory_space<hbm>>) target(%arg7 : memref<128xi32, #tpu.memory_space<vmem>>) target_semaphore(%run_scoped3A_102 : memref<!tpu.dma_semaphore, #tpu.memory_space<semaphore_mem>>)
      %dma_wait3A_105 = tpu.memref_slice %arg4[%mul3A_2] : memref<4096xi32, #tpu.memory_space<hbm>> -> memref<128xi32, #tpu.memory_space<hbm>>
      %dma_wait3A_106 = tpu.memref_slice %arg4[%mul3A_2] : memref<4096xi32, #tpu.memory_space<hbm>> -> memref<128xi32, #tpu.memory_space<hbm>>
      tpu.wait_dma2 semaphore(%run_scoped3A_102 : memref<!tpu.dma_semaphore, #tpu.memory_space<semaphore_mem>>) src(%dma_wait3A_106 : memref<128xi32, #tpu.memory_space<hbm>>) dst(%arg7 : memref<128xi32, #tpu.memory_space<vmem>>)
      tpu.yield
    }) : () -> ()
    %broadcast_in_dim3A = arith.constant 50000 : i32
    %broadcast_in_dim3A_7 = vector.broadcast %broadcast_in_dim3A : i32 to vector<16xi32>
    %get3A = arith.constant 0 : index
    %get3A_8 = tpu.vector_load %arg7[%get3A] {strides = array<i32>} : memref<128xi32, #tpu.memory_space<vmem>>, vector<16xi32>,
    %add3A_9 = arith.addi %get3A_8, %broadcast_in_dim3A_7 : vector<16xi32>
    %swap3A = arith.constant 0 : index
    %swap3A_10 = tpu.vector_load %arg7[%swap3A] {strides = array<i32>} : memref<128xi32, #tpu.memory_space<vmem>>, vector<16xi32>,
    tpu.vector_store %arg7[%swap3A], %add3A_9 {strides = array<i32>} : memref<128xi32, #tpu.memory_space<vmem>>, vector<16xi32>,
    %get3A_11 = arith.constant 16 : index
    %get3A_12 = tpu.vector_load %arg7[%get3A_11] {strides = array<i32>} : memref<128xi32, #tpu.memory_space<vmem>>, vector<16xi32>,
    %add3A_13 = arith.addi %get3A_12, %broadcast_in_dim3A_7 : vector<16xi32>
    %swap3A_14 = arith.constant 16 : index
    %swap3A_15 = tpu.vector_load %arg7[%swap3A_14] {strides = array<i32>} : memref<128xi32, #tpu.memory_space<vmem>>, vector<16xi32>,
    tpu.vector_store %arg7[%swap3A_14], %add3A_13 {strides = array<i32>} : memref<128xi32, #tpu.memory_space<vmem>>, vector<16xi32>,
    %get3A_16 = arith.constant 32 : index
    %get3A_17 = tpu.vector_load %arg7[%get3A_16] {strides = array<i32>} : memref<128xi32, #tpu.memory_space<vmem>>, vector<16xi32>,
    %add3A_18 = arith.addi %get3A_17, %broadcast_in_dim3A_7 : vector<16xi32>
    %swap3A_19 = arith.constant 32 : index
    %swap3A_20 = tpu.vector_load %arg7[%swap3A_19] {strides = array<i32>} : memref<128xi32, #tpu.memory_space<vmem>>, vector<16xi32>,
    tpu.vector_store %arg7[%swap3A_19], %add3A_18 {strides = array<i32>} : memref<128xi32, #tpu.memory_space<vmem>>, vector<16xi32>,
    %get3A_21 = arith.constant 48 : index
    %get3A_22 = tpu.vector_load %arg7[%get3A_21] {strides = array<i32>} : memref<128xi32, #tpu.memory_space<vmem>>, vector<16xi32>,
    %add3A_23 = arith.addi %get3A_22, %broadcast_in_dim3A_7 : vector<16xi32>
    %swap3A_24 = arith.constant 48 : index
    %swap3A_25 = tpu.vector_load %arg7[%swap3A_24] {strides = array<i32>} : memref<128xi32, #tpu.memory_space<vmem>>, vector<16xi32>,
    tpu.vector_store %arg7[%swap3A_24], %add3A_23 {strides = array<i32>} : memref<128xi32, #tpu.memory_space<vmem>>, vector<16xi32>,
    %get3A_26 = arith.constant 64 : index
    %get3A_27 = tpu.vector_load %arg7[%get3A_26] {strides = array<i32>} : memref<128xi32, #tpu.memory_space<vmem>>, vector<16xi32>,
    %add3A_28 = arith.addi %get3A_27, %broadcast_in_dim3A_7 : vector<16xi32>
    %swap3A_29 = arith.constant 64 : index
    %swap3A_30 = tpu.vector_load %arg7[%swap3A_29] {strides = array<i32>} : memref<128xi32, #tpu.memory_space<vmem>>, vector<16xi32>,
    tpu.vector_store %arg7[%swap3A_29], %add3A_28 {strides = array<i32>} : memref<128xi32, #tpu.memory_space<vmem>>, vector<16xi32>,
    %get3A_31 = arith.constant 80 : index
    %get3A_32 = tpu.vector_load %arg7[%get3A_31] {strides = array<i32>} : memref<128xi32, #tpu.memory_space<vmem>>, vector<16xi32>,
    %add3A_33 = arith.addi %get3A_32, %broadcast_in_dim3A_7 : vector<16xi32>
    %swap3A_34 = arith.constant 80 : index
    %swap3A_35 = tpu.vector_load %arg7[%swap3A_34] {strides = array<i32>} : memref<128xi32, #tpu.memory_space<vmem>>, vector<16xi32>,
    tpu.vector_store %arg7[%swap3A_34], %add3A_33 {strides = array<i32>} : memref<128xi32, #tpu.memory_space<vmem>>, vector<16xi32>,
    %get3A_36 = arith.constant 96 : index
    %get3A_37 = tpu.vector_load %arg7[%get3A_36] {strides = array<i32>} : memref<128xi32, #tpu.memory_space<vmem>>, vector<16xi32>,
    %add3A_38 = arith.addi %get3A_37, %broadcast_in_dim3A_7 : vector<16xi32>
    %swap3A_39 = arith.constant 96 : index
    %swap3A_40 = tpu.vector_load %arg7[%swap3A_39] {strides = array<i32>} : memref<128xi32, #tpu.memory_space<vmem>>, vector<16xi32>,
    tpu.vector_store %arg7[%swap3A_39], %add3A_38 {strides = array<i32>} : memref<128xi32, #tpu.memory_space<vmem>>, vector<16xi32>,
    %get3A_41 = arith.constant 112 : index
    %get3A_42 = tpu.vector_load %arg7[%get3A_41] {strides = array<i32>} : memref<128xi32, #tpu.memory_space<vmem>>, vector<16xi32>,
    %add3A_43 = arith.addi %get3A_42, %broadcast_in_dim3A_7 : vector<16xi32>
    %swap3A_44 = arith.constant 112 : index
    %swap3A_45 = tpu.vector_load %arg7[%swap3A_44] {strides = array<i32>} : memref<128xi32, #tpu.memory_space<vmem>>, vector<16xi32>,
    tpu.vector_store %arg7[%swap3A_44], %add3A_43 {strides = array<i32>} : memref<128xi32, #tpu.memory_space<vmem>>, vector<16xi32>,
    %dma_start3A_46 = arith.constant 0 : i32
    %dma_start3A_47 = arith.constant 0 : i32
    %dma_start3A_48 = tpu.memref_slice %arg2[%dma_start3A_46, %dma_start3A_47] : memref<101120x16xf32, #tpu.memory_space<hbm>> -> memref<101120x16xf32, #tpu.memory_space<hbm>>
    tpu.enqueue_indirect_dma source(%dma_start3A_48 : memref<101120x16xf32, #tpu.memory_space<hbm>>) target(%arg8 : memref<128x16xf32, #tpu.memory_space<vmem>>) offsets(%arg7 : memref<128xi32, #tpu.memory_space<vmem>>) semaphore(%arg9 : memref<!tpu.dma_semaphore, #tpu.memory_space<semaphore_mem>>)
    %dma_wait3A_49 = arith.constant 0 : i32
    %dma_wait3A_50 = arith.constant 0 : i32
    %dma_wait3A_51 = tpu.memref_slice %arg2[%dma_wait3A_49, %dma_wait3A_50] : memref<101120x16xf32, #tpu.memory_space<hbm>> -> memref<101120x16xf32, #tpu.memory_space<hbm>>
    tpu.wait_indirect_dma semaphore(%arg9 : memref<!tpu.dma_semaphore, #tpu.memory_space<semaphore_mem>>) src(%dma_wait3A_51 : memref<101120x16xf32, #tpu.memory_space<hbm>>) dst(%arg8 : memref<128x16xf32, #tpu.memory_space<vmem>>)
    %run_scoped3A_52 = arith.constant 1 : i32
    "tpu.region"() ({
      %run_scoped3A_102 = tpu.sem_alloc : memref<!tpu.dma_semaphore, #tpu.memory_space<semaphore_mem>>
      %dma_start3A_103 = arith.constant 0 : i32
      %dma_start3A_104 = tpu.memref_slice %arg6[%run_scoped3A_52, %mul3A_2, %dma_start3A_103] : memref<3x4096x16xf32, #tpu.memory_space<hbm>> -> memref<1x128x16xf32, #tpu.memory_space<hbm>>
      %dma_start3A_105 = tpu.memref_squeeze %dma_start3A_104 : memref<1x128x16xf32, #tpu.memory_space<hbm>> -> memref<128x16xf32, #tpu.memory_space<hbm>>
      %dma_start3A_106 = arith.constant 0 : i32
      %dma_start3A_107 = tpu.memref_slice %arg6[%run_scoped3A_52, %mul3A_2, %dma_start3A_106] : memref<3x4096x16xf32, #tpu.memory_space<hbm>> -> memref<1x128x16xf32, #tpu.memory_space<hbm>>
      %dma_start3A_108 = tpu.memref_squeeze %dma_start3A_107 : memref<1x128x16xf32, #tpu.memory_space<hbm>> -> memref<128x16xf32, #tpu.memory_space<hbm>>
      tpu.enqueue_dma source(%arg8 : memref<128x16xf32, #tpu.memory_space<vmem>>) target(%dma_start3A_108 : memref<128x16xf32, #tpu.memory_space<hbm>>) target_semaphore(%run_scoped3A_102 : memref<!tpu.dma_semaphore, #tpu.memory_space<semaphore_mem>>)
      %dma_wait3A_109 = arith.constant 0 : i32
      %dma_wait3A_110 = tpu.memref_slice %arg6[%run_scoped3A_52, %mul3A_2, %dma_wait3A_109] : memref<3x4096x16xf32, #tpu.memory_space<hbm>> -> memref<1x128x16xf32, #tpu.memory_space<hbm>>
      %dma_wait3A_111 = tpu.memref_squeeze %dma_wait3A_110 : memref<1x128x16xf32, #tpu.memory_space<hbm>> -> memref<128x16xf32, #tpu.memory_space<hbm>>
      %dma_wait3A_112 = arith.constant 0 : i32
      %dma_wait3A_113 = tpu.memref_slice %arg6[%run_scoped3A_52, %mul3A_2, %dma_wait3A_112] : memref<3x4096x16xf32, #tpu.memory_space<hbm>> -> memref<1x128x16xf32, #tpu.memory_space<hbm>>
      %dma_wait3A_114 = tpu.memref_squeeze %dma_wait3A_113 : memref<1x128x16xf32, #tpu.memory_space<hbm>> -> memref<128x16xf32, #tpu.memory_space<hbm>>
      tpu.wait_dma2 semaphore(%run_scoped3A_102 : memref<!tpu.dma_semaphore, #tpu.memory_space<semaphore_mem>>) src(%arg8 : memref<128x16xf32, #tpu.memory_space<vmem>>) dst(%dma_wait3A_114 : memref<128x16xf32, #tpu.memory_space<hbm>>)
      tpu.yield
    }) : () -> ()
    "tpu.region"() ({
      %run_scoped3A_102 = tpu.sem_alloc : memref<!tpu.dma_semaphore, #tpu.memory_space<semaphore_mem>>
      %dma_start3A_103 = tpu.memref_slice %arg5[%mul3A_2] : memref<4096xi32, #tpu.memory_space<hbm>> -> memref<128xi32, #tpu.memory_space<hbm>>
      %dma_start3A_104 = tpu.memref_slice %arg5[%mul3A_2] : memref<4096xi32, #tpu.memory_space<hbm>> -> memref<128xi32, #tpu.memory_space<hbm>>
      tpu.enqueue_dma source(%dma_start3A_104 : memref<128xi32, #tpu.memory_space<hbm>>) target(%arg7 : memref<128xi32, #tpu.memory_space<vmem>>) target_semaphore(%run_scoped3A_102 : memref<!tpu.dma_semaphore, #tpu.memory_space<semaphore_mem>>)
      %dma_wait3A_105 = tpu.memref_slice %arg5[%mul3A_2] : memref<4096xi32, #tpu.memory_space<hbm>> -> memref<128xi32, #tpu.memory_space<hbm>>
      %dma_wait3A_106 = tpu.memref_slice %arg5[%mul3A_2] : memref<4096xi32, #tpu.memory_space<hbm>> -> memref<128xi32, #tpu.memory_space<hbm>>
      tpu.wait_dma2 semaphore(%run_scoped3A_102 : memref<!tpu.dma_semaphore, #tpu.memory_space<semaphore_mem>>) src(%dma_wait3A_106 : memref<128xi32, #tpu.memory_space<hbm>>) dst(%arg7 : memref<128xi32, #tpu.memory_space<vmem>>)
      tpu.yield
    }) : () -> ()
    %broadcast_in_dim3A_53 = arith.constant 100000 : i32
    %broadcast_in_dim3A_54 = vector.broadcast %broadcast_in_dim3A_53 : i32 to vector<16xi32>
    %get3A_55 = arith.constant 0 : index
    %get3A_56 = tpu.vector_load %arg7[%get3A_55] {strides = array<i32>} : memref<128xi32, #tpu.memory_space<vmem>>, vector<16xi32>,
    %add3A_57 = arith.addi %get3A_56, %broadcast_in_dim3A_54 : vector<16xi32>
    %swap3A_58 = arith.constant 0 : index
    %swap3A_59 = tpu.vector_load %arg7[%swap3A_58] {strides = array<i32>} : memref<128xi32, #tpu.memory_space<vmem>>, vector<16xi32>,
    tpu.vector_store %arg7[%swap3A_58], %add3A_57 {strides = array<i32>} : memref<128xi32, #tpu.memory_space<vmem>>, vector<16xi32>,
    %get3A_60 = arith.constant 16 : index
    %get3A_61 = tpu.vector_load %arg7[%get3A_60] {strides = array<i32>} : memref<128xi32, #tpu.memory_space<vmem>>, vector<16xi32>,
    %add3A_62 = arith.addi %get3A_61, %broadcast_in_dim3A_54 : vector<16xi32>
    %swap3A_63 = arith.constant 16 : index
    %swap3A_64 = tpu.vector_load %arg7[%swap3A_63] {strides = array<i32>} : memref<128xi32, #tpu.memory_space<vmem>>, vector<16xi32>,
    tpu.vector_store %arg7[%swap3A_63], %add3A_62 {strides = array<i32>} : memref<128xi32, #tpu.memory_space<vmem>>, vector<16xi32>,
    %get3A_65 = arith.constant 32 : index
    %get3A_66 = tpu.vector_load %arg7[%get3A_65] {strides = array<i32>} : memref<128xi32, #tpu.memory_space<vmem>>, vector<16xi32>,
    %add3A_67 = arith.addi %get3A_66, %broadcast_in_dim3A_54 : vector<16xi32>
    %swap3A_68 = arith.constant 32 : index
    %swap3A_69 = tpu.vector_load %arg7[%swap3A_68] {strides = array<i32>} : memref<128xi32, #tpu.memory_space<vmem>>, vector<16xi32>,
    tpu.vector_store %arg7[%swap3A_68], %add3A_67 {strides = array<i32>} : memref<128xi32, #tpu.memory_space<vmem>>, vector<16xi32>,
    %get3A_70 = arith.constant 48 : index
    %get3A_71 = tpu.vector_load %arg7[%get3A_70] {strides = array<i32>} : memref<128xi32, #tpu.memory_space<vmem>>, vector<16xi32>,
    %add3A_72 = arith.addi %get3A_71, %broadcast_in_dim3A_54 : vector<16xi32>
    %swap3A_73 = arith.constant 48 : index
    %swap3A_74 = tpu.vector_load %arg7[%swap3A_73] {strides = array<i32>} : memref<128xi32, #tpu.memory_space<vmem>>, vector<16xi32>,
    tpu.vector_store %arg7[%swap3A_73], %add3A_72 {strides = array<i32>} : memref<128xi32, #tpu.memory_space<vmem>>, vector<16xi32>,
    %get3A_75 = arith.constant 64 : index
    %get3A_76 = tpu.vector_load %arg7[%get3A_75] {strides = array<i32>} : memref<128xi32, #tpu.memory_space<vmem>>, vector<16xi32>,
    %add3A_77 = arith.addi %get3A_76, %broadcast_in_dim3A_54 : vector<16xi32>
    %swap3A_78 = arith.constant 64 : index
    %swap3A_79 = tpu.vector_load %arg7[%swap3A_78] {strides = array<i32>} : memref<128xi32, #tpu.memory_space<vmem>>, vector<16xi32>,
    tpu.vector_store %arg7[%swap3A_78], %add3A_77 {strides = array<i32>} : memref<128xi32, #tpu.memory_space<vmem>>, vector<16xi32>,
    %get3A_80 = arith.constant 80 : index
    %get3A_81 = tpu.vector_load %arg7[%get3A_80] {strides = array<i32>} : memref<128xi32, #tpu.memory_space<vmem>>, vector<16xi32>,
    %add3A_82 = arith.addi %get3A_81, %broadcast_in_dim3A_54 : vector<16xi32>
    %swap3A_83 = arith.constant 80 : index
    %swap3A_84 = tpu.vector_load %arg7[%swap3A_83] {strides = array<i32>} : memref<128xi32, #tpu.memory_space<vmem>>, vector<16xi32>,
    tpu.vector_store %arg7[%swap3A_83], %add3A_82 {strides = array<i32>} : memref<128xi32, #tpu.memory_space<vmem>>, vector<16xi32>,
    %get3A_85 = arith.constant 96 : index
    %get3A_86 = tpu.vector_load %arg7[%get3A_85] {strides = array<i32>} : memref<128xi32, #tpu.memory_space<vmem>>, vector<16xi32>,
    %add3A_87 = arith.addi %get3A_86, %broadcast_in_dim3A_54 : vector<16xi32>
    %swap3A_88 = arith.constant 96 : index
    %swap3A_89 = tpu.vector_load %arg7[%swap3A_88] {strides = array<i32>} : memref<128xi32, #tpu.memory_space<vmem>>, vector<16xi32>,
    tpu.vector_store %arg7[%swap3A_88], %add3A_87 {strides = array<i32>} : memref<128xi32, #tpu.memory_space<vmem>>, vector<16xi32>,
    %get3A_90 = arith.constant 112 : index
    %get3A_91 = tpu.vector_load %arg7[%get3A_90] {strides = array<i32>} : memref<128xi32, #tpu.memory_space<vmem>>, vector<16xi32>,
    %add3A_92 = arith.addi %get3A_91, %broadcast_in_dim3A_54 : vector<16xi32>
    %swap3A_93 = arith.constant 112 : index
    %swap3A_94 = tpu.vector_load %arg7[%swap3A_93] {strides = array<i32>} : memref<128xi32, #tpu.memory_space<vmem>>, vector<16xi32>,
    tpu.vector_store %arg7[%swap3A_93], %add3A_92 {strides = array<i32>} : memref<128xi32, #tpu.memory_space<vmem>>, vector<16xi32>,
    %dma_start3A_95 = arith.constant 0 : i32
    %dma_start3A_96 = arith.constant 0 : i32
    %dma_start3A_97 = tpu.memref_slice %arg2[%dma_start3A_95, %dma_start3A_96] : memref<101120x16xf32, #tpu.memory_space<hbm>> -> memref<101120x16xf32, #tpu.memory_space<hbm>>
    tpu.enqueue_indirect_dma source(%dma_start3A_97 : memref<101120x16xf32, #tpu.memory_space<hbm>>) target(%arg8 : memref<128x16xf32, #tpu.memory_space<vmem>>) offsets(%arg7 : memref<128xi32, #tpu.memory_space<vmem>>) semaphore(%arg9 : memref<!tpu.dma_semaphore, #tpu.memory_space<semaphore_mem>>)
    %dma_wait3A_98 = arith.constant 0 : i32
    %dma_wait3A_99 = arith.constant 0 : i32
    %dma_wait3A_100 = tpu.memref_slice %arg2[%dma_wait3A_98, %dma_wait3A_99] : memref<101120x16xf32, #tpu.memory_space<hbm>> -> memref<101120x16xf32, #tpu.memory_space<hbm>>
    tpu.wait_indirect_dma semaphore(%arg9 : memref<!tpu.dma_semaphore, #tpu.memory_space<semaphore_mem>>) src(%dma_wait3A_100 : memref<101120x16xf32, #tpu.memory_space<hbm>>) dst(%arg8 : memref<128x16xf32, #tpu.memory_space<vmem>>)
    %run_scoped3A_101 = arith.constant 2 : i32
    "tpu.region"() ({
      %run_scoped3A_102 = tpu.sem_alloc : memref<!tpu.dma_semaphore, #tpu.memory_space<semaphore_mem>>
      %dma_start3A_103 = arith.constant 0 : i32
      %dma_start3A_104 = tpu.memref_slice %arg6[%run_scoped3A_101, %mul3A_2, %dma_start3A_103] : memref<3x4096x16xf32, #tpu.memory_space<hbm>> -> memref<1x128x16xf32, #tpu.memory_space<hbm>>
      %dma_start3A_105 = tpu.memref_squeeze %dma_start3A_104 : memref<1x128x16xf32, #tpu.memory_space<hbm>> -> memref<128x16xf32, #tpu.memory_space<hbm>>
      %dma_start3A_106 = arith.constant 0 : i32
      %dma_start3A_107 = tpu.memref_slice %arg6[%run_scoped3A_101, %mul3A_2, %dma_start3A_106] : memref<3x4096x16xf32, #tpu.memory_space<hbm>> -> memref<1x128x16xf32, #tpu.memory_space<hbm>>
      %dma_start3A_108 = tpu.memref_squeeze %dma_start3A_107 : memref<1x128x16xf32, #tpu.memory_space<hbm>> -> memref<128x16xf32, #tpu.memory_space<hbm>>
      tpu.enqueue_dma source(%arg8 : memref<128x16xf32, #tpu.memory_space<vmem>>) target(%dma_start3A_108 : memref<128x16xf32, #tpu.memory_space<hbm>>) target_semaphore(%run_scoped3A_102 : memref<!tpu.dma_semaphore, #tpu.memory_space<semaphore_mem>>)
      %dma_wait3A_109 = arith.constant 0 : i32
      %dma_wait3A_110 = tpu.memref_slice %arg6[%run_scoped3A_101, %mul3A_2, %dma_wait3A_109] : memref<3x4096x16xf32, #tpu.memory_space<hbm>> -> memref<1x128x16xf32, #tpu.memory_space<hbm>>
      %dma_wait3A_111 = tpu.memref_squeeze %dma_wait3A_110 : memref<1x128x16xf32, #tpu.memory_space<hbm>> -> memref<128x16xf32, #tpu.memory_space<hbm>>
      %dma_wait3A_112 = arith.constant 0 : i32
      %dma_wait3A_113 = tpu.memref_slice %arg6[%run_scoped3A_101, %mul3A_2, %dma_wait3A_112] : memref<3x4096x16xf32, #tpu.memory_space<hbm>> -> memref<1x128x16xf32, #tpu.memory_space<hbm>>
      %dma_wait3A_114 = tpu.memref_squeeze %dma_wait3A_113 : memref<1x128x16xf32, #tpu.memory_space<hbm>> -> memref<128x16xf32, #tpu.memory_space<hbm>>
      tpu.wait_dma2 semaphore(%run_scoped3A_102 : memref<!tpu.dma_semaphore, #tpu.memory_space<semaphore_mem>>) src(%arg8 : memref<128x16xf32, #tpu.memory_space<vmem>>) dst(%dma_wait3A_114 : memref<128x16xf32, #tpu.memory_space<hbm>>)
      tpu.yield
    }) : () -> ()
    return
  }
}

#map = affine_map<(d0, d1) -> (0, 0)>
#map1 = affine_map<(d0, d1) -> (0)>
module attributes {stable_mosaic.version = 14 : i64} {
  func.func @_edge_softmax_body(%arg0: i32, %arg1: i32, %arg2: memref<101001x16xf32, #tpu.memory_space<hbm>>, %arg3: memref<3200000xi32, #tpu.memory_space<hbm>>, %arg4: memref<3200000xi32, #tpu.memory_space<hbm>>, %arg5: memref<3200000xf32, #tpu.memory_space<hbm>>, %arg6: memref<202240xf32, #tpu.memory_space<hbm>>, %arg7: memref<80xi32, #tpu.memory_space<vmem>>, %arg8: memref<80xi32, #tpu.memory_space<vmem>>, %arg9: memref<80x16xf32, #tpu.memory_space<vmem>>, %arg10: memref<80x16xf32, #tpu.memory_space<vmem>>, %arg11: memref<80xf32, #tpu.memory_space<vmem>>, %arg12: memref<80xf32, #tpu.memory_space<vmem>>, %arg13: memref<101120xf32, #tpu.memory_space<vmem_shared>>, %arg14: memref<!tpu.dma_semaphore, #tpu.memory_space<semaphore_mem>>, %arg15: memref<!tpu.dma_semaphore, #tpu.memory_space<semaphore_mem>>) attributes {dimension_semantics = [#tpu.dimension_semantics<core_parallel>, #tpu.dimension_semantics<subcore_parallel>], iteration_bounds = array<i64: 2, 16>, scalar_prefetch = 0 : i64, scratch_operands = 9 : i64, tpu.core_type = #tpu.core_type<sc_vector_subcore>, window_params = [{transform_indices = #map}, {transform_indices = #map1}, {transform_indices = #map1}, {transform_indices = #map1}, {transform_indices = #map1}]} {
    %mul3A = arith.constant 1600000 : i32
    %mul3A_0 = arith.muli %arg0, %mul3A : i32
    %mul3A_1 = arith.constant 100000 : i32
    %mul3A_2 = arith.muli %arg1, %mul3A_1 : i32
    %add3A = arith.addi %mul3A_0, %mul3A_2 : i32
    %broadcast_in_dim3A = arith.constant 0.000000e+00 : f32
    %broadcast_in_dim3A_3 = vector.broadcast %broadcast_in_dim3A : f32 to vector<16xf32>
    %swap3A = arith.constant 0 : index
    %swap3A_4 = tpu.vector_load %arg12[%swap3A] {strides = array<i32>} : memref<80xf32, #tpu.memory_space<vmem>>, vector<16xf32>,
    tpu.vector_store %arg12[%swap3A], %broadcast_in_dim3A_3 {strides = array<i32>} : memref<80xf32, #tpu.memory_space<vmem>>, vector<16xf32>,
    %swap3A_5 = arith.constant 16 : index
    %swap3A_6 = tpu.vector_load %arg12[%swap3A_5] {strides = array<i32>} : memref<80xf32, #tpu.memory_space<vmem>>, vector<16xf32>,
    tpu.vector_store %arg12[%swap3A_5], %broadcast_in_dim3A_3 {strides = array<i32>} : memref<80xf32, #tpu.memory_space<vmem>>, vector<16xf32>,
    %swap3A_7 = arith.constant 32 : index
    %swap3A_8 = tpu.vector_load %arg12[%swap3A_7] {strides = array<i32>} : memref<80xf32, #tpu.memory_space<vmem>>, vector<16xf32>,
    tpu.vector_store %arg12[%swap3A_7], %broadcast_in_dim3A_3 {strides = array<i32>} : memref<80xf32, #tpu.memory_space<vmem>>, vector<16xf32>,
    %swap3A_9 = arith.constant 48 : index
    %swap3A_10 = tpu.vector_load %arg12[%swap3A_9] {strides = array<i32>} : memref<80xf32, #tpu.memory_space<vmem>>, vector<16xf32>,
    tpu.vector_store %arg12[%swap3A_9], %broadcast_in_dim3A_3 {strides = array<i32>} : memref<80xf32, #tpu.memory_space<vmem>>, vector<16xf32>,
    %swap3A_11 = arith.constant 64 : index
    %swap3A_12 = tpu.vector_load %arg12[%swap3A_11] {strides = array<i32>} : memref<80xf32, #tpu.memory_space<vmem>>, vector<16xf32>,
    tpu.vector_store %arg12[%swap3A_11], %broadcast_in_dim3A_3 {strides = array<i32>} : memref<80xf32, #tpu.memory_space<vmem>>, vector<16xf32>,
    %mul3A_13 = arith.constant 6320 : i32
    %mul3A_14 = arith.muli %arg1, %mul3A_13 : i32
    %scan3A = arith.constant 0 : i32
    %scan3A_15 = arith.constant 0 : i32
    %scan3A_16 = arith.constant 79 : i32
    %scan3A_17 = arith.addi %scan3A_15, %scan3A_16 : i32
    %scan3A_18 = arith.constant 1 : i32
    %scan3A_19 = scf.for %scan3A_32 = %scan3A_15 to %scan3A_17 step %scan3A_18 iter_args(%scan3A_33 = %scan3A) -> (i32)  : i32 {
      %mul3A_34 = arith.constant 80 : i32
      %mul3A_35 = arith.muli %scan3A_32, %mul3A_34 : i32
      %add3A_36 = arith.addi %mul3A_14, %mul3A_35 : i32
      "tpu.region"() ({
        %run_scoped3A = tpu.sem_alloc : memref<!tpu.dma_semaphore, #tpu.memory_space<semaphore_mem>>
        %dma_start3A = tpu.memref_slice %arg13[%add3A_36] : memref<101120xf32, #tpu.memory_space<vmem_shared>> -> memref<80xf32, #tpu.memory_space<vmem_shared>>
        %dma_start3A_38 = tpu.memref_slice %arg13[%add3A_36] : memref<101120xf32, #tpu.memory_space<vmem_shared>> -> memref<80xf32, #tpu.memory_space<vmem_shared>>
        tpu.enqueue_dma source(%arg12 : memref<80xf32, #tpu.memory_space<vmem>>) target(%dma_start3A_38 : memref<80xf32, #tpu.memory_space<vmem_shared>>) target_semaphore(%run_scoped3A : memref<!tpu.dma_semaphore, #tpu.memory_space<semaphore_mem>>)
        %dma_wait3A = tpu.memref_slice %arg13[%add3A_36] : memref<101120xf32, #tpu.memory_space<vmem_shared>> -> memref<80xf32, #tpu.memory_space<vmem_shared>>
        %dma_wait3A_39 = tpu.memref_slice %arg13[%add3A_36] : memref<101120xf32, #tpu.memory_space<vmem_shared>> -> memref<80xf32, #tpu.memory_space<vmem_shared>>
        tpu.wait_dma2 semaphore(%run_scoped3A : memref<!tpu.dma_semaphore, #tpu.memory_space<semaphore_mem>>) src(%arg12 : memref<80xf32, #tpu.memory_space<vmem>>) dst(%dma_wait3A_39 : memref<80xf32, #tpu.memory_space<vmem_shared>>)
        tpu.yield
      }) : () -> ()
      %scan3A_37 = arith.constant 0 : i32
      scf.yield %scan3A_37 : i32
    }
    %scan3A_20 = arith.constant 79 : i32
    %barrier3A = arith.constant 0 : index
    tpu.barrier barrier_id(%barrier3A)
    %scan3A_21 = arith.constant 0 : i32
    %scan3A_22 = arith.constant 0 : i32
    %scan3A_23 = arith.constant 1250 : i32
    %scan3A_24 = arith.addi %scan3A_22, %scan3A_23 : i32
    %scan3A_25 = arith.constant 1 : i32
    %scan3A_26 = scf.for %scan3A_32 = %scan3A_22 to %scan3A_24 step %scan3A_25 iter_args(%scan3A_33 = %scan3A_21) -> (i32)  : i32 {
      %mul3A_34 = arith.constant 80 : i32
      %mul3A_35 = arith.muli %scan3A_32, %mul3A_34 : i32
      %add3A_36 = arith.addi %add3A, %mul3A_35 : i32
      "tpu.region"() ({
        %run_scoped3A = tpu.sem_alloc : memref<!tpu.dma_semaphore, #tpu.memory_space<semaphore_mem>>
        %dma_start3A_570 = tpu.memref_slice %arg3[%add3A_36] : memref<3200000xi32, #tpu.memory_space<hbm>> -> memref<80xi32, #tpu.memory_space<hbm>>
        %dma_start3A_571 = tpu.memref_slice %arg3[%add3A_36] : memref<3200000xi32, #tpu.memory_space<hbm>> -> memref<80xi32, #tpu.memory_space<hbm>>
        tpu.enqueue_dma source(%dma_start3A_571 : memref<80xi32, #tpu.memory_space<hbm>>) target(%arg7 : memref<80xi32, #tpu.memory_space<vmem>>) target_semaphore(%run_scoped3A : memref<!tpu.dma_semaphore, #tpu.memory_space<semaphore_mem>>)
        %dma_wait3A_572 = tpu.memref_slice %arg3[%add3A_36] : memref<3200000xi32, #tpu.memory_space<hbm>> -> memref<80xi32, #tpu.memory_space<hbm>>
        %dma_wait3A_573 = tpu.memref_slice %arg3[%add3A_36] : memref<3200000xi32, #tpu.memory_space<hbm>> -> memref<80xi32, #tpu.memory_space<hbm>>
        tpu.wait_dma2 semaphore(%run_scoped3A : memref<!tpu.dma_semaphore, #tpu.memory_space<semaphore_mem>>) src(%dma_wait3A_573 : memref<80xi32, #tpu.memory_space<hbm>>) dst(%arg7 : memref<80xi32, #tpu.memory_space<vmem>>)
        tpu.yield
      }) : () -> ()
      "tpu.region"() ({
        %run_scoped3A = tpu.sem_alloc : memref<!tpu.dma_semaphore, #tpu.memory_space<semaphore_mem>>
        %dma_start3A_570 = tpu.memref_slice %arg4[%add3A_36] : memref<3200000xi32, #tpu.memory_space<hbm>> -> memref<80xi32, #tpu.memory_space<hbm>>
        %dma_start3A_571 = tpu.memref_slice %arg4[%add3A_36] : memref<3200000xi32, #tpu.memory_space<hbm>> -> memref<80xi32, #tpu.memory_space<hbm>>
        tpu.enqueue_dma source(%dma_start3A_571 : memref<80xi32, #tpu.memory_space<hbm>>) target(%arg8 : memref<80xi32, #tpu.memory_space<vmem>>) target_semaphore(%run_scoped3A : memref<!tpu.dma_semaphore, #tpu.memory_space<semaphore_mem>>)
        %dma_wait3A_572 = tpu.memref_slice %arg4[%add3A_36] : memref<3200000xi32, #tpu.memory_space<hbm>> -> memref<80xi32, #tpu.memory_space<hbm>>
        %dma_wait3A_573 = tpu.memref_slice %arg4[%add3A_36] : memref<3200000xi32, #tpu.memory_space<hbm>> -> memref<80xi32, #tpu.memory_space<hbm>>
        tpu.wait_dma2 semaphore(%run_scoped3A : memref<!tpu.dma_semaphore, #tpu.memory_space<semaphore_mem>>) src(%dma_wait3A_573 : memref<80xi32, #tpu.memory_space<hbm>>) dst(%arg8 : memref<80xi32, #tpu.memory_space<vmem>>)
        tpu.yield
      }) : () -> ()
      %dma_start3A = arith.constant 0 : i32
      %dma_start3A_37 = arith.constant 0 : i32
      %dma_start3A_38 = tpu.memref_slice %arg2[%dma_start3A, %dma_start3A_37] : memref<101001x16xf32, #tpu.memory_space<hbm>> -> memref<101001x16xf32, #tpu.memory_space<hbm>>
      tpu.enqueue_indirect_dma source(%dma_start3A_38 : memref<101001x16xf32, #tpu.memory_space<hbm>>) target(%arg9 : memref<80x16xf32, #tpu.memory_space<vmem>>) offsets(%arg7 : memref<80xi32, #tpu.memory_space<vmem>>) semaphore(%arg14 : memref<!tpu.dma_semaphore, #tpu.memory_space<semaphore_mem>>)
      %dma_start3A_39 = arith.constant 0 : i32
      %dma_start3A_40 = arith.constant 0 : i32
      %dma_start3A_41 = tpu.memref_slice %arg2[%dma_start3A_39, %dma_start3A_40] : memref<101001x16xf32, #tpu.memory_space<hbm>> -> memref<101001x16xf32, #tpu.memory_space<hbm>>
      tpu.enqueue_indirect_dma source(%dma_start3A_41 : memref<101001x16xf32, #tpu.memory_space<hbm>>) target(%arg10 : memref<80x16xf32, #tpu.memory_space<vmem>>) offsets(%arg8 : memref<80xi32, #tpu.memory_space<vmem>>) semaphore(%arg15 : memref<!tpu.dma_semaphore, #tpu.memory_space<semaphore_mem>>)
      %dma_wait3A = arith.constant 0 : i32
      %dma_wait3A_42 = arith.constant 0 : i32
      %dma_wait3A_43 = tpu.memref_slice %arg2[%dma_wait3A, %dma_wait3A_42] : memref<101001x16xf32, #tpu.memory_space<hbm>> -> memref<101001x16xf32, #tpu.memory_space<hbm>>
      tpu.wait_indirect_dma semaphore(%arg14 : memref<!tpu.dma_semaphore, #tpu.memory_space<semaphore_mem>>) src(%dma_wait3A_43 : memref<101001x16xf32, #tpu.memory_space<hbm>>) dst(%arg9 : memref<80x16xf32, #tpu.memory_space<vmem>>)
      %dma_wait3A_44 = arith.constant 0 : i32
      %dma_wait3A_45 = arith.constant 0 : i32
      %dma_wait3A_46 = tpu.memref_slice %arg2[%dma_wait3A_44, %dma_wait3A_45] : memref<101001x16xf32, #tpu.memory_space<hbm>> -> memref<101001x16xf32, #tpu.memory_space<hbm>>
      tpu.wait_indirect_dma semaphore(%arg15 : memref<!tpu.dma_semaphore, #tpu.memory_space<semaphore_mem>>) src(%dma_wait3A_46 : memref<101001x16xf32, #tpu.memory_space<hbm>>) dst(%arg10 : memref<80x16xf32, #tpu.memory_space<vmem>>)
      %iota3A = tpu.iota {dimensions = array<i32: 0>} : vector<16xi32>
      %add3A_47 = arith.constant 0 : i32
      %add3A_48 = vector.broadcast %add3A_47 : i32 to vector<16xi32>
      %add3A_49 = arith.addi %add3A_48, %iota3A : vector<16xi32>
      %broadcast_in_dim3A_50 = arith.constant 0.000000e+00 : f32
      %broadcast_in_dim3A_51 = vector.broadcast %broadcast_in_dim3A_50 : f32 to vector<16xf32>
      %broadcast_in_dim3A_52 = arith.constant 0 : i32
      %broadcast_in_dim3A_53 = vector.broadcast %broadcast_in_dim3A_52 : i32 to vector<16xi32>
      %gather3A = tpu.vector_load_idx %arg9[%add3A_49, %broadcast_in_dim3A_53] : memref<80x16xf32, #tpu.memory_space<vmem>>[vector<16xi32>, vector<16xi32>], vector<16xf32>,
      %gather3A_54 = tpu.vector_load_idx %arg10[%add3A_49, %broadcast_in_dim3A_53] : memref<80x16xf32, #tpu.memory_space<vmem>>[vector<16xi32>, vector<16xi32>], vector<16xf32>,
      %mul3A_55 = arith.mulf %gather3A, %gather3A_54 : vector<16xf32>
      %add3A_56 = arith.addf %broadcast_in_dim3A_51, %mul3A_55 : vector<16xf32>
      %broadcast_in_dim3A_57 = arith.constant 1 : i32
      %broadcast_in_dim3A_58 = vector.broadcast %broadcast_in_dim3A_57 : i32 to vector<16xi32>
      %gather3A_59 = tpu.vector_load_idx %arg9[%add3A_49, %broadcast_in_dim3A_58] : memref<80x16xf32, #tpu.memory_space<vmem>>[vector<16xi32>, vector<16xi32>], vector<16xf32>,
      %gather3A_60 = tpu.vector_load_idx %arg10[%add3A_49, %broadcast_in_dim3A_58] : memref<80x16xf32, #tpu.memory_space<vmem>>[vector<16xi32>, vector<16xi32>], vector<16xf32>,
      %mul3A_61 = arith.mulf %gather3A_59, %gather3A_60 : vector<16xf32>
      %add3A_62 = arith.addf %add3A_56, %mul3A_61 : vector<16xf32>
      %broadcast_in_dim3A_63 = arith.constant 2 : i32
      %broadcast_in_dim3A_64 = vector.broadcast %broadcast_in_dim3A_63 : i32 to vector<16xi32>
      %gather3A_65 = tpu.vector_load_idx %arg9[%add3A_49, %broadcast_in_dim3A_64] : memref<80x16xf32, #tpu.memory_space<vmem>>[vector<16xi32>, vector<16xi32>], vector<16xf32>,
      %gather3A_66 = tpu.vector_load_idx %arg10[%add3A_49, %broadcast_in_dim3A_64] : memref<80x16xf32, #tpu.memory_space<vmem>>[vector<16xi32>, vector<16xi32>], vector<16xf32>,
      %mul3A_67 = arith.mulf %gather3A_65, %gather3A_66 : vector<16xf32>
      %add3A_68 = arith.addf %add3A_62, %mul3A_67 : vector<16xf32>
      %broadcast_in_dim3A_69 = arith.constant 3 : i32
      %broadcast_in_dim3A_70 = vector.broadcast %broadcast_in_dim3A_69 : i32 to vector<16xi32>
      %gather3A_71 = tpu.vector_load_idx %arg9[%add3A_49, %broadcast_in_dim3A_70] : memref<80x16xf32, #tpu.memory_space<vmem>>[vector<16xi32>, vector<16xi32>], vector<16xf32>,
      %gather3A_72 = tpu.vector_load_idx %arg10[%add3A_49, %broadcast_in_dim3A_70] : memref<80x16xf32, #tpu.memory_space<vmem>>[vector<16xi32>, vector<16xi32>], vector<16xf32>,
      %mul3A_73 = arith.mulf %gather3A_71, %gather3A_72 : vector<16xf32>
      %add3A_74 = arith.addf %add3A_68, %mul3A_73 : vector<16xf32>
      %broadcast_in_dim3A_75 = arith.constant 4 : i32
      %broadcast_in_dim3A_76 = vector.broadcast %broadcast_in_dim3A_75 : i32 to vector<16xi32>
      %gather3A_77 = tpu.vector_load_idx %arg9[%add3A_49, %broadcast_in_dim3A_76] : memref<80x16xf32, #tpu.memory_space<vmem>>[vector<16xi32>, vector<16xi32>], vector<16xf32>,
      %gather3A_78 = tpu.vector_load_idx %arg10[%add3A_49, %broadcast_in_dim3A_76] : memref<80x16xf32, #tpu.memory_space<vmem>>[vector<16xi32>, vector<16xi32>], vector<16xf32>,
      %mul3A_79 = arith.mulf %gather3A_77, %gather3A_78 : vector<16xf32>
      %add3A_80 = arith.addf %add3A_74, %mul3A_79 : vector<16xf32>
      %broadcast_in_dim3A_81 = arith.constant 5 : i32
      %broadcast_in_dim3A_82 = vector.broadcast %broadcast_in_dim3A_81 : i32 to vector<16xi32>
      %gather3A_83 = tpu.vector_load_idx %arg9[%add3A_49, %broadcast_in_dim3A_82] : memref<80x16xf32, #tpu.memory_space<vmem>>[vector<16xi32>, vector<16xi32>], vector<16xf32>,
      %gather3A_84 = tpu.vector_load_idx %arg10[%add3A_49, %broadcast_in_dim3A_82] : memref<80x16xf32, #tpu.memory_space<vmem>>[vector<16xi32>, vector<16xi32>], vector<16xf32>,
      %mul3A_85 = arith.mulf %gather3A_83, %gather3A_84 : vector<16xf32>
      %add3A_86 = arith.addf %add3A_80, %mul3A_85 : vector<16xf32>
      %broadcast_in_dim3A_87 = arith.constant 6 : i32
      %broadcast_in_dim3A_88 = vector.broadcast %broadcast_in_dim3A_87 : i32 to vector<16xi32>
      %gather3A_89 = tpu.vector_load_idx %arg9[%add3A_49, %broadcast_in_dim3A_88] : memref<80x16xf32, #tpu.memory_space<vmem>>[vector<16xi32>, vector<16xi32>], vector<16xf32>,
      %gather3A_90 = tpu.vector_load_idx %arg10[%add3A_49, %broadcast_in_dim3A_88] : memref<80x16xf32, #tpu.memory_space<vmem>>[vector<16xi32>, vector<16xi32>], vector<16xf32>,
      %mul3A_91 = arith.mulf %gather3A_89, %gather3A_90 : vector<16xf32>
      %add3A_92 = arith.addf %add3A_86, %mul3A_91 : vector<16xf32>
      %broadcast_in_dim3A_93 = arith.constant 7 : i32
      %broadcast_in_dim3A_94 = vector.broadcast %broadcast_in_dim3A_93 : i32 to vector<16xi32>
      %gather3A_95 = tpu.vector_load_idx %arg9[%add3A_49, %broadcast_in_dim3A_94] : memref<80x16xf32, #tpu.memory_space<vmem>>[vector<16xi32>, vector<16xi32>], vector<16xf32>,
      %gather3A_96 = tpu.vector_load_idx %arg10[%add3A_49, %broadcast_in_dim3A_94] : memref<80x16xf32, #tpu.memory_space<vmem>>[vector<16xi32>, vector<16xi32>], vector<16xf32>,
      %mul3A_97 = arith.mulf %gather3A_95, %gather3A_96 : vector<16xf32>
      %add3A_98 = arith.addf %add3A_92, %mul3A_97 : vector<16xf32>
      %broadcast_in_dim3A_99 = arith.constant 8 : i32
      %broadcast_in_dim3A_100 = vector.broadcast %broadcast_in_dim3A_99 : i32 to vector<16xi32>
      %gather3A_101 = tpu.vector_load_idx %arg9[%add3A_49, %broadcast_in_dim3A_100] : memref<80x16xf32, #tpu.memory_space<vmem>>[vector<16xi32>, vector<16xi32>], vector<16xf32>,
      %gather3A_102 = tpu.vector_load_idx %arg10[%add3A_49, %broadcast_in_dim3A_100] : memref<80x16xf32, #tpu.memory_space<vmem>>[vector<16xi32>, vector<16xi32>], vector<16xf32>,
      %mul3A_103 = arith.mulf %gather3A_101, %gather3A_102 : vector<16xf32>
      %add3A_104 = arith.addf %add3A_98, %mul3A_103 : vector<16xf32>
      %broadcast_in_dim3A_105 = arith.constant 9 : i32
      %broadcast_in_dim3A_106 = vector.broadcast %broadcast_in_dim3A_105 : i32 to vector<16xi32>
      %gather3A_107 = tpu.vector_load_idx %arg9[%add3A_49, %broadcast_in_dim3A_106] : memref<80x16xf32, #tpu.memory_space<vmem>>[vector<16xi32>, vector<16xi32>], vector<16xf32>,
      %gather3A_108 = tpu.vector_load_idx %arg10[%add3A_49, %broadcast_in_dim3A_106] : memref<80x16xf32, #tpu.memory_space<vmem>>[vector<16xi32>, vector<16xi32>], vector<16xf32>,
      %mul3A_109 = arith.mulf %gather3A_107, %gather3A_108 : vector<16xf32>
      %add3A_110 = arith.addf %add3A_104, %mul3A_109 : vector<16xf32>
      %broadcast_in_dim3A_111 = arith.constant 10 : i32
      %broadcast_in_dim3A_112 = vector.broadcast %broadcast_in_dim3A_111 : i32 to vector<16xi32>
      %gather3A_113 = tpu.vector_load_idx %arg9[%add3A_49, %broadcast_in_dim3A_112] : memref<80x16xf32, #tpu.memory_space<vmem>>[vector<16xi32>, vector<16xi32>], vector<16xf32>,
      %gather3A_114 = tpu.vector_load_idx %arg10[%add3A_49, %broadcast_in_dim3A_112] : memref<80x16xf32, #tpu.memory_space<vmem>>[vector<16xi32>, vector<16xi32>], vector<16xf32>,
      %mul3A_115 = arith.mulf %gather3A_113, %gather3A_114 : vector<16xf32>
      %add3A_116 = arith.addf %add3A_110, %mul3A_115 : vector<16xf32>
      %broadcast_in_dim3A_117 = arith.constant 11 : i32
      %broadcast_in_dim3A_118 = vector.broadcast %broadcast_in_dim3A_117 : i32 to vector<16xi32>
      %gather3A_119 = tpu.vector_load_idx %arg9[%add3A_49, %broadcast_in_dim3A_118] : memref<80x16xf32, #tpu.memory_space<vmem>>[vector<16xi32>, vector<16xi32>], vector<16xf32>,
      %gather3A_120 = tpu.vector_load_idx %arg10[%add3A_49, %broadcast_in_dim3A_118] : memref<80x16xf32, #tpu.memory_space<vmem>>[vector<16xi32>, vector<16xi32>], vector<16xf32>,
      %mul3A_121 = arith.mulf %gather3A_119, %gather3A_120 : vector<16xf32>
      %add3A_122 = arith.addf %add3A_116, %mul3A_121 : vector<16xf32>
      %broadcast_in_dim3A_123 = arith.constant 12 : i32
      %broadcast_in_dim3A_124 = vector.broadcast %broadcast_in_dim3A_123 : i32 to vector<16xi32>
      %gather3A_125 = tpu.vector_load_idx %arg9[%add3A_49, %broadcast_in_dim3A_124] : memref<80x16xf32, #tpu.memory_space<vmem>>[vector<16xi32>, vector<16xi32>], vector<16xf32>,
      %gather3A_126 = tpu.vector_load_idx %arg10[%add3A_49, %broadcast_in_dim3A_124] : memref<80x16xf32, #tpu.memory_space<vmem>>[vector<16xi32>, vector<16xi32>], vector<16xf32>,
      %mul3A_127 = arith.mulf %gather3A_125, %gather3A_126 : vector<16xf32>
      %add3A_128 = arith.addf %add3A_122, %mul3A_127 : vector<16xf32>
      %broadcast_in_dim3A_129 = arith.constant 13 : i32
      %broadcast_in_dim3A_130 = vector.broadcast %broadcast_in_dim3A_129 : i32 to vector<16xi32>
      %gather3A_131 = tpu.vector_load_idx %arg9[%add3A_49, %broadcast_in_dim3A_130] : memref<80x16xf32, #tpu.memory_space<vmem>>[vector<16xi32>, vector<16xi32>], vector<16xf32>,
      %gather3A_132 = tpu.vector_load_idx %arg10[%add3A_49, %broadcast_in_dim3A_130] : memref<80x16xf32, #tpu.memory_space<vmem>>[vector<16xi32>, vector<16xi32>], vector<16xf32>,
      %mul3A_133 = arith.mulf %gather3A_131, %gather3A_132 : vector<16xf32>
      %add3A_134 = arith.addf %add3A_128, %mul3A_133 : vector<16xf32>
      %broadcast_in_dim3A_135 = arith.constant 14 : i32
      %broadcast_in_dim3A_136 = vector.broadcast %broadcast_in_dim3A_135 : i32 to vector<16xi32>
      %gather3A_137 = tpu.vector_load_idx %arg9[%add3A_49, %broadcast_in_dim3A_136] : memref<80x16xf32, #tpu.memory_space<vmem>>[vector<16xi32>, vector<16xi32>], vector<16xf32>,
      %gather3A_138 = tpu.vector_load_idx %arg10[%add3A_49, %broadcast_in_dim3A_136] : memref<80x16xf32, #tpu.memory_space<vmem>>[vector<16xi32>, vector<16xi32>], vector<16xf32>,
      %mul3A_139 = arith.mulf %gather3A_137, %gather3A_138 : vector<16xf32>
      %add3A_140 = arith.addf %add3A_134, %mul3A_139 : vector<16xf32>
      %broadcast_in_dim3A_141 = arith.constant 15 : i32
      %broadcast_in_dim3A_142 = vector.broadcast %broadcast_in_dim3A_141 : i32 to vector<16xi32>
      %gather3A_143 = tpu.vector_load_idx %arg9[%add3A_49, %broadcast_in_dim3A_142] : memref<80x16xf32, #tpu.memory_space<vmem>>[vector<16xi32>, vector<16xi32>], vector<16xf32>,
      %gather3A_144 = tpu.vector_load_idx %arg10[%add3A_49, %broadcast_in_dim3A_142] : memref<80x16xf32, #tpu.memory_space<vmem>>[vector<16xi32>, vector<16xi32>], vector<16xf32>,
      %mul3A_145 = arith.mulf %gather3A_143, %gather3A_144 : vector<16xf32>
      %add3A_146 = arith.addf %add3A_140, %mul3A_145 : vector<16xf32>
      %exp3A = math.exp %add3A_146 : vector<16xf32>
      %swap3A_147 = arith.constant 0 : index
      %swap3A_148 = tpu.vector_load %arg11[%swap3A_147] {strides = array<i32>} : memref<80xf32, #tpu.memory_space<vmem>>, vector<16xf32>,
      tpu.vector_store %arg11[%swap3A_147], %exp3A {strides = array<i32>} : memref<80xf32, #tpu.memory_space<vmem>>, vector<16xf32>,
      %iota3A_149 = tpu.iota {dimensions = array<i32: 0>} : vector<16xi32>
      %add3A_150 = arith.constant 16 : i32
      %add3A_151 = vector.broadcast %add3A_150 : i32 to vector<16xi32>
      %add3A_152 = arith.addi %add3A_151, %iota3A_149 : vector<16xi32>
      %broadcast_in_dim3A_153 = arith.constant 0.000000e+00 : f32
      %broadcast_in_dim3A_154 = vector.broadcast %broadcast_in_dim3A_153 : f32 to vector<16xf32>
      %broadcast_in_dim3A_155 = arith.constant 0 : i32
      %broadcast_in_dim3A_156 = vector.broadcast %broadcast_in_dim3A_155 : i32 to vector<16xi32>
      %gather3A_157 = tpu.vector_load_idx %arg9[%add3A_152, %broadcast_in_dim3A_156] : memref<80x16xf32, #tpu.memory_space<vmem>>[vector<16xi32>, vector<16xi32>], vector<16xf32>,
      %gather3A_158 = tpu.vector_load_idx %arg10[%add3A_152, %broadcast_in_dim3A_156] : memref<80x16xf32, #tpu.memory_space<vmem>>[vector<16xi32>, vector<16xi32>], vector<16xf32>,
      %mul3A_159 = arith.mulf %gather3A_157, %gather3A_158 : vector<16xf32>
      %add3A_160 = arith.addf %broadcast_in_dim3A_154, %mul3A_159 : vector<16xf32>
      %broadcast_in_dim3A_161 = arith.constant 1 : i32
      %broadcast_in_dim3A_162 = vector.broadcast %broadcast_in_dim3A_161 : i32 to vector<16xi32>
      %gather3A_163 = tpu.vector_load_idx %arg9[%add3A_152, %broadcast_in_dim3A_162] : memref<80x16xf32, #tpu.memory_space<vmem>>[vector<16xi32>, vector<16xi32>], vector<16xf32>,
      %gather3A_164 = tpu.vector_load_idx %arg10[%add3A_152, %broadcast_in_dim3A_162] : memref<80x16xf32, #tpu.memory_space<vmem>>[vector<16xi32>, vector<16xi32>], vector<16xf32>,
      %mul3A_165 = arith.mulf %gather3A_163, %gather3A_164 : vector<16xf32>
      %add3A_166 = arith.addf %add3A_160, %mul3A_165 : vector<16xf32>
      %broadcast_in_dim3A_167 = arith.constant 2 : i32
      %broadcast_in_dim3A_168 = vector.broadcast %broadcast_in_dim3A_167 : i32 to vector<16xi32>
      %gather3A_169 = tpu.vector_load_idx %arg9[%add3A_152, %broadcast_in_dim3A_168] : memref<80x16xf32, #tpu.memory_space<vmem>>[vector<16xi32>, vector<16xi32>], vector<16xf32>,
      %gather3A_170 = tpu.vector_load_idx %arg10[%add3A_152, %broadcast_in_dim3A_168] : memref<80x16xf32, #tpu.memory_space<vmem>>[vector<16xi32>, vector<16xi32>], vector<16xf32>,
      %mul3A_171 = arith.mulf %gather3A_169, %gather3A_170 : vector<16xf32>
      %add3A_172 = arith.addf %add3A_166, %mul3A_171 : vector<16xf32>
      %broadcast_in_dim3A_173 = arith.constant 3 : i32
      %broadcast_in_dim3A_174 = vector.broadcast %broadcast_in_dim3A_173 : i32 to vector<16xi32>
      %gather3A_175 = tpu.vector_load_idx %arg9[%add3A_152, %broadcast_in_dim3A_174] : memref<80x16xf32, #tpu.memory_space<vmem>>[vector<16xi32>, vector<16xi32>], vector<16xf32>,
      %gather3A_176 = tpu.vector_load_idx %arg10[%add3A_152, %broadcast_in_dim3A_174] : memref<80x16xf32, #tpu.memory_space<vmem>>[vector<16xi32>, vector<16xi32>], vector<16xf32>,
      %mul3A_177 = arith.mulf %gather3A_175, %gather3A_176 : vector<16xf32>
      %add3A_178 = arith.addf %add3A_172, %mul3A_177 : vector<16xf32>
      %broadcast_in_dim3A_179 = arith.constant 4 : i32
      %broadcast_in_dim3A_180 = vector.broadcast %broadcast_in_dim3A_179 : i32 to vector<16xi32>
      %gather3A_181 = tpu.vector_load_idx %arg9[%add3A_152, %broadcast_in_dim3A_180] : memref<80x16xf32, #tpu.memory_space<vmem>>[vector<16xi32>, vector<16xi32>], vector<16xf32>,
      %gather3A_182 = tpu.vector_load_idx %arg10[%add3A_152, %broadcast_in_dim3A_180] : memref<80x16xf32, #tpu.memory_space<vmem>>[vector<16xi32>, vector<16xi32>], vector<16xf32>,
      %mul3A_183 = arith.mulf %gather3A_181, %gather3A_182 : vector<16xf32>
      %add3A_184 = arith.addf %add3A_178, %mul3A_183 : vector<16xf32>
      %broadcast_in_dim3A_185 = arith.constant 5 : i32
      %broadcast_in_dim3A_186 = vector.broadcast %broadcast_in_dim3A_185 : i32 to vector<16xi32>
      %gather3A_187 = tpu.vector_load_idx %arg9[%add3A_152, %broadcast_in_dim3A_186] : memref<80x16xf32, #tpu.memory_space<vmem>>[vector<16xi32>, vector<16xi32>], vector<16xf32>,
      %gather3A_188 = tpu.vector_load_idx %arg10[%add3A_152, %broadcast_in_dim3A_186] : memref<80x16xf32, #tpu.memory_space<vmem>>[vector<16xi32>, vector<16xi32>], vector<16xf32>,
      %mul3A_189 = arith.mulf %gather3A_187, %gather3A_188 : vector<16xf32>
      %add3A_190 = arith.addf %add3A_184, %mul3A_189 : vector<16xf32>
      %broadcast_in_dim3A_191 = arith.constant 6 : i32
      %broadcast_in_dim3A_192 = vector.broadcast %broadcast_in_dim3A_191 : i32 to vector<16xi32>
      %gather3A_193 = tpu.vector_load_idx %arg9[%add3A_152, %broadcast_in_dim3A_192] : memref<80x16xf32, #tpu.memory_space<vmem>>[vector<16xi32>, vector<16xi32>], vector<16xf32>,
      %gather3A_194 = tpu.vector_load_idx %arg10[%add3A_152, %broadcast_in_dim3A_192] : memref<80x16xf32, #tpu.memory_space<vmem>>[vector<16xi32>, vector<16xi32>], vector<16xf32>,
      %mul3A_195 = arith.mulf %gather3A_193, %gather3A_194 : vector<16xf32>
      %add3A_196 = arith.addf %add3A_190, %mul3A_195 : vector<16xf32>
      %broadcast_in_dim3A_197 = arith.constant 7 : i32
      %broadcast_in_dim3A_198 = vector.broadcast %broadcast_in_dim3A_197 : i32 to vector<16xi32>
      %gather3A_199 = tpu.vector_load_idx %arg9[%add3A_152, %broadcast_in_dim3A_198] : memref<80x16xf32, #tpu.memory_space<vmem>>[vector<16xi32>, vector<16xi32>], vector<16xf32>,
      %gather3A_200 = tpu.vector_load_idx %arg10[%add3A_152, %broadcast_in_dim3A_198] : memref<80x16xf32, #tpu.memory_space<vmem>>[vector<16xi32>, vector<16xi32>], vector<16xf32>,
      %mul3A_201 = arith.mulf %gather3A_199, %gather3A_200 : vector<16xf32>
      %add3A_202 = arith.addf %add3A_196, %mul3A_201 : vector<16xf32>
      %broadcast_in_dim3A_203 = arith.constant 8 : i32
      %broadcast_in_dim3A_204 = vector.broadcast %broadcast_in_dim3A_203 : i32 to vector<16xi32>
      %gather3A_205 = tpu.vector_load_idx %arg9[%add3A_152, %broadcast_in_dim3A_204] : memref<80x16xf32, #tpu.memory_space<vmem>>[vector<16xi32>, vector<16xi32>], vector<16xf32>,
      %gather3A_206 = tpu.vector_load_idx %arg10[%add3A_152, %broadcast_in_dim3A_204] : memref<80x16xf32, #tpu.memory_space<vmem>>[vector<16xi32>, vector<16xi32>], vector<16xf32>,
      %mul3A_207 = arith.mulf %gather3A_205, %gather3A_206 : vector<16xf32>
      %add3A_208 = arith.addf %add3A_202, %mul3A_207 : vector<16xf32>
      %broadcast_in_dim3A_209 = arith.constant 9 : i32
      %broadcast_in_dim3A_210 = vector.broadcast %broadcast_in_dim3A_209 : i32 to vector<16xi32>
      %gather3A_211 = tpu.vector_load_idx %arg9[%add3A_152, %broadcast_in_dim3A_210] : memref<80x16xf32, #tpu.memory_space<vmem>>[vector<16xi32>, vector<16xi32>], vector<16xf32>,
      %gather3A_212 = tpu.vector_load_idx %arg10[%add3A_152, %broadcast_in_dim3A_210] : memref<80x16xf32, #tpu.memory_space<vmem>>[vector<16xi32>, vector<16xi32>], vector<16xf32>,
      %mul3A_213 = arith.mulf %gather3A_211, %gather3A_212 : vector<16xf32>
      %add3A_214 = arith.addf %add3A_208, %mul3A_213 : vector<16xf32>
      %broadcast_in_dim3A_215 = arith.constant 10 : i32
      %broadcast_in_dim3A_216 = vector.broadcast %broadcast_in_dim3A_215 : i32 to vector<16xi32>
      %gather3A_217 = tpu.vector_load_idx %arg9[%add3A_152, %broadcast_in_dim3A_216] : memref<80x16xf32, #tpu.memory_space<vmem>>[vector<16xi32>, vector<16xi32>], vector<16xf32>,
      %gather3A_218 = tpu.vector_load_idx %arg10[%add3A_152, %broadcast_in_dim3A_216] : memref<80x16xf32, #tpu.memory_space<vmem>>[vector<16xi32>, vector<16xi32>], vector<16xf32>,
      %mul3A_219 = arith.mulf %gather3A_217, %gather3A_218 : vector<16xf32>
      %add3A_220 = arith.addf %add3A_214, %mul3A_219 : vector<16xf32>
      %broadcast_in_dim3A_221 = arith.constant 11 : i32
      %broadcast_in_dim3A_222 = vector.broadcast %broadcast_in_dim3A_221 : i32 to vector<16xi32>
      %gather3A_223 = tpu.vector_load_idx %arg9[%add3A_152, %broadcast_in_dim3A_222] : memref<80x16xf32, #tpu.memory_space<vmem>>[vector<16xi32>, vector<16xi32>], vector<16xf32>,
      %gather3A_224 = tpu.vector_load_idx %arg10[%add3A_152, %broadcast_in_dim3A_222] : memref<80x16xf32, #tpu.memory_space<vmem>>[vector<16xi32>, vector<16xi32>], vector<16xf32>,
      %mul3A_225 = arith.mulf %gather3A_223, %gather3A_224 : vector<16xf32>
      %add3A_226 = arith.addf %add3A_220, %mul3A_225 : vector<16xf32>
      %broadcast_in_dim3A_227 = arith.constant 12 : i32
      %broadcast_in_dim3A_228 = vector.broadcast %broadcast_in_dim3A_227 : i32 to vector<16xi32>
      %gather3A_229 = tpu.vector_load_idx %arg9[%add3A_152, %broadcast_in_dim3A_228] : memref<80x16xf32, #tpu.memory_space<vmem>>[vector<16xi32>, vector<16xi32>], vector<16xf32>,
      %gather3A_230 = tpu.vector_load_idx %arg10[%add3A_152, %broadcast_in_dim3A_228] : memref<80x16xf32, #tpu.memory_space<vmem>>[vector<16xi32>, vector<16xi32>], vector<16xf32>,
      %mul3A_231 = arith.mulf %gather3A_229, %gather3A_230 : vector<16xf32>
      %add3A_232 = arith.addf %add3A_226, %mul3A_231 : vector<16xf32>
      %broadcast_in_dim3A_233 = arith.constant 13 : i32
      %broadcast_in_dim3A_234 = vector.broadcast %broadcast_in_dim3A_233 : i32 to vector<16xi32>
      %gather3A_235 = tpu.vector_load_idx %arg9[%add3A_152, %broadcast_in_dim3A_234] : memref<80x16xf32, #tpu.memory_space<vmem>>[vector<16xi32>, vector<16xi32>], vector<16xf32>,
      %gather3A_236 = tpu.vector_load_idx %arg10[%add3A_152, %broadcast_in_dim3A_234] : memref<80x16xf32, #tpu.memory_space<vmem>>[vector<16xi32>, vector<16xi32>], vector<16xf32>,
      %mul3A_237 = arith.mulf %gather3A_235, %gather3A_236 : vector<16xf32>
      %add3A_238 = arith.addf %add3A_232, %mul3A_237 : vector<16xf32>
      %broadcast_in_dim3A_239 = arith.constant 14 : i32
      %broadcast_in_dim3A_240 = vector.broadcast %broadcast_in_dim3A_239 : i32 to vector<16xi32>
      %gather3A_241 = tpu.vector_load_idx %arg9[%add3A_152, %broadcast_in_dim3A_240] : memref<80x16xf32, #tpu.memory_space<vmem>>[vector<16xi32>, vector<16xi32>], vector<16xf32>,
      %gather3A_242 = tpu.vector_load_idx %arg10[%add3A_152, %broadcast_in_dim3A_240] : memref<80x16xf32, #tpu.memory_space<vmem>>[vector<16xi32>, vector<16xi32>], vector<16xf32>,
      %mul3A_243 = arith.mulf %gather3A_241, %gather3A_242 : vector<16xf32>
      %add3A_244 = arith.addf %add3A_238, %mul3A_243 : vector<16xf32>
      %broadcast_in_dim3A_245 = arith.constant 15 : i32
      %broadcast_in_dim3A_246 = vector.broadcast %broadcast_in_dim3A_245 : i32 to vector<16xi32>
      %gather3A_247 = tpu.vector_load_idx %arg9[%add3A_152, %broadcast_in_dim3A_246] : memref<80x16xf32, #tpu.memory_space<vmem>>[vector<16xi32>, vector<16xi32>], vector<16xf32>,
      %gather3A_248 = tpu.vector_load_idx %arg10[%add3A_152, %broadcast_in_dim3A_246] : memref<80x16xf32, #tpu.memory_space<vmem>>[vector<16xi32>, vector<16xi32>], vector<16xf32>,
      %mul3A_249 = arith.mulf %gather3A_247, %gather3A_248 : vector<16xf32>
      %add3A_250 = arith.addf %add3A_244, %mul3A_249 : vector<16xf32>
      %exp3A_251 = math.exp %add3A_250 : vector<16xf32>
      %swap3A_252 = arith.constant 16 : index
      %swap3A_253 = tpu.vector_load %arg11[%swap3A_252] {strides = array<i32>} : memref<80xf32, #tpu.memory_space<vmem>>, vector<16xf32>,
      tpu.vector_store %arg11[%swap3A_252], %exp3A_251 {strides = array<i32>} : memref<80xf32, #tpu.memory_space<vmem>>, vector<16xf32>,
      %iota3A_254 = tpu.iota {dimensions = array<i32: 0>} : vector<16xi32>
      %add3A_255 = arith.constant 32 : i32
      %add3A_256 = vector.broadcast %add3A_255 : i32 to vector<16xi32>
      %add3A_257 = arith.addi %add3A_256, %iota3A_254 : vector<16xi32>
      %broadcast_in_dim3A_258 = arith.constant 0.000000e+00 : f32
      %broadcast_in_dim3A_259 = vector.broadcast %broadcast_in_dim3A_258 : f32 to vector<16xf32>
      %broadcast_in_dim3A_260 = arith.constant 0 : i32
      %broadcast_in_dim3A_261 = vector.broadcast %broadcast_in_dim3A_260 : i32 to vector<16xi32>
      %gather3A_262 = tpu.vector_load_idx %arg9[%add3A_257, %broadcast_in_dim3A_261] : memref<80x16xf32, #tpu.memory_space<vmem>>[vector<16xi32>, vector<16xi32>], vector<16xf32>,
      %gather3A_263 = tpu.vector_load_idx %arg10[%add3A_257, %broadcast_in_dim3A_261] : memref<80x16xf32, #tpu.memory_space<vmem>>[vector<16xi32>, vector<16xi32>], vector<16xf32>,
      %mul3A_264 = arith.mulf %gather3A_262, %gather3A_263 : vector<16xf32>
      %add3A_265 = arith.addf %broadcast_in_dim3A_259, %mul3A_264 : vector<16xf32>
      %broadcast_in_dim3A_266 = arith.constant 1 : i32
      %broadcast_in_dim3A_267 = vector.broadcast %broadcast_in_dim3A_266 : i32 to vector<16xi32>
      %gather3A_268 = tpu.vector_load_idx %arg9[%add3A_257, %broadcast_in_dim3A_267] : memref<80x16xf32, #tpu.memory_space<vmem>>[vector<16xi32>, vector<16xi32>], vector<16xf32>,
      %gather3A_269 = tpu.vector_load_idx %arg10[%add3A_257, %broadcast_in_dim3A_267] : memref<80x16xf32, #tpu.memory_space<vmem>>[vector<16xi32>, vector<16xi32>], vector<16xf32>,
      %mul3A_270 = arith.mulf %gather3A_268, %gather3A_269 : vector<16xf32>
      %add3A_271 = arith.addf %add3A_265, %mul3A_270 : vector<16xf32>
      %broadcast_in_dim3A_272 = arith.constant 2 : i32
      %broadcast_in_dim3A_273 = vector.broadcast %broadcast_in_dim3A_272 : i32 to vector<16xi32>
      %gather3A_274 = tpu.vector_load_idx %arg9[%add3A_257, %broadcast_in_dim3A_273] : memref<80x16xf32, #tpu.memory_space<vmem>>[vector<16xi32>, vector<16xi32>], vector<16xf32>,
      %gather3A_275 = tpu.vector_load_idx %arg10[%add3A_257, %broadcast_in_dim3A_273] : memref<80x16xf32, #tpu.memory_space<vmem>>[vector<16xi32>, vector<16xi32>], vector<16xf32>,
      %mul3A_276 = arith.mulf %gather3A_274, %gather3A_275 : vector<16xf32>
      %add3A_277 = arith.addf %add3A_271, %mul3A_276 : vector<16xf32>
      %broadcast_in_dim3A_278 = arith.constant 3 : i32
      %broadcast_in_dim3A_279 = vector.broadcast %broadcast_in_dim3A_278 : i32 to vector<16xi32>
      %gather3A_280 = tpu.vector_load_idx %arg9[%add3A_257, %broadcast_in_dim3A_279] : memref<80x16xf32, #tpu.memory_space<vmem>>[vector<16xi32>, vector<16xi32>], vector<16xf32>,
      %gather3A_281 = tpu.vector_load_idx %arg10[%add3A_257, %broadcast_in_dim3A_279] : memref<80x16xf32, #tpu.memory_space<vmem>>[vector<16xi32>, vector<16xi32>], vector<16xf32>,
      %mul3A_282 = arith.mulf %gather3A_280, %gather3A_281 : vector<16xf32>
      %add3A_283 = arith.addf %add3A_277, %mul3A_282 : vector<16xf32>
      %broadcast_in_dim3A_284 = arith.constant 4 : i32
      %broadcast_in_dim3A_285 = vector.broadcast %broadcast_in_dim3A_284 : i32 to vector<16xi32>
      %gather3A_286 = tpu.vector_load_idx %arg9[%add3A_257, %broadcast_in_dim3A_285] : memref<80x16xf32, #tpu.memory_space<vmem>>[vector<16xi32>, vector<16xi32>], vector<16xf32>,
      %gather3A_287 = tpu.vector_load_idx %arg10[%add3A_257, %broadcast_in_dim3A_285] : memref<80x16xf32, #tpu.memory_space<vmem>>[vector<16xi32>, vector<16xi32>], vector<16xf32>,
      %mul3A_288 = arith.mulf %gather3A_286, %gather3A_287 : vector<16xf32>
      %add3A_289 = arith.addf %add3A_283, %mul3A_288 : vector<16xf32>
      %broadcast_in_dim3A_290 = arith.constant 5 : i32
      %broadcast_in_dim3A_291 = vector.broadcast %broadcast_in_dim3A_290 : i32 to vector<16xi32>
      %gather3A_292 = tpu.vector_load_idx %arg9[%add3A_257, %broadcast_in_dim3A_291] : memref<80x16xf32, #tpu.memory_space<vmem>>[vector<16xi32>, vector<16xi32>], vector<16xf32>,
      %gather3A_293 = tpu.vector_load_idx %arg10[%add3A_257, %broadcast_in_dim3A_291] : memref<80x16xf32, #tpu.memory_space<vmem>>[vector<16xi32>, vector<16xi32>], vector<16xf32>,
      %mul3A_294 = arith.mulf %gather3A_292, %gather3A_293 : vector<16xf32>
      %add3A_295 = arith.addf %add3A_289, %mul3A_294 : vector<16xf32>
      %broadcast_in_dim3A_296 = arith.constant 6 : i32
      %broadcast_in_dim3A_297 = vector.broadcast %broadcast_in_dim3A_296 : i32 to vector<16xi32>
      %gather3A_298 = tpu.vector_load_idx %arg9[%add3A_257, %broadcast_in_dim3A_297] : memref<80x16xf32, #tpu.memory_space<vmem>>[vector<16xi32>, vector<16xi32>], vector<16xf32>,
      %gather3A_299 = tpu.vector_load_idx %arg10[%add3A_257, %broadcast_in_dim3A_297] : memref<80x16xf32, #tpu.memory_space<vmem>>[vector<16xi32>, vector<16xi32>], vector<16xf32>,
      %mul3A_300 = arith.mulf %gather3A_298, %gather3A_299 : vector<16xf32>
      %add3A_301 = arith.addf %add3A_295, %mul3A_300 : vector<16xf32>
      %broadcast_in_dim3A_302 = arith.constant 7 : i32
      %broadcast_in_dim3A_303 = vector.broadcast %broadcast_in_dim3A_302 : i32 to vector<16xi32>
      %gather3A_304 = tpu.vector_load_idx %arg9[%add3A_257, %broadcast_in_dim3A_303] : memref<80x16xf32, #tpu.memory_space<vmem>>[vector<16xi32>, vector<16xi32>], vector<16xf32>,
      %gather3A_305 = tpu.vector_load_idx %arg10[%add3A_257, %broadcast_in_dim3A_303] : memref<80x16xf32, #tpu.memory_space<vmem>>[vector<16xi32>, vector<16xi32>], vector<16xf32>,
      %mul3A_306 = arith.mulf %gather3A_304, %gather3A_305 : vector<16xf32>
      %add3A_307 = arith.addf %add3A_301, %mul3A_306 : vector<16xf32>
      %broadcast_in_dim3A_308 = arith.constant 8 : i32
      %broadcast_in_dim3A_309 = vector.broadcast %broadcast_in_dim3A_308 : i32 to vector<16xi32>
      %gather3A_310 = tpu.vector_load_idx %arg9[%add3A_257, %broadcast_in_dim3A_309] : memref<80x16xf32, #tpu.memory_space<vmem>>[vector<16xi32>, vector<16xi32>], vector<16xf32>,
      %gather3A_311 = tpu.vector_load_idx %arg10[%add3A_257, %broadcast_in_dim3A_309] : memref<80x16xf32, #tpu.memory_space<vmem>>[vector<16xi32>, vector<16xi32>], vector<16xf32>,
      %mul3A_312 = arith.mulf %gather3A_310, %gather3A_311 : vector<16xf32>
      %add3A_313 = arith.addf %add3A_307, %mul3A_312 : vector<16xf32>
      %broadcast_in_dim3A_314 = arith.constant 9 : i32
      %broadcast_in_dim3A_315 = vector.broadcast %broadcast_in_dim3A_314 : i32 to vector<16xi32>
      %gather3A_316 = tpu.vector_load_idx %arg9[%add3A_257, %broadcast_in_dim3A_315] : memref<80x16xf32, #tpu.memory_space<vmem>>[vector<16xi32>, vector<16xi32>], vector<16xf32>,
      %gather3A_317 = tpu.vector_load_idx %arg10[%add3A_257, %broadcast_in_dim3A_315] : memref<80x16xf32, #tpu.memory_space<vmem>>[vector<16xi32>, vector<16xi32>], vector<16xf32>,
      %mul3A_318 = arith.mulf %gather3A_316, %gather3A_317 : vector<16xf32>
      %add3A_319 = arith.addf %add3A_313, %mul3A_318 : vector<16xf32>
      %broadcast_in_dim3A_320 = arith.constant 10 : i32
      %broadcast_in_dim3A_321 = vector.broadcast %broadcast_in_dim3A_320 : i32 to vector<16xi32>
      %gather3A_322 = tpu.vector_load_idx %arg9[%add3A_257, %broadcast_in_dim3A_321] : memref<80x16xf32, #tpu.memory_space<vmem>>[vector<16xi32>, vector<16xi32>], vector<16xf32>,
      %gather3A_323 = tpu.vector_load_idx %arg10[%add3A_257, %broadcast_in_dim3A_321] : memref<80x16xf32, #tpu.memory_space<vmem>>[vector<16xi32>, vector<16xi32>], vector<16xf32>,
      %mul3A_324 = arith.mulf %gather3A_322, %gather3A_323 : vector<16xf32>
      %add3A_325 = arith.addf %add3A_319, %mul3A_324 : vector<16xf32>
      %broadcast_in_dim3A_326 = arith.constant 11 : i32
      %broadcast_in_dim3A_327 = vector.broadcast %broadcast_in_dim3A_326 : i32 to vector<16xi32>
      %gather3A_328 = tpu.vector_load_idx %arg9[%add3A_257, %broadcast_in_dim3A_327] : memref<80x16xf32, #tpu.memory_space<vmem>>[vector<16xi32>, vector<16xi32>], vector<16xf32>,
      %gather3A_329 = tpu.vector_load_idx %arg10[%add3A_257, %broadcast_in_dim3A_327] : memref<80x16xf32, #tpu.memory_space<vmem>>[vector<16xi32>, vector<16xi32>], vector<16xf32>,
      %mul3A_330 = arith.mulf %gather3A_328, %gather3A_329 : vector<16xf32>
      %add3A_331 = arith.addf %add3A_325, %mul3A_330 : vector<16xf32>
      %broadcast_in_dim3A_332 = arith.constant 12 : i32
      %broadcast_in_dim3A_333 = vector.broadcast %broadcast_in_dim3A_332 : i32 to vector<16xi32>
      %gather3A_334 = tpu.vector_load_idx %arg9[%add3A_257, %broadcast_in_dim3A_333] : memref<80x16xf32, #tpu.memory_space<vmem>>[vector<16xi32>, vector<16xi32>], vector<16xf32>,
      %gather3A_335 = tpu.vector_load_idx %arg10[%add3A_257, %broadcast_in_dim3A_333] : memref<80x16xf32, #tpu.memory_space<vmem>>[vector<16xi32>, vector<16xi32>], vector<16xf32>,
      %mul3A_336 = arith.mulf %gather3A_334, %gather3A_335 : vector<16xf32>
      %add3A_337 = arith.addf %add3A_331, %mul3A_336 : vector<16xf32>
      %broadcast_in_dim3A_338 = arith.constant 13 : i32
      %broadcast_in_dim3A_339 = vector.broadcast %broadcast_in_dim3A_338 : i32 to vector<16xi32>
      %gather3A_340 = tpu.vector_load_idx %arg9[%add3A_257, %broadcast_in_dim3A_339] : memref<80x16xf32, #tpu.memory_space<vmem>>[vector<16xi32>, vector<16xi32>], vector<16xf32>,
      %gather3A_341 = tpu.vector_load_idx %arg10[%add3A_257, %broadcast_in_dim3A_339] : memref<80x16xf32, #tpu.memory_space<vmem>>[vector<16xi32>, vector<16xi32>], vector<16xf32>,
      %mul3A_342 = arith.mulf %gather3A_340, %gather3A_341 : vector<16xf32>
      %add3A_343 = arith.addf %add3A_337, %mul3A_342 : vector<16xf32>
      %broadcast_in_dim3A_344 = arith.constant 14 : i32
      %broadcast_in_dim3A_345 = vector.broadcast %broadcast_in_dim3A_344 : i32 to vector<16xi32>
      %gather3A_346 = tpu.vector_load_idx %arg9[%add3A_257, %broadcast_in_dim3A_345] : memref<80x16xf32, #tpu.memory_space<vmem>>[vector<16xi32>, vector<16xi32>], vector<16xf32>,
      %gather3A_347 = tpu.vector_load_idx %arg10[%add3A_257, %broadcast_in_dim3A_345] : memref<80x16xf32, #tpu.memory_space<vmem>>[vector<16xi32>, vector<16xi32>], vector<16xf32>,
      %mul3A_348 = arith.mulf %gather3A_346, %gather3A_347 : vector<16xf32>
      %add3A_349 = arith.addf %add3A_343, %mul3A_348 : vector<16xf32>
      %broadcast_in_dim3A_350 = arith.constant 15 : i32
      %broadcast_in_dim3A_351 = vector.broadcast %broadcast_in_dim3A_350 : i32 to vector<16xi32>
      %gather3A_352 = tpu.vector_load_idx %arg9[%add3A_257, %broadcast_in_dim3A_351] : memref<80x16xf32, #tpu.memory_space<vmem>>[vector<16xi32>, vector<16xi32>], vector<16xf32>,
      %gather3A_353 = tpu.vector_load_idx %arg10[%add3A_257, %broadcast_in_dim3A_351] : memref<80x16xf32, #tpu.memory_space<vmem>>[vector<16xi32>, vector<16xi32>], vector<16xf32>,
      %mul3A_354 = arith.mulf %gather3A_352, %gather3A_353 : vector<16xf32>
      %add3A_355 = arith.addf %add3A_349, %mul3A_354 : vector<16xf32>
      %exp3A_356 = math.exp %add3A_355 : vector<16xf32>
      %swap3A_357 = arith.constant 32 : index
      %swap3A_358 = tpu.vector_load %arg11[%swap3A_357] {strides = array<i32>} : memref<80xf32, #tpu.memory_space<vmem>>, vector<16xf32>,
      tpu.vector_store %arg11[%swap3A_357], %exp3A_356 {strides = array<i32>} : memref<80xf32, #tpu.memory_space<vmem>>, vector<16xf32>,
      %iota3A_359 = tpu.iota {dimensions = array<i32: 0>} : vector<16xi32>
      %add3A_360 = arith.constant 48 : i32
      %add3A_361 = vector.broadcast %add3A_360 : i32 to vector<16xi32>
      %add3A_362 = arith.addi %add3A_361, %iota3A_359 : vector<16xi32>
      %broadcast_in_dim3A_363 = arith.constant 0.000000e+00 : f32
      %broadcast_in_dim3A_364 = vector.broadcast %broadcast_in_dim3A_363 : f32 to vector<16xf32>
      %broadcast_in_dim3A_365 = arith.constant 0 : i32
      %broadcast_in_dim3A_366 = vector.broadcast %broadcast_in_dim3A_365 : i32 to vector<16xi32>
      %gather3A_367 = tpu.vector_load_idx %arg9[%add3A_362, %broadcast_in_dim3A_366] : memref<80x16xf32, #tpu.memory_space<vmem>>[vector<16xi32>, vector<16xi32>], vector<16xf32>,
      %gather3A_368 = tpu.vector_load_idx %arg10[%add3A_362, %broadcast_in_dim3A_366] : memref<80x16xf32, #tpu.memory_space<vmem>>[vector<16xi32>, vector<16xi32>], vector<16xf32>,
      %mul3A_369 = arith.mulf %gather3A_367, %gather3A_368 : vector<16xf32>
      %add3A_370 = arith.addf %broadcast_in_dim3A_364, %mul3A_369 : vector<16xf32>
      %broadcast_in_dim3A_371 = arith.constant 1 : i32
      %broadcast_in_dim3A_372 = vector.broadcast %broadcast_in_dim3A_371 : i32 to vector<16xi32>
      %gather3A_373 = tpu.vector_load_idx %arg9[%add3A_362, %broadcast_in_dim3A_372] : memref<80x16xf32, #tpu.memory_space<vmem>>[vector<16xi32>, vector<16xi32>], vector<16xf32>,
      %gather3A_374 = tpu.vector_load_idx %arg10[%add3A_362, %broadcast_in_dim3A_372] : memref<80x16xf32, #tpu.memory_space<vmem>>[vector<16xi32>, vector<16xi32>], vector<16xf32>,
      %mul3A_375 = arith.mulf %gather3A_373, %gather3A_374 : vector<16xf32>
      %add3A_376 = arith.addf %add3A_370, %mul3A_375 : vector<16xf32>
      %broadcast_in_dim3A_377 = arith.constant 2 : i32
      %broadcast_in_dim3A_378 = vector.broadcast %broadcast_in_dim3A_377 : i32 to vector<16xi32>
      %gather3A_379 = tpu.vector_load_idx %arg9[%add3A_362, %broadcast_in_dim3A_378] : memref<80x16xf32, #tpu.memory_space<vmem>>[vector<16xi32>, vector<16xi32>], vector<16xf32>,
      %gather3A_380 = tpu.vector_load_idx %arg10[%add3A_362, %broadcast_in_dim3A_378] : memref<80x16xf32, #tpu.memory_space<vmem>>[vector<16xi32>, vector<16xi32>], vector<16xf32>,
      %mul3A_381 = arith.mulf %gather3A_379, %gather3A_380 : vector<16xf32>
      %add3A_382 = arith.addf %add3A_376, %mul3A_381 : vector<16xf32>
      %broadcast_in_dim3A_383 = arith.constant 3 : i32
      %broadcast_in_dim3A_384 = vector.broadcast %broadcast_in_dim3A_383 : i32 to vector<16xi32>
      %gather3A_385 = tpu.vector_load_idx %arg9[%add3A_362, %broadcast_in_dim3A_384] : memref<80x16xf32, #tpu.memory_space<vmem>>[vector<16xi32>, vector<16xi32>], vector<16xf32>,
      %gather3A_386 = tpu.vector_load_idx %arg10[%add3A_362, %broadcast_in_dim3A_384] : memref<80x16xf32, #tpu.memory_space<vmem>>[vector<16xi32>, vector<16xi32>], vector<16xf32>,
      %mul3A_387 = arith.mulf %gather3A_385, %gather3A_386 : vector<16xf32>
      %add3A_388 = arith.addf %add3A_382, %mul3A_387 : vector<16xf32>
      %broadcast_in_dim3A_389 = arith.constant 4 : i32
      %broadcast_in_dim3A_390 = vector.broadcast %broadcast_in_dim3A_389 : i32 to vector<16xi32>
      %gather3A_391 = tpu.vector_load_idx %arg9[%add3A_362, %broadcast_in_dim3A_390] : memref<80x16xf32, #tpu.memory_space<vmem>>[vector<16xi32>, vector<16xi32>], vector<16xf32>,
      %gather3A_392 = tpu.vector_load_idx %arg10[%add3A_362, %broadcast_in_dim3A_390] : memref<80x16xf32, #tpu.memory_space<vmem>>[vector<16xi32>, vector<16xi32>], vector<16xf32>,
      %mul3A_393 = arith.mulf %gather3A_391, %gather3A_392 : vector<16xf32>
      %add3A_394 = arith.addf %add3A_388, %mul3A_393 : vector<16xf32>
      %broadcast_in_dim3A_395 = arith.constant 5 : i32
      %broadcast_in_dim3A_396 = vector.broadcast %broadcast_in_dim3A_395 : i32 to vector<16xi32>
      %gather3A_397 = tpu.vector_load_idx %arg9[%add3A_362, %broadcast_in_dim3A_396] : memref<80x16xf32, #tpu.memory_space<vmem>>[vector<16xi32>, vector<16xi32>], vector<16xf32>,
      %gather3A_398 = tpu.vector_load_idx %arg10[%add3A_362, %broadcast_in_dim3A_396] : memref<80x16xf32, #tpu.memory_space<vmem>>[vector<16xi32>, vector<16xi32>], vector<16xf32>,
      %mul3A_399 = arith.mulf %gather3A_397, %gather3A_398 : vector<16xf32>
      %add3A_400 = arith.addf %add3A_394, %mul3A_399 : vector<16xf32>
      %broadcast_in_dim3A_401 = arith.constant 6 : i32
      %broadcast_in_dim3A_402 = vector.broadcast %broadcast_in_dim3A_401 : i32 to vector<16xi32>
      %gather3A_403 = tpu.vector_load_idx %arg9[%add3A_362, %broadcast_in_dim3A_402] : memref<80x16xf32, #tpu.memory_space<vmem>>[vector<16xi32>, vector<16xi32>], vector<16xf32>,
      %gather3A_404 = tpu.vector_load_idx %arg10[%add3A_362, %broadcast_in_dim3A_402] : memref<80x16xf32, #tpu.memory_space<vmem>>[vector<16xi32>, vector<16xi32>], vector<16xf32>,
      %mul3A_405 = arith.mulf %gather3A_403, %gather3A_404 : vector<16xf32>
      %add3A_406 = arith.addf %add3A_400, %mul3A_405 : vector<16xf32>
      %broadcast_in_dim3A_407 = arith.constant 7 : i32
      %broadcast_in_dim3A_408 = vector.broadcast %broadcast_in_dim3A_407 : i32 to vector<16xi32>
      %gather3A_409 = tpu.vector_load_idx %arg9[%add3A_362, %broadcast_in_dim3A_408] : memref<80x16xf32, #tpu.memory_space<vmem>>[vector<16xi32>, vector<16xi32>], vector<16xf32>,
      %gather3A_410 = tpu.vector_load_idx %arg10[%add3A_362, %broadcast_in_dim3A_408] : memref<80x16xf32, #tpu.memory_space<vmem>>[vector<16xi32>, vector<16xi32>], vector<16xf32>,
      %mul3A_411 = arith.mulf %gather3A_409, %gather3A_410 : vector<16xf32>
      %add3A_412 = arith.addf %add3A_406, %mul3A_411 : vector<16xf32>
      %broadcast_in_dim3A_413 = arith.constant 8 : i32
      %broadcast_in_dim3A_414 = vector.broadcast %broadcast_in_dim3A_413 : i32 to vector<16xi32>
      %gather3A_415 = tpu.vector_load_idx %arg9[%add3A_362, %broadcast_in_dim3A_414] : memref<80x16xf32, #tpu.memory_space<vmem>>[vector<16xi32>, vector<16xi32>], vector<16xf32>,
      %gather3A_416 = tpu.vector_load_idx %arg10[%add3A_362, %broadcast_in_dim3A_414] : memref<80x16xf32, #tpu.memory_space<vmem>>[vector<16xi32>, vector<16xi32>], vector<16xf32>,
      %mul3A_417 = arith.mulf %gather3A_415, %gather3A_416 : vector<16xf32>
      %add3A_418 = arith.addf %add3A_412, %mul3A_417 : vector<16xf32>
      %broadcast_in_dim3A_419 = arith.constant 9 : i32
      %broadcast_in_dim3A_420 = vector.broadcast %broadcast_in_dim3A_419 : i32 to vector<16xi32>
      %gather3A_421 = tpu.vector_load_idx %arg9[%add3A_362, %broadcast_in_dim3A_420] : memref<80x16xf32, #tpu.memory_space<vmem>>[vector<16xi32>, vector<16xi32>], vector<16xf32>,
      %gather3A_422 = tpu.vector_load_idx %arg10[%add3A_362, %broadcast_in_dim3A_420] : memref<80x16xf32, #tpu.memory_space<vmem>>[vector<16xi32>, vector<16xi32>], vector<16xf32>,
      %mul3A_423 = arith.mulf %gather3A_421, %gather3A_422 : vector<16xf32>
      %add3A_424 = arith.addf %add3A_418, %mul3A_423 : vector<16xf32>
      %broadcast_in_dim3A_425 = arith.constant 10 : i32
      %broadcast_in_dim3A_426 = vector.broadcast %broadcast_in_dim3A_425 : i32 to vector<16xi32>
      %gather3A_427 = tpu.vector_load_idx %arg9[%add3A_362, %broadcast_in_dim3A_426] : memref<80x16xf32, #tpu.memory_space<vmem>>[vector<16xi32>, vector<16xi32>], vector<16xf32>,
      %gather3A_428 = tpu.vector_load_idx %arg10[%add3A_362, %broadcast_in_dim3A_426] : memref<80x16xf32, #tpu.memory_space<vmem>>[vector<16xi32>, vector<16xi32>], vector<16xf32>,
      %mul3A_429 = arith.mulf %gather3A_427, %gather3A_428 : vector<16xf32>
      %add3A_430 = arith.addf %add3A_424, %mul3A_429 : vector<16xf32>
      %broadcast_in_dim3A_431 = arith.constant 11 : i32
      %broadcast_in_dim3A_432 = vector.broadcast %broadcast_in_dim3A_431 : i32 to vector<16xi32>
      %gather3A_433 = tpu.vector_load_idx %arg9[%add3A_362, %broadcast_in_dim3A_432] : memref<80x16xf32, #tpu.memory_space<vmem>>[vector<16xi32>, vector<16xi32>], vector<16xf32>,
      %gather3A_434 = tpu.vector_load_idx %arg10[%add3A_362, %broadcast_in_dim3A_432] : memref<80x16xf32, #tpu.memory_space<vmem>>[vector<16xi32>, vector<16xi32>], vector<16xf32>,
      %mul3A_435 = arith.mulf %gather3A_433, %gather3A_434 : vector<16xf32>
      %add3A_436 = arith.addf %add3A_430, %mul3A_435 : vector<16xf32>
      %broadcast_in_dim3A_437 = arith.constant 12 : i32
      %broadcast_in_dim3A_438 = vector.broadcast %broadcast_in_dim3A_437 : i32 to vector<16xi32>
      %gather3A_439 = tpu.vector_load_idx %arg9[%add3A_362, %broadcast_in_dim3A_438] : memref<80x16xf32, #tpu.memory_space<vmem>>[vector<16xi32>, vector<16xi32>], vector<16xf32>,
      %gather3A_440 = tpu.vector_load_idx %arg10[%add3A_362, %broadcast_in_dim3A_438] : memref<80x16xf32, #tpu.memory_space<vmem>>[vector<16xi32>, vector<16xi32>], vector<16xf32>,
      %mul3A_441 = arith.mulf %gather3A_439, %gather3A_440 : vector<16xf32>
      %add3A_442 = arith.addf %add3A_436, %mul3A_441 : vector<16xf32>
      %broadcast_in_dim3A_443 = arith.constant 13 : i32
      %broadcast_in_dim3A_444 = vector.broadcast %broadcast_in_dim3A_443 : i32 to vector<16xi32>
      %gather3A_445 = tpu.vector_load_idx %arg9[%add3A_362, %broadcast_in_dim3A_444] : memref<80x16xf32, #tpu.memory_space<vmem>>[vector<16xi32>, vector<16xi32>], vector<16xf32>,
      %gather3A_446 = tpu.vector_load_idx %arg10[%add3A_362, %broadcast_in_dim3A_444] : memref<80x16xf32, #tpu.memory_space<vmem>>[vector<16xi32>, vector<16xi32>], vector<16xf32>,
      %mul3A_447 = arith.mulf %gather3A_445, %gather3A_446 : vector<16xf32>
      %add3A_448 = arith.addf %add3A_442, %mul3A_447 : vector<16xf32>
      %broadcast_in_dim3A_449 = arith.constant 14 : i32
      %broadcast_in_dim3A_450 = vector.broadcast %broadcast_in_dim3A_449 : i32 to vector<16xi32>
      %gather3A_451 = tpu.vector_load_idx %arg9[%add3A_362, %broadcast_in_dim3A_450] : memref<80x16xf32, #tpu.memory_space<vmem>>[vector<16xi32>, vector<16xi32>], vector<16xf32>,
      %gather3A_452 = tpu.vector_load_idx %arg10[%add3A_362, %broadcast_in_dim3A_450] : memref<80x16xf32, #tpu.memory_space<vmem>>[vector<16xi32>, vector<16xi32>], vector<16xf32>,
      %mul3A_453 = arith.mulf %gather3A_451, %gather3A_452 : vector<16xf32>
      %add3A_454 = arith.addf %add3A_448, %mul3A_453 : vector<16xf32>
      %broadcast_in_dim3A_455 = arith.constant 15 : i32
      %broadcast_in_dim3A_456 = vector.broadcast %broadcast_in_dim3A_455 : i32 to vector<16xi32>
      %gather3A_457 = tpu.vector_load_idx %arg9[%add3A_362, %broadcast_in_dim3A_456] : memref<80x16xf32, #tpu.memory_space<vmem>>[vector<16xi32>, vector<16xi32>], vector<16xf32>,
      %gather3A_458 = tpu.vector_load_idx %arg10[%add3A_362, %broadcast_in_dim3A_456] : memref<80x16xf32, #tpu.memory_space<vmem>>[vector<16xi32>, vector<16xi32>], vector<16xf32>,
      %mul3A_459 = arith.mulf %gather3A_457, %gather3A_458 : vector<16xf32>
      %add3A_460 = arith.addf %add3A_454, %mul3A_459 : vector<16xf32>
      %exp3A_461 = math.exp %add3A_460 : vector<16xf32>
      %swap3A_462 = arith.constant 48 : index
      %swap3A_463 = tpu.vector_load %arg11[%swap3A_462] {strides = array<i32>} : memref<80xf32, #tpu.memory_space<vmem>>, vector<16xf32>,
      tpu.vector_store %arg11[%swap3A_462], %exp3A_461 {strides = array<i32>} : memref<80xf32, #tpu.memory_space<vmem>>, vector<16xf32>,
      %iota3A_464 = tpu.iota {dimensions = array<i32: 0>} : vector<16xi32>
      %add3A_465 = arith.constant 64 : i32
      %add3A_466 = vector.broadcast %add3A_465 : i32 to vector<16xi32>
      %add3A_467 = arith.addi %add3A_466, %iota3A_464 : vector<16xi32>
      %broadcast_in_dim3A_468 = arith.constant 0.000000e+00 : f32
      %broadcast_in_dim3A_469 = vector.broadcast %broadcast_in_dim3A_468 : f32 to vector<16xf32>
      %broadcast_in_dim3A_470 = arith.constant 0 : i32
      %broadcast_in_dim3A_471 = vector.broadcast %broadcast_in_dim3A_470 : i32 to vector<16xi32>
      %gather3A_472 = tpu.vector_load_idx %arg9[%add3A_467, %broadcast_in_dim3A_471] : memref<80x16xf32, #tpu.memory_space<vmem>>[vector<16xi32>, vector<16xi32>], vector<16xf32>,
      %gather3A_473 = tpu.vector_load_idx %arg10[%add3A_467, %broadcast_in_dim3A_471] : memref<80x16xf32, #tpu.memory_space<vmem>>[vector<16xi32>, vector<16xi32>], vector<16xf32>,
      %mul3A_474 = arith.mulf %gather3A_472, %gather3A_473 : vector<16xf32>
      %add3A_475 = arith.addf %broadcast_in_dim3A_469, %mul3A_474 : vector<16xf32>
      %broadcast_in_dim3A_476 = arith.constant 1 : i32
      %broadcast_in_dim3A_477 = vector.broadcast %broadcast_in_dim3A_476 : i32 to vector<16xi32>
      %gather3A_478 = tpu.vector_load_idx %arg9[%add3A_467, %broadcast_in_dim3A_477] : memref<80x16xf32, #tpu.memory_space<vmem>>[vector<16xi32>, vector<16xi32>], vector<16xf32>,
      %gather3A_479 = tpu.vector_load_idx %arg10[%add3A_467, %broadcast_in_dim3A_477] : memref<80x16xf32, #tpu.memory_space<vmem>>[vector<16xi32>, vector<16xi32>], vector<16xf32>,
      %mul3A_480 = arith.mulf %gather3A_478, %gather3A_479 : vector<16xf32>
      %add3A_481 = arith.addf %add3A_475, %mul3A_480 : vector<16xf32>
      %broadcast_in_dim3A_482 = arith.constant 2 : i32
      %broadcast_in_dim3A_483 = vector.broadcast %broadcast_in_dim3A_482 : i32 to vector<16xi32>
      %gather3A_484 = tpu.vector_load_idx %arg9[%add3A_467, %broadcast_in_dim3A_483] : memref<80x16xf32, #tpu.memory_space<vmem>>[vector<16xi32>, vector<16xi32>], vector<16xf32>,
      %gather3A_485 = tpu.vector_load_idx %arg10[%add3A_467, %broadcast_in_dim3A_483] : memref<80x16xf32, #tpu.memory_space<vmem>>[vector<16xi32>, vector<16xi32>], vector<16xf32>,
      %mul3A_486 = arith.mulf %gather3A_484, %gather3A_485 : vector<16xf32>
      %add3A_487 = arith.addf %add3A_481, %mul3A_486 : vector<16xf32>
      %broadcast_in_dim3A_488 = arith.constant 3 : i32
      %broadcast_in_dim3A_489 = vector.broadcast %broadcast_in_dim3A_488 : i32 to vector<16xi32>
      %gather3A_490 = tpu.vector_load_idx %arg9[%add3A_467, %broadcast_in_dim3A_489] : memref<80x16xf32, #tpu.memory_space<vmem>>[vector<16xi32>, vector<16xi32>], vector<16xf32>,
      %gather3A_491 = tpu.vector_load_idx %arg10[%add3A_467, %broadcast_in_dim3A_489] : memref<80x16xf32, #tpu.memory_space<vmem>>[vector<16xi32>, vector<16xi32>], vector<16xf32>,
      %mul3A_492 = arith.mulf %gather3A_490, %gather3A_491 : vector<16xf32>
      %add3A_493 = arith.addf %add3A_487, %mul3A_492 : vector<16xf32>
      %broadcast_in_dim3A_494 = arith.constant 4 : i32
      %broadcast_in_dim3A_495 = vector.broadcast %broadcast_in_dim3A_494 : i32 to vector<16xi32>
      %gather3A_496 = tpu.vector_load_idx %arg9[%add3A_467, %broadcast_in_dim3A_495] : memref<80x16xf32, #tpu.memory_space<vmem>>[vector<16xi32>, vector<16xi32>], vector<16xf32>,
      %gather3A_497 = tpu.vector_load_idx %arg10[%add3A_467, %broadcast_in_dim3A_495] : memref<80x16xf32, #tpu.memory_space<vmem>>[vector<16xi32>, vector<16xi32>], vector<16xf32>,
      %mul3A_498 = arith.mulf %gather3A_496, %gather3A_497 : vector<16xf32>
      %add3A_499 = arith.addf %add3A_493, %mul3A_498 : vector<16xf32>
      %broadcast_in_dim3A_500 = arith.constant 5 : i32
      %broadcast_in_dim3A_501 = vector.broadcast %broadcast_in_dim3A_500 : i32 to vector<16xi32>
      %gather3A_502 = tpu.vector_load_idx %arg9[%add3A_467, %broadcast_in_dim3A_501] : memref<80x16xf32, #tpu.memory_space<vmem>>[vector<16xi32>, vector<16xi32>], vector<16xf32>,
      %gather3A_503 = tpu.vector_load_idx %arg10[%add3A_467, %broadcast_in_dim3A_501] : memref<80x16xf32, #tpu.memory_space<vmem>>[vector<16xi32>, vector<16xi32>], vector<16xf32>,
      %mul3A_504 = arith.mulf %gather3A_502, %gather3A_503 : vector<16xf32>
      %add3A_505 = arith.addf %add3A_499, %mul3A_504 : vector<16xf32>
      %broadcast_in_dim3A_506 = arith.constant 6 : i32
      %broadcast_in_dim3A_507 = vector.broadcast %broadcast_in_dim3A_506 : i32 to vector<16xi32>
      %gather3A_508 = tpu.vector_load_idx %arg9[%add3A_467, %broadcast_in_dim3A_507] : memref<80x16xf32, #tpu.memory_space<vmem>>[vector<16xi32>, vector<16xi32>], vector<16xf32>,
      %gather3A_509 = tpu.vector_load_idx %arg10[%add3A_467, %broadcast_in_dim3A_507] : memref<80x16xf32, #tpu.memory_space<vmem>>[vector<16xi32>, vector<16xi32>], vector<16xf32>,
      %mul3A_510 = arith.mulf %gather3A_508, %gather3A_509 : vector<16xf32>
      %add3A_511 = arith.addf %add3A_505, %mul3A_510 : vector<16xf32>
      %broadcast_in_dim3A_512 = arith.constant 7 : i32
      %broadcast_in_dim3A_513 = vector.broadcast %broadcast_in_dim3A_512 : i32 to vector<16xi32>
      %gather3A_514 = tpu.vector_load_idx %arg9[%add3A_467, %broadcast_in_dim3A_513] : memref<80x16xf32, #tpu.memory_space<vmem>>[vector<16xi32>, vector<16xi32>], vector<16xf32>,
      %gather3A_515 = tpu.vector_load_idx %arg10[%add3A_467, %broadcast_in_dim3A_513] : memref<80x16xf32, #tpu.memory_space<vmem>>[vector<16xi32>, vector<16xi32>], vector<16xf32>,
      %mul3A_516 = arith.mulf %gather3A_514, %gather3A_515 : vector<16xf32>
      %add3A_517 = arith.addf %add3A_511, %mul3A_516 : vector<16xf32>
      %broadcast_in_dim3A_518 = arith.constant 8 : i32
      %broadcast_in_dim3A_519 = vector.broadcast %broadcast_in_dim3A_518 : i32 to vector<16xi32>
      %gather3A_520 = tpu.vector_load_idx %arg9[%add3A_467, %broadcast_in_dim3A_519] : memref<80x16xf32, #tpu.memory_space<vmem>>[vector<16xi32>, vector<16xi32>], vector<16xf32>,
      %gather3A_521 = tpu.vector_load_idx %arg10[%add3A_467, %broadcast_in_dim3A_519] : memref<80x16xf32, #tpu.memory_space<vmem>>[vector<16xi32>, vector<16xi32>], vector<16xf32>,
      %mul3A_522 = arith.mulf %gather3A_520, %gather3A_521 : vector<16xf32>
      %add3A_523 = arith.addf %add3A_517, %mul3A_522 : vector<16xf32>
      %broadcast_in_dim3A_524 = arith.constant 9 : i32
      %broadcast_in_dim3A_525 = vector.broadcast %broadcast_in_dim3A_524 : i32 to vector<16xi32>
      %gather3A_526 = tpu.vector_load_idx %arg9[%add3A_467, %broadcast_in_dim3A_525] : memref<80x16xf32, #tpu.memory_space<vmem>>[vector<16xi32>, vector<16xi32>], vector<16xf32>,
      %gather3A_527 = tpu.vector_load_idx %arg10[%add3A_467, %broadcast_in_dim3A_525] : memref<80x16xf32, #tpu.memory_space<vmem>>[vector<16xi32>, vector<16xi32>], vector<16xf32>,
      %mul3A_528 = arith.mulf %gather3A_526, %gather3A_527 : vector<16xf32>
      %add3A_529 = arith.addf %add3A_523, %mul3A_528 : vector<16xf32>
      %broadcast_in_dim3A_530 = arith.constant 10 : i32
      %broadcast_in_dim3A_531 = vector.broadcast %broadcast_in_dim3A_530 : i32 to vector<16xi32>
      %gather3A_532 = tpu.vector_load_idx %arg9[%add3A_467, %broadcast_in_dim3A_531] : memref<80x16xf32, #tpu.memory_space<vmem>>[vector<16xi32>, vector<16xi32>], vector<16xf32>,
      %gather3A_533 = tpu.vector_load_idx %arg10[%add3A_467, %broadcast_in_dim3A_531] : memref<80x16xf32, #tpu.memory_space<vmem>>[vector<16xi32>, vector<16xi32>], vector<16xf32>,
      %mul3A_534 = arith.mulf %gather3A_532, %gather3A_533 : vector<16xf32>
      %add3A_535 = arith.addf %add3A_529, %mul3A_534 : vector<16xf32>
      %broadcast_in_dim3A_536 = arith.constant 11 : i32
      %broadcast_in_dim3A_537 = vector.broadcast %broadcast_in_dim3A_536 : i32 to vector<16xi32>
      %gather3A_538 = tpu.vector_load_idx %arg9[%add3A_467, %broadcast_in_dim3A_537] : memref<80x16xf32, #tpu.memory_space<vmem>>[vector<16xi32>, vector<16xi32>], vector<16xf32>,
      %gather3A_539 = tpu.vector_load_idx %arg10[%add3A_467, %broadcast_in_dim3A_537] : memref<80x16xf32, #tpu.memory_space<vmem>>[vector<16xi32>, vector<16xi32>], vector<16xf32>,
      %mul3A_540 = arith.mulf %gather3A_538, %gather3A_539 : vector<16xf32>
      %add3A_541 = arith.addf %add3A_535, %mul3A_540 : vector<16xf32>
      %broadcast_in_dim3A_542 = arith.constant 12 : i32
      %broadcast_in_dim3A_543 = vector.broadcast %broadcast_in_dim3A_542 : i32 to vector<16xi32>
      %gather3A_544 = tpu.vector_load_idx %arg9[%add3A_467, %broadcast_in_dim3A_543] : memref<80x16xf32, #tpu.memory_space<vmem>>[vector<16xi32>, vector<16xi32>], vector<16xf32>,
      %gather3A_545 = tpu.vector_load_idx %arg10[%add3A_467, %broadcast_in_dim3A_543] : memref<80x16xf32, #tpu.memory_space<vmem>>[vector<16xi32>, vector<16xi32>], vector<16xf32>,
      %mul3A_546 = arith.mulf %gather3A_544, %gather3A_545 : vector<16xf32>
      %add3A_547 = arith.addf %add3A_541, %mul3A_546 : vector<16xf32>
      %broadcast_in_dim3A_548 = arith.constant 13 : i32
      %broadcast_in_dim3A_549 = vector.broadcast %broadcast_in_dim3A_548 : i32 to vector<16xi32>
      %gather3A_550 = tpu.vector_load_idx %arg9[%add3A_467, %broadcast_in_dim3A_549] : memref<80x16xf32, #tpu.memory_space<vmem>>[vector<16xi32>, vector<16xi32>], vector<16xf32>,
      %gather3A_551 = tpu.vector_load_idx %arg10[%add3A_467, %broadcast_in_dim3A_549] : memref<80x16xf32, #tpu.memory_space<vmem>>[vector<16xi32>, vector<16xi32>], vector<16xf32>,
      %mul3A_552 = arith.mulf %gather3A_550, %gather3A_551 : vector<16xf32>
      %add3A_553 = arith.addf %add3A_547, %mul3A_552 : vector<16xf32>
      %broadcast_in_dim3A_554 = arith.constant 14 : i32
      %broadcast_in_dim3A_555 = vector.broadcast %broadcast_in_dim3A_554 : i32 to vector<16xi32>
      %gather3A_556 = tpu.vector_load_idx %arg9[%add3A_467, %broadcast_in_dim3A_555] : memref<80x16xf32, #tpu.memory_space<vmem>>[vector<16xi32>, vector<16xi32>], vector<16xf32>,
      %gather3A_557 = tpu.vector_load_idx %arg10[%add3A_467, %broadcast_in_dim3A_555] : memref<80x16xf32, #tpu.memory_space<vmem>>[vector<16xi32>, vector<16xi32>], vector<16xf32>,
      %mul3A_558 = arith.mulf %gather3A_556, %gather3A_557 : vector<16xf32>
      %add3A_559 = arith.addf %add3A_553, %mul3A_558 : vector<16xf32>
      %broadcast_in_dim3A_560 = arith.constant 15 : i32
      %broadcast_in_dim3A_561 = vector.broadcast %broadcast_in_dim3A_560 : i32 to vector<16xi32>
      %gather3A_562 = tpu.vector_load_idx %arg9[%add3A_467, %broadcast_in_dim3A_561] : memref<80x16xf32, #tpu.memory_space<vmem>>[vector<16xi32>, vector<16xi32>], vector<16xf32>,
      %gather3A_563 = tpu.vector_load_idx %arg10[%add3A_467, %broadcast_in_dim3A_561] : memref<80x16xf32, #tpu.memory_space<vmem>>[vector<16xi32>, vector<16xi32>], vector<16xf32>,
      %mul3A_564 = arith.mulf %gather3A_562, %gather3A_563 : vector<16xf32>
      %add3A_565 = arith.addf %add3A_559, %mul3A_564 : vector<16xf32>
      %exp3A_566 = math.exp %add3A_565 : vector<16xf32>
      %swap3A_567 = arith.constant 64 : index
      %swap3A_568 = tpu.vector_load %arg11[%swap3A_567] {strides = array<i32>} : memref<80xf32, #tpu.memory_space<vmem>>, vector<16xf32>,
      tpu.vector_store %arg11[%swap3A_567], %exp3A_566 {strides = array<i32>} : memref<80xf32, #tpu.memory_space<vmem>>, vector<16xf32>,
      "tpu.region"() ({
        %run_scoped3A = tpu.sem_alloc : memref<!tpu.dma_semaphore, #tpu.memory_space<semaphore_mem>>
        %dma_start3A_570 = tpu.memref_slice %arg5[%add3A_36] : memref<3200000xf32, #tpu.memory_space<hbm>> -> memref<80xf32, #tpu.memory_space<hbm>>
        %dma_start3A_571 = tpu.memref_slice %arg5[%add3A_36] : memref<3200000xf32, #tpu.memory_space<hbm>> -> memref<80xf32, #tpu.memory_space<hbm>>
        tpu.enqueue_dma source(%arg11 : memref<80xf32, #tpu.memory_space<vmem>>) target(%dma_start3A_571 : memref<80xf32, #tpu.memory_space<hbm>>) target_semaphore(%run_scoped3A : memref<!tpu.dma_semaphore, #tpu.memory_space<semaphore_mem>>)
        %dma_wait3A_572 = tpu.memref_slice %arg5[%add3A_36] : memref<3200000xf32, #tpu.memory_space<hbm>> -> memref<80xf32, #tpu.memory_space<hbm>>
        %dma_wait3A_573 = tpu.memref_slice %arg5[%add3A_36] : memref<3200000xf32, #tpu.memory_space<hbm>> -> memref<80xf32, #tpu.memory_space<hbm>>
        tpu.wait_dma2 semaphore(%run_scoped3A : memref<!tpu.dma_semaphore, #tpu.memory_space<semaphore_mem>>) src(%arg11 : memref<80xf32, #tpu.memory_space<vmem>>) dst(%dma_wait3A_573 : memref<80xf32, #tpu.memory_space<hbm>>)
        tpu.yield
      }) : () -> ()
      "tpu.region"() ({
        %run_scoped3A = tpu.sem_alloc : memref<!tpu.dma_semaphore, #tpu.memory_space<semaphore_mem>>
        %dma_start3A_570 = arith.constant 0 : i32
        %dma_start3A_571 = tpu.memref_slice %arg13[%dma_start3A_570] : memref<101120xf32, #tpu.memory_space<vmem_shared>> -> memref<101120xf32, #tpu.memory_space<vmem_shared>>
        tpu.enqueue_indirect_dma source(%arg11 : memref<80xf32, #tpu.memory_space<vmem>>) target(%dma_start3A_571 : memref<101120xf32, #tpu.memory_space<vmem_shared>>) offsets(%arg8 : memref<80xi32, #tpu.memory_space<vmem>>) semaphore(%run_scoped3A : memref<!tpu.dma_semaphore, #tpu.memory_space<semaphore_mem>>) {add = true}
        %dma_wait3A_572 = arith.constant 0 : i32
        %dma_wait3A_573 = tpu.memref_slice %arg13[%dma_wait3A_572] : memref<101120xf32, #tpu.memory_space<vmem_shared>> -> memref<101120xf32, #tpu.memory_space<vmem_shared>>
        tpu.wait_indirect_dma semaphore(%run_scoped3A : memref<!tpu.dma_semaphore, #tpu.memory_space<semaphore_mem>>) src(%arg11 : memref<80xf32, #tpu.memory_space<vmem>>) dst(%dma_wait3A_573 : memref<101120xf32, #tpu.memory_space<vmem_shared>>)
        tpu.yield
      }) : () -> ()
      %scan3A_569 = arith.constant 0 : i32
      scf.yield %scan3A_569 : i32
    }
    %scan3A_27 = arith.constant 1250 : i32
    %barrier3A_28 = arith.constant 0 : index
    tpu.barrier barrier_id(%barrier3A_28)
    %mul3A_29 = arith.constant 101120 : i32
    %mul3A_30 = arith.muli %arg0, %mul3A_29 : i32
    %add3A_31 = arith.addi %mul3A_30, %mul3A_14 : i32
    "tpu.region"() ({
      %run_scoped3A = tpu.sem_alloc : memref<!tpu.dma_semaphore, #tpu.memory_space<semaphore_mem>>
      %dma_start3A = tpu.memref_slice %arg6[%add3A_31] : memref<202240xf32, #tpu.memory_space<hbm>> -> memref<6320xf32, #tpu.memory_space<hbm>>
      %dma_start3A_32 = tpu.memref_slice %arg13[%mul3A_14] : memref<101120xf32, #tpu.memory_space<vmem_shared>> -> memref<6320xf32, #tpu.memory_space<vmem_shared>>
      tpu.enqueue_dma source(%dma_start3A_32 : memref<6320xf32, #tpu.memory_space<vmem_shared>>) target(%dma_start3A : memref<6320xf32, #tpu.memory_space<hbm>>) target_semaphore(%run_scoped3A : memref<!tpu.dma_semaphore, #tpu.memory_space<semaphore_mem>>)
      %dma_wait3A = tpu.memref_slice %arg6[%add3A_31] : memref<202240xf32, #tpu.memory_space<hbm>> -> memref<6320xf32, #tpu.memory_space<hbm>>
      %dma_wait3A_33 = tpu.memref_slice %arg13[%mul3A_14] : memref<101120xf32, #tpu.memory_space<vmem_shared>> -> memref<6320xf32, #tpu.memory_space<vmem_shared>>
      tpu.wait_dma2 semaphore(%run_scoped3A : memref<!tpu.dma_semaphore, #tpu.memory_space<semaphore_mem>>) src(%dma_wait3A_33 : memref<6320xf32, #tpu.memory_space<vmem_shared>>) dst(%dma_wait3A : memref<6320xf32, #tpu.memory_space<hbm>>)
      tpu.yield
    }) : () -> ()
    return
  }
}

#map = affine_map<(d0, d1) -> (0, 0)>
#map1 = affine_map<(d0, d1) -> (0)>
#map2 = affine_map<(d0, d1) -> (0, 0, 0)>
module attributes {stable_mosaic.version = 14 : i64} {
  func.func @_agg1_body(%arg0: i32, %arg1: i32, %arg2: memref<101001x16xf32, #tpu.memory_space<hbm>>, %arg3: memref<3200000xi32, #tpu.memory_space<hbm>>, %arg4: memref<3200000xi32, #tpu.memory_space<hbm>>, %arg5: memref<3200000xf32, #tpu.memory_space<hbm>>, %arg6: memref<101120xf32, #tpu.memory_space<hbm>>, %arg7: memref<3200000xf32, #tpu.memory_space<hbm>>, %arg8: memref<2x101120x16xf32, #tpu.memory_space<hbm>>, %arg9: memref<80xi32, #tpu.memory_space<vmem>>, %arg10: memref<80xi32, #tpu.memory_space<vmem>>, %arg11: memref<80xf32, #tpu.memory_space<vmem>>, %arg12: memref<80xf32, #tpu.memory_space<vmem>>, %arg13: memref<80xf32, #tpu.memory_space<vmem>>, %arg14: memref<80x16xf32, #tpu.memory_space<vmem>>, %arg15: memref<80x16xf32, #tpu.memory_space<vmem>>, %arg16: memref<101120xf32, #tpu.memory_space<vmem_shared>>, %arg17: memref<101120x16xf32, #tpu.memory_space<vmem_shared>>, %arg18: memref<!tpu.dma_semaphore, #tpu.memory_space<semaphore_mem>>, %arg19: memref<!tpu.dma_semaphore, #tpu.memory_space<semaphore_mem>>) attributes {dimension_semantics = [#tpu.dimension_semantics<core_parallel>, #tpu.dimension_semantics<subcore_parallel>], iteration_bounds = array<i64: 2, 16>, scalar_prefetch = 0 : i64, scratch_operands = 11 : i64, tpu.core_type = #tpu.core_type<sc_vector_subcore>, window_params = [{transform_indices = #map}, {transform_indices = #map1}, {transform_indices = #map1}, {transform_indices = #map1}, {transform_indices = #map1}, {transform_indices = #map1}, {transform_indices = #map2}]} {
    %mul3A = arith.constant 1600000 : i32
    %mul3A_0 = arith.muli %arg0, %mul3A : i32
    %mul3A_1 = arith.constant 100000 : i32
    %mul3A_2 = arith.muli %arg1, %mul3A_1 : i32
    %add3A = arith.addi %mul3A_0, %mul3A_2 : i32
    %broadcast_in_dim3A = arith.constant 0.000000e+00 : f32
    %broadcast_in_dim3A_3 = vector.broadcast %broadcast_in_dim3A : f32 to vector<16xf32>
    %swap3A = arith.constant 0 : i32
    %swap3A_4 = arith.index_cast %swap3A : i32 to index
    %swap3A_5 = arith.constant 0 : index
    %swap3A_6 = tpu.vector_load %arg15[%swap3A_4, %swap3A_5] {strides = array<i32>} : memref<80x16xf32, #tpu.memory_space<vmem>>, vector<16xf32>,
    tpu.vector_store %arg15[%swap3A_4, %swap3A_5], %broadcast_in_dim3A_3 {strides = array<i32>} : memref<80x16xf32, #tpu.memory_space<vmem>>, vector<16xf32>,
    %swap3A_7 = arith.constant 1 : i32
    %swap3A_8 = arith.index_cast %swap3A_7 : i32 to index
    %swap3A_9 = arith.constant 0 : index
    %swap3A_10 = tpu.vector_load %arg15[%swap3A_8, %swap3A_9] {strides = array<i32>} : memref<80x16xf32, #tpu.memory_space<vmem>>, vector<16xf32>,
    tpu.vector_store %arg15[%swap3A_8, %swap3A_9], %broadcast_in_dim3A_3 {strides = array<i32>} : memref<80x16xf32, #tpu.memory_space<vmem>>, vector<16xf32>,
    %swap3A_11 = arith.constant 2 : i32
    %swap3A_12 = arith.index_cast %swap3A_11 : i32 to index
    %swap3A_13 = arith.constant 0 : index
    %swap3A_14 = tpu.vector_load %arg15[%swap3A_12, %swap3A_13] {strides = array<i32>} : memref<80x16xf32, #tpu.memory_space<vmem>>, vector<16xf32>,
    tpu.vector_store %arg15[%swap3A_12, %swap3A_13], %broadcast_in_dim3A_3 {strides = array<i32>} : memref<80x16xf32, #tpu.memory_space<vmem>>, vector<16xf32>,
    %swap3A_15 = arith.constant 3 : i32
    %swap3A_16 = arith.index_cast %swap3A_15 : i32 to index
    %swap3A_17 = arith.constant 0 : index
    %swap3A_18 = tpu.vector_load %arg15[%swap3A_16, %swap3A_17] {strides = array<i32>} : memref<80x16xf32, #tpu.memory_space<vmem>>, vector<16xf32>,
    tpu.vector_store %arg15[%swap3A_16, %swap3A_17], %broadcast_in_dim3A_3 {strides = array<i32>} : memref<80x16xf32, #tpu.memory_space<vmem>>, vector<16xf32>,
    %swap3A_19 = arith.constant 4 : i32
    %swap3A_20 = arith.index_cast %swap3A_19 : i32 to index
    %swap3A_21 = arith.constant 0 : index
    %swap3A_22 = tpu.vector_load %arg15[%swap3A_20, %swap3A_21] {strides = array<i32>} : memref<80x16xf32, #tpu.memory_space<vmem>>, vector<16xf32>,
    tpu.vector_store %arg15[%swap3A_20, %swap3A_21], %broadcast_in_dim3A_3 {strides = array<i32>} : memref<80x16xf32, #tpu.memory_space<vmem>>, vector<16xf32>,
    %swap3A_23 = arith.constant 5 : i32
    %swap3A_24 = arith.index_cast %swap3A_23 : i32 to index
    %swap3A_25 = arith.constant 0 : index
    %swap3A_26 = tpu.vector_load %arg15[%swap3A_24, %swap3A_25] {strides = array<i32>} : memref<80x16xf32, #tpu.memory_space<vmem>>, vector<16xf32>,
    tpu.vector_store %arg15[%swap3A_24, %swap3A_25], %broadcast_in_dim3A_3 {strides = array<i32>} : memref<80x16xf32, #tpu.memory_space<vmem>>, vector<16xf32>,
    %swap3A_27 = arith.constant 6 : i32
    %swap3A_28 = arith.index_cast %swap3A_27 : i32 to index
    %swap3A_29 = arith.constant 0 : index
    %swap3A_30 = tpu.vector_load %arg15[%swap3A_28, %swap3A_29] {strides = array<i32>} : memref<80x16xf32, #tpu.memory_space<vmem>>, vector<16xf32>,
    tpu.vector_store %arg15[%swap3A_28, %swap3A_29], %broadcast_in_dim3A_3 {strides = array<i32>} : memref<80x16xf32, #tpu.memory_space<vmem>>, vector<16xf32>,
    %swap3A_31 = arith.constant 7 : i32
    %swap3A_32 = arith.index_cast %swap3A_31 : i32 to index
    %swap3A_33 = arith.constant 0 : index
    %swap3A_34 = tpu.vector_load %arg15[%swap3A_32, %swap3A_33] {strides = array<i32>} : memref<80x16xf32, #tpu.memory_space<vmem>>, vector<16xf32>,
    tpu.vector_store %arg15[%swap3A_32, %swap3A_33], %broadcast_in_dim3A_3 {strides = array<i32>} : memref<80x16xf32, #tpu.memory_space<vmem>>, vector<16xf32>,
    %swap3A_35 = arith.constant 8 : i32
    %swap3A_36 = arith.index_cast %swap3A_35 : i32 to index
    %swap3A_37 = arith.constant 0 : index
    %swap3A_38 = tpu.vector_load %arg15[%swap3A_36, %swap3A_37] {strides = array<i32>} : memref<80x16xf32, #tpu.memory_space<vmem>>, vector<16xf32>,
    tpu.vector_store %arg15[%swap3A_36, %swap3A_37], %broadcast_in_dim3A_3 {strides = array<i32>} : memref<80x16xf32, #tpu.memory_space<vmem>>, vector<16xf32>,
    %swap3A_39 = arith.constant 9 : i32
    %swap3A_40 = arith.index_cast %swap3A_39 : i32 to index
    %swap3A_41 = arith.constant 0 : index
    %swap3A_42 = tpu.vector_load %arg15[%swap3A_40, %swap3A_41] {strides = array<i32>} : memref<80x16xf32, #tpu.memory_space<vmem>>, vector<16xf32>,
    tpu.vector_store %arg15[%swap3A_40, %swap3A_41], %broadcast_in_dim3A_3 {strides = array<i32>} : memref<80x16xf32, #tpu.memory_space<vmem>>, vector<16xf32>,
    %swap3A_43 = arith.constant 10 : i32
    %swap3A_44 = arith.index_cast %swap3A_43 : i32 to index
    %swap3A_45 = arith.constant 0 : index
    %swap3A_46 = tpu.vector_load %arg15[%swap3A_44, %swap3A_45] {strides = array<i32>} : memref<80x16xf32, #tpu.memory_space<vmem>>, vector<16xf32>,
    tpu.vector_store %arg15[%swap3A_44, %swap3A_45], %broadcast_in_dim3A_3 {strides = array<i32>} : memref<80x16xf32, #tpu.memory_space<vmem>>, vector<16xf32>,
    %swap3A_47 = arith.constant 11 : i32
    %swap3A_48 = arith.index_cast %swap3A_47 : i32 to index
    %swap3A_49 = arith.constant 0 : index
    %swap3A_50 = tpu.vector_load %arg15[%swap3A_48, %swap3A_49] {strides = array<i32>} : memref<80x16xf32, #tpu.memory_space<vmem>>, vector<16xf32>,
    tpu.vector_store %arg15[%swap3A_48, %swap3A_49], %broadcast_in_dim3A_3 {strides = array<i32>} : memref<80x16xf32, #tpu.memory_space<vmem>>, vector<16xf32>,
    %swap3A_51 = arith.constant 12 : i32
    %swap3A_52 = arith.index_cast %swap3A_51 : i32 to index
    %swap3A_53 = arith.constant 0 : index
    %swap3A_54 = tpu.vector_load %arg15[%swap3A_52, %swap3A_53] {strides = array<i32>} : memref<80x16xf32, #tpu.memory_space<vmem>>, vector<16xf32>,
    tpu.vector_store %arg15[%swap3A_52, %swap3A_53], %broadcast_in_dim3A_3 {strides = array<i32>} : memref<80x16xf32, #tpu.memory_space<vmem>>, vector<16xf32>,
    %swap3A_55 = arith.constant 13 : i32
    %swap3A_56 = arith.index_cast %swap3A_55 : i32 to index
    %swap3A_57 = arith.constant 0 : index
    %swap3A_58 = tpu.vector_load %arg15[%swap3A_56, %swap3A_57] {strides = array<i32>} : memref<80x16xf32, #tpu.memory_space<vmem>>, vector<16xf32>,
    tpu.vector_store %arg15[%swap3A_56, %swap3A_57], %broadcast_in_dim3A_3 {strides = array<i32>} : memref<80x16xf32, #tpu.memory_space<vmem>>, vector<16xf32>,
    %swap3A_59 = arith.constant 14 : i32
    %swap3A_60 = arith.index_cast %swap3A_59 : i32 to index
    %swap3A_61 = arith.constant 0 : index
    %swap3A_62 = tpu.vector_load %arg15[%swap3A_60, %swap3A_61] {strides = array<i32>} : memref<80x16xf32, #tpu.memory_space<vmem>>, vector<16xf32>,
    tpu.vector_store %arg15[%swap3A_60, %swap3A_61], %broadcast_in_dim3A_3 {strides = array<i32>} : memref<80x16xf32, #tpu.memory_space<vmem>>, vector<16xf32>,
    %swap3A_63 = arith.constant 15 : i32
    %swap3A_64 = arith.index_cast %swap3A_63 : i32 to index
    %swap3A_65 = arith.constant 0 : index
    %swap3A_66 = tpu.vector_load %arg15[%swap3A_64, %swap3A_65] {strides = array<i32>} : memref<80x16xf32, #tpu.memory_space<vmem>>, vector<16xf32>,
    tpu.vector_store %arg15[%swap3A_64, %swap3A_65], %broadcast_in_dim3A_3 {strides = array<i32>} : memref<80x16xf32, #tpu.memory_space<vmem>>, vector<16xf32>,
    %swap3A_67 = arith.constant 16 : i32
    %swap3A_68 = arith.index_cast %swap3A_67 : i32 to index
    %swap3A_69 = arith.constant 0 : index
    %swap3A_70 = tpu.vector_load %arg15[%swap3A_68, %swap3A_69] {strides = array<i32>} : memref<80x16xf32, #tpu.memory_space<vmem>>, vector<16xf32>,
    tpu.vector_store %arg15[%swap3A_68, %swap3A_69], %broadcast_in_dim3A_3 {strides = array<i32>} : memref<80x16xf32, #tpu.memory_space<vmem>>, vector<16xf32>,
    %swap3A_71 = arith.constant 17 : i32
    %swap3A_72 = arith.index_cast %swap3A_71 : i32 to index
    %swap3A_73 = arith.constant 0 : index
    %swap3A_74 = tpu.vector_load %arg15[%swap3A_72, %swap3A_73] {strides = array<i32>} : memref<80x16xf32, #tpu.memory_space<vmem>>, vector<16xf32>,
    tpu.vector_store %arg15[%swap3A_72, %swap3A_73], %broadcast_in_dim3A_3 {strides = array<i32>} : memref<80x16xf32, #tpu.memory_space<vmem>>, vector<16xf32>,
    %swap3A_75 = arith.constant 18 : i32
    %swap3A_76 = arith.index_cast %swap3A_75 : i32 to index
    %swap3A_77 = arith.constant 0 : index
    %swap3A_78 = tpu.vector_load %arg15[%swap3A_76, %swap3A_77] {strides = array<i32>} : memref<80x16xf32, #tpu.memory_space<vmem>>, vector<16xf32>,
    tpu.vector_store %arg15[%swap3A_76, %swap3A_77], %broadcast_in_dim3A_3 {strides = array<i32>} : memref<80x16xf32, #tpu.memory_space<vmem>>, vector<16xf32>,
    %swap3A_79 = arith.constant 19 : i32
    %swap3A_80 = arith.index_cast %swap3A_79 : i32 to index
    %swap3A_81 = arith.constant 0 : index
    %swap3A_82 = tpu.vector_load %arg15[%swap3A_80, %swap3A_81] {strides = array<i32>} : memref<80x16xf32, #tpu.memory_space<vmem>>, vector<16xf32>,
    tpu.vector_store %arg15[%swap3A_80, %swap3A_81], %broadcast_in_dim3A_3 {strides = array<i32>} : memref<80x16xf32, #tpu.memory_space<vmem>>, vector<16xf32>,
    %swap3A_83 = arith.constant 20 : i32
    %swap3A_84 = arith.index_cast %swap3A_83 : i32 to index
    %swap3A_85 = arith.constant 0 : index
    %swap3A_86 = tpu.vector_load %arg15[%swap3A_84, %swap3A_85] {strides = array<i32>} : memref<80x16xf32, #tpu.memory_space<vmem>>, vector<16xf32>,
    tpu.vector_store %arg15[%swap3A_84, %swap3A_85], %broadcast_in_dim3A_3 {strides = array<i32>} : memref<80x16xf32, #tpu.memory_space<vmem>>, vector<16xf32>,
    %swap3A_87 = arith.constant 21 : i32
    %swap3A_88 = arith.index_cast %swap3A_87 : i32 to index
    %swap3A_89 = arith.constant 0 : index
    %swap3A_90 = tpu.vector_load %arg15[%swap3A_88, %swap3A_89] {strides = array<i32>} : memref<80x16xf32, #tpu.memory_space<vmem>>, vector<16xf32>,
    tpu.vector_store %arg15[%swap3A_88, %swap3A_89], %broadcast_in_dim3A_3 {strides = array<i32>} : memref<80x16xf32, #tpu.memory_space<vmem>>, vector<16xf32>,
    %swap3A_91 = arith.constant 22 : i32
    %swap3A_92 = arith.index_cast %swap3A_91 : i32 to index
    %swap3A_93 = arith.constant 0 : index
    %swap3A_94 = tpu.vector_load %arg15[%swap3A_92, %swap3A_93] {strides = array<i32>} : memref<80x16xf32, #tpu.memory_space<vmem>>, vector<16xf32>,
    tpu.vector_store %arg15[%swap3A_92, %swap3A_93], %broadcast_in_dim3A_3 {strides = array<i32>} : memref<80x16xf32, #tpu.memory_space<vmem>>, vector<16xf32>,
    %swap3A_95 = arith.constant 23 : i32
    %swap3A_96 = arith.index_cast %swap3A_95 : i32 to index
    %swap3A_97 = arith.constant 0 : index
    %swap3A_98 = tpu.vector_load %arg15[%swap3A_96, %swap3A_97] {strides = array<i32>} : memref<80x16xf32, #tpu.memory_space<vmem>>, vector<16xf32>,
    tpu.vector_store %arg15[%swap3A_96, %swap3A_97], %broadcast_in_dim3A_3 {strides = array<i32>} : memref<80x16xf32, #tpu.memory_space<vmem>>, vector<16xf32>,
    %swap3A_99 = arith.constant 24 : i32
    %swap3A_100 = arith.index_cast %swap3A_99 : i32 to index
    %swap3A_101 = arith.constant 0 : index
    %swap3A_102 = tpu.vector_load %arg15[%swap3A_100, %swap3A_101] {strides = array<i32>} : memref<80x16xf32, #tpu.memory_space<vmem>>, vector<16xf32>,
    tpu.vector_store %arg15[%swap3A_100, %swap3A_101], %broadcast_in_dim3A_3 {strides = array<i32>} : memref<80x16xf32, #tpu.memory_space<vmem>>, vector<16xf32>,
    %swap3A_103 = arith.constant 25 : i32
    %swap3A_104 = arith.index_cast %swap3A_103 : i32 to index
    %swap3A_105 = arith.constant 0 : index
    %swap3A_106 = tpu.vector_load %arg15[%swap3A_104, %swap3A_105] {strides = array<i32>} : memref<80x16xf32, #tpu.memory_space<vmem>>, vector<16xf32>,
    tpu.vector_store %arg15[%swap3A_104, %swap3A_105], %broadcast_in_dim3A_3 {strides = array<i32>} : memref<80x16xf32, #tpu.memory_space<vmem>>, vector<16xf32>,
    %swap3A_107 = arith.constant 26 : i32
    %swap3A_108 = arith.index_cast %swap3A_107 : i32 to index
    %swap3A_109 = arith.constant 0 : index
    %swap3A_110 = tpu.vector_load %arg15[%swap3A_108, %swap3A_109] {strides = array<i32>} : memref<80x16xf32, #tpu.memory_space<vmem>>, vector<16xf32>,
    tpu.vector_store %arg15[%swap3A_108, %swap3A_109], %broadcast_in_dim3A_3 {strides = array<i32>} : memref<80x16xf32, #tpu.memory_space<vmem>>, vector<16xf32>,
    %swap3A_111 = arith.constant 27 : i32
    %swap3A_112 = arith.index_cast %swap3A_111 : i32 to index
    %swap3A_113 = arith.constant 0 : index
    %swap3A_114 = tpu.vector_load %arg15[%swap3A_112, %swap3A_113] {strides = array<i32>} : memref<80x16xf32, #tpu.memory_space<vmem>>, vector<16xf32>,
    tpu.vector_store %arg15[%swap3A_112, %swap3A_113], %broadcast_in_dim3A_3 {strides = array<i32>} : memref<80x16xf32, #tpu.memory_space<vmem>>, vector<16xf32>,
    %swap3A_115 = arith.constant 28 : i32
    %swap3A_116 = arith.index_cast %swap3A_115 : i32 to index
    %swap3A_117 = arith.constant 0 : index
    %swap3A_118 = tpu.vector_load %arg15[%swap3A_116, %swap3A_117] {strides = array<i32>} : memref<80x16xf32, #tpu.memory_space<vmem>>, vector<16xf32>,
    tpu.vector_store %arg15[%swap3A_116, %swap3A_117], %broadcast_in_dim3A_3 {strides = array<i32>} : memref<80x16xf32, #tpu.memory_space<vmem>>, vector<16xf32>,
    %swap3A_119 = arith.constant 29 : i32
    %swap3A_120 = arith.index_cast %swap3A_119 : i32 to index
    %swap3A_121 = arith.constant 0 : index
    %swap3A_122 = tpu.vector_load %arg15[%swap3A_120, %swap3A_121] {strides = array<i32>} : memref<80x16xf32, #tpu.memory_space<vmem>>, vector<16xf32>,
    tpu.vector_store %arg15[%swap3A_120, %swap3A_121], %broadcast_in_dim3A_3 {strides = array<i32>} : memref<80x16xf32, #tpu.memory_space<vmem>>, vector<16xf32>,
    %swap3A_123 = arith.constant 30 : i32
    %swap3A_124 = arith.index_cast %swap3A_123 : i32 to index
    %swap3A_125 = arith.constant 0 : index
    %swap3A_126 = tpu.vector_load %arg15[%swap3A_124, %swap3A_125] {strides = array<i32>} : memref<80x16xf32, #tpu.memory_space<vmem>>, vector<16xf32>,
    tpu.vector_store %arg15[%swap3A_124, %swap3A_125], %broadcast_in_dim3A_3 {strides = array<i32>} : memref<80x16xf32, #tpu.memory_space<vmem>>, vector<16xf32>,
    %swap3A_127 = arith.constant 31 : i32
    %swap3A_128 = arith.index_cast %swap3A_127 : i32 to index
    %swap3A_129 = arith.constant 0 : index
    %swap3A_130 = tpu.vector_load %arg15[%swap3A_128, %swap3A_129] {strides = array<i32>} : memref<80x16xf32, #tpu.memory_space<vmem>>, vector<16xf32>,
    tpu.vector_store %arg15[%swap3A_128, %swap3A_129], %broadcast_in_dim3A_3 {strides = array<i32>} : memref<80x16xf32, #tpu.memory_space<vmem>>, vector<16xf32>,
    %swap3A_131 = arith.constant 32 : i32
    %swap3A_132 = arith.index_cast %swap3A_131 : i32 to index
    %swap3A_133 = arith.constant 0 : index
    %swap3A_134 = tpu.vector_load %arg15[%swap3A_132, %swap3A_133] {strides = array<i32>} : memref<80x16xf32, #tpu.memory_space<vmem>>, vector<16xf32>,
    tpu.vector_store %arg15[%swap3A_132, %swap3A_133], %broadcast_in_dim3A_3 {strides = array<i32>} : memref<80x16xf32, #tpu.memory_space<vmem>>, vector<16xf32>,
    %swap3A_135 = arith.constant 33 : i32
    %swap3A_136 = arith.index_cast %swap3A_135 : i32 to index
    %swap3A_137 = arith.constant 0 : index
    %swap3A_138 = tpu.vector_load %arg15[%swap3A_136, %swap3A_137] {strides = array<i32>} : memref<80x16xf32, #tpu.memory_space<vmem>>, vector<16xf32>,
    tpu.vector_store %arg15[%swap3A_136, %swap3A_137], %broadcast_in_dim3A_3 {strides = array<i32>} : memref<80x16xf32, #tpu.memory_space<vmem>>, vector<16xf32>,
    %swap3A_139 = arith.constant 34 : i32
    %swap3A_140 = arith.index_cast %swap3A_139 : i32 to index
    %swap3A_141 = arith.constant 0 : index
    %swap3A_142 = tpu.vector_load %arg15[%swap3A_140, %swap3A_141] {strides = array<i32>} : memref<80x16xf32, #tpu.memory_space<vmem>>, vector<16xf32>,
    tpu.vector_store %arg15[%swap3A_140, %swap3A_141], %broadcast_in_dim3A_3 {strides = array<i32>} : memref<80x16xf32, #tpu.memory_space<vmem>>, vector<16xf32>,
    %swap3A_143 = arith.constant 35 : i32
    %swap3A_144 = arith.index_cast %swap3A_143 : i32 to index
    %swap3A_145 = arith.constant 0 : index
    %swap3A_146 = tpu.vector_load %arg15[%swap3A_144, %swap3A_145] {strides = array<i32>} : memref<80x16xf32, #tpu.memory_space<vmem>>, vector<16xf32>,
    tpu.vector_store %arg15[%swap3A_144, %swap3A_145], %broadcast_in_dim3A_3 {strides = array<i32>} : memref<80x16xf32, #tpu.memory_space<vmem>>, vector<16xf32>,
    %swap3A_147 = arith.constant 36 : i32
    %swap3A_148 = arith.index_cast %swap3A_147 : i32 to index
    %swap3A_149 = arith.constant 0 : index
    %swap3A_150 = tpu.vector_load %arg15[%swap3A_148, %swap3A_149] {strides = array<i32>} : memref<80x16xf32, #tpu.memory_space<vmem>>, vector<16xf32>,
    tpu.vector_store %arg15[%swap3A_148, %swap3A_149], %broadcast_in_dim3A_3 {strides = array<i32>} : memref<80x16xf32, #tpu.memory_space<vmem>>, vector<16xf32>,
    %swap3A_151 = arith.constant 37 : i32
    %swap3A_152 = arith.index_cast %swap3A_151 : i32 to index
    %swap3A_153 = arith.constant 0 : index
    %swap3A_154 = tpu.vector_load %arg15[%swap3A_152, %swap3A_153] {strides = array<i32>} : memref<80x16xf32, #tpu.memory_space<vmem>>, vector<16xf32>,
    tpu.vector_store %arg15[%swap3A_152, %swap3A_153], %broadcast_in_dim3A_3 {strides = array<i32>} : memref<80x16xf32, #tpu.memory_space<vmem>>, vector<16xf32>,
    %swap3A_155 = arith.constant 38 : i32
    %swap3A_156 = arith.index_cast %swap3A_155 : i32 to index
    %swap3A_157 = arith.constant 0 : index
    %swap3A_158 = tpu.vector_load %arg15[%swap3A_156, %swap3A_157] {strides = array<i32>} : memref<80x16xf32, #tpu.memory_space<vmem>>, vector<16xf32>,
    tpu.vector_store %arg15[%swap3A_156, %swap3A_157], %broadcast_in_dim3A_3 {strides = array<i32>} : memref<80x16xf32, #tpu.memory_space<vmem>>, vector<16xf32>,
    %swap3A_159 = arith.constant 39 : i32
    %swap3A_160 = arith.index_cast %swap3A_159 : i32 to index
    %swap3A_161 = arith.constant 0 : index
    %swap3A_162 = tpu.vector_load %arg15[%swap3A_160, %swap3A_161] {strides = array<i32>} : memref<80x16xf32, #tpu.memory_space<vmem>>, vector<16xf32>,
    tpu.vector_store %arg15[%swap3A_160, %swap3A_161], %broadcast_in_dim3A_3 {strides = array<i32>} : memref<80x16xf32, #tpu.memory_space<vmem>>, vector<16xf32>,
    %swap3A_163 = arith.constant 40 : i32
    %swap3A_164 = arith.index_cast %swap3A_163 : i32 to index
    %swap3A_165 = arith.constant 0 : index
    %swap3A_166 = tpu.vector_load %arg15[%swap3A_164, %swap3A_165] {strides = array<i32>} : memref<80x16xf32, #tpu.memory_space<vmem>>, vector<16xf32>,
    tpu.vector_store %arg15[%swap3A_164, %swap3A_165], %broadcast_in_dim3A_3 {strides = array<i32>} : memref<80x16xf32, #tpu.memory_space<vmem>>, vector<16xf32>,
    %swap3A_167 = arith.constant 41 : i32
    %swap3A_168 = arith.index_cast %swap3A_167 : i32 to index
    %swap3A_169 = arith.constant 0 : index
    %swap3A_170 = tpu.vector_load %arg15[%swap3A_168, %swap3A_169] {strides = array<i32>} : memref<80x16xf32, #tpu.memory_space<vmem>>, vector<16xf32>,
    tpu.vector_store %arg15[%swap3A_168, %swap3A_169], %broadcast_in_dim3A_3 {strides = array<i32>} : memref<80x16xf32, #tpu.memory_space<vmem>>, vector<16xf32>,
    %swap3A_171 = arith.constant 42 : i32
    %swap3A_172 = arith.index_cast %swap3A_171 : i32 to index
    %swap3A_173 = arith.constant 0 : index
    %swap3A_174 = tpu.vector_load %arg15[%swap3A_172, %swap3A_173] {strides = array<i32>} : memref<80x16xf32, #tpu.memory_space<vmem>>, vector<16xf32>,
    tpu.vector_store %arg15[%swap3A_172, %swap3A_173], %broadcast_in_dim3A_3 {strides = array<i32>} : memref<80x16xf32, #tpu.memory_space<vmem>>, vector<16xf32>,
    %swap3A_175 = arith.constant 43 : i32
    %swap3A_176 = arith.index_cast %swap3A_175 : i32 to index
    %swap3A_177 = arith.constant 0 : index
    %swap3A_178 = tpu.vector_load %arg15[%swap3A_176, %swap3A_177] {strides = array<i32>} : memref<80x16xf32, #tpu.memory_space<vmem>>, vector<16xf32>,
    tpu.vector_store %arg15[%swap3A_176, %swap3A_177], %broadcast_in_dim3A_3 {strides = array<i32>} : memref<80x16xf32, #tpu.memory_space<vmem>>, vector<16xf32>,
    %swap3A_179 = arith.constant 44 : i32
    %swap3A_180 = arith.index_cast %swap3A_179 : i32 to index
    %swap3A_181 = arith.constant 0 : index
    %swap3A_182 = tpu.vector_load %arg15[%swap3A_180, %swap3A_181] {strides = array<i32>} : memref<80x16xf32, #tpu.memory_space<vmem>>, vector<16xf32>,
    tpu.vector_store %arg15[%swap3A_180, %swap3A_181], %broadcast_in_dim3A_3 {strides = array<i32>} : memref<80x16xf32, #tpu.memory_space<vmem>>, vector<16xf32>,
    %swap3A_183 = arith.constant 45 : i32
    %swap3A_184 = arith.index_cast %swap3A_183 : i32 to index
    %swap3A_185 = arith.constant 0 : index
    %swap3A_186 = tpu.vector_load %arg15[%swap3A_184, %swap3A_185] {strides = array<i32>} : memref<80x16xf32, #tpu.memory_space<vmem>>, vector<16xf32>,
    tpu.vector_store %arg15[%swap3A_184, %swap3A_185], %broadcast_in_dim3A_3 {strides = array<i32>} : memref<80x16xf32, #tpu.memory_space<vmem>>, vector<16xf32>,
    %swap3A_187 = arith.constant 46 : i32
    %swap3A_188 = arith.index_cast %swap3A_187 : i32 to index
    %swap3A_189 = arith.constant 0 : index
    %swap3A_190 = tpu.vector_load %arg15[%swap3A_188, %swap3A_189] {strides = array<i32>} : memref<80x16xf32, #tpu.memory_space<vmem>>, vector<16xf32>,
    tpu.vector_store %arg15[%swap3A_188, %swap3A_189], %broadcast_in_dim3A_3 {strides = array<i32>} : memref<80x16xf32, #tpu.memory_space<vmem>>, vector<16xf32>,
    %swap3A_191 = arith.constant 47 : i32
    %swap3A_192 = arith.index_cast %swap3A_191 : i32 to index
    %swap3A_193 = arith.constant 0 : index
    %swap3A_194 = tpu.vector_load %arg15[%swap3A_192, %swap3A_193] {strides = array<i32>} : memref<80x16xf32, #tpu.memory_space<vmem>>, vector<16xf32>,
    tpu.vector_store %arg15[%swap3A_192, %swap3A_193], %broadcast_in_dim3A_3 {strides = array<i32>} : memref<80x16xf32, #tpu.memory_space<vmem>>, vector<16xf32>,
    %swap3A_195 = arith.constant 48 : i32
    %swap3A_196 = arith.index_cast %swap3A_195 : i32 to index
    %swap3A_197 = arith.constant 0 : index
    %swap3A_198 = tpu.vector_load %arg15[%swap3A_196, %swap3A_197] {strides = array<i32>} : memref<80x16xf32, #tpu.memory_space<vmem>>, vector<16xf32>,
    tpu.vector_store %arg15[%swap3A_196, %swap3A_197], %broadcast_in_dim3A_3 {strides = array<i32>} : memref<80x16xf32, #tpu.memory_space<vmem>>, vector<16xf32>,
    %swap3A_199 = arith.constant 49 : i32
    %swap3A_200 = arith.index_cast %swap3A_199 : i32 to index
    %swap3A_201 = arith.constant 0 : index
    %swap3A_202 = tpu.vector_load %arg15[%swap3A_200, %swap3A_201] {strides = array<i32>} : memref<80x16xf32, #tpu.memory_space<vmem>>, vector<16xf32>,
    tpu.vector_store %arg15[%swap3A_200, %swap3A_201], %broadcast_in_dim3A_3 {strides = array<i32>} : memref<80x16xf32, #tpu.memory_space<vmem>>, vector<16xf32>,
    %swap3A_203 = arith.constant 50 : i32
    %swap3A_204 = arith.index_cast %swap3A_203 : i32 to index
    %swap3A_205 = arith.constant 0 : index
    %swap3A_206 = tpu.vector_load %arg15[%swap3A_204, %swap3A_205] {strides = array<i32>} : memref<80x16xf32, #tpu.memory_space<vmem>>, vector<16xf32>,
    tpu.vector_store %arg15[%swap3A_204, %swap3A_205], %broadcast_in_dim3A_3 {strides = array<i32>} : memref<80x16xf32, #tpu.memory_space<vmem>>, vector<16xf32>,
    %swap3A_207 = arith.constant 51 : i32
    %swap3A_208 = arith.index_cast %swap3A_207 : i32 to index
    %swap3A_209 = arith.constant 0 : index
    %swap3A_210 = tpu.vector_load %arg15[%swap3A_208, %swap3A_209] {strides = array<i32>} : memref<80x16xf32, #tpu.memory_space<vmem>>, vector<16xf32>,
    tpu.vector_store %arg15[%swap3A_208, %swap3A_209], %broadcast_in_dim3A_3 {strides = array<i32>} : memref<80x16xf32, #tpu.memory_space<vmem>>, vector<16xf32>,
    %swap3A_211 = arith.constant 52 : i32
    %swap3A_212 = arith.index_cast %swap3A_211 : i32 to index
    %swap3A_213 = arith.constant 0 : index
    %swap3A_214 = tpu.vector_load %arg15[%swap3A_212, %swap3A_213] {strides = array<i32>} : memref<80x16xf32, #tpu.memory_space<vmem>>, vector<16xf32>,
    tpu.vector_store %arg15[%swap3A_212, %swap3A_213], %broadcast_in_dim3A_3 {strides = array<i32>} : memref<80x16xf32, #tpu.memory_space<vmem>>, vector<16xf32>,
    %swap3A_215 = arith.constant 53 : i32
    %swap3A_216 = arith.index_cast %swap3A_215 : i32 to index
    %swap3A_217 = arith.constant 0 : index
    %swap3A_218 = tpu.vector_load %arg15[%swap3A_216, %swap3A_217] {strides = array<i32>} : memref<80x16xf32, #tpu.memory_space<vmem>>, vector<16xf32>,
    tpu.vector_store %arg15[%swap3A_216, %swap3A_217], %broadcast_in_dim3A_3 {strides = array<i32>} : memref<80x16xf32, #tpu.memory_space<vmem>>, vector<16xf32>,
    %swap3A_219 = arith.constant 54 : i32
    %swap3A_220 = arith.index_cast %swap3A_219 : i32 to index
    %swap3A_221 = arith.constant 0 : index
    %swap3A_222 = tpu.vector_load %arg15[%swap3A_220, %swap3A_221] {strides = array<i32>} : memref<80x16xf32, #tpu.memory_space<vmem>>, vector<16xf32>,
    tpu.vector_store %arg15[%swap3A_220, %swap3A_221], %broadcast_in_dim3A_3 {strides = array<i32>} : memref<80x16xf32, #tpu.memory_space<vmem>>, vector<16xf32>,
    %swap3A_223 = arith.constant 55 : i32
    %swap3A_224 = arith.index_cast %swap3A_223 : i32 to index
    %swap3A_225 = arith.constant 0 : index
    %swap3A_226 = tpu.vector_load %arg15[%swap3A_224, %swap3A_225] {strides = array<i32>} : memref<80x16xf32, #tpu.memory_space<vmem>>, vector<16xf32>,
    tpu.vector_store %arg15[%swap3A_224, %swap3A_225], %broadcast_in_dim3A_3 {strides = array<i32>} : memref<80x16xf32, #tpu.memory_space<vmem>>, vector<16xf32>,
    %swap3A_227 = arith.constant 56 : i32
    %swap3A_228 = arith.index_cast %swap3A_227 : i32 to index
    %swap3A_229 = arith.constant 0 : index
    %swap3A_230 = tpu.vector_load %arg15[%swap3A_228, %swap3A_229] {strides = array<i32>} : memref<80x16xf32, #tpu.memory_space<vmem>>, vector<16xf32>,
    tpu.vector_store %arg15[%swap3A_228, %swap3A_229], %broadcast_in_dim3A_3 {strides = array<i32>} : memref<80x16xf32, #tpu.memory_space<vmem>>, vector<16xf32>,
    %swap3A_231 = arith.constant 57 : i32
    %swap3A_232 = arith.index_cast %swap3A_231 : i32 to index
    %swap3A_233 = arith.constant 0 : index
    %swap3A_234 = tpu.vector_load %arg15[%swap3A_232, %swap3A_233] {strides = array<i32>} : memref<80x16xf32, #tpu.memory_space<vmem>>, vector<16xf32>,
    tpu.vector_store %arg15[%swap3A_232, %swap3A_233], %broadcast_in_dim3A_3 {strides = array<i32>} : memref<80x16xf32, #tpu.memory_space<vmem>>, vector<16xf32>,
    %swap3A_235 = arith.constant 58 : i32
    %swap3A_236 = arith.index_cast %swap3A_235 : i32 to index
    %swap3A_237 = arith.constant 0 : index
    %swap3A_238 = tpu.vector_load %arg15[%swap3A_236, %swap3A_237] {strides = array<i32>} : memref<80x16xf32, #tpu.memory_space<vmem>>, vector<16xf32>,
    tpu.vector_store %arg15[%swap3A_236, %swap3A_237], %broadcast_in_dim3A_3 {strides = array<i32>} : memref<80x16xf32, #tpu.memory_space<vmem>>, vector<16xf32>,
    %swap3A_239 = arith.constant 59 : i32
    %swap3A_240 = arith.index_cast %swap3A_239 : i32 to index
    %swap3A_241 = arith.constant 0 : index
    %swap3A_242 = tpu.vector_load %arg15[%swap3A_240, %swap3A_241] {strides = array<i32>} : memref<80x16xf32, #tpu.memory_space<vmem>>, vector<16xf32>,
    tpu.vector_store %arg15[%swap3A_240, %swap3A_241], %broadcast_in_dim3A_3 {strides = array<i32>} : memref<80x16xf32, #tpu.memory_space<vmem>>, vector<16xf32>,
    %swap3A_243 = arith.constant 60 : i32
    %swap3A_244 = arith.index_cast %swap3A_243 : i32 to index
    %swap3A_245 = arith.constant 0 : index
    %swap3A_246 = tpu.vector_load %arg15[%swap3A_244, %swap3A_245] {strides = array<i32>} : memref<80x16xf32, #tpu.memory_space<vmem>>, vector<16xf32>,
    tpu.vector_store %arg15[%swap3A_244, %swap3A_245], %broadcast_in_dim3A_3 {strides = array<i32>} : memref<80x16xf32, #tpu.memory_space<vmem>>, vector<16xf32>,
    %swap3A_247 = arith.constant 61 : i32
    %swap3A_248 = arith.index_cast %swap3A_247 : i32 to index
    %swap3A_249 = arith.constant 0 : index
    %swap3A_250 = tpu.vector_load %arg15[%swap3A_248, %swap3A_249] {strides = array<i32>} : memref<80x16xf32, #tpu.memory_space<vmem>>, vector<16xf32>,
    tpu.vector_store %arg15[%swap3A_248, %swap3A_249], %broadcast_in_dim3A_3 {strides = array<i32>} : memref<80x16xf32, #tpu.memory_space<vmem>>, vector<16xf32>,
    %swap3A_251 = arith.constant 62 : i32
    %swap3A_252 = arith.index_cast %swap3A_251 : i32 to index
    %swap3A_253 = arith.constant 0 : index
    %swap3A_254 = tpu.vector_load %arg15[%swap3A_252, %swap3A_253] {strides = array<i32>} : memref<80x16xf32, #tpu.memory_space<vmem>>, vector<16xf32>,
    tpu.vector_store %arg15[%swap3A_252, %swap3A_253], %broadcast_in_dim3A_3 {strides = array<i32>} : memref<80x16xf32, #tpu.memory_space<vmem>>, vector<16xf32>,
    %swap3A_255 = arith.constant 63 : i32
    %swap3A_256 = arith.index_cast %swap3A_255 : i32 to index
    %swap3A_257 = arith.constant 0 : index
    %swap3A_258 = tpu.vector_load %arg15[%swap3A_256, %swap3A_257] {strides = array<i32>} : memref<80x16xf32, #tpu.memory_space<vmem>>, vector<16xf32>,
    tpu.vector_store %arg15[%swap3A_256, %swap3A_257], %broadcast_in_dim3A_3 {strides = array<i32>} : memref<80x16xf32, #tpu.memory_space<vmem>>, vector<16xf32>,
    %swap3A_259 = arith.constant 64 : i32
    %swap3A_260 = arith.index_cast %swap3A_259 : i32 to index
    %swap3A_261 = arith.constant 0 : index
    %swap3A_262 = tpu.vector_load %arg15[%swap3A_260, %swap3A_261] {strides = array<i32>} : memref<80x16xf32, #tpu.memory_space<vmem>>, vector<16xf32>,
    tpu.vector_store %arg15[%swap3A_260, %swap3A_261], %broadcast_in_dim3A_3 {strides = array<i32>} : memref<80x16xf32, #tpu.memory_space<vmem>>, vector<16xf32>,
    %swap3A_263 = arith.constant 65 : i32
    %swap3A_264 = arith.index_cast %swap3A_263 : i32 to index
    %swap3A_265 = arith.constant 0 : index
    %swap3A_266 = tpu.vector_load %arg15[%swap3A_264, %swap3A_265] {strides = array<i32>} : memref<80x16xf32, #tpu.memory_space<vmem>>, vector<16xf32>,
    tpu.vector_store %arg15[%swap3A_264, %swap3A_265], %broadcast_in_dim3A_3 {strides = array<i32>} : memref<80x16xf32, #tpu.memory_space<vmem>>, vector<16xf32>,
    %swap3A_267 = arith.constant 66 : i32
    %swap3A_268 = arith.index_cast %swap3A_267 : i32 to index
    %swap3A_269 = arith.constant 0 : index
    %swap3A_270 = tpu.vector_load %arg15[%swap3A_268, %swap3A_269] {strides = array<i32>} : memref<80x16xf32, #tpu.memory_space<vmem>>, vector<16xf32>,
    tpu.vector_store %arg15[%swap3A_268, %swap3A_269], %broadcast_in_dim3A_3 {strides = array<i32>} : memref<80x16xf32, #tpu.memory_space<vmem>>, vector<16xf32>,
    %swap3A_271 = arith.constant 67 : i32
    %swap3A_272 = arith.index_cast %swap3A_271 : i32 to index
    %swap3A_273 = arith.constant 0 : index
    %swap3A_274 = tpu.vector_load %arg15[%swap3A_272, %swap3A_273] {strides = array<i32>} : memref<80x16xf32, #tpu.memory_space<vmem>>, vector<16xf32>,
    tpu.vector_store %arg15[%swap3A_272, %swap3A_273], %broadcast_in_dim3A_3 {strides = array<i32>} : memref<80x16xf32, #tpu.memory_space<vmem>>, vector<16xf32>,
    %swap3A_275 = arith.constant 68 : i32
    %swap3A_276 = arith.index_cast %swap3A_275 : i32 to index
    %swap3A_277 = arith.constant 0 : index
    %swap3A_278 = tpu.vector_load %arg15[%swap3A_276, %swap3A_277] {strides = array<i32>} : memref<80x16xf32, #tpu.memory_space<vmem>>, vector<16xf32>,
    tpu.vector_store %arg15[%swap3A_276, %swap3A_277], %broadcast_in_dim3A_3 {strides = array<i32>} : memref<80x16xf32, #tpu.memory_space<vmem>>, vector<16xf32>,
    %swap3A_279 = arith.constant 69 : i32
    %swap3A_280 = arith.index_cast %swap3A_279 : i32 to index
    %swap3A_281 = arith.constant 0 : index
    %swap3A_282 = tpu.vector_load %arg15[%swap3A_280, %swap3A_281] {strides = array<i32>} : memref<80x16xf32, #tpu.memory_space<vmem>>, vector<16xf32>,
    tpu.vector_store %arg15[%swap3A_280, %swap3A_281], %broadcast_in_dim3A_3 {strides = array<i32>} : memref<80x16xf32, #tpu.memory_space<vmem>>, vector<16xf32>,
    %swap3A_283 = arith.constant 70 : i32
    %swap3A_284 = arith.index_cast %swap3A_283 : i32 to index
    %swap3A_285 = arith.constant 0 : index
    %swap3A_286 = tpu.vector_load %arg15[%swap3A_284, %swap3A_285] {strides = array<i32>} : memref<80x16xf32, #tpu.memory_space<vmem>>, vector<16xf32>,
    tpu.vector_store %arg15[%swap3A_284, %swap3A_285], %broadcast_in_dim3A_3 {strides = array<i32>} : memref<80x16xf32, #tpu.memory_space<vmem>>, vector<16xf32>,
    %swap3A_287 = arith.constant 71 : i32
    %swap3A_288 = arith.index_cast %swap3A_287 : i32 to index
    %swap3A_289 = arith.constant 0 : index
    %swap3A_290 = tpu.vector_load %arg15[%swap3A_288, %swap3A_289] {strides = array<i32>} : memref<80x16xf32, #tpu.memory_space<vmem>>, vector<16xf32>,
    tpu.vector_store %arg15[%swap3A_288, %swap3A_289], %broadcast_in_dim3A_3 {strides = array<i32>} : memref<80x16xf32, #tpu.memory_space<vmem>>, vector<16xf32>,
    %swap3A_291 = arith.constant 72 : i32
    %swap3A_292 = arith.index_cast %swap3A_291 : i32 to index
    %swap3A_293 = arith.constant 0 : index
    %swap3A_294 = tpu.vector_load %arg15[%swap3A_292, %swap3A_293] {strides = array<i32>} : memref<80x16xf32, #tpu.memory_space<vmem>>, vector<16xf32>,
    tpu.vector_store %arg15[%swap3A_292, %swap3A_293], %broadcast_in_dim3A_3 {strides = array<i32>} : memref<80x16xf32, #tpu.memory_space<vmem>>, vector<16xf32>,
    %swap3A_295 = arith.constant 73 : i32
    %swap3A_296 = arith.index_cast %swap3A_295 : i32 to index
    %swap3A_297 = arith.constant 0 : index
    %swap3A_298 = tpu.vector_load %arg15[%swap3A_296, %swap3A_297] {strides = array<i32>} : memref<80x16xf32, #tpu.memory_space<vmem>>, vector<16xf32>,
    tpu.vector_store %arg15[%swap3A_296, %swap3A_297], %broadcast_in_dim3A_3 {strides = array<i32>} : memref<80x16xf32, #tpu.memory_space<vmem>>, vector<16xf32>,
    %swap3A_299 = arith.constant 74 : i32
    %swap3A_300 = arith.index_cast %swap3A_299 : i32 to index
    %swap3A_301 = arith.constant 0 : index
    %swap3A_302 = tpu.vector_load %arg15[%swap3A_300, %swap3A_301] {strides = array<i32>} : memref<80x16xf32, #tpu.memory_space<vmem>>, vector<16xf32>,
    tpu.vector_store %arg15[%swap3A_300, %swap3A_301], %broadcast_in_dim3A_3 {strides = array<i32>} : memref<80x16xf32, #tpu.memory_space<vmem>>, vector<16xf32>,
    %swap3A_303 = arith.constant 75 : i32
    %swap3A_304 = arith.index_cast %swap3A_303 : i32 to index
    %swap3A_305 = arith.constant 0 : index
    %swap3A_306 = tpu.vector_load %arg15[%swap3A_304, %swap3A_305] {strides = array<i32>} : memref<80x16xf32, #tpu.memory_space<vmem>>, vector<16xf32>,
    tpu.vector_store %arg15[%swap3A_304, %swap3A_305], %broadcast_in_dim3A_3 {strides = array<i32>} : memref<80x16xf32, #tpu.memory_space<vmem>>, vector<16xf32>,
    %swap3A_307 = arith.constant 76 : i32
    %swap3A_308 = arith.index_cast %swap3A_307 : i32 to index
    %swap3A_309 = arith.constant 0 : index
    %swap3A_310 = tpu.vector_load %arg15[%swap3A_308, %swap3A_309] {strides = array<i32>} : memref<80x16xf32, #tpu.memory_space<vmem>>, vector<16xf32>,
    tpu.vector_store %arg15[%swap3A_308, %swap3A_309], %broadcast_in_dim3A_3 {strides = array<i32>} : memref<80x16xf32, #tpu.memory_space<vmem>>, vector<16xf32>,
    %swap3A_311 = arith.constant 77 : i32
    %swap3A_312 = arith.index_cast %swap3A_311 : i32 to index
    %swap3A_313 = arith.constant 0 : index
    %swap3A_314 = tpu.vector_load %arg15[%swap3A_312, %swap3A_313] {strides = array<i32>} : memref<80x16xf32, #tpu.memory_space<vmem>>, vector<16xf32>,
    tpu.vector_store %arg15[%swap3A_312, %swap3A_313], %broadcast_in_dim3A_3 {strides = array<i32>} : memref<80x16xf32, #tpu.memory_space<vmem>>, vector<16xf32>,
    %swap3A_315 = arith.constant 78 : i32
    %swap3A_316 = arith.index_cast %swap3A_315 : i32 to index
    %swap3A_317 = arith.constant 0 : index
    %swap3A_318 = tpu.vector_load %arg15[%swap3A_316, %swap3A_317] {strides = array<i32>} : memref<80x16xf32, #tpu.memory_space<vmem>>, vector<16xf32>,
    tpu.vector_store %arg15[%swap3A_316, %swap3A_317], %broadcast_in_dim3A_3 {strides = array<i32>} : memref<80x16xf32, #tpu.memory_space<vmem>>, vector<16xf32>,
    %swap3A_319 = arith.constant 79 : i32
    %swap3A_320 = arith.index_cast %swap3A_319 : i32 to index
    %swap3A_321 = arith.constant 0 : index
    %swap3A_322 = tpu.vector_load %arg15[%swap3A_320, %swap3A_321] {strides = array<i32>} : memref<80x16xf32, #tpu.memory_space<vmem>>, vector<16xf32>,
    tpu.vector_store %arg15[%swap3A_320, %swap3A_321], %broadcast_in_dim3A_3 {strides = array<i32>} : memref<80x16xf32, #tpu.memory_space<vmem>>, vector<16xf32>,
    %mul3A_323 = arith.constant 6320 : i32
    %mul3A_324 = arith.muli %arg1, %mul3A_323 : i32
    "tpu.region"() ({
      %run_scoped3A = tpu.sem_alloc : memref<!tpu.dma_semaphore, #tpu.memory_space<semaphore_mem>>
      %dma_start3A = tpu.memref_slice %arg16[%mul3A_324] : memref<101120xf32, #tpu.memory_space<vmem_shared>> -> memref<6320xf32, #tpu.memory_space<vmem_shared>>
      %dma_start3A_339 = tpu.memref_slice %arg6[%mul3A_324] : memref<101120xf32, #tpu.memory_space<hbm>> -> memref<6320xf32, #tpu.memory_space<hbm>>
      tpu.enqueue_dma source(%dma_start3A_339 : memref<6320xf32, #tpu.memory_space<hbm>>) target(%dma_start3A : memref<6320xf32, #tpu.memory_space<vmem_shared>>) target_semaphore(%run_scoped3A : memref<!tpu.dma_semaphore, #tpu.memory_space<semaphore_mem>>)
      %dma_wait3A = tpu.memref_slice %arg16[%mul3A_324] : memref<101120xf32, #tpu.memory_space<vmem_shared>> -> memref<6320xf32, #tpu.memory_space<vmem_shared>>
      %dma_wait3A_340 = tpu.memref_slice %arg6[%mul3A_324] : memref<101120xf32, #tpu.memory_space<hbm>> -> memref<6320xf32, #tpu.memory_space<hbm>>
      tpu.wait_dma2 semaphore(%run_scoped3A : memref<!tpu.dma_semaphore, #tpu.memory_space<semaphore_mem>>) src(%dma_wait3A_340 : memref<6320xf32, #tpu.memory_space<hbm>>) dst(%dma_wait3A : memref<6320xf32, #tpu.memory_space<vmem_shared>>)
      tpu.yield
    }) : () -> ()
    %scan3A = arith.constant 0 : i32
    %scan3A_325 = arith.constant 0 : i32
    %scan3A_326 = arith.constant 79 : i32
    %scan3A_327 = arith.addi %scan3A_325, %scan3A_326 : i32
    %scan3A_328 = arith.constant 1 : i32
    %scan3A_329 = scf.for %scan3A_339 = %scan3A_325 to %scan3A_327 step %scan3A_328 iter_args(%scan3A_340 = %scan3A) -> (i32)  : i32 {
      %mul3A_341 = arith.constant 80 : i32
      %mul3A_342 = arith.muli %scan3A_339, %mul3A_341 : i32
      %add3A_343 = arith.addi %mul3A_324, %mul3A_342 : i32
      "tpu.region"() ({
        %run_scoped3A = tpu.sem_alloc : memref<!tpu.dma_semaphore, #tpu.memory_space<semaphore_mem>>
        %dma_start3A = arith.constant 0 : i32
        %dma_start3A_345 = tpu.memref_slice %arg17[%add3A_343, %dma_start3A] : memref<101120x16xf32, #tpu.memory_space<vmem_shared>> -> memref<80x16xf32, #tpu.memory_space<vmem_shared>>
        %dma_start3A_346 = arith.constant 0 : i32
        %dma_start3A_347 = tpu.memref_slice %arg17[%add3A_343, %dma_start3A_346] : memref<101120x16xf32, #tpu.memory_space<vmem_shared>> -> memref<80x16xf32, #tpu.memory_space<vmem_shared>>
        tpu.enqueue_dma source(%arg15 : memref<80x16xf32, #tpu.memory_space<vmem>>) target(%dma_start3A_347 : memref<80x16xf32, #tpu.memory_space<vmem_shared>>) target_semaphore(%run_scoped3A : memref<!tpu.dma_semaphore, #tpu.memory_space<semaphore_mem>>)
        %dma_wait3A = arith.constant 0 : i32
        %dma_wait3A_348 = tpu.memref_slice %arg17[%add3A_343, %dma_wait3A] : memref<101120x16xf32, #tpu.memory_space<vmem_shared>> -> memref<80x16xf32, #tpu.memory_space<vmem_shared>>
        %dma_wait3A_349 = arith.constant 0 : i32
        %dma_wait3A_350 = tpu.memref_slice %arg17[%add3A_343, %dma_wait3A_349] : memref<101120x16xf32, #tpu.memory_space<vmem_shared>> -> memref<80x16xf32, #tpu.memory_space<vmem_shared>>
        tpu.wait_dma2 semaphore(%run_scoped3A : memref<!tpu.dma_semaphore, #tpu.memory_space<semaphore_mem>>) src(%arg15 : memref<80x16xf32, #tpu.memory_space<vmem>>) dst(%dma_wait3A_350 : memref<80x16xf32, #tpu.memory_space<vmem_shared>>)
        tpu.yield
      }) : () -> ()
      %scan3A_344 = arith.constant 0 : i32
      scf.yield %scan3A_344 : i32
    }
    %scan3A_330 = arith.constant 79 : i32
    %barrier3A = arith.constant 0 : index
    tpu.barrier barrier_id(%barrier3A)
    %scan3A_331 = arith.constant 0 : i32
    %scan3A_332 = arith.constant 0 : i32
    %scan3A_333 = arith.constant 1250 : i32
    %scan3A_334 = arith.addi %scan3A_332, %scan3A_333 : i32
    %scan3A_335 = arith.constant 1 : i32
    %scan3A_336 = scf.for %scan3A_339 = %scan3A_332 to %scan3A_334 step %scan3A_335 iter_args(%scan3A_340 = %scan3A_331) -> (i32)  : i32 {
      %mul3A_341 = arith.constant 80 : i32
      %mul3A_342 = arith.muli %scan3A_339, %mul3A_341 : i32
      %add3A_343 = arith.addi %add3A, %mul3A_342 : i32
      "tpu.region"() ({
        %run_scoped3A = tpu.sem_alloc : memref<!tpu.dma_semaphore, #tpu.memory_space<semaphore_mem>>
        %dma_start3A_725 = tpu.memref_slice %arg3[%add3A_343] : memref<3200000xi32, #tpu.memory_space<hbm>> -> memref<80xi32, #tpu.memory_space<hbm>>
        %dma_start3A_726 = tpu.memref_slice %arg3[%add3A_343] : memref<3200000xi32, #tpu.memory_space<hbm>> -> memref<80xi32, #tpu.memory_space<hbm>>
        tpu.enqueue_dma source(%dma_start3A_726 : memref<80xi32, #tpu.memory_space<hbm>>) target(%arg9 : memref<80xi32, #tpu.memory_space<vmem>>) target_semaphore(%run_scoped3A : memref<!tpu.dma_semaphore, #tpu.memory_space<semaphore_mem>>)
        %dma_wait3A_727 = tpu.memref_slice %arg3[%add3A_343] : memref<3200000xi32, #tpu.memory_space<hbm>> -> memref<80xi32, #tpu.memory_space<hbm>>
        %dma_wait3A_728 = tpu.memref_slice %arg3[%add3A_343] : memref<3200000xi32, #tpu.memory_space<hbm>> -> memref<80xi32, #tpu.memory_space<hbm>>
        tpu.wait_dma2 semaphore(%run_scoped3A : memref<!tpu.dma_semaphore, #tpu.memory_space<semaphore_mem>>) src(%dma_wait3A_728 : memref<80xi32, #tpu.memory_space<hbm>>) dst(%arg9 : memref<80xi32, #tpu.memory_space<vmem>>)
        tpu.yield
      }) : () -> ()
      "tpu.region"() ({
        %run_scoped3A = tpu.sem_alloc : memref<!tpu.dma_semaphore, #tpu.memory_space<semaphore_mem>>
        %dma_start3A_725 = tpu.memref_slice %arg4[%add3A_343] : memref<3200000xi32, #tpu.memory_space<hbm>> -> memref<80xi32, #tpu.memory_space<hbm>>
        %dma_start3A_726 = tpu.memref_slice %arg4[%add3A_343] : memref<3200000xi32, #tpu.memory_space<hbm>> -> memref<80xi32, #tpu.memory_space<hbm>>
        tpu.enqueue_dma source(%dma_start3A_726 : memref<80xi32, #tpu.memory_space<hbm>>) target(%arg10 : memref<80xi32, #tpu.memory_space<vmem>>) target_semaphore(%run_scoped3A : memref<!tpu.dma_semaphore, #tpu.memory_space<semaphore_mem>>)
        %dma_wait3A_727 = tpu.memref_slice %arg4[%add3A_343] : memref<3200000xi32, #tpu.memory_space<hbm>> -> memref<80xi32, #tpu.memory_space<hbm>>
        %dma_wait3A_728 = tpu.memref_slice %arg4[%add3A_343] : memref<3200000xi32, #tpu.memory_space<hbm>> -> memref<80xi32, #tpu.memory_space<hbm>>
        tpu.wait_dma2 semaphore(%run_scoped3A : memref<!tpu.dma_semaphore, #tpu.memory_space<semaphore_mem>>) src(%dma_wait3A_728 : memref<80xi32, #tpu.memory_space<hbm>>) dst(%arg10 : memref<80xi32, #tpu.memory_space<vmem>>)
        tpu.yield
      }) : () -> ()
      "tpu.region"() ({
        %run_scoped3A = tpu.sem_alloc : memref<!tpu.dma_semaphore, #tpu.memory_space<semaphore_mem>>
        %dma_start3A_725 = tpu.memref_slice %arg5[%add3A_343] : memref<3200000xf32, #tpu.memory_space<hbm>> -> memref<80xf32, #tpu.memory_space<hbm>>
        %dma_start3A_726 = tpu.memref_slice %arg5[%add3A_343] : memref<3200000xf32, #tpu.memory_space<hbm>> -> memref<80xf32, #tpu.memory_space<hbm>>
        tpu.enqueue_dma source(%dma_start3A_726 : memref<80xf32, #tpu.memory_space<hbm>>) target(%arg11 : memref<80xf32, #tpu.memory_space<vmem>>) target_semaphore(%run_scoped3A : memref<!tpu.dma_semaphore, #tpu.memory_space<semaphore_mem>>)
        %dma_wait3A_727 = tpu.memref_slice %arg5[%add3A_343] : memref<3200000xf32, #tpu.memory_space<hbm>> -> memref<80xf32, #tpu.memory_space<hbm>>
        %dma_wait3A_728 = tpu.memref_slice %arg5[%add3A_343] : memref<3200000xf32, #tpu.memory_space<hbm>> -> memref<80xf32, #tpu.memory_space<hbm>>
        tpu.wait_dma2 semaphore(%run_scoped3A : memref<!tpu.dma_semaphore, #tpu.memory_space<semaphore_mem>>) src(%dma_wait3A_728 : memref<80xf32, #tpu.memory_space<hbm>>) dst(%arg11 : memref<80xf32, #tpu.memory_space<vmem>>)
        tpu.yield
      }) : () -> ()
      %dma_start3A = arith.constant 0 : i32
      %dma_start3A_344 = arith.constant 0 : i32
      %dma_start3A_345 = tpu.memref_slice %arg2[%dma_start3A, %dma_start3A_344] : memref<101001x16xf32, #tpu.memory_space<hbm>> -> memref<101001x16xf32, #tpu.memory_space<hbm>>
      tpu.enqueue_indirect_dma source(%dma_start3A_345 : memref<101001x16xf32, #tpu.memory_space<hbm>>) target(%arg14 : memref<80x16xf32, #tpu.memory_space<vmem>>) offsets(%arg9 : memref<80xi32, #tpu.memory_space<vmem>>) semaphore(%arg18 : memref<!tpu.dma_semaphore, #tpu.memory_space<semaphore_mem>>)
      %dma_start3A_346 = arith.constant 0 : i32
      %dma_start3A_347 = tpu.memref_slice %arg16[%dma_start3A_346] : memref<101120xf32, #tpu.memory_space<vmem_shared>> -> memref<101120xf32, #tpu.memory_space<vmem_shared>>
      tpu.enqueue_indirect_dma source(%dma_start3A_347 : memref<101120xf32, #tpu.memory_space<vmem_shared>>) target(%arg13 : memref<80xf32, #tpu.memory_space<vmem>>) offsets(%arg10 : memref<80xi32, #tpu.memory_space<vmem>>) semaphore(%arg19 : memref<!tpu.dma_semaphore, #tpu.memory_space<semaphore_mem>>)
      %dma_wait3A = arith.constant 0 : i32
      %dma_wait3A_348 = arith.constant 0 : i32
      %dma_wait3A_349 = tpu.memref_slice %arg2[%dma_wait3A, %dma_wait3A_348] : memref<101001x16xf32, #tpu.memory_space<hbm>> -> memref<101001x16xf32, #tpu.memory_space<hbm>>
      tpu.wait_indirect_dma semaphore(%arg18 : memref<!tpu.dma_semaphore, #tpu.memory_space<semaphore_mem>>) src(%dma_wait3A_349 : memref<101001x16xf32, #tpu.memory_space<hbm>>) dst(%arg14 : memref<80x16xf32, #tpu.memory_space<vmem>>)
      %dma_wait3A_350 = arith.constant 0 : i32
      %dma_wait3A_351 = tpu.memref_slice %arg16[%dma_wait3A_350] : memref<101120xf32, #tpu.memory_space<vmem_shared>> -> memref<101120xf32, #tpu.memory_space<vmem_shared>>
      tpu.wait_indirect_dma semaphore(%arg19 : memref<!tpu.dma_semaphore, #tpu.memory_space<semaphore_mem>>) src(%dma_wait3A_351 : memref<101120xf32, #tpu.memory_space<vmem_shared>>) dst(%arg13 : memref<80xf32, #tpu.memory_space<vmem>>)
      %get3A = arith.constant 0 : index
      %get3A_352 = tpu.vector_load %arg11[%get3A] {strides = array<i32>} : memref<80xf32, #tpu.memory_space<vmem>>, vector<16xf32>,
      %get3A_353 = arith.constant 0 : index
      %get3A_354 = tpu.vector_load %arg13[%get3A_353] {strides = array<i32>} : memref<80xf32, #tpu.memory_space<vmem>>, vector<16xf32>,
      %mul3A_355 = arith.mulf %get3A_352, %get3A_354 : vector<16xf32>
      %swap3A_356 = arith.constant 0 : index
      %swap3A_357 = tpu.vector_load %arg12[%swap3A_356] {strides = array<i32>} : memref<80xf32, #tpu.memory_space<vmem>>, vector<16xf32>,
      tpu.vector_store %arg12[%swap3A_356], %mul3A_355 {strides = array<i32>} : memref<80xf32, #tpu.memory_space<vmem>>, vector<16xf32>,
      %iota3A = tpu.iota {dimensions = array<i32: 0>} : vector<16xi32>
      %add3A_358 = arith.constant 0 : i32
      %add3A_359 = vector.broadcast %add3A_358 : i32 to vector<16xi32>
      %add3A_360 = arith.addi %add3A_359, %iota3A : vector<16xi32>
      %broadcast_in_dim3A_361 = arith.constant 0 : i32
      %broadcast_in_dim3A_362 = vector.broadcast %broadcast_in_dim3A_361 : i32 to vector<16xi32>
      %gather3A = tpu.vector_load_idx %arg14[%add3A_360, %broadcast_in_dim3A_362] : memref<80x16xf32, #tpu.memory_space<vmem>>[vector<16xi32>, vector<16xi32>], vector<16xf32>,
      %mul3A_363 = arith.mulf %gather3A, %mul3A_355 : vector<16xf32>
      tpu.vector_store_idx %arg14[%add3A_360, %broadcast_in_dim3A_362], %mul3A_363 : memref<80x16xf32, #tpu.memory_space<vmem>>[vector<16xi32>, vector<16xi32>], vector<16xf32>,
      %broadcast_in_dim3A_364 = arith.constant 1 : i32
      %broadcast_in_dim3A_365 = vector.broadcast %broadcast_in_dim3A_364 : i32 to vector<16xi32>
      %gather3A_366 = tpu.vector_load_idx %arg14[%add3A_360, %broadcast_in_dim3A_365] : memref<80x16xf32, #tpu.memory_space<vmem>>[vector<16xi32>, vector<16xi32>], vector<16xf32>,
      %mul3A_367 = arith.mulf %gather3A_366, %mul3A_355 : vector<16xf32>
      tpu.vector_store_idx %arg14[%add3A_360, %broadcast_in_dim3A_365], %mul3A_367 : memref<80x16xf32, #tpu.memory_space<vmem>>[vector<16xi32>, vector<16xi32>], vector<16xf32>,
      %broadcast_in_dim3A_368 = arith.constant 2 : i32
      %broadcast_in_dim3A_369 = vector.broadcast %broadcast_in_dim3A_368 : i32 to vector<16xi32>
      %gather3A_370 = tpu.vector_load_idx %arg14[%add3A_360, %broadcast_in_dim3A_369] : memref<80x16xf32, #tpu.memory_space<vmem>>[vector<16xi32>, vector<16xi32>], vector<16xf32>,
      %mul3A_371 = arith.mulf %gather3A_370, %mul3A_355 : vector<16xf32>
      tpu.vector_store_idx %arg14[%add3A_360, %broadcast_in_dim3A_369], %mul3A_371 : memref<80x16xf32, #tpu.memory_space<vmem>>[vector<16xi32>, vector<16xi32>], vector<16xf32>,
      %broadcast_in_dim3A_372 = arith.constant 3 : i32
      %broadcast_in_dim3A_373 = vector.broadcast %broadcast_in_dim3A_372 : i32 to vector<16xi32>
      %gather3A_374 = tpu.vector_load_idx %arg14[%add3A_360, %broadcast_in_dim3A_373] : memref<80x16xf32, #tpu.memory_space<vmem>>[vector<16xi32>, vector<16xi32>], vector<16xf32>,
      %mul3A_375 = arith.mulf %gather3A_374, %mul3A_355 : vector<16xf32>
      tpu.vector_store_idx %arg14[%add3A_360, %broadcast_in_dim3A_373], %mul3A_375 : memref<80x16xf32, #tpu.memory_space<vmem>>[vector<16xi32>, vector<16xi32>], vector<16xf32>,
      %broadcast_in_dim3A_376 = arith.constant 4 : i32
      %broadcast_in_dim3A_377 = vector.broadcast %broadcast_in_dim3A_376 : i32 to vector<16xi32>
      %gather3A_378 = tpu.vector_load_idx %arg14[%add3A_360, %broadcast_in_dim3A_377] : memref<80x16xf32, #tpu.memory_space<vmem>>[vector<16xi32>, vector<16xi32>], vector<16xf32>,
      %mul3A_379 = arith.mulf %gather3A_378, %mul3A_355 : vector<16xf32>
      tpu.vector_store_idx %arg14[%add3A_360, %broadcast_in_dim3A_377], %mul3A_379 : memref<80x16xf32, #tpu.memory_space<vmem>>[vector<16xi32>, vector<16xi32>], vector<16xf32>,
      %broadcast_in_dim3A_380 = arith.constant 5 : i32
      %broadcast_in_dim3A_381 = vector.broadcast %broadcast_in_dim3A_380 : i32 to vector<16xi32>
      %gather3A_382 = tpu.vector_load_idx %arg14[%add3A_360, %broadcast_in_dim3A_381] : memref<80x16xf32, #tpu.memory_space<vmem>>[vector<16xi32>, vector<16xi32>], vector<16xf32>,
      %mul3A_383 = arith.mulf %gather3A_382, %mul3A_355 : vector<16xf32>
      tpu.vector_store_idx %arg14[%add3A_360, %broadcast_in_dim3A_381], %mul3A_383 : memref<80x16xf32, #tpu.memory_space<vmem>>[vector<16xi32>, vector<16xi32>], vector<16xf32>,
      %broadcast_in_dim3A_384 = arith.constant 6 : i32
      %broadcast_in_dim3A_385 = vector.broadcast %broadcast_in_dim3A_384 : i32 to vector<16xi32>
      %gather3A_386 = tpu.vector_load_idx %arg14[%add3A_360, %broadcast_in_dim3A_385] : memref<80x16xf32, #tpu.memory_space<vmem>>[vector<16xi32>, vector<16xi32>], vector<16xf32>,
      %mul3A_387 = arith.mulf %gather3A_386, %mul3A_355 : vector<16xf32>
      tpu.vector_store_idx %arg14[%add3A_360, %broadcast_in_dim3A_385], %mul3A_387 : memref<80x16xf32, #tpu.memory_space<vmem>>[vector<16xi32>, vector<16xi32>], vector<16xf32>,
      %broadcast_in_dim3A_388 = arith.constant 7 : i32
      %broadcast_in_dim3A_389 = vector.broadcast %broadcast_in_dim3A_388 : i32 to vector<16xi32>
      %gather3A_390 = tpu.vector_load_idx %arg14[%add3A_360, %broadcast_in_dim3A_389] : memref<80x16xf32, #tpu.memory_space<vmem>>[vector<16xi32>, vector<16xi32>], vector<16xf32>,
      %mul3A_391 = arith.mulf %gather3A_390, %mul3A_355 : vector<16xf32>
      tpu.vector_store_idx %arg14[%add3A_360, %broadcast_in_dim3A_389], %mul3A_391 : memref<80x16xf32, #tpu.memory_space<vmem>>[vector<16xi32>, vector<16xi32>], vector<16xf32>,
      %broadcast_in_dim3A_392 = arith.constant 8 : i32
      %broadcast_in_dim3A_393 = vector.broadcast %broadcast_in_dim3A_392 : i32 to vector<16xi32>
      %gather3A_394 = tpu.vector_load_idx %arg14[%add3A_360, %broadcast_in_dim3A_393] : memref<80x16xf32, #tpu.memory_space<vmem>>[vector<16xi32>, vector<16xi32>], vector<16xf32>,
      %mul3A_395 = arith.mulf %gather3A_394, %mul3A_355 : vector<16xf32>
      tpu.vector_store_idx %arg14[%add3A_360, %broadcast_in_dim3A_393], %mul3A_395 : memref<80x16xf32, #tpu.memory_space<vmem>>[vector<16xi32>, vector<16xi32>], vector<16xf32>,
      %broadcast_in_dim3A_396 = arith.constant 9 : i32
      %broadcast_in_dim3A_397 = vector.broadcast %broadcast_in_dim3A_396 : i32 to vector<16xi32>
      %gather3A_398 = tpu.vector_load_idx %arg14[%add3A_360, %broadcast_in_dim3A_397] : memref<80x16xf32, #tpu.memory_space<vmem>>[vector<16xi32>, vector<16xi32>], vector<16xf32>,
      %mul3A_399 = arith.mulf %gather3A_398, %mul3A_355 : vector<16xf32>
      tpu.vector_store_idx %arg14[%add3A_360, %broadcast_in_dim3A_397], %mul3A_399 : memref<80x16xf32, #tpu.memory_space<vmem>>[vector<16xi32>, vector<16xi32>], vector<16xf32>,
      %broadcast_in_dim3A_400 = arith.constant 10 : i32
      %broadcast_in_dim3A_401 = vector.broadcast %broadcast_in_dim3A_400 : i32 to vector<16xi32>
      %gather3A_402 = tpu.vector_load_idx %arg14[%add3A_360, %broadcast_in_dim3A_401] : memref<80x16xf32, #tpu.memory_space<vmem>>[vector<16xi32>, vector<16xi32>], vector<16xf32>,
      %mul3A_403 = arith.mulf %gather3A_402, %mul3A_355 : vector<16xf32>
      tpu.vector_store_idx %arg14[%add3A_360, %broadcast_in_dim3A_401], %mul3A_403 : memref<80x16xf32, #tpu.memory_space<vmem>>[vector<16xi32>, vector<16xi32>], vector<16xf32>,
      %broadcast_in_dim3A_404 = arith.constant 11 : i32
      %broadcast_in_dim3A_405 = vector.broadcast %broadcast_in_dim3A_404 : i32 to vector<16xi32>
      %gather3A_406 = tpu.vector_load_idx %arg14[%add3A_360, %broadcast_in_dim3A_405] : memref<80x16xf32, #tpu.memory_space<vmem>>[vector<16xi32>, vector<16xi32>], vector<16xf32>,
      %mul3A_407 = arith.mulf %gather3A_406, %mul3A_355 : vector<16xf32>
      tpu.vector_store_idx %arg14[%add3A_360, %broadcast_in_dim3A_405], %mul3A_407 : memref<80x16xf32, #tpu.memory_space<vmem>>[vector<16xi32>, vector<16xi32>], vector<16xf32>,
      %broadcast_in_dim3A_408 = arith.constant 12 : i32
      %broadcast_in_dim3A_409 = vector.broadcast %broadcast_in_dim3A_408 : i32 to vector<16xi32>
      %gather3A_410 = tpu.vector_load_idx %arg14[%add3A_360, %broadcast_in_dim3A_409] : memref<80x16xf32, #tpu.memory_space<vmem>>[vector<16xi32>, vector<16xi32>], vector<16xf32>,
      %mul3A_411 = arith.mulf %gather3A_410, %mul3A_355 : vector<16xf32>
      tpu.vector_store_idx %arg14[%add3A_360, %broadcast_in_dim3A_409], %mul3A_411 : memref<80x16xf32, #tpu.memory_space<vmem>>[vector<16xi32>, vector<16xi32>], vector<16xf32>,
      %broadcast_in_dim3A_412 = arith.constant 13 : i32
      %broadcast_in_dim3A_413 = vector.broadcast %broadcast_in_dim3A_412 : i32 to vector<16xi32>
      %gather3A_414 = tpu.vector_load_idx %arg14[%add3A_360, %broadcast_in_dim3A_413] : memref<80x16xf32, #tpu.memory_space<vmem>>[vector<16xi32>, vector<16xi32>], vector<16xf32>,
      %mul3A_415 = arith.mulf %gather3A_414, %mul3A_355 : vector<16xf32>
      tpu.vector_store_idx %arg14[%add3A_360, %broadcast_in_dim3A_413], %mul3A_415 : memref<80x16xf32, #tpu.memory_space<vmem>>[vector<16xi32>, vector<16xi32>], vector<16xf32>,
      %broadcast_in_dim3A_416 = arith.constant 14 : i32
      %broadcast_in_dim3A_417 = vector.broadcast %broadcast_in_dim3A_416 : i32 to vector<16xi32>
      %gather3A_418 = tpu.vector_load_idx %arg14[%add3A_360, %broadcast_in_dim3A_417] : memref<80x16xf32, #tpu.memory_space<vmem>>[vector<16xi32>, vector<16xi32>], vector<16xf32>,
      %mul3A_419 = arith.mulf %gather3A_418, %mul3A_355 : vector<16xf32>
      tpu.vector_store_idx %arg14[%add3A_360, %broadcast_in_dim3A_417], %mul3A_419 : memref<80x16xf32, #tpu.memory_space<vmem>>[vector<16xi32>, vector<16xi32>], vector<16xf32>,
      %broadcast_in_dim3A_420 = arith.constant 15 : i32
      %broadcast_in_dim3A_421 = vector.broadcast %broadcast_in_dim3A_420 : i32 to vector<16xi32>
      %gather3A_422 = tpu.vector_load_idx %arg14[%add3A_360, %broadcast_in_dim3A_421] : memref<80x16xf32, #tpu.memory_space<vmem>>[vector<16xi32>, vector<16xi32>], vector<16xf32>,
      %mul3A_423 = arith.mulf %gather3A_422, %mul3A_355 : vector<16xf32>
      tpu.vector_store_idx %arg14[%add3A_360, %broadcast_in_dim3A_421], %mul3A_423 : memref<80x16xf32, #tpu.memory_space<vmem>>[vector<16xi32>, vector<16xi32>], vector<16xf32>,
      %get3A_424 = arith.constant 16 : index
      %get3A_425 = tpu.vector_load %arg11[%get3A_424] {strides = array<i32>} : memref<80xf32, #tpu.memory_space<vmem>>, vector<16xf32>,
      %get3A_426 = arith.constant 16 : index
      %get3A_427 = tpu.vector_load %arg13[%get3A_426] {strides = array<i32>} : memref<80xf32, #tpu.memory_space<vmem>>, vector<16xf32>,
      %mul3A_428 = arith.mulf %get3A_425, %get3A_427 : vector<16xf32>
      %swap3A_429 = arith.constant 16 : index
      %swap3A_430 = tpu.vector_load %arg12[%swap3A_429] {strides = array<i32>} : memref<80xf32, #tpu.memory_space<vmem>>, vector<16xf32>,
      tpu.vector_store %arg12[%swap3A_429], %mul3A_428 {strides = array<i32>} : memref<80xf32, #tpu.memory_space<vmem>>, vector<16xf32>,
      %iota3A_431 = tpu.iota {dimensions = array<i32: 0>} : vector<16xi32>
      %add3A_432 = arith.constant 16 : i32
      %add3A_433 = vector.broadcast %add3A_432 : i32 to vector<16xi32>
      %add3A_434 = arith.addi %add3A_433, %iota3A_431 : vector<16xi32>
      %broadcast_in_dim3A_435 = arith.constant 0 : i32
      %broadcast_in_dim3A_436 = vector.broadcast %broadcast_in_dim3A_435 : i32 to vector<16xi32>
      %gather3A_437 = tpu.vector_load_idx %arg14[%add3A_434, %broadcast_in_dim3A_436] : memref<80x16xf32, #tpu.memory_space<vmem>>[vector<16xi32>, vector<16xi32>], vector<16xf32>,
      %mul3A_438 = arith.mulf %gather3A_437, %mul3A_428 : vector<16xf32>
      tpu.vector_store_idx %arg14[%add3A_434, %broadcast_in_dim3A_436], %mul3A_438 : memref<80x16xf32, #tpu.memory_space<vmem>>[vector<16xi32>, vector<16xi32>], vector<16xf32>,
      %broadcast_in_dim3A_439 = arith.constant 1 : i32
      %broadcast_in_dim3A_440 = vector.broadcast %broadcast_in_dim3A_439 : i32 to vector<16xi32>
      %gather3A_441 = tpu.vector_load_idx %arg14[%add3A_434, %broadcast_in_dim3A_440] : memref<80x16xf32, #tpu.memory_space<vmem>>[vector<16xi32>, vector<16xi32>], vector<16xf32>,
      %mul3A_442 = arith.mulf %gather3A_441, %mul3A_428 : vector<16xf32>
      tpu.vector_store_idx %arg14[%add3A_434, %broadcast_in_dim3A_440], %mul3A_442 : memref<80x16xf32, #tpu.memory_space<vmem>>[vector<16xi32>, vector<16xi32>], vector<16xf32>,
      %broadcast_in_dim3A_443 = arith.constant 2 : i32
      %broadcast_in_dim3A_444 = vector.broadcast %broadcast_in_dim3A_443 : i32 to vector<16xi32>
      %gather3A_445 = tpu.vector_load_idx %arg14[%add3A_434, %broadcast_in_dim3A_444] : memref<80x16xf32, #tpu.memory_space<vmem>>[vector<16xi32>, vector<16xi32>], vector<16xf32>,
      %mul3A_446 = arith.mulf %gather3A_445, %mul3A_428 : vector<16xf32>
      tpu.vector_store_idx %arg14[%add3A_434, %broadcast_in_dim3A_444], %mul3A_446 : memref<80x16xf32, #tpu.memory_space<vmem>>[vector<16xi32>, vector<16xi32>], vector<16xf32>,
      %broadcast_in_dim3A_447 = arith.constant 3 : i32
      %broadcast_in_dim3A_448 = vector.broadcast %broadcast_in_dim3A_447 : i32 to vector<16xi32>
      %gather3A_449 = tpu.vector_load_idx %arg14[%add3A_434, %broadcast_in_dim3A_448] : memref<80x16xf32, #tpu.memory_space<vmem>>[vector<16xi32>, vector<16xi32>], vector<16xf32>,
      %mul3A_450 = arith.mulf %gather3A_449, %mul3A_428 : vector<16xf32>
      tpu.vector_store_idx %arg14[%add3A_434, %broadcast_in_dim3A_448], %mul3A_450 : memref<80x16xf32, #tpu.memory_space<vmem>>[vector<16xi32>, vector<16xi32>], vector<16xf32>,
      %broadcast_in_dim3A_451 = arith.constant 4 : i32
      %broadcast_in_dim3A_452 = vector.broadcast %broadcast_in_dim3A_451 : i32 to vector<16xi32>
      %gather3A_453 = tpu.vector_load_idx %arg14[%add3A_434, %broadcast_in_dim3A_452] : memref<80x16xf32, #tpu.memory_space<vmem>>[vector<16xi32>, vector<16xi32>], vector<16xf32>,
      %mul3A_454 = arith.mulf %gather3A_453, %mul3A_428 : vector<16xf32>
      tpu.vector_store_idx %arg14[%add3A_434, %broadcast_in_dim3A_452], %mul3A_454 : memref<80x16xf32, #tpu.memory_space<vmem>>[vector<16xi32>, vector<16xi32>], vector<16xf32>,
      %broadcast_in_dim3A_455 = arith.constant 5 : i32
      %broadcast_in_dim3A_456 = vector.broadcast %broadcast_in_dim3A_455 : i32 to vector<16xi32>
      %gather3A_457 = tpu.vector_load_idx %arg14[%add3A_434, %broadcast_in_dim3A_456] : memref<80x16xf32, #tpu.memory_space<vmem>>[vector<16xi32>, vector<16xi32>], vector<16xf32>,
      %mul3A_458 = arith.mulf %gather3A_457, %mul3A_428 : vector<16xf32>
      tpu.vector_store_idx %arg14[%add3A_434, %broadcast_in_dim3A_456], %mul3A_458 : memref<80x16xf32, #tpu.memory_space<vmem>>[vector<16xi32>, vector<16xi32>], vector<16xf32>,
      %broadcast_in_dim3A_459 = arith.constant 6 : i32
      %broadcast_in_dim3A_460 = vector.broadcast %broadcast_in_dim3A_459 : i32 to vector<16xi32>
      %gather3A_461 = tpu.vector_load_idx %arg14[%add3A_434, %broadcast_in_dim3A_460] : memref<80x16xf32, #tpu.memory_space<vmem>>[vector<16xi32>, vector<16xi32>], vector<16xf32>,
      %mul3A_462 = arith.mulf %gather3A_461, %mul3A_428 : vector<16xf32>
      tpu.vector_store_idx %arg14[%add3A_434, %broadcast_in_dim3A_460], %mul3A_462 : memref<80x16xf32, #tpu.memory_space<vmem>>[vector<16xi32>, vector<16xi32>], vector<16xf32>,
      %broadcast_in_dim3A_463 = arith.constant 7 : i32
      %broadcast_in_dim3A_464 = vector.broadcast %broadcast_in_dim3A_463 : i32 to vector<16xi32>
      %gather3A_465 = tpu.vector_load_idx %arg14[%add3A_434, %broadcast_in_dim3A_464] : memref<80x16xf32, #tpu.memory_space<vmem>>[vector<16xi32>, vector<16xi32>], vector<16xf32>,
      %mul3A_466 = arith.mulf %gather3A_465, %mul3A_428 : vector<16xf32>
      tpu.vector_store_idx %arg14[%add3A_434, %broadcast_in_dim3A_464], %mul3A_466 : memref<80x16xf32, #tpu.memory_space<vmem>>[vector<16xi32>, vector<16xi32>], vector<16xf32>,
      %broadcast_in_dim3A_467 = arith.constant 8 : i32
      %broadcast_in_dim3A_468 = vector.broadcast %broadcast_in_dim3A_467 : i32 to vector<16xi32>
      %gather3A_469 = tpu.vector_load_idx %arg14[%add3A_434, %broadcast_in_dim3A_468] : memref<80x16xf32, #tpu.memory_space<vmem>>[vector<16xi32>, vector<16xi32>], vector<16xf32>,
      %mul3A_470 = arith.mulf %gather3A_469, %mul3A_428 : vector<16xf32>
      tpu.vector_store_idx %arg14[%add3A_434, %broadcast_in_dim3A_468], %mul3A_470 : memref<80x16xf32, #tpu.memory_space<vmem>>[vector<16xi32>, vector<16xi32>], vector<16xf32>,
      %broadcast_in_dim3A_471 = arith.constant 9 : i32
      %broadcast_in_dim3A_472 = vector.broadcast %broadcast_in_dim3A_471 : i32 to vector<16xi32>
      %gather3A_473 = tpu.vector_load_idx %arg14[%add3A_434, %broadcast_in_dim3A_472] : memref<80x16xf32, #tpu.memory_space<vmem>>[vector<16xi32>, vector<16xi32>], vector<16xf32>,
      %mul3A_474 = arith.mulf %gather3A_473, %mul3A_428 : vector<16xf32>
      tpu.vector_store_idx %arg14[%add3A_434, %broadcast_in_dim3A_472], %mul3A_474 : memref<80x16xf32, #tpu.memory_space<vmem>>[vector<16xi32>, vector<16xi32>], vector<16xf32>,
      %broadcast_in_dim3A_475 = arith.constant 10 : i32
      %broadcast_in_dim3A_476 = vector.broadcast %broadcast_in_dim3A_475 : i32 to vector<16xi32>
      %gather3A_477 = tpu.vector_load_idx %arg14[%add3A_434, %broadcast_in_dim3A_476] : memref<80x16xf32, #tpu.memory_space<vmem>>[vector<16xi32>, vector<16xi32>], vector<16xf32>,
      %mul3A_478 = arith.mulf %gather3A_477, %mul3A_428 : vector<16xf32>
      tpu.vector_store_idx %arg14[%add3A_434, %broadcast_in_dim3A_476], %mul3A_478 : memref<80x16xf32, #tpu.memory_space<vmem>>[vector<16xi32>, vector<16xi32>], vector<16xf32>,
      %broadcast_in_dim3A_479 = arith.constant 11 : i32
      %broadcast_in_dim3A_480 = vector.broadcast %broadcast_in_dim3A_479 : i32 to vector<16xi32>
      %gather3A_481 = tpu.vector_load_idx %arg14[%add3A_434, %broadcast_in_dim3A_480] : memref<80x16xf32, #tpu.memory_space<vmem>>[vector<16xi32>, vector<16xi32>], vector<16xf32>,
      %mul3A_482 = arith.mulf %gather3A_481, %mul3A_428 : vector<16xf32>
      tpu.vector_store_idx %arg14[%add3A_434, %broadcast_in_dim3A_480], %mul3A_482 : memref<80x16xf32, #tpu.memory_space<vmem>>[vector<16xi32>, vector<16xi32>], vector<16xf32>,
      %broadcast_in_dim3A_483 = arith.constant 12 : i32
      %broadcast_in_dim3A_484 = vector.broadcast %broadcast_in_dim3A_483 : i32 to vector<16xi32>
      %gather3A_485 = tpu.vector_load_idx %arg14[%add3A_434, %broadcast_in_dim3A_484] : memref<80x16xf32, #tpu.memory_space<vmem>>[vector<16xi32>, vector<16xi32>], vector<16xf32>,
      %mul3A_486 = arith.mulf %gather3A_485, %mul3A_428 : vector<16xf32>
      tpu.vector_store_idx %arg14[%add3A_434, %broadcast_in_dim3A_484], %mul3A_486 : memref<80x16xf32, #tpu.memory_space<vmem>>[vector<16xi32>, vector<16xi32>], vector<16xf32>,
      %broadcast_in_dim3A_487 = arith.constant 13 : i32
      %broadcast_in_dim3A_488 = vector.broadcast %broadcast_in_dim3A_487 : i32 to vector<16xi32>
      %gather3A_489 = tpu.vector_load_idx %arg14[%add3A_434, %broadcast_in_dim3A_488] : memref<80x16xf32, #tpu.memory_space<vmem>>[vector<16xi32>, vector<16xi32>], vector<16xf32>,
      %mul3A_490 = arith.mulf %gather3A_489, %mul3A_428 : vector<16xf32>
      tpu.vector_store_idx %arg14[%add3A_434, %broadcast_in_dim3A_488], %mul3A_490 : memref<80x16xf32, #tpu.memory_space<vmem>>[vector<16xi32>, vector<16xi32>], vector<16xf32>,
      %broadcast_in_dim3A_491 = arith.constant 14 : i32
      %broadcast_in_dim3A_492 = vector.broadcast %broadcast_in_dim3A_491 : i32 to vector<16xi32>
      %gather3A_493 = tpu.vector_load_idx %arg14[%add3A_434, %broadcast_in_dim3A_492] : memref<80x16xf32, #tpu.memory_space<vmem>>[vector<16xi32>, vector<16xi32>], vector<16xf32>,
      %mul3A_494 = arith.mulf %gather3A_493, %mul3A_428 : vector<16xf32>
      tpu.vector_store_idx %arg14[%add3A_434, %broadcast_in_dim3A_492], %mul3A_494 : memref<80x16xf32, #tpu.memory_space<vmem>>[vector<16xi32>, vector<16xi32>], vector<16xf32>,
      %broadcast_in_dim3A_495 = arith.constant 15 : i32
      %broadcast_in_dim3A_496 = vector.broadcast %broadcast_in_dim3A_495 : i32 to vector<16xi32>
      %gather3A_497 = tpu.vector_load_idx %arg14[%add3A_434, %broadcast_in_dim3A_496] : memref<80x16xf32, #tpu.memory_space<vmem>>[vector<16xi32>, vector<16xi32>], vector<16xf32>,
      %mul3A_498 = arith.mulf %gather3A_497, %mul3A_428 : vector<16xf32>
      tpu.vector_store_idx %arg14[%add3A_434, %broadcast_in_dim3A_496], %mul3A_498 : memref<80x16xf32, #tpu.memory_space<vmem>>[vector<16xi32>, vector<16xi32>], vector<16xf32>,
      %get3A_499 = arith.constant 32 : index
      %get3A_500 = tpu.vector_load %arg11[%get3A_499] {strides = array<i32>} : memref<80xf32, #tpu.memory_space<vmem>>, vector<16xf32>,
      %get3A_501 = arith.constant 32 : index
      %get3A_502 = tpu.vector_load %arg13[%get3A_501] {strides = array<i32>} : memref<80xf32, #tpu.memory_space<vmem>>, vector<16xf32>,
      %mul3A_503 = arith.mulf %get3A_500, %get3A_502 : vector<16xf32>
      %swap3A_504 = arith.constant 32 : index
      %swap3A_505 = tpu.vector_load %arg12[%swap3A_504] {strides = array<i32>} : memref<80xf32, #tpu.memory_space<vmem>>, vector<16xf32>,
      tpu.vector_store %arg12[%swap3A_504], %mul3A_503 {strides = array<i32>} : memref<80xf32, #tpu.memory_space<vmem>>, vector<16xf32>,
      %iota3A_506 = tpu.iota {dimensions = array<i32: 0>} : vector<16xi32>
      %add3A_507 = arith.constant 32 : i32
      %add3A_508 = vector.broadcast %add3A_507 : i32 to vector<16xi32>
      %add3A_509 = arith.addi %add3A_508, %iota3A_506 : vector<16xi32>
      %broadcast_in_dim3A_510 = arith.constant 0 : i32
      %broadcast_in_dim3A_511 = vector.broadcast %broadcast_in_dim3A_510 : i32 to vector<16xi32>
      %gather3A_512 = tpu.vector_load_idx %arg14[%add3A_509, %broadcast_in_dim3A_511] : memref<80x16xf32, #tpu.memory_space<vmem>>[vector<16xi32>, vector<16xi32>], vector<16xf32>,
      %mul3A_513 = arith.mulf %gather3A_512, %mul3A_503 : vector<16xf32>
      tpu.vector_store_idx %arg14[%add3A_509, %broadcast_in_dim3A_511], %mul3A_513 : memref<80x16xf32, #tpu.memory_space<vmem>>[vector<16xi32>, vector<16xi32>], vector<16xf32>,
      %broadcast_in_dim3A_514 = arith.constant 1 : i32
      %broadcast_in_dim3A_515 = vector.broadcast %broadcast_in_dim3A_514 : i32 to vector<16xi32>
      %gather3A_516 = tpu.vector_load_idx %arg14[%add3A_509, %broadcast_in_dim3A_515] : memref<80x16xf32, #tpu.memory_space<vmem>>[vector<16xi32>, vector<16xi32>], vector<16xf32>,
      %mul3A_517 = arith.mulf %gather3A_516, %mul3A_503 : vector<16xf32>
      tpu.vector_store_idx %arg14[%add3A_509, %broadcast_in_dim3A_515], %mul3A_517 : memref<80x16xf32, #tpu.memory_space<vmem>>[vector<16xi32>, vector<16xi32>], vector<16xf32>,
      %broadcast_in_dim3A_518 = arith.constant 2 : i32
      %broadcast_in_dim3A_519 = vector.broadcast %broadcast_in_dim3A_518 : i32 to vector<16xi32>
      %gather3A_520 = tpu.vector_load_idx %arg14[%add3A_509, %broadcast_in_dim3A_519] : memref<80x16xf32, #tpu.memory_space<vmem>>[vector<16xi32>, vector<16xi32>], vector<16xf32>,
      %mul3A_521 = arith.mulf %gather3A_520, %mul3A_503 : vector<16xf32>
      tpu.vector_store_idx %arg14[%add3A_509, %broadcast_in_dim3A_519], %mul3A_521 : memref<80x16xf32, #tpu.memory_space<vmem>>[vector<16xi32>, vector<16xi32>], vector<16xf32>,
      %broadcast_in_dim3A_522 = arith.constant 3 : i32
      %broadcast_in_dim3A_523 = vector.broadcast %broadcast_in_dim3A_522 : i32 to vector<16xi32>
      %gather3A_524 = tpu.vector_load_idx %arg14[%add3A_509, %broadcast_in_dim3A_523] : memref<80x16xf32, #tpu.memory_space<vmem>>[vector<16xi32>, vector<16xi32>], vector<16xf32>,
      %mul3A_525 = arith.mulf %gather3A_524, %mul3A_503 : vector<16xf32>
      tpu.vector_store_idx %arg14[%add3A_509, %broadcast_in_dim3A_523], %mul3A_525 : memref<80x16xf32, #tpu.memory_space<vmem>>[vector<16xi32>, vector<16xi32>], vector<16xf32>,
      %broadcast_in_dim3A_526 = arith.constant 4 : i32
      %broadcast_in_dim3A_527 = vector.broadcast %broadcast_in_dim3A_526 : i32 to vector<16xi32>
      %gather3A_528 = tpu.vector_load_idx %arg14[%add3A_509, %broadcast_in_dim3A_527] : memref<80x16xf32, #tpu.memory_space<vmem>>[vector<16xi32>, vector<16xi32>], vector<16xf32>,
      %mul3A_529 = arith.mulf %gather3A_528, %mul3A_503 : vector<16xf32>
      tpu.vector_store_idx %arg14[%add3A_509, %broadcast_in_dim3A_527], %mul3A_529 : memref<80x16xf32, #tpu.memory_space<vmem>>[vector<16xi32>, vector<16xi32>], vector<16xf32>,
      %broadcast_in_dim3A_530 = arith.constant 5 : i32
      %broadcast_in_dim3A_531 = vector.broadcast %broadcast_in_dim3A_530 : i32 to vector<16xi32>
      %gather3A_532 = tpu.vector_load_idx %arg14[%add3A_509, %broadcast_in_dim3A_531] : memref<80x16xf32, #tpu.memory_space<vmem>>[vector<16xi32>, vector<16xi32>], vector<16xf32>,
      %mul3A_533 = arith.mulf %gather3A_532, %mul3A_503 : vector<16xf32>
      tpu.vector_store_idx %arg14[%add3A_509, %broadcast_in_dim3A_531], %mul3A_533 : memref<80x16xf32, #tpu.memory_space<vmem>>[vector<16xi32>, vector<16xi32>], vector<16xf32>,
      %broadcast_in_dim3A_534 = arith.constant 6 : i32
      %broadcast_in_dim3A_535 = vector.broadcast %broadcast_in_dim3A_534 : i32 to vector<16xi32>
      %gather3A_536 = tpu.vector_load_idx %arg14[%add3A_509, %broadcast_in_dim3A_535] : memref<80x16xf32, #tpu.memory_space<vmem>>[vector<16xi32>, vector<16xi32>], vector<16xf32>,
      %mul3A_537 = arith.mulf %gather3A_536, %mul3A_503 : vector<16xf32>
      tpu.vector_store_idx %arg14[%add3A_509, %broadcast_in_dim3A_535], %mul3A_537 : memref<80x16xf32, #tpu.memory_space<vmem>>[vector<16xi32>, vector<16xi32>], vector<16xf32>,
      %broadcast_in_dim3A_538 = arith.constant 7 : i32
      %broadcast_in_dim3A_539 = vector.broadcast %broadcast_in_dim3A_538 : i32 to vector<16xi32>
      %gather3A_540 = tpu.vector_load_idx %arg14[%add3A_509, %broadcast_in_dim3A_539] : memref<80x16xf32, #tpu.memory_space<vmem>>[vector<16xi32>, vector<16xi32>], vector<16xf32>,
      %mul3A_541 = arith.mulf %gather3A_540, %mul3A_503 : vector<16xf32>
      tpu.vector_store_idx %arg14[%add3A_509, %broadcast_in_dim3A_539], %mul3A_541 : memref<80x16xf32, #tpu.memory_space<vmem>>[vector<16xi32>, vector<16xi32>], vector<16xf32>,
      %broadcast_in_dim3A_542 = arith.constant 8 : i32
      %broadcast_in_dim3A_543 = vector.broadcast %broadcast_in_dim3A_542 : i32 to vector<16xi32>
      %gather3A_544 = tpu.vector_load_idx %arg14[%add3A_509, %broadcast_in_dim3A_543] : memref<80x16xf32, #tpu.memory_space<vmem>>[vector<16xi32>, vector<16xi32>], vector<16xf32>,
      %mul3A_545 = arith.mulf %gather3A_544, %mul3A_503 : vector<16xf32>
      tpu.vector_store_idx %arg14[%add3A_509, %broadcast_in_dim3A_543], %mul3A_545 : memref<80x16xf32, #tpu.memory_space<vmem>>[vector<16xi32>, vector<16xi32>], vector<16xf32>,
      %broadcast_in_dim3A_546 = arith.constant 9 : i32
      %broadcast_in_dim3A_547 = vector.broadcast %broadcast_in_dim3A_546 : i32 to vector<16xi32>
      %gather3A_548 = tpu.vector_load_idx %arg14[%add3A_509, %broadcast_in_dim3A_547] : memref<80x16xf32, #tpu.memory_space<vmem>>[vector<16xi32>, vector<16xi32>], vector<16xf32>,
      %mul3A_549 = arith.mulf %gather3A_548, %mul3A_503 : vector<16xf32>
      tpu.vector_store_idx %arg14[%add3A_509, %broadcast_in_dim3A_547], %mul3A_549 : memref<80x16xf32, #tpu.memory_space<vmem>>[vector<16xi32>, vector<16xi32>], vector<16xf32>,
      %broadcast_in_dim3A_550 = arith.constant 10 : i32
      %broadcast_in_dim3A_551 = vector.broadcast %broadcast_in_dim3A_550 : i32 to vector<16xi32>
      %gather3A_552 = tpu.vector_load_idx %arg14[%add3A_509, %broadcast_in_dim3A_551] : memref<80x16xf32, #tpu.memory_space<vmem>>[vector<16xi32>, vector<16xi32>], vector<16xf32>,
      %mul3A_553 = arith.mulf %gather3A_552, %mul3A_503 : vector<16xf32>
      tpu.vector_store_idx %arg14[%add3A_509, %broadcast_in_dim3A_551], %mul3A_553 : memref<80x16xf32, #tpu.memory_space<vmem>>[vector<16xi32>, vector<16xi32>], vector<16xf32>,
      %broadcast_in_dim3A_554 = arith.constant 11 : i32
      %broadcast_in_dim3A_555 = vector.broadcast %broadcast_in_dim3A_554 : i32 to vector<16xi32>
      %gather3A_556 = tpu.vector_load_idx %arg14[%add3A_509, %broadcast_in_dim3A_555] : memref<80x16xf32, #tpu.memory_space<vmem>>[vector<16xi32>, vector<16xi32>], vector<16xf32>,
      %mul3A_557 = arith.mulf %gather3A_556, %mul3A_503 : vector<16xf32>
      tpu.vector_store_idx %arg14[%add3A_509, %broadcast_in_dim3A_555], %mul3A_557 : memref<80x16xf32, #tpu.memory_space<vmem>>[vector<16xi32>, vector<16xi32>], vector<16xf32>,
      %broadcast_in_dim3A_558 = arith.constant 12 : i32
      %broadcast_in_dim3A_559 = vector.broadcast %broadcast_in_dim3A_558 : i32 to vector<16xi32>
      %gather3A_560 = tpu.vector_load_idx %arg14[%add3A_509, %broadcast_in_dim3A_559] : memref<80x16xf32, #tpu.memory_space<vmem>>[vector<16xi32>, vector<16xi32>], vector<16xf32>,
      %mul3A_561 = arith.mulf %gather3A_560, %mul3A_503 : vector<16xf32>
      tpu.vector_store_idx %arg14[%add3A_509, %broadcast_in_dim3A_559], %mul3A_561 : memref<80x16xf32, #tpu.memory_space<vmem>>[vector<16xi32>, vector<16xi32>], vector<16xf32>,
      %broadcast_in_dim3A_562 = arith.constant 13 : i32
      %broadcast_in_dim3A_563 = vector.broadcast %broadcast_in_dim3A_562 : i32 to vector<16xi32>
      %gather3A_564 = tpu.vector_load_idx %arg14[%add3A_509, %broadcast_in_dim3A_563] : memref<80x16xf32, #tpu.memory_space<vmem>>[vector<16xi32>, vector<16xi32>], vector<16xf32>,
      %mul3A_565 = arith.mulf %gather3A_564, %mul3A_503 : vector<16xf32>
      tpu.vector_store_idx %arg14[%add3A_509, %broadcast_in_dim3A_563], %mul3A_565 : memref<80x16xf32, #tpu.memory_space<vmem>>[vector<16xi32>, vector<16xi32>], vector<16xf32>,
      %broadcast_in_dim3A_566 = arith.constant 14 : i32
      %broadcast_in_dim3A_567 = vector.broadcast %broadcast_in_dim3A_566 : i32 to vector<16xi32>
      %gather3A_568 = tpu.vector_load_idx %arg14[%add3A_509, %broadcast_in_dim3A_567] : memref<80x16xf32, #tpu.memory_space<vmem>>[vector<16xi32>, vector<16xi32>], vector<16xf32>,
      %mul3A_569 = arith.mulf %gather3A_568, %mul3A_503 : vector<16xf32>
      tpu.vector_store_idx %arg14[%add3A_509, %broadcast_in_dim3A_567], %mul3A_569 : memref<80x16xf32, #tpu.memory_space<vmem>>[vector<16xi32>, vector<16xi32>], vector<16xf32>,
      %broadcast_in_dim3A_570 = arith.constant 15 : i32
      %broadcast_in_dim3A_571 = vector.broadcast %broadcast_in_dim3A_570 : i32 to vector<16xi32>
      %gather3A_572 = tpu.vector_load_idx %arg14[%add3A_509, %broadcast_in_dim3A_571] : memref<80x16xf32, #tpu.memory_space<vmem>>[vector<16xi32>, vector<16xi32>], vector<16xf32>,
      %mul3A_573 = arith.mulf %gather3A_572, %mul3A_503 : vector<16xf32>
      tpu.vector_store_idx %arg14[%add3A_509, %broadcast_in_dim3A_571], %mul3A_573 : memref<80x16xf32, #tpu.memory_space<vmem>>[vector<16xi32>, vector<16xi32>], vector<16xf32>,
      %get3A_574 = arith.constant 48 : index
      %get3A_575 = tpu.vector_load %arg11[%get3A_574] {strides = array<i32>} : memref<80xf32, #tpu.memory_space<vmem>>, vector<16xf32>,
      %get3A_576 = arith.constant 48 : index
      %get3A_577 = tpu.vector_load %arg13[%get3A_576] {strides = array<i32>} : memref<80xf32, #tpu.memory_space<vmem>>, vector<16xf32>,
      %mul3A_578 = arith.mulf %get3A_575, %get3A_577 : vector<16xf32>
      %swap3A_579 = arith.constant 48 : index
      %swap3A_580 = tpu.vector_load %arg12[%swap3A_579] {strides = array<i32>} : memref<80xf32, #tpu.memory_space<vmem>>, vector<16xf32>,
      tpu.vector_store %arg12[%swap3A_579], %mul3A_578 {strides = array<i32>} : memref<80xf32, #tpu.memory_space<vmem>>, vector<16xf32>,
      %iota3A_581 = tpu.iota {dimensions = array<i32: 0>} : vector<16xi32>
      %add3A_582 = arith.constant 48 : i32
      %add3A_583 = vector.broadcast %add3A_582 : i32 to vector<16xi32>
      %add3A_584 = arith.addi %add3A_583, %iota3A_581 : vector<16xi32>
      %broadcast_in_dim3A_585 = arith.constant 0 : i32
      %broadcast_in_dim3A_586 = vector.broadcast %broadcast_in_dim3A_585 : i32 to vector<16xi32>
      %gather3A_587 = tpu.vector_load_idx %arg14[%add3A_584, %broadcast_in_dim3A_586] : memref<80x16xf32, #tpu.memory_space<vmem>>[vector<16xi32>, vector<16xi32>], vector<16xf32>,
      %mul3A_588 = arith.mulf %gather3A_587, %mul3A_578 : vector<16xf32>
      tpu.vector_store_idx %arg14[%add3A_584, %broadcast_in_dim3A_586], %mul3A_588 : memref<80x16xf32, #tpu.memory_space<vmem>>[vector<16xi32>, vector<16xi32>], vector<16xf32>,
      %broadcast_in_dim3A_589 = arith.constant 1 : i32
      %broadcast_in_dim3A_590 = vector.broadcast %broadcast_in_dim3A_589 : i32 to vector<16xi32>
      %gather3A_591 = tpu.vector_load_idx %arg14[%add3A_584, %broadcast_in_dim3A_590] : memref<80x16xf32, #tpu.memory_space<vmem>>[vector<16xi32>, vector<16xi32>], vector<16xf32>,
      %mul3A_592 = arith.mulf %gather3A_591, %mul3A_578 : vector<16xf32>
      tpu.vector_store_idx %arg14[%add3A_584, %broadcast_in_dim3A_590], %mul3A_592 : memref<80x16xf32, #tpu.memory_space<vmem>>[vector<16xi32>, vector<16xi32>], vector<16xf32>,
      %broadcast_in_dim3A_593 = arith.constant 2 : i32
      %broadcast_in_dim3A_594 = vector.broadcast %broadcast_in_dim3A_593 : i32 to vector<16xi32>
      %gather3A_595 = tpu.vector_load_idx %arg14[%add3A_584, %broadcast_in_dim3A_594] : memref<80x16xf32, #tpu.memory_space<vmem>>[vector<16xi32>, vector<16xi32>], vector<16xf32>,
      %mul3A_596 = arith.mulf %gather3A_595, %mul3A_578 : vector<16xf32>
      tpu.vector_store_idx %arg14[%add3A_584, %broadcast_in_dim3A_594], %mul3A_596 : memref<80x16xf32, #tpu.memory_space<vmem>>[vector<16xi32>, vector<16xi32>], vector<16xf32>,
      %broadcast_in_dim3A_597 = arith.constant 3 : i32
      %broadcast_in_dim3A_598 = vector.broadcast %broadcast_in_dim3A_597 : i32 to vector<16xi32>
      %gather3A_599 = tpu.vector_load_idx %arg14[%add3A_584, %broadcast_in_dim3A_598] : memref<80x16xf32, #tpu.memory_space<vmem>>[vector<16xi32>, vector<16xi32>], vector<16xf32>,
      %mul3A_600 = arith.mulf %gather3A_599, %mul3A_578 : vector<16xf32>
      tpu.vector_store_idx %arg14[%add3A_584, %broadcast_in_dim3A_598], %mul3A_600 : memref<80x16xf32, #tpu.memory_space<vmem>>[vector<16xi32>, vector<16xi32>], vector<16xf32>,
      %broadcast_in_dim3A_601 = arith.constant 4 : i32
      %broadcast_in_dim3A_602 = vector.broadcast %broadcast_in_dim3A_601 : i32 to vector<16xi32>
      %gather3A_603 = tpu.vector_load_idx %arg14[%add3A_584, %broadcast_in_dim3A_602] : memref<80x16xf32, #tpu.memory_space<vmem>>[vector<16xi32>, vector<16xi32>], vector<16xf32>,
      %mul3A_604 = arith.mulf %gather3A_603, %mul3A_578 : vector<16xf32>
      tpu.vector_store_idx %arg14[%add3A_584, %broadcast_in_dim3A_602], %mul3A_604 : memref<80x16xf32, #tpu.memory_space<vmem>>[vector<16xi32>, vector<16xi32>], vector<16xf32>,
      %broadcast_in_dim3A_605 = arith.constant 5 : i32
      %broadcast_in_dim3A_606 = vector.broadcast %broadcast_in_dim3A_605 : i32 to vector<16xi32>
      %gather3A_607 = tpu.vector_load_idx %arg14[%add3A_584, %broadcast_in_dim3A_606] : memref<80x16xf32, #tpu.memory_space<vmem>>[vector<16xi32>, vector<16xi32>], vector<16xf32>,
      %mul3A_608 = arith.mulf %gather3A_607, %mul3A_578 : vector<16xf32>
      tpu.vector_store_idx %arg14[%add3A_584, %broadcast_in_dim3A_606], %mul3A_608 : memref<80x16xf32, #tpu.memory_space<vmem>>[vector<16xi32>, vector<16xi32>], vector<16xf32>,
      %broadcast_in_dim3A_609 = arith.constant 6 : i32
      %broadcast_in_dim3A_610 = vector.broadcast %broadcast_in_dim3A_609 : i32 to vector<16xi32>
      %gather3A_611 = tpu.vector_load_idx %arg14[%add3A_584, %broadcast_in_dim3A_610] : memref<80x16xf32, #tpu.memory_space<vmem>>[vector<16xi32>, vector<16xi32>], vector<16xf32>,
      %mul3A_612 = arith.mulf %gather3A_611, %mul3A_578 : vector<16xf32>
      tpu.vector_store_idx %arg14[%add3A_584, %broadcast_in_dim3A_610], %mul3A_612 : memref<80x16xf32, #tpu.memory_space<vmem>>[vector<16xi32>, vector<16xi32>], vector<16xf32>,
      %broadcast_in_dim3A_613 = arith.constant 7 : i32
      %broadcast_in_dim3A_614 = vector.broadcast %broadcast_in_dim3A_613 : i32 to vector<16xi32>
      %gather3A_615 = tpu.vector_load_idx %arg14[%add3A_584, %broadcast_in_dim3A_614] : memref<80x16xf32, #tpu.memory_space<vmem>>[vector<16xi32>, vector<16xi32>], vector<16xf32>,
      %mul3A_616 = arith.mulf %gather3A_615, %mul3A_578 : vector<16xf32>
      tpu.vector_store_idx %arg14[%add3A_584, %broadcast_in_dim3A_614], %mul3A_616 : memref<80x16xf32, #tpu.memory_space<vmem>>[vector<16xi32>, vector<16xi32>], vector<16xf32>,
      %broadcast_in_dim3A_617 = arith.constant 8 : i32
      %broadcast_in_dim3A_618 = vector.broadcast %broadcast_in_dim3A_617 : i32 to vector<16xi32>
      %gather3A_619 = tpu.vector_load_idx %arg14[%add3A_584, %broadcast_in_dim3A_618] : memref<80x16xf32, #tpu.memory_space<vmem>>[vector<16xi32>, vector<16xi32>], vector<16xf32>,
      %mul3A_620 = arith.mulf %gather3A_619, %mul3A_578 : vector<16xf32>
      tpu.vector_store_idx %arg14[%add3A_584, %broadcast_in_dim3A_618], %mul3A_620 : memref<80x16xf32, #tpu.memory_space<vmem>>[vector<16xi32>, vector<16xi32>], vector<16xf32>,
      %broadcast_in_dim3A_621 = arith.constant 9 : i32
      %broadcast_in_dim3A_622 = vector.broadcast %broadcast_in_dim3A_621 : i32 to vector<16xi32>
      %gather3A_623 = tpu.vector_load_idx %arg14[%add3A_584, %broadcast_in_dim3A_622] : memref<80x16xf32, #tpu.memory_space<vmem>>[vector<16xi32>, vector<16xi32>], vector<16xf32>,
      %mul3A_624 = arith.mulf %gather3A_623, %mul3A_578 : vector<16xf32>
      tpu.vector_store_idx %arg14[%add3A_584, %broadcast_in_dim3A_622], %mul3A_624 : memref<80x16xf32, #tpu.memory_space<vmem>>[vector<16xi32>, vector<16xi32>], vector<16xf32>,
      %broadcast_in_dim3A_625 = arith.constant 10 : i32
      %broadcast_in_dim3A_626 = vector.broadcast %broadcast_in_dim3A_625 : i32 to vector<16xi32>
      %gather3A_627 = tpu.vector_load_idx %arg14[%add3A_584, %broadcast_in_dim3A_626] : memref<80x16xf32, #tpu.memory_space<vmem>>[vector<16xi32>, vector<16xi32>], vector<16xf32>,
      %mul3A_628 = arith.mulf %gather3A_627, %mul3A_578 : vector<16xf32>
      tpu.vector_store_idx %arg14[%add3A_584, %broadcast_in_dim3A_626], %mul3A_628 : memref<80x16xf32, #tpu.memory_space<vmem>>[vector<16xi32>, vector<16xi32>], vector<16xf32>,
      %broadcast_in_dim3A_629 = arith.constant 11 : i32
      %broadcast_in_dim3A_630 = vector.broadcast %broadcast_in_dim3A_629 : i32 to vector<16xi32>
      %gather3A_631 = tpu.vector_load_idx %arg14[%add3A_584, %broadcast_in_dim3A_630] : memref<80x16xf32, #tpu.memory_space<vmem>>[vector<16xi32>, vector<16xi32>], vector<16xf32>,
      %mul3A_632 = arith.mulf %gather3A_631, %mul3A_578 : vector<16xf32>
      tpu.vector_store_idx %arg14[%add3A_584, %broadcast_in_dim3A_630], %mul3A_632 : memref<80x16xf32, #tpu.memory_space<vmem>>[vector<16xi32>, vector<16xi32>], vector<16xf32>,
      %broadcast_in_dim3A_633 = arith.constant 12 : i32
      %broadcast_in_dim3A_634 = vector.broadcast %broadcast_in_dim3A_633 : i32 to vector<16xi32>
      %gather3A_635 = tpu.vector_load_idx %arg14[%add3A_584, %broadcast_in_dim3A_634] : memref<80x16xf32, #tpu.memory_space<vmem>>[vector<16xi32>, vector<16xi32>], vector<16xf32>,
      %mul3A_636 = arith.mulf %gather3A_635, %mul3A_578 : vector<16xf32>
      tpu.vector_store_idx %arg14[%add3A_584, %broadcast_in_dim3A_634], %mul3A_636 : memref<80x16xf32, #tpu.memory_space<vmem>>[vector<16xi32>, vector<16xi32>], vector<16xf32>,
      %broadcast_in_dim3A_637 = arith.constant 13 : i32
      %broadcast_in_dim3A_638 = vector.broadcast %broadcast_in_dim3A_637 : i32 to vector<16xi32>
      %gather3A_639 = tpu.vector_load_idx %arg14[%add3A_584, %broadcast_in_dim3A_638] : memref<80x16xf32, #tpu.memory_space<vmem>>[vector<16xi32>, vector<16xi32>], vector<16xf32>,
      %mul3A_640 = arith.mulf %gather3A_639, %mul3A_578 : vector<16xf32>
      tpu.vector_store_idx %arg14[%add3A_584, %broadcast_in_dim3A_638], %mul3A_640 : memref<80x16xf32, #tpu.memory_space<vmem>>[vector<16xi32>, vector<16xi32>], vector<16xf32>,
      %broadcast_in_dim3A_641 = arith.constant 14 : i32
      %broadcast_in_dim3A_642 = vector.broadcast %broadcast_in_dim3A_641 : i32 to vector<16xi32>
      %gather3A_643 = tpu.vector_load_idx %arg14[%add3A_584, %broadcast_in_dim3A_642] : memref<80x16xf32, #tpu.memory_space<vmem>>[vector<16xi32>, vector<16xi32>], vector<16xf32>,
      %mul3A_644 = arith.mulf %gather3A_643, %mul3A_578 : vector<16xf32>
      tpu.vector_store_idx %arg14[%add3A_584, %broadcast_in_dim3A_642], %mul3A_644 : memref<80x16xf32, #tpu.memory_space<vmem>>[vector<16xi32>, vector<16xi32>], vector<16xf32>,
      %broadcast_in_dim3A_645 = arith.constant 15 : i32
      %broadcast_in_dim3A_646 = vector.broadcast %broadcast_in_dim3A_645 : i32 to vector<16xi32>
      %gather3A_647 = tpu.vector_load_idx %arg14[%add3A_584, %broadcast_in_dim3A_646] : memref<80x16xf32, #tpu.memory_space<vmem>>[vector<16xi32>, vector<16xi32>], vector<16xf32>,
      %mul3A_648 = arith.mulf %gather3A_647, %mul3A_578 : vector<16xf32>
      tpu.vector_store_idx %arg14[%add3A_584, %broadcast_in_dim3A_646], %mul3A_648 : memref<80x16xf32, #tpu.memory_space<vmem>>[vector<16xi32>, vector<16xi32>], vector<16xf32>,
      %get3A_649 = arith.constant 64 : index
      %get3A_650 = tpu.vector_load %arg11[%get3A_649] {strides = array<i32>} : memref<80xf32, #tpu.memory_space<vmem>>, vector<16xf32>,
      %get3A_651 = arith.constant 64 : index
      %get3A_652 = tpu.vector_load %arg13[%get3A_651] {strides = array<i32>} : memref<80xf32, #tpu.memory_space<vmem>>, vector<16xf32>,
      %mul3A_653 = arith.mulf %get3A_650, %get3A_652 : vector<16xf32>
      %swap3A_654 = arith.constant 64 : index
      %swap3A_655 = tpu.vector_load %arg12[%swap3A_654] {strides = array<i32>} : memref<80xf32, #tpu.memory_space<vmem>>, vector<16xf32>,
      tpu.vector_store %arg12[%swap3A_654], %mul3A_653 {strides = array<i32>} : memref<80xf32, #tpu.memory_space<vmem>>, vector<16xf32>,
      %iota3A_656 = tpu.iota {dimensions = array<i32: 0>} : vector<16xi32>
      %add3A_657 = arith.constant 64 : i32
      %add3A_658 = vector.broadcast %add3A_657 : i32 to vector<16xi32>
      %add3A_659 = arith.addi %add3A_658, %iota3A_656 : vector<16xi32>
      %broadcast_in_dim3A_660 = arith.constant 0 : i32
      %broadcast_in_dim3A_661 = vector.broadcast %broadcast_in_dim3A_660 : i32 to vector<16xi32>
      %gather3A_662 = tpu.vector_load_idx %arg14[%add3A_659, %broadcast_in_dim3A_661] : memref<80x16xf32, #tpu.memory_space<vmem>>[vector<16xi32>, vector<16xi32>], vector<16xf32>,
      %mul3A_663 = arith.mulf %gather3A_662, %mul3A_653 : vector<16xf32>
      tpu.vector_store_idx %arg14[%add3A_659, %broadcast_in_dim3A_661], %mul3A_663 : memref<80x16xf32, #tpu.memory_space<vmem>>[vector<16xi32>, vector<16xi32>], vector<16xf32>,
      %broadcast_in_dim3A_664 = arith.constant 1 : i32
      %broadcast_in_dim3A_665 = vector.broadcast %broadcast_in_dim3A_664 : i32 to vector<16xi32>
      %gather3A_666 = tpu.vector_load_idx %arg14[%add3A_659, %broadcast_in_dim3A_665] : memref<80x16xf32, #tpu.memory_space<vmem>>[vector<16xi32>, vector<16xi32>], vector<16xf32>,
      %mul3A_667 = arith.mulf %gather3A_666, %mul3A_653 : vector<16xf32>
      tpu.vector_store_idx %arg14[%add3A_659, %broadcast_in_dim3A_665], %mul3A_667 : memref<80x16xf32, #tpu.memory_space<vmem>>[vector<16xi32>, vector<16xi32>], vector<16xf32>,
      %broadcast_in_dim3A_668 = arith.constant 2 : i32
      %broadcast_in_dim3A_669 = vector.broadcast %broadcast_in_dim3A_668 : i32 to vector<16xi32>
      %gather3A_670 = tpu.vector_load_idx %arg14[%add3A_659, %broadcast_in_dim3A_669] : memref<80x16xf32, #tpu.memory_space<vmem>>[vector<16xi32>, vector<16xi32>], vector<16xf32>,
      %mul3A_671 = arith.mulf %gather3A_670, %mul3A_653 : vector<16xf32>
      tpu.vector_store_idx %arg14[%add3A_659, %broadcast_in_dim3A_669], %mul3A_671 : memref<80x16xf32, #tpu.memory_space<vmem>>[vector<16xi32>, vector<16xi32>], vector<16xf32>,
      %broadcast_in_dim3A_672 = arith.constant 3 : i32
      %broadcast_in_dim3A_673 = vector.broadcast %broadcast_in_dim3A_672 : i32 to vector<16xi32>
      %gather3A_674 = tpu.vector_load_idx %arg14[%add3A_659, %broadcast_in_dim3A_673] : memref<80x16xf32, #tpu.memory_space<vmem>>[vector<16xi32>, vector<16xi32>], vector<16xf32>,
      %mul3A_675 = arith.mulf %gather3A_674, %mul3A_653 : vector<16xf32>
      tpu.vector_store_idx %arg14[%add3A_659, %broadcast_in_dim3A_673], %mul3A_675 : memref<80x16xf32, #tpu.memory_space<vmem>>[vector<16xi32>, vector<16xi32>], vector<16xf32>,
      %broadcast_in_dim3A_676 = arith.constant 4 : i32
      %broadcast_in_dim3A_677 = vector.broadcast %broadcast_in_dim3A_676 : i32 to vector<16xi32>
      %gather3A_678 = tpu.vector_load_idx %arg14[%add3A_659, %broadcast_in_dim3A_677] : memref<80x16xf32, #tpu.memory_space<vmem>>[vector<16xi32>, vector<16xi32>], vector<16xf32>,
      %mul3A_679 = arith.mulf %gather3A_678, %mul3A_653 : vector<16xf32>
      tpu.vector_store_idx %arg14[%add3A_659, %broadcast_in_dim3A_677], %mul3A_679 : memref<80x16xf32, #tpu.memory_space<vmem>>[vector<16xi32>, vector<16xi32>], vector<16xf32>,
      %broadcast_in_dim3A_680 = arith.constant 5 : i32
      %broadcast_in_dim3A_681 = vector.broadcast %broadcast_in_dim3A_680 : i32 to vector<16xi32>
      %gather3A_682 = tpu.vector_load_idx %arg14[%add3A_659, %broadcast_in_dim3A_681] : memref<80x16xf32, #tpu.memory_space<vmem>>[vector<16xi32>, vector<16xi32>], vector<16xf32>,
      %mul3A_683 = arith.mulf %gather3A_682, %mul3A_653 : vector<16xf32>
      tpu.vector_store_idx %arg14[%add3A_659, %broadcast_in_dim3A_681], %mul3A_683 : memref<80x16xf32, #tpu.memory_space<vmem>>[vector<16xi32>, vector<16xi32>], vector<16xf32>,
      %broadcast_in_dim3A_684 = arith.constant 6 : i32
      %broadcast_in_dim3A_685 = vector.broadcast %broadcast_in_dim3A_684 : i32 to vector<16xi32>
      %gather3A_686 = tpu.vector_load_idx %arg14[%add3A_659, %broadcast_in_dim3A_685] : memref<80x16xf32, #tpu.memory_space<vmem>>[vector<16xi32>, vector<16xi32>], vector<16xf32>,
      %mul3A_687 = arith.mulf %gather3A_686, %mul3A_653 : vector<16xf32>
      tpu.vector_store_idx %arg14[%add3A_659, %broadcast_in_dim3A_685], %mul3A_687 : memref<80x16xf32, #tpu.memory_space<vmem>>[vector<16xi32>, vector<16xi32>], vector<16xf32>,
      %broadcast_in_dim3A_688 = arith.constant 7 : i32
      %broadcast_in_dim3A_689 = vector.broadcast %broadcast_in_dim3A_688 : i32 to vector<16xi32>
      %gather3A_690 = tpu.vector_load_idx %arg14[%add3A_659, %broadcast_in_dim3A_689] : memref<80x16xf32, #tpu.memory_space<vmem>>[vector<16xi32>, vector<16xi32>], vector<16xf32>,
      %mul3A_691 = arith.mulf %gather3A_690, %mul3A_653 : vector<16xf32>
      tpu.vector_store_idx %arg14[%add3A_659, %broadcast_in_dim3A_689], %mul3A_691 : memref<80x16xf32, #tpu.memory_space<vmem>>[vector<16xi32>, vector<16xi32>], vector<16xf32>,
      %broadcast_in_dim3A_692 = arith.constant 8 : i32
      %broadcast_in_dim3A_693 = vector.broadcast %broadcast_in_dim3A_692 : i32 to vector<16xi32>
      %gather3A_694 = tpu.vector_load_idx %arg14[%add3A_659, %broadcast_in_dim3A_693] : memref<80x16xf32, #tpu.memory_space<vmem>>[vector<16xi32>, vector<16xi32>], vector<16xf32>,
      %mul3A_695 = arith.mulf %gather3A_694, %mul3A_653 : vector<16xf32>
      tpu.vector_store_idx %arg14[%add3A_659, %broadcast_in_dim3A_693], %mul3A_695 : memref<80x16xf32, #tpu.memory_space<vmem>>[vector<16xi32>, vector<16xi32>], vector<16xf32>,
      %broadcast_in_dim3A_696 = arith.constant 9 : i32
      %broadcast_in_dim3A_697 = vector.broadcast %broadcast_in_dim3A_696 : i32 to vector<16xi32>
      %gather3A_698 = tpu.vector_load_idx %arg14[%add3A_659, %broadcast_in_dim3A_697] : memref<80x16xf32, #tpu.memory_space<vmem>>[vector<16xi32>, vector<16xi32>], vector<16xf32>,
      %mul3A_699 = arith.mulf %gather3A_698, %mul3A_653 : vector<16xf32>
      tpu.vector_store_idx %arg14[%add3A_659, %broadcast_in_dim3A_697], %mul3A_699 : memref<80x16xf32, #tpu.memory_space<vmem>>[vector<16xi32>, vector<16xi32>], vector<16xf32>,
      %broadcast_in_dim3A_700 = arith.constant 10 : i32
      %broadcast_in_dim3A_701 = vector.broadcast %broadcast_in_dim3A_700 : i32 to vector<16xi32>
      %gather3A_702 = tpu.vector_load_idx %arg14[%add3A_659, %broadcast_in_dim3A_701] : memref<80x16xf32, #tpu.memory_space<vmem>>[vector<16xi32>, vector<16xi32>], vector<16xf32>,
      %mul3A_703 = arith.mulf %gather3A_702, %mul3A_653 : vector<16xf32>
      tpu.vector_store_idx %arg14[%add3A_659, %broadcast_in_dim3A_701], %mul3A_703 : memref<80x16xf32, #tpu.memory_space<vmem>>[vector<16xi32>, vector<16xi32>], vector<16xf32>,
      %broadcast_in_dim3A_704 = arith.constant 11 : i32
      %broadcast_in_dim3A_705 = vector.broadcast %broadcast_in_dim3A_704 : i32 to vector<16xi32>
      %gather3A_706 = tpu.vector_load_idx %arg14[%add3A_659, %broadcast_in_dim3A_705] : memref<80x16xf32, #tpu.memory_space<vmem>>[vector<16xi32>, vector<16xi32>], vector<16xf32>,
      %mul3A_707 = arith.mulf %gather3A_706, %mul3A_653 : vector<16xf32>
      tpu.vector_store_idx %arg14[%add3A_659, %broadcast_in_dim3A_705], %mul3A_707 : memref<80x16xf32, #tpu.memory_space<vmem>>[vector<16xi32>, vector<16xi32>], vector<16xf32>,
      %broadcast_in_dim3A_708 = arith.constant 12 : i32
      %broadcast_in_dim3A_709 = vector.broadcast %broadcast_in_dim3A_708 : i32 to vector<16xi32>
      %gather3A_710 = tpu.vector_load_idx %arg14[%add3A_659, %broadcast_in_dim3A_709] : memref<80x16xf32, #tpu.memory_space<vmem>>[vector<16xi32>, vector<16xi32>], vector<16xf32>,
      %mul3A_711 = arith.mulf %gather3A_710, %mul3A_653 : vector<16xf32>
      tpu.vector_store_idx %arg14[%add3A_659, %broadcast_in_dim3A_709], %mul3A_711 : memref<80x16xf32, #tpu.memory_space<vmem>>[vector<16xi32>, vector<16xi32>], vector<16xf32>,
      %broadcast_in_dim3A_712 = arith.constant 13 : i32
      %broadcast_in_dim3A_713 = vector.broadcast %broadcast_in_dim3A_712 : i32 to vector<16xi32>
      %gather3A_714 = tpu.vector_load_idx %arg14[%add3A_659, %broadcast_in_dim3A_713] : memref<80x16xf32, #tpu.memory_space<vmem>>[vector<16xi32>, vector<16xi32>], vector<16xf32>,
      %mul3A_715 = arith.mulf %gather3A_714, %mul3A_653 : vector<16xf32>
      tpu.vector_store_idx %arg14[%add3A_659, %broadcast_in_dim3A_713], %mul3A_715 : memref<80x16xf32, #tpu.memory_space<vmem>>[vector<16xi32>, vector<16xi32>], vector<16xf32>,
      %broadcast_in_dim3A_716 = arith.constant 14 : i32
      %broadcast_in_dim3A_717 = vector.broadcast %broadcast_in_dim3A_716 : i32 to vector<16xi32>
      %gather3A_718 = tpu.vector_load_idx %arg14[%add3A_659, %broadcast_in_dim3A_717] : memref<80x16xf32, #tpu.memory_space<vmem>>[vector<16xi32>, vector<16xi32>], vector<16xf32>,
      %mul3A_719 = arith.mulf %gather3A_718, %mul3A_653 : vector<16xf32>
      tpu.vector_store_idx %arg14[%add3A_659, %broadcast_in_dim3A_717], %mul3A_719 : memref<80x16xf32, #tpu.memory_space<vmem>>[vector<16xi32>, vector<16xi32>], vector<16xf32>,
      %broadcast_in_dim3A_720 = arith.constant 15 : i32
      %broadcast_in_dim3A_721 = vector.broadcast %broadcast_in_dim3A_720 : i32 to vector<16xi32>
      %gather3A_722 = tpu.vector_load_idx %arg14[%add3A_659, %broadcast_in_dim3A_721] : memref<80x16xf32, #tpu.memory_space<vmem>>[vector<16xi32>, vector<16xi32>], vector<16xf32>,
      %mul3A_723 = arith.mulf %gather3A_722, %mul3A_653 : vector<16xf32>
      tpu.vector_store_idx %arg14[%add3A_659, %broadcast_in_dim3A_721], %mul3A_723 : memref<80x16xf32, #tpu.memory_space<vmem>>[vector<16xi32>, vector<16xi32>], vector<16xf32>,
      "tpu.region"() ({
        %run_scoped3A = tpu.sem_alloc : memref<!tpu.dma_semaphore, #tpu.memory_space<semaphore_mem>>
        %dma_start3A_725 = tpu.memref_slice %arg7[%add3A_343] : memref<3200000xf32, #tpu.memory_space<hbm>> -> memref<80xf32, #tpu.memory_space<hbm>>
        %dma_start3A_726 = tpu.memref_slice %arg7[%add3A_343] : memref<3200000xf32, #tpu.memory_space<hbm>> -> memref<80xf32, #tpu.memory_space<hbm>>
        tpu.enqueue_dma source(%arg12 : memref<80xf32, #tpu.memory_space<vmem>>) target(%dma_start3A_726 : memref<80xf32, #tpu.memory_space<hbm>>) target_semaphore(%run_scoped3A : memref<!tpu.dma_semaphore, #tpu.memory_space<semaphore_mem>>)
        %dma_wait3A_727 = tpu.memref_slice %arg7[%add3A_343] : memref<3200000xf32, #tpu.memory_space<hbm>> -> memref<80xf32, #tpu.memory_space<hbm>>
        %dma_wait3A_728 = tpu.memref_slice %arg7[%add3A_343] : memref<3200000xf32, #tpu.memory_space<hbm>> -> memref<80xf32, #tpu.memory_space<hbm>>
        tpu.wait_dma2 semaphore(%run_scoped3A : memref<!tpu.dma_semaphore, #tpu.memory_space<semaphore_mem>>) src(%arg12 : memref<80xf32, #tpu.memory_space<vmem>>) dst(%dma_wait3A_728 : memref<80xf32, #tpu.memory_space<hbm>>)
        tpu.yield
      }) : () -> ()
      "tpu.region"() ({
        %run_scoped3A = tpu.sem_alloc : memref<!tpu.dma_semaphore, #tpu.memory_space<semaphore_mem>>
        %dma_start3A_725 = arith.constant 0 : i32
        %dma_start3A_726 = arith.constant 0 : i32
        %dma_start3A_727 = tpu.memref_slice %arg17[%dma_start3A_725, %dma_start3A_726] : memref<101120x16xf32, #tpu.memory_space<vmem_shared>> -> memref<101120x16xf32, #tpu.memory_space<vmem_shared>>
        tpu.enqueue_indirect_dma source(%arg14 : memref<80x16xf32, #tpu.memory_space<vmem>>) target(%dma_start3A_727 : memref<101120x16xf32, #tpu.memory_space<vmem_shared>>) offsets(%arg10 : memref<80xi32, #tpu.memory_space<vmem>>) semaphore(%run_scoped3A : memref<!tpu.dma_semaphore, #tpu.memory_space<semaphore_mem>>) {add = true}
        %dma_wait3A_728 = arith.constant 0 : i32
        %dma_wait3A_729 = arith.constant 0 : i32
        %dma_wait3A_730 = tpu.memref_slice %arg17[%dma_wait3A_728, %dma_wait3A_729] : memref<101120x16xf32, #tpu.memory_space<vmem_shared>> -> memref<101120x16xf32, #tpu.memory_space<vmem_shared>>
        tpu.wait_indirect_dma semaphore(%run_scoped3A : memref<!tpu.dma_semaphore, #tpu.memory_space<semaphore_mem>>) src(%arg14 : memref<80x16xf32, #tpu.memory_space<vmem>>) dst(%dma_wait3A_730 : memref<101120x16xf32, #tpu.memory_space<vmem_shared>>)
        tpu.yield
      }) : () -> ()
      %scan3A_724 = arith.constant 0 : i32
      scf.yield %scan3A_724 : i32
    }
    %scan3A_337 = arith.constant 1250 : i32
    %barrier3A_338 = arith.constant 0 : index
    tpu.barrier barrier_id(%barrier3A_338)
    "tpu.region"() ({
      %run_scoped3A = tpu.sem_alloc : memref<!tpu.dma_semaphore, #tpu.memory_space<semaphore_mem>>
      %dma_start3A = arith.constant 0 : i32
      %dma_start3A_339 = tpu.memref_slice %arg8[%arg0, %mul3A_324, %dma_start3A] : memref<2x101120x16xf32, #tpu.memory_space<hbm>> -> memref<1x6320x16xf32, #tpu.memory_space<hbm>>
      %dma_start3A_340 = tpu.memref_squeeze %dma_start3A_339 : memref<1x6320x16xf32, #tpu.memory_space<hbm>> -> memref<6320x16xf32, #tpu.memory_space<hbm>>
      %dma_start3A_341 = arith.constant 0 : i32
      %dma_start3A_342 = tpu.memref_slice %arg17[%mul3A_324, %dma_start3A_341] : memref<101120x16xf32, #tpu.memory_space<vmem_shared>> -> memref<6320x16xf32, #tpu.memory_space<vmem_shared>>
      tpu.enqueue_dma source(%dma_start3A_342 : memref<6320x16xf32, #tpu.memory_space<vmem_shared>>) target(%dma_start3A_340 : memref<6320x16xf32, #tpu.memory_space<hbm>>) target_semaphore(%run_scoped3A : memref<!tpu.dma_semaphore, #tpu.memory_space<semaphore_mem>>)
      %dma_wait3A = arith.constant 0 : i32
      %dma_wait3A_343 = tpu.memref_slice %arg8[%arg0, %mul3A_324, %dma_wait3A] : memref<2x101120x16xf32, #tpu.memory_space<hbm>> -> memref<1x6320x16xf32, #tpu.memory_space<hbm>>
      %dma_wait3A_344 = tpu.memref_squeeze %dma_wait3A_343 : memref<1x6320x16xf32, #tpu.memory_space<hbm>> -> memref<6320x16xf32, #tpu.memory_space<hbm>>
      %dma_wait3A_345 = arith.constant 0 : i32
      %dma_wait3A_346 = tpu.memref_slice %arg17[%mul3A_324, %dma_wait3A_345] : memref<101120x16xf32, #tpu.memory_space<vmem_shared>> -> memref<6320x16xf32, #tpu.memory_space<vmem_shared>>
      tpu.wait_dma2 semaphore(%run_scoped3A : memref<!tpu.dma_semaphore, #tpu.memory_space<semaphore_mem>>) src(%dma_wait3A_346 : memref<6320x16xf32, #tpu.memory_space<vmem_shared>>) dst(%dma_wait3A_344 : memref<6320x16xf32, #tpu.memory_space<hbm>>)
      tpu.yield
    }) : () -> ()
    return
  }
}

module attributes {stable_mosaic.version = 14 : i64} {
  func.func @_inv_body(%arg0: memref<790x128xf32, #tpu.memory_space<vmem>>, %arg1: memref<790x128xf32, #tpu.memory_space<vmem>>, %arg2: memref<790x128xf32, #tpu.memory_space<vmem>>) attributes {dimension_semantics = [], scalar_prefetch = 0 : i64, scratch_operands = 0 : i64, tpu.core_type = #tpu.core_type<tc>} {
    %get3A = arith.constant 0 : index
    %get3A_0 = arith.constant 0 : index
    %get3A_1 = vector.load %arg0[%get3A, %get3A_0] : memref<790x128xf32, #tpu.memory_space<vmem>>, vector<790x128xf32>
    %get3A_2 = arith.constant 0 : index
    %get3A_3 = arith.constant 0 : index
    %get3A_4 = vector.load %arg1[%get3A_2, %get3A_3] : memref<790x128xf32, #tpu.memory_space<vmem>>, vector<790x128xf32>
    %add3A = arith.addf %get3A_1, %get3A_4 : vector<790x128xf32>
    %add3A_5 = arith.constant 9.99999971E-10 : f32
    %add3A_6 = vector.broadcast %add3A_5 : f32 to vector<790x128xf32>
    %add3A_7 = arith.addf %add3A, %add3A_6 : vector<790x128xf32>
    %div3A = arith.constant 1.000000e+00 : f32
    %div3A_8 = vector.broadcast %div3A : f32 to vector<790x128xf32>
    %div3A_9 = arith.divf %div3A_8, %add3A_7 : vector<790x128xf32>
    %swap3A = arith.constant 0 : index
    %swap3A_10 = arith.constant 0 : index
    %swap3A_11 = vector.load %arg2[%swap3A, %swap3A_10] : memref<790x128xf32, #tpu.memory_space<vmem>>, vector<790x128xf32>
    tpu.vector_store %arg2[%swap3A, %swap3A_10], %div3A_9 {strides = array<i32>} : memref<790x128xf32, #tpu.memory_space<vmem>>, vector<790x128xf32>,
    return
  }
}

module attributes {stable_mosaic.version = 14 : i64} {
  func.func @_fin_body(%arg0: i32, %arg1: memref<1264x128xf32, #tpu.memory_space<vmem>>, %arg2: memref<1264x128xf32, #tpu.memory_space<vmem>>, %arg3: memref<1264x128xf32, #tpu.memory_space<vmem>>, %arg4: memref<1264x128xf32, #tpu.memory_space<vmem>>, %arg5: memref<1264x128xf32, #tpu.memory_space<vmem>>) attributes {dimension_semantics = [#tpu.dimension_semantics<arbitrary>], iteration_bounds = array<i64: 10>, scalar_prefetch = 0 : i64, scratch_operands = 0 : i64, tpu.core_type = #tpu.core_type<tc>, window_params = [{transform_indices = @transform_0, window_bounds = array<i64: 1264, 128>}, {transform_indices = @transform_1, window_bounds = array<i64: 1264, 128>}, {transform_indices = @transform_2, window_bounds = array<i64: 1264, 128>}, {transform_indices = @transform_3, window_bounds = array<i64: 1264, 128>}, {transform_indices = @transform_4, window_bounds = array<i64: 1264, 128>}]} {
    %get3A = arith.constant 0 : index
    %get3A_0 = arith.constant 0 : index
    %get3A_1 = vector.load %arg1[%get3A, %get3A_0] : memref<1264x128xf32, #tpu.memory_space<vmem>>, vector<1264x128xf32>
    %get3A_2 = arith.constant 0 : index
    %get3A_3 = arith.constant 0 : index
    %get3A_4 = vector.load %arg2[%get3A_2, %get3A_3] : memref<1264x128xf32, #tpu.memory_space<vmem>>, vector<1264x128xf32>
    %add3A = arith.addf %get3A_1, %get3A_4 : vector<1264x128xf32>
    %tanh3A = math.tanh %add3A : vector<1264x128xf32>
    %swap3A = arith.constant 0 : index
    %swap3A_5 = arith.constant 0 : index
    %swap3A_6 = vector.load %arg4[%swap3A, %swap3A_5] : memref<1264x128xf32, #tpu.memory_space<vmem>>, vector<1264x128xf32>
    tpu.vector_store %arg4[%swap3A, %swap3A_5], %tanh3A {strides = array<i32>} : memref<1264x128xf32, #tpu.memory_space<vmem>>, vector<1264x128xf32>,
    %get3A_7 = arith.constant 0 : index
    %get3A_8 = arith.constant 0 : index
    %get3A_9 = vector.load %arg3[%get3A_7, %get3A_8] : memref<1264x128xf32, #tpu.memory_space<vmem>>, vector<1264x128xf32>
    %add3A_10 = arith.addf %get3A_9, %tanh3A : vector<1264x128xf32>
    %mul3A = arith.constant 1.000000e+00 : f32
    %mul3A_11 = vector.broadcast %mul3A : f32 to vector<1264x128xf32>
    %mul3A_12 = arith.mulf %add3A_10, %mul3A_11 : vector<1264x128xf32>
    %swap3A_13 = arith.constant 0 : index
    %swap3A_14 = arith.constant 0 : index
    %swap3A_15 = vector.load %arg5[%swap3A_13, %swap3A_14] : memref<1264x128xf32, #tpu.memory_space<vmem>>, vector<1264x128xf32>
    tpu.vector_store %arg5[%swap3A_13, %swap3A_14], %mul3A_12 {strides = array<i32>} : memref<1264x128xf32, #tpu.memory_space<vmem>>, vector<1264x128xf32>,
    return
  }
  func.func @transform_0(%arg0: i32) -> (i32, i32) {
    %c0_i32 = arith.constant 0 : i32
    %c0_i32_0 = arith.constant 0 : i32
    return %arg0, %c0_i32 : i32, i32
  }
  func.func @transform_1(%arg0: i32) -> (i32, i32) {
    %c0_i32 = arith.constant 0 : i32
    %c0_i32_0 = arith.constant 0 : i32
    return %arg0, %c0_i32 : i32, i32
  }
  func.func @transform_2(%arg0: i32) -> (i32, i32) {
    %c0_i32 = arith.constant 0 : i32
    %c0_i32_0 = arith.constant 0 : i32
    return %arg0, %c0_i32 : i32, i32
  }
  func.func @transform_3(%arg0: i32) -> (i32, i32) {
    %c0_i32 = arith.constant 0 : i32
    %c0_i32_0 = arith.constant 0 : i32
    return %arg0, %c0_i32 : i32, i32
  }
  func.func @transform_4(%arg0: i32) -> (i32, i32) {
    %c0_i32 = arith.constant 0 : i32
    %c0_i32_0 = arith.constant 0 : i32
    return %arg0, %c0_i32 : i32, i32
  }
}

module attributes {stable_mosaic.version = 14 : i64} {
  func.func @_fin_body(%arg0: i32, %arg1: memref<1264x128xf32, #tpu.memory_space<vmem>>, %arg2: memref<1264x128xf32, #tpu.memory_space<vmem>>, %arg3: memref<1264x128xf32, #tpu.memory_space<vmem>>, %arg4: memref<1264x128xf32, #tpu.memory_space<vmem>>, %arg5: memref<1264x128xf32, #tpu.memory_space<vmem>>) attributes {dimension_semantics = [#tpu.dimension_semantics<arbitrary>], iteration_bounds = array<i64: 10>, scalar_prefetch = 0 : i64, scratch_operands = 0 : i64, tpu.core_type = #tpu.core_type<tc>, window_params = [{transform_indices = @transform_0, window_bounds = array<i64: 1264, 128>}, {transform_indices = @transform_1, window_bounds = array<i64: 1264, 128>}, {transform_indices = @transform_2, window_bounds = array<i64: 1264, 128>}, {transform_indices = @transform_3, window_bounds = array<i64: 1264, 128>}, {transform_indices = @transform_4, window_bounds = array<i64: 1264, 128>}]} {
    %get3A = arith.constant 0 : index
    %get3A_0 = arith.constant 0 : index
    %get3A_1 = vector.load %arg1[%get3A, %get3A_0] : memref<1264x128xf32, #tpu.memory_space<vmem>>, vector<1264x128xf32>
    %get3A_2 = arith.constant 0 : index
    %get3A_3 = arith.constant 0 : index
    %get3A_4 = vector.load %arg2[%get3A_2, %get3A_3] : memref<1264x128xf32, #tpu.memory_space<vmem>>, vector<1264x128xf32>
    %add3A = arith.addf %get3A_1, %get3A_4 : vector<1264x128xf32>
    %tanh3A = math.tanh %add3A : vector<1264x128xf32>
    %swap3A = arith.constant 0 : index
    %swap3A_5 = arith.constant 0 : index
    %swap3A_6 = vector.load %arg4[%swap3A, %swap3A_5] : memref<1264x128xf32, #tpu.memory_space<vmem>>, vector<1264x128xf32>
    tpu.vector_store %arg4[%swap3A, %swap3A_5], %tanh3A {strides = array<i32>} : memref<1264x128xf32, #tpu.memory_space<vmem>>, vector<1264x128xf32>,
    %get3A_7 = arith.constant 0 : index
    %get3A_8 = arith.constant 0 : index
    %get3A_9 = vector.load %arg3[%get3A_7, %get3A_8] : memref<1264x128xf32, #tpu.memory_space<vmem>>, vector<1264x128xf32>
    %add3A_10 = arith.addf %get3A_9, %tanh3A : vector<1264x128xf32>
    %mul3A = arith.constant 0.333333343 : f32
    %mul3A_11 = vector.broadcast %mul3A : f32 to vector<1264x128xf32>
    %mul3A_12 = arith.mulf %add3A_10, %mul3A_11 : vector<1264x128xf32>
    %swap3A_13 = arith.constant 0 : index
    %swap3A_14 = arith.constant 0 : index
    %swap3A_15 = vector.load %arg5[%swap3A_13, %swap3A_14] : memref<1264x128xf32, #tpu.memory_space<vmem>>, vector<1264x128xf32>
    tpu.vector_store %arg5[%swap3A_13, %swap3A_14], %mul3A_12 {strides = array<i32>} : memref<1264x128xf32, #tpu.memory_space<vmem>>, vector<1264x128xf32>,
    return
  }
  func.func @transform_0(%arg0: i32) -> (i32, i32) {
    %c0_i32 = arith.constant 0 : i32
    %c0_i32_0 = arith.constant 0 : i32
    return %arg0, %c0_i32 : i32, i32
  }
  func.func @transform_1(%arg0: i32) -> (i32, i32) {
    %c0_i32 = arith.constant 0 : i32
    %c0_i32_0 = arith.constant 0 : i32
    return %arg0, %c0_i32 : i32, i32
  }
  func.func @transform_2(%arg0: i32) -> (i32, i32) {
    %c0_i32 = arith.constant 0 : i32
    %c0_i32_0 = arith.constant 0 : i32
    return %arg0, %c0_i32 : i32, i32
  }
  func.func @transform_3(%arg0: i32) -> (i32, i32) {
    %c0_i32 = arith.constant 0 : i32
    %c0_i32_0 = arith.constant 0 : i32
    return %arg0, %c0_i32 : i32, i32
  }
  func.func @transform_4(%arg0: i32) -> (i32, i32) {
    %c0_i32 = arith.constant 0 : i32
    %c0_i32_0 = arith.constant 0 : i32
    return %arg0, %c0_i32 : i32, i32
  }
}

module attributes {stable_mosaic.version = 14 : i64} {
  func.func @_mlp_body(%arg0: i32, %arg1: memref<512x16xf32, #tpu.memory_space<vmem>>, %arg2: memref<512x16xf32, #tpu.memory_space<vmem>>, %arg3: memref<512x16xf32, #tpu.memory_space<vmem>>, %arg4: memref<48x64xf32, #tpu.memory_space<vmem>>, %arg5: memref<1x64xf32, #tpu.memory_space<vmem>>, %arg6: memref<64x32xf32, #tpu.memory_space<vmem>>, %arg7: memref<1x32xf32, #tpu.memory_space<vmem>>, %arg8: memref<32x1xf32, #tpu.memory_space<vmem>>, %arg9: memref<1x1xf32, #tpu.memory_space<vmem>>, %arg10: memref<512x1xf32, #tpu.memory_space<vmem>>) attributes {dimension_semantics = [#tpu.dimension_semantics<arbitrary>], iteration_bounds = array<i64: 8>, scalar_prefetch = 0 : i64, scratch_operands = 0 : i64, tpu.core_type = #tpu.core_type<tc>, window_params = [{transform_indices = @transform_0, window_bounds = array<i64: 512, 16>}, {transform_indices = @transform_1, window_bounds = array<i64: 512, 16>}, {transform_indices = @transform_2, window_bounds = array<i64: 512, 16>}, {pipeline_mode = #tpu.pipeline_mode<synchronous>, transform_indices = @transform_3, window_bounds = array<i64: 48, 64>}, {pipeline_mode = #tpu.pipeline_mode<synchronous>, transform_indices = @transform_4, window_bounds = array<i64: 1, 64>}, {pipeline_mode = #tpu.pipeline_mode<synchronous>, transform_indices = @transform_5, window_bounds = array<i64: 64, 32>}, {pipeline_mode = #tpu.pipeline_mode<synchronous>, transform_indices = @transform_6, window_bounds = array<i64: 1, 32>}, {pipeline_mode = #tpu.pipeline_mode<synchronous>, transform_indices = @transform_7, window_bounds = array<i64: 32, 1>}, {pipeline_mode = #tpu.pipeline_mode<synchronous>, transform_indices = @transform_8, window_bounds = array<i64: 1, 1>}, {transform_indices = @transform_9, window_bounds = array<i64: 512, 1>}]} {
    %get3A = arith.constant 0 : index
    %get3A_0 = arith.constant 0 : index
    %get3A_1 = vector.load %arg1[%get3A, %get3A_0] : memref<512x16xf32, #tpu.memory_space<vmem>>, vector<512x16xf32>
    %get3A_2 = arith.constant 0 : index
    %get3A_3 = arith.constant 0 : index
    %get3A_4 = vector.load %arg4[%get3A_2, %get3A_3] : memref<48x64xf32, #tpu.memory_space<vmem>>, vector<16x64xf32>
    %dot_general3A = arith.constant dense<0.000000e+00> : vector<512x64xf32>
    %dot_general3A_5 = tpu.matmul %get3A_1, %get3A_4, %dot_general3A {dimension_numbers = #tpu.dot_dimension_numbers<[1], [0], [0], [1], [0, 0, 1, 1], [], []>, transpose_lhs_hint = false} : vector<512x16xf32>, vector<16x64xf32>, vector<512x64xf32> -> vector<512x64xf32>
    %get3A_6 = arith.constant 0 : index
    %get3A_7 = arith.constant 0 : index
    %get3A_8 = vector.load %arg2[%get3A_6, %get3A_7] : memref<512x16xf32, #tpu.memory_space<vmem>>, vector<512x16xf32>
    %get3A_9 = arith.constant 16 : index
    %get3A_10 = arith.constant 0 : index
    %get3A_11 = vector.load %arg4[%get3A_9, %get3A_10] : memref<48x64xf32, #tpu.memory_space<vmem>>, vector<16x64xf32>
    %dot_general3A_12 = arith.constant dense<0.000000e+00> : vector<512x64xf32>
    %dot_general3A_13 = tpu.matmul %get3A_8, %get3A_11, %dot_general3A_12 {dimension_numbers = #tpu.dot_dimension_numbers<[1], [0], [0], [1], [0, 0, 1, 1], [], []>, transpose_lhs_hint = false} : vector<512x16xf32>, vector<16x64xf32>, vector<512x64xf32> -> vector<512x64xf32>
    %add3A = arith.addf %dot_general3A_5, %dot_general3A_13 : vector<512x64xf32>
    %get3A_14 = arith.constant 0 : index
    %get3A_15 = arith.constant 0 : index
    %get3A_16 = vector.load %arg3[%get3A_14, %get3A_15] : memref<512x16xf32, #tpu.memory_space<vmem>>, vector<512x16xf32>
    %get3A_17 = arith.constant 32 : index
    %get3A_18 = arith.constant 0 : index
    %get3A_19 = vector.load %arg4[%get3A_17, %get3A_18] : memref<48x64xf32, #tpu.memory_space<vmem>>, vector<16x64xf32>
    %dot_general3A_20 = arith.constant dense<0.000000e+00> : vector<512x64xf32>
    %dot_general3A_21 = tpu.matmul %get3A_16, %get3A_19, %dot_general3A_20 {dimension_numbers = #tpu.dot_dimension_numbers<[1], [0], [0], [1], [0, 0, 1, 1], [], []>, transpose_lhs_hint = false} : vector<512x16xf32>, vector<16x64xf32>, vector<512x64xf32> -> vector<512x64xf32>
    %add3A_22 = arith.addf %add3A, %dot_general3A_21 : vector<512x64xf32>
    %get3A_23 = arith.constant 0 : index
    %get3A_24 = arith.constant 0 : index
    %get3A_25 = vector.load %arg5[%get3A_23, %get3A_24] : memref<1x64xf32, #tpu.memory_space<vmem>>, vector<1x64xf32>
    %add3A_26 = vector.broadcast %get3A_25 : vector<1x64xf32> to vector<512x64xf32>
    %add3A_27 = arith.addf %add3A_22, %add3A_26 : vector<512x64xf32>
    %tanh3A = math.tanh %add3A_27 : vector<512x64xf32>
    %get3A_28 = arith.constant 0 : index
    %get3A_29 = arith.constant 0 : index
    %get3A_30 = vector.load %arg6[%get3A_28, %get3A_29] : memref<64x32xf32, #tpu.memory_space<vmem>>, vector<64x32xf32>
    %dot_general3A_31 = arith.constant dense<0.000000e+00> : vector<512x32xf32>
    %dot_general3A_32 = tpu.matmul %tanh3A, %get3A_30, %dot_general3A_31 {dimension_numbers = #tpu.dot_dimension_numbers<[1], [0], [0], [1], [0, 0, 1, 1], [], []>, transpose_lhs_hint = false} : vector<512x64xf32>, vector<64x32xf32>, vector<512x32xf32> -> vector<512x32xf32>
    %get3A_33 = arith.constant 0 : index
    %get3A_34 = arith.constant 0 : index
    %get3A_35 = vector.load %arg7[%get3A_33, %get3A_34] : memref<1x32xf32, #tpu.memory_space<vmem>>, vector<1x32xf32>
    %add3A_36 = vector.broadcast %get3A_35 : vector<1x32xf32> to vector<512x32xf32>
    %add3A_37 = arith.addf %dot_general3A_32, %add3A_36 : vector<512x32xf32>
    %tanh3A_38 = math.tanh %add3A_37 : vector<512x32xf32>
    %get3A_39 = arith.constant 0 : index
    %get3A_40 = arith.constant 0 : index
    %get3A_41 = vector.load %arg8[%get3A_39, %get3A_40] : memref<32x1xf32, #tpu.memory_space<vmem>>, vector<32x1xf32>
    %dot_general3A_42 = arith.constant dense<0.000000e+00> : vector<512x1xf32>
    %dot_general3A_43 = tpu.matmul %tanh3A_38, %get3A_41, %dot_general3A_42 {dimension_numbers = #tpu.dot_dimension_numbers<[1], [0], [0], [1], [0, 0, 1, 1], [], []>, transpose_lhs_hint = false} : vector<512x32xf32>, vector<32x1xf32>, vector<512x1xf32> -> vector<512x1xf32>
    %get3A_44 = arith.constant 0 : index
    %get3A_45 = arith.constant 0 : index
    %get3A_46 = vector.load %arg9[%get3A_44, %get3A_45] : memref<1x1xf32, #tpu.memory_space<vmem>>, vector<1x1xf32>
    %add3A_47 = vector.broadcast %get3A_46 : vector<1x1xf32> to vector<512x1xf32>
    %add3A_48 = arith.addf %dot_general3A_43, %add3A_47 : vector<512x1xf32>
    %swap3A = arith.constant 0 : index
    %swap3A_49 = arith.constant 0 : index
    %swap3A_50 = vector.load %arg10[%swap3A, %swap3A_49] : memref<512x1xf32, #tpu.memory_space<vmem>>, vector<512x1xf32>
    tpu.vector_store %arg10[%swap3A, %swap3A_49], %add3A_48 {strides = array<i32>} : memref<512x1xf32, #tpu.memory_space<vmem>>, vector<512x1xf32>,
    return
  }
  func.func @transform_0(%arg0: i32) -> (i32, i32) {
    %c0_i32 = arith.constant 0 : i32
    %c0_i32_0 = arith.constant 0 : i32
    return %arg0, %c0_i32 : i32, i32
  }
  func.func @transform_1(%arg0: i32) -> (i32, i32) {
    %c0_i32 = arith.constant 0 : i32
    %c0_i32_0 = arith.constant 0 : i32
    return %arg0, %c0_i32 : i32, i32
  }
  func.func @transform_2(%arg0: i32) -> (i32, i32) {
    %c0_i32 = arith.constant 0 : i32
    %c0_i32_0 = arith.constant 0 : i32
    return %arg0, %c0_i32 : i32, i32
  }
  func.func @transform_3(%arg0: i32) -> (i32, i32) {
    %c0_i32 = arith.constant 0 : i32
    %c0_i32_0 = arith.constant 0 : i32
    %c0_i32_1 = arith.constant 0 : i32
    return %c0_i32, %c0_i32_0 : i32, i32
  }
  func.func @transform_4(%arg0: i32) -> (i32, i32) {
    %c0_i32 = arith.constant 0 : i32
    %c0_i32_0 = arith.constant 0 : i32
    %c0_i32_1 = arith.constant 0 : i32
    return %c0_i32, %c0_i32_0 : i32, i32
  }
  func.func @transform_5(%arg0: i32) -> (i32, i32) {
    %c0_i32 = arith.constant 0 : i32
    %c0_i32_0 = arith.constant 0 : i32
    %c0_i32_1 = arith.constant 0 : i32
    return %c0_i32, %c0_i32_0 : i32, i32
  }
  func.func @transform_6(%arg0: i32) -> (i32, i32) {
    %c0_i32 = arith.constant 0 : i32
    %c0_i32_0 = arith.constant 0 : i32
    %c0_i32_1 = arith.constant 0 : i32
    return %c0_i32, %c0_i32_0 : i32, i32
  }
  func.func @transform_7(%arg0: i32) -> (i32, i32) {
    %c0_i32 = arith.constant 0 : i32
    %c0_i32_0 = arith.constant 0 : i32
    %c0_i32_1 = arith.constant 0 : i32
    return %c0_i32, %c0_i32_0 : i32, i32
  }
  func.func @transform_8(%arg0: i32) -> (i32, i32) {
    %c0_i32 = arith.constant 0 : i32
    %c0_i32_0 = arith.constant 0 : i32
    %c0_i32_1 = arith.constant 0 : i32
    return %c0_i32, %c0_i32_0 : i32, i32
  }
  func.func @transform_9(%arg0: i32) -> (i32, i32) {
    %c0_i32 = arith.constant 0 : i32
    %c0_i32_0 = arith.constant 0 : i32
    return %arg0, %c0_i32 : i32, i32
  }
}

</mosaic_0001>

<sc_bundles>
// kernel: kernel.10.cloned.1.call-start
scs
__scs_entry_jumppad:
0x0: {  	(pc) =	sbr.rel $0x88, $3  }
0x1: {  	(tag) =	ssettag $0x0;
	lr =	simm.s32 $0x1  }
0x2: {  	[smem:$0x3F96] =	sst lr;
	_ =	strace $0xD0000000  }
0x3: {  	_ = 	snop  }
0x4: {  	_ = 	snop  }
0x5: {  	_ = 	snop  }
0x6: {  	_ = 	snop  }
0x7: {  	_ = 	snop  }
__scs_overlays_trampoline_lowered:
0x8: {  	[smem:$0x3FA5] =	sst s0  }
0x9: {  	[smem:$0x3FA6] =	sst s1  }
0xa: {  	[smem:$0x3FA7] =	sst s2  }
0xb: {  	[smem:$0x3FA8] =	sst s3  }
0xc: {  	[smem:$0x3FA9] =	sst s4  }
0xd: {  	[smem:$0x3FAA] =	sst s5  }
0xe: {  	[smem:$0x3FAB] =	sst s6  }
0xf: {  	[smem:$0x3FAC] =	sst s7  }
0x10: {  	[smem:$0x3FAD] =	sst s8  }
0x11: {  	[smem:$0x3FAE] =	sst s9;
	s0 =	simm.s32 @!p0 $0x0  }
0x12: {  	s1 =	sld [smem:$0x3F94];
	s0 =	simm.s32 @p0 $0x1  }
0x13: {  	[smem:$0x3FAF] =	sst s0;
	s0 =	simm.s32 @!p1 $0x0  }
0x14: {  	s2 =	sld [smem:$0x3F93];
	s0 =	simm.s32 @p1 $0x1  }
0x15: {  	[smem:$0x3FB0] =	sst s0;
	s0 =	simm.s32 @!p2 $0x0  }
0x16: {  	s3 =	sld [smem:$0x3FDB];
	s0 =	simm.s32 @p2 $0x1  }
0x17: {  	s4 =	simm.s32 $0x1BF5;
	[smem:$0x3FB2] =	sst s0  }
0x18: {  	s0 =	sld [smem:$0x3F95];
	_ =	swait.ge [sflag:s4], $0x0  }
0x19: {  	s7 =	sld [smem:$0x3F96]  }
0x1a: {  	s8 =	sadd.s32 $0xFFFFE003, lr  }
0x1b: {  	s9 =	sadd.s32 $0xFFFFFEF7, lr;
	s5 =	simm.s32 $0xFFFFFFFF;
	p2 =	slt.u32 s8, $0xFFFFF086  }
0x1c: {  	p1 =	slt.u32 s9, $0xF7A;
	s5 =	simm.s32 @!p2 $0x0  }
0x1d: {  	s5 =	simm.s32 @p1 $0x1;
	p0 =	seq.s32 s7, s2  }
0x1e: {  	s7 =	smul.u32 @!p0 $0xF7A, s2;
	p2 =	seq.s32 @!p0 s5, $0x0  }
0x1f: {  	s9 =	smul.u32 $0xF7A, s1;
	s8 =	simm.s32 @!p0 $0x1BF5;
	p2 =	por !p2, p0  }
0x20: {  	[sflag:s8] =	ssyncset.s32 @!p0 $0xFFFFF086;
	s6 =	sadd.s32 @!p0 s3, s7;
	s7 =	simm.s32 @!p0 $0x108  }
0x21: {  	s3 =	sadd.s32 s3, s9;
	s6 =	sadd.s32 @!p0 $0x88, s6;
	s7 =	simm.s32 @p2 $0x1082  }
0x22: {  	[simem:s7], [sflag:s8] =	dma.local @!p0 [hbm:s6], $0xF7A  }
0x23: {  	s9 =	sor.u32 $0xD0000000, s2;
	s6 =	simm.s32 $0x108;
	_ =	swait.ge @!p0 [sflag:s8], $0x0  }
0x24: {  	s3 =	sadd.s32 $0x88, s3;
	s6 =	simm.s32 @!p1 $0x1082;
	[sflag:s4] =	ssyncset.s32 $0xFFFFF086  }
0x25: {  	[simem:s6], [sflag:s4] =	dma.local [hbm:s3], $0xF7A  }
0x26: {  	[smem:$0x3F96] =	sst s1;
	(tag) =	ssettag s2;
	_ =	strace s9  }
0x27: {  	s1 =	sld [smem:$0x3FA6]  }
0x28: {  	s2 =	sld [smem:$0x3FA7]  }
0x29: {  	s4 =	sld [smem:$0x3FA9]  }
0x2a: {  	p0 =	seq.s32 s5, $0x0;
	s5 =	sld [smem:$0x3FAA]  }
0x2b: {  	s6 =	sld [smem:$0x3FAB]  }
0x2c: {  	s7 =	sld [smem:$0x3FAC]  }
0x2d: {  	s3 =	simm.s32 $0x108;
	s8 =	sld [smem:$0x3FAD]  }
0x2e: {  	s3 =	simm.s32 @!p0 $0x1082;
	s9 =	sld [smem:$0x3FAE]  }
0x2f: {  	lr =	sadd.s32 s0, s3;
	s0 =	sld [smem:$0x3FA5]  }
0x30: {  	s3 =	sld [smem:$0x3FA8]  }
0x31: {  	[smem:$0x3FB1] =	sst s10  }
0x32: {  	s10 =	sld [smem:$0x3FAF];
	_ =	sdelay $0x3  }
0x33: {  	p0 =	seq.s32 s10, $0x1;
	s10 =	sld [smem:$0x3FB1];
	_ =	sdelay $0x3  }
0x34: {  	[smem:$0x3FB1] =	sst s10  }
0x35: {  	s10 =	sld [smem:$0x3FB0];
	_ =	sdelay $0x3  }
0x36: {  	p1 =	seq.s32 s10, $0x1;
	s10 =	sld [smem:$0x3FB1];
	_ =	sdelay $0x3  }
0x37: {  	[smem:$0x3FB1] =	sst s10  }
0x38: {  	s10 =	sld [smem:$0x3FB2]  }
0x39: {  	_ = 	snop;
	(pc) =	sbr.ind lr, $3  }
0x3a: {  	_ = 	snop  }
0x3b: {  	_ = 	snop  }
0x3c: {  	p2 =	seq.s32 s10, $0x1;
	s10 =	sld [smem:$0x3FB1]  }
0x3d: {  	_ =	shalt  }
0x3e: {  	_ =	shalt  }
0x3f: {  	_ =	shalt  }
0x40: {  	_ =	shalt  }
0x41: {  	_ =	shalt  }
0x42: {  	_ =	shalt  }
0x43: {  	_ =	shalt  }
0x44: {  	_ =	shalt  }
0x45: {  	_ =	shalt  }
0x46: {  	_ =	shalt  }
0x47: {  	_ =	shalt  }
0x48: {  	_ =	shalt  }
0x49: {  	_ =	shalt  }
0x4a: {  	_ =	shalt  }
0x4b: {  	_ =	shalt  }
0x4c: {  	_ =	shalt  }
0x4d: {  	_ =	shalt  }
0x4e: {  	_ =	shalt  }
0x4f: {  	_ =	shalt  }
0x50: {  	_ =	shalt  }
0x51: {  	_ =	shalt  }
0x52: {  	_ =	shalt  }
0x53: {  	_ =	shalt  }
0x54: {  	_ =	shalt  }
0x55: {  	_ =	shalt  }
0x56: {  	_ =	shalt  }
0x57: {  	_ =	shalt  }
0x58: {  	_ =	shalt  }
0x59: {  	_ =	shalt  }
0x5a: {  	_ =	shalt  }
0x5b: {  	_ =	shalt  }
0x5c: {  	_ =	shalt  }
0x5d: {  	_ =	shalt  }
0x5e: {  	_ =	shalt  }
0x5f: {  	_ =	shalt  }
0x60: {  	_ =	shalt  }
0x61: {  	_ =	shalt  }
0x62: {  	_ =	shalt  }
0x63: {  	_ =	shalt  }
0x64: {  	_ =	shalt  }
0x65: {  	_ =	shalt  }
0x66: {  	_ =	shalt  }
0x67: {  	_ =	shalt  }
0x68: {  	_ =	shalt  }
0x69: {  	_ =	shalt  }
0x6a: {  	_ =	shalt  }
0x6b: {  	_ =	shalt  }
0x6c: {  	_ =	shalt  }
0x6d: {  	_ =	shalt  }
0x6e: {  	_ =	shalt  }
0x6f: {  	_ =	shalt  }
0x70: {  	_ =	shalt  }
0x71: {  	_ =	shalt  }
0x72: {  	_ =	shalt  }
0x73: {  	_ =	shalt  }
0x74: {  	_ =	shalt  }
0x75: {  	_ =	shalt  }
0x76: {  	_ =	shalt  }
0x77: {  	_ =	shalt  }
0x78: {  	_ =	shalt  }
0x79: {  	_ =	shalt  }
0x7a: {  	_ =	shalt  }
0x7b: {  	_ =	shalt  }
0x7c: {  	_ =	shalt  }
0x7d: {  	_ =	shalt  }
0x7e: {  	_ =	shalt  }
0x7f: {  	_ =	shalt  }
0x80: {  	_ =	shalt  }
0x81: {  	_ =	shalt  }
0x82: {  	_ =	shalt  }
0x83: {  	_ =	shalt  }
0x84: {  	_ =	shalt  }
0x85: {  	_ =	shalt  }
0x86: {  	_ =	shalt  }
0x87: {  	_ =	shalt  }
.Lfunc_end0:
.L_simem_size_0:
called_computation_lowered:
.L_overlay_start_0:
0x88: {  	s2 =	sld [smem:$0x3FD9]  }
0x89: {  	s3 =	sld [smem:$0x3FFE];
	_ =	sdelay $0x1  }
0x8a: {  	s1 =	srdreg.scid  }
0x8b: {  	s0 =	sand.u32 $0x1, s1  }
0x8c: {  	s16 =	sshll.u32 s0, $0xA;
	s2 =	sadd.s32 s3, s2  }
0x8d: {  	s2 =	sadd.s32 s2, s16  }
0x8e: {  	[smem:$0x3FBD] =	sst s2  }
0x8f: {  	_ = 	snop  }
0x90: {  	(tm) =	ssettm $0x1  }
0x91: {  	s17 =	sld [smem:$0x3FFB];
	_ =	sdelay $0x3  }
0x92: {  	_ =	strace s17  }
0x93: {  	s2 =	sld [smem:$0x3FFC];
	_ =	sdelay $0x3  }
0x94: {  	_ =	strace s2  }
0x95: {  	s2 =	sld [smem:$0x3FFD];
	_ =	sdelay $0x3  }
0x96: {  	_ =	strace s2  }
0x97: {  	_ =	strace $0x8FFFFFFF  }
0x98: {  	s18 =	sld [smem:$0x3FDB];
	_ =	sdelay $0x1  }
0x99: {  	s19 =	simm.s32 $_scs_section_size  }
0x9a: {  	s4 =	simm.s32 $_size__tile_overlayer_lowered;
	s5 =	simm.s32 $_tile_overlayer_lowered  }
0x9b: {  	s22 =	simm.s32 $0x1BFF;
	s21 =	sshll.u32 s5, $0x1;
	s2 =	sadd.s32 s19, s18  }
0x9c: {  	s6 =	simm.s32 $0x0;
	s20 =	sshll.u32 s4, $0x1;
	s4 =	sadd.s32 s21, s2  }
0x9d: {  	[timem:s6], [sflag:s22] =	dma.local [hbm:s4], s20  }
0x9e: {  	_ =	swait.ge [sflag:s22], s20  }
0x9f: {  	s3 =	ssub.s32 $0x0, s20;
	[sflag:s22] =	ssyncset.done $0x0  }
0xa0: {  	[sflag:s22] =	ssyncadd.s32 s3;
	_ =	sdelay $0x1  }
0xa1: {  	s23 =	simm.s32 $0x1B8B  }
0xa2: {  	_ =	swait.ge [sflag:s23], $0x1  }
0xa3: {  	[sflag:s23] =	ssyncset.done $0x0  }
0xa4: {  	s25 =	simm.s32 $0x1B8E;
	s24 =	sld [smem:$0x3FFE];
	[sflag:s23] =	ssyncadd.s32 $0xFFFFFFFF  }
0xa5: {  	s26 =	simm.s32 $execute0_lowered;
	[smem:$0x3FD2] =	sst s25  }
0xa6: {  	s4 =	sshll.u32 s26, $0x1;
	_ =	strace $0x80000046;
	[dreg:$0x1] =	wrdreg $0xFFFFFFFF  }
0xa7: {  	s28 =	simm.s32 $_size_execute0_lowered;
	s2 =	sadd.s32 s2, s4;
	[dreg:$0x0] =	wrdreg $0x0  }
0xa8: {  	s4 =	sshll.u32 s28, $0x1;
	[dreg:$0x2] =	wrdreg s2  }
0xa9: {  	[dreg:$0x3] =	wrdreg s4  }
0xaa: {  	[dreg:$0x4] =	wrdreg $0xC0  }
0xab: {  	_ =	task [dreg:s6], $0x5FFFF  }
0xac: {  	[dreg:$0x1] =	wrdreg $0xFFFFFFFF  }
0xad: {  	[dreg:$0x0] =	wrdreg $0x60  }
0xae: {  	[dreg:$0x2] =	wrdreg s24  }
0xaf: {  	[dreg:$0x3] =	wrdreg $0xB400  }
0xb0: {  	[dreg:$0x4] =	wrdreg $0x9  }
0xb1: {  	_ =	task.clear_ibuf [dreg:s6], $0x5FFFF;
	_ =	strace $0x90000046  }
0xb2: {  	s29 =	simm.s32 $0x9;
	_ =	strace $0x80000048  }
0xb3: {  	_ =	swait.ge [sflag:s29], $0x1  }
0xb4: {  	[sflag:s29] =	ssyncadd.s32 $0xFFFFFFFF  }
0xb5: {  	_ =	strace $0x90000048  }
0xb6: {  	_ =	sfence  }
0xb7: {  	s30 =	sld [smem:$0x0];
	_ =	sdelay $0x2  }
0xb8: {  	s31 =	sshll.u32 s1, $0xD;
	s1 =	sshrl.u32 s1, $0x2  }
0xb9: {  	s3 =	sand.u32 $0x4000, s31;
	s1 =	sadd.s32 s1, s30  }
0xba: {  	s0 =	sor.u32 s3, s0;
	s1 =	sshll.u32 s1, $0x11  }
0xbb: {  	s0 =	sor.u32 s1, s0  }
0xbc: {  	s0 =	sadd.s32 $0x8F2B, s0  }
0xbd: {  	[sflag:s0] =	ssyncadd.remote.s32 $0x1  }
0xbe: {  	_ =	sfence.sel $0xFFFF  }
0xbf: {  	[dreg:$0x0] =	wrdreg $0xFFFFFFFF;
	(pc) =	sbr.abs _section_cstart, $3  }
0xc0: {  	[dreg:$0x1] =	wrdreg $0xFFFFFFFF  }
0xc1: {  	_ =	task.clear_ibuf [dreg:s6], $0x2FFFF;
	_ =	strace $0x9FFFFFFF  }
0xc2: {  	(tm) =	ssettm $0x7FFFFFFF  }
0xc3: {  	_ =	shalt  }
tec
execute0_lowered:
.L_overlay_start_1:
0x0: {  	(tag) =	ssettag $0x1  }
0x1: {  	v0 =	vlaneseq.u32  }
0x2: {  	s5 =	rddreg [dreg:$0x0];
	v19 =	vmul.u32 $0x10, v0  }
0x3: {  	s0 =	rddreg [dreg:$0x1];
	s3 =	simm.s32 $0x0  }
0x4: {  	[smem:$0x7FF] =	sst s3;
	v0 =	vor.u32 $0x307, v19  }
0x5: {  	s2 =	rddreg [dreg:$0x2];
	_ =	strace $0x80000047;
	v5 =	vor.u32 $0x308, v19;
	[tilespmem:$0x1FDE0] =	vst v0  }
0x6: {  	v6 =	vor.u32 $0x309, v19;
	[tilespmem:$0x1FDF0] =	vst v5  }
0x7: {  	v7 =	vor.u32 $0x30A, v19;
	[tilespmem:$0x1FE00] =	vst v6  }
0x8: {  	v4 =	vor.u32 $0x30B, v19;
	[tilespmem:$0x1FE10] =	vst v7  }
0x9: {  	v45 =	vor.u32 $0x306, v19;
	[tilespmem:$0x1FE20] =	vst v4  }
0xa: {  	v14 =	vor.u32 $0x5, v19;
	[tilespmem:$0x1FE60] =	vst v45  }
0xb: {  	v46 =	vor.u32 $0x6, v19;
	[tilespmem:$0x1FE70] =	vst v14  }
0xc: {  	v15 =	vor.u32 $0x7, v19;
	[tilespmem:$0x1FE80] =	vst v46  }
0xd: {  	v16 =	vor.u32 $0x8, v19;
	[tilespmem:$0x1FE90] =	vst v15  }
0xe: {  	v17 =	vor.u32 $0x9, v19;
	[tilespmem:$0x1FEA0] =	vst v16  }
0xf: {  	v18 =	vor.u32 $0xA, v19;
	[tilespmem:$0x1FEB0] =	vst v17  }
0x10: {  	v21 =	vor.u32 $0xB, v19;
	[tilespmem:$0x1FEC0] =	vst v18  }
0x11: {  	v23 =	vor.u32 $0xC, v19;
	[tilespmem:$0x1FED0] =	vst v21  }
0x12: {  	v26 =	vor.u32 $0xD, v19;
	[tilespmem:$0x1FEE0] =	vst v23  }
0x13: {  	v27 =	vor.u32 $0xE, v19;
	[tilespmem:$0x1FEF0] =	vst v26  }
0x14: {  	v28 =	vor.u32 $0xF, v19;
	[tilespmem:$0x1FF00] =	vst v27  }
0x15: {  	v29 =	vor.u32 $0x100, v19;
	[tilespmem:$0x1FF10] =	vst v28  }
0x16: {  	v30 =	vor.u32 $0x101, v19;
	[tilespmem:$0x1FF20] =	vst v29  }
0x17: {  	v10 =	vor.u32 $0x102, v19;
	[tilespmem:$0x1FF30] =	vst v30  }
0x18: {  	v12 =	vor.u32 $0x103, v19;
	[tilespmem:$0x1FF40] =	vst v10  }
0x19: {  	v20 =	vor.u32 $0x1, v19;
	v13 =	vor.u32 $0x104, v19;
	[tilespmem:$0x1FF50] =	vst v12  }
0x1a: {  	v22 =	vor.u32 $0x2, v19;
	v24 =	vor.u32 $0x3, v19;
	v47 =	vor.u32 $0x105, v19;
	[tilespmem:$0x1FF60] =	vst v13  }
0x1b: {  	s1 =	srdreg.scid;
	s13 =	simm.s32 $0x50;
	s14 =	simm.s32 $0xA0;
	v48 =	vor.u32 $0x106, v19;
	v49 =	vor.u32 $0x107, v19;
	v9 =	vor.u32 $0x108, v19;
	[tilespmem:$0x1FF70] =	vst v47  }
0x1c: {  	s6 =	sand.u32 $0x1, s1;
	s4 =	sadd.s32 $0x251A00, s5;
	v11 =	vor.u32 $0x109, v19;
	v52 =	vor.u32 $0x10A, v19;
	v53 =	vor.u32 $0x10B, v19;
	[tilespmem:$0x1FF80] =	vst v48  }
0x1d: {  	s12 =	simm.s32 $0x3;
	s1 =	stileid.u32;
	s7 =	smul.u32 $0x186A00, s6;
	v54 =	vor.u32 $0x10C, v19;
	v55 =	vor.u32 $0x10D, v19;
	v56 =	vor.u32 $0x10E, v19;
	[tilespmem:$0x1FF90] =	vst v49  }
0x1e: {  	s15 =	simm.s32 $0x5A0;
	s16 =	simm.s32 $0x1;
	s8 =	smul.u32 $0x186A0, s1;
	v57 =	vor.u32 $0x10F, v19;
	v58 =	vor.u32 $0x200, v19;
	v59 =	vor.u32 $0x201, v19;
	[tilespmem:$0x1FFA0] =	vst v9  }
0x1f: {  	s17 =	simm.s32 $0x2;
	s18 =	simm.s32 $0xAA0;
	s9 =	smul.u32 $0x18B0, s1;
	v60 =	vor.u32 $0x202, v19;
	v61 =	vor.u32 $0x203, v19;
	v51 =	vor.u32 $0x206, v19;
	[tilespmem:$0x1FFB0] =	vst v11  }
0x20: {  	s21 =	simm.s32 $0x0;
	s10 =	smul.u32 $0x18B00, s6;
	s6 =	ssub.s32 $0x2, s6;
	v62 =	vor.u32 $0x204, v19;
	v63 =	vor.u32 $0x205, v19;
	v38 =	vor.u32 $0x20F, v19;
	[tilespmem:$0x1FFC0] =	vst v51  }
0x21: {  	s19 =	sshll.u32 s1, $0x6;
	s29 =	sshrl.u32 s6, $0x1;
	v50 =	vor.u32 $0x207, v19;
	v31 =	vor.u32 $0x208, v19;
	v37 =	vor.u32 $0x20E, v19;
	s7 =	sadd.s32 s8, s7;
	[tilespmem:$0x1FFD0] =	vst v38  }
0x22: {  	v32 =	vor.u32 $0x209, v19;
	v33 =	vor.u32 $0x20A, v19;
	v39 =	vor.u32 $0x300, v19;
	s19 =	sor.u32 $0x1C03, s19;
	s28 =	sadd.s32 s9, s10;
	[tilespmem:$0x1FFE0] =	vst v37;
	s7 =	sshrl.u32 s7, $0x3  }
0x23: {  	v34 =	vor.u32 $0x20B, v19;
	v35 =	vor.u32 $0x20C, v19;
	s31 =	ssub.s32 s6, s29;
	v5 =	vor.u32 $0x30C, v19;
	[tilespmem:$0x1FFF0] =	vst v39;
	s8 =	sshrl.u32 s28, $0x3;
	s11 =	sadd.s32 s7, s5  }
0x24: {  	v36 =	vor.u32 $0x20D, v19;
	v40 =	vor.u32 $0x301, v19;
	v6 =	vor.u32 $0x30D, v19;
	[tilespmem:$0x1FE30] =	vst v5;
	s30 =	sadd.s32 s8, s5;
	s5 =	sadd.s32 s9, s0;
	s7 =	smax.u32 s31, $0x1  }
0x25: {  	v25 =	vor.u32 $0x4, v19;
	v41 =	vor.u32 $0x302, v19;
	v7 =	vor.u32 $0x30E, v19;
	[tilespmem:$0x1FE40] =	vst v6;
	s6 =	sadd.s32 $0xC7000, s30;
	s8 =	sadd.s32 $0xCD400, s11;
	s9 =	sadd.s32 $0x3800, s11  }
0x26: {  	v42 =	vor.u32 $0x303, v19;
	v43 =	vor.u32 $0x304, v19;
	v44 =	vor.u32 $0x305, v19;
	[tilespmem:$0x1FE50] =	vst v7;
	s10 =	sadd.s32 $0x65400, s11;
	s11 =	simm.s32 $0xAF0;
	s20 =	sshrl.u32 s5, $0x3  }
.LBB2_1:
0x27: {  	v0 =	vimm.f32 $0.0e+00  }
0x28: {  	[tilespmem:$0xAF0] =	vst v0  }
0x29: {  	[tilespmem:$0xB00] =	vst v0  }
0x2a: {  	[tilespmem:$0xB10] =	vst v0  }
0x2b: {  	[tilespmem:$0xB20] =	vst v0  }
0x2c: {  	s22 =	sadd.s32 $0x0, s5;
	[tilespmem:$0xB30] =	vst v0  }
0x2d: {  	[spmem:s22] =	stream.linear.scatter [tilespmem:s11], [sflag:$0x3], $0x50, $0x38;
	[tilespmem:$0x23F0] =	vst v63  }
0x2e: {  	s22 =	simm.s32 $0x140;
	_ =	swait.ge [sflag:s12], $0x50  }
.LBB2_2:
0x2f: {  	s23 =	sshra.s32 s22, $0x2;
	[sflag:s12] =	ssyncset.done $0x0;
	p0 =	sne.s32 s22, $0x6180  }
.Ltmp0:
0x30: {  	s23 =	sadd.s32 s23, s5;
	[sflag:s12] =	ssyncadd.s32 $0xFFFFFFB0;
	(pc) =	sbr.rel @p0 .LBB2_2-.Ltmp0, $3  }
0x31: {  	[spmem:s23] =	stream.linear.scatter [tilespmem:s11], [sflag:$0x3], $0x50, $0x38;
	[tilespmem:$0x23F0] =	vst v63  }
0x32: {  	s22 =	sadd.s32 $0x140, s22;
	_ =	sdelay $0x1  }
0x33: {  	_ =	swait.ge [sflag:s12], $0x50  }
0x34: {  	[sflag:s12] =	ssyncset.done $0x0  }
0x35: {  	[sflag:s12] =	ssyncadd.s32 $0xFFFFFFB0  }
0x36: {  	s22 =	sadd.s32 $0x0, s10;
	[bflag:$0x0] =	sbarrier.arrive $0xFFFF  }
0x37: {  	[tilespmem:s3], [sflag:$0x3] =	stream.linear.gather [hbm4b:s22+s3], $0x50, $0x38;
	[tilespmem:$0x23F0] =	vst v63  }
0x38: {  	_ =	swait.ge [sflag:s12], $0x50  }
0x39: {  	[sflag:s12] =	ssyncset.done $0x0  }
0x3a: {  	s30 =	sadd.s32 $0x0, s9;
	[sflag:s12] =	ssyncadd.s32 $0xFFFFFFB0  }
0x3b: {  	[tilespmem:s13], [sflag:$0x3] =	stream.linear.gather [hbm4b:s30+s3], $0x50, $0x38;
	[tilespmem:$0x23F0] =	vst v63  }
0x3c: {  	_ =	swait.ge [sflag:s12], $0x50  }
0x3d: {  	[sflag:s12] =	ssyncset.done $0x0  }
0x3e: {  	[sflag:s12] =	ssyncadd.s32 $0xFFFFFFB0  }
0x3f: {  	[tilespmem:s14], [sflag:$0x1] =	stream.indirect.gather [hbm4b:s4+s13], $0x10, s3, s13, $0xb8;
	[tilespmem:$0x23F0] =	vst v63  }
0x40: {  	_ = 	snop  }
0x41: {  	[tilespmem:s15], [sflag:$0x2] =	stream.indirect.gather [hbm4b:s4+s13], $0x10, s13, s13, $0xb8;
	[tilespmem:$0x23F0] =	vst v63  }
0x42: {  	_ =	swait.ge [sflag:s16], $0x500  }
0x43: {  	[sflag:s16] =	ssyncset.done $0x0  }
0x44: {  	[sflag:s16] =	ssyncadd.s32 $0xFFFFFB00  }
0x45: {  	_ =	swait.ge [sflag:s17], $0x500  }
0x46: {  	[sflag:s17] =	ssyncset.done $0x0  }
0x47: {  	[sflag:s17] =	ssyncadd.s32 $0xFFFFFB00  }
0x48: {  	v0 =	vld.idx.msk [tilespmem:v19+s14+$0x0], $0xffff  }
0x49: {  	v1 =	vld.idx.msk [tilespmem:v19+s15+$0x0], $0xffff  }
0x4a: {  	v2 =	vld.idx.msk [tilespmem:v20+s15+$0x0], $0xffff  }
0x4b: {  	v3 =	vld.idx.msk [tilespmem:v20+s14+$0x0], $0xffff  }
0x4c: {  	v4 =	vld.idx.msk [tilespmem:v22+s15+$0x0], $0xffff  }
0x4d: {  	v5 =	vld.idx.msk [tilespmem:v22+s14+$0x0], $0xffff  }
0x4e: {  	v6 =	vld.idx.msk [tilespmem:v24+s15+$0x0], $0xffff;
	v0 =	vmul.f32 v1, v0  }
0x4f: {  	v1 =	vld.idx.msk [tilespmem:v24+s14+$0x0], $0xffff  }
0x50: {  	v7 =	vld.idx.msk [tilespmem:v25+s15+$0x0], $0xffff;
	v2 =	vmul.f32 v2, v3;
	v0 =	vadd.f32 $0.0e+00, v0  }
0x51: {  	v3 =	vld.idx.msk [tilespmem:v25+s14+$0x0], $0xffff  }
0x52: {  	v8 =	vld.idx.msk [tilespmem:v14+s15+$0x0], $0xffff;
	v0 =	vadd.f32 v2, v0;
	v2 =	vmul.f32 v4, v5  }
0x53: {  	v4 =	vld.idx.msk [tilespmem:v14+s14+$0x0], $0xffff  }
0x54: {  	v5 =	vld.idx.msk [tilespmem:v46+s15+$0x0], $0xffff;
	v1 =	vmul.f32 v6, v1;
	v0 =	vadd.f32 v2, v0  }
0x55: {  	v2 =	vld.idx.msk [tilespmem:v46+s14+$0x0], $0xffff  }
0x56: {  	v6 =	vld.idx.msk [tilespmem:v15+s15+$0x0], $0xffff;
	v0 =	vadd.f32 v1, v0;
	v1 =	vmul.f32 v7, v3  }
0x57: {  	v3 =	vld.idx.msk [tilespmem:v15+s14+$0x0], $0xffff  }
0x58: {  	v7 =	vld.idx.msk [tilespmem:v16+s15+$0x0], $0xffff;
	v0 =	vadd.f32 v1, v0;
	v1 =	vmul.f32 v8, v4  }
0x59: {  	v4 =	vld.idx.msk [tilespmem:v16+s14+$0x0], $0xffff  }
0x5a: {  	v8 =	vld.idx.msk [tilespmem:v17+s15+$0x0], $0xffff;
	v0 =	vadd.f32 v1, v0;
	v1 =	vmul.f32 v5, v2  }
0x5b: {  	v2 =	vld.idx.msk [tilespmem:v17+s14+$0x0], $0xffff  }
0x5c: {  	v5 =	vld.idx.msk [tilespmem:v18+s15+$0x0], $0xffff;
	v0 =	vadd.f32 v1, v0;
	v1 =	vmul.f32 v6, v3  }
0x5d: {  	v3 =	vld.idx.msk [tilespmem:v18+s14+$0x0], $0xffff  }
0x5e: {  	v6 =	vld.idx.msk [tilespmem:v21+s15+$0x0], $0xffff;
	v0 =	vadd.f32 v1, v0;
	v1 =	vmul.f32 v7, v4  }
0x5f: {  	v4 =	vld.idx.msk [tilespmem:v21+s14+$0x0], $0xffff  }
0x60: {  	v7 =	vld.idx.msk [tilespmem:v23+s15+$0x0], $0xffff;
	v0 =	vadd.f32 v1, v0;
	v1 =	vmul.f32 v8, v2  }
0x61: {  	v2 =	vld.idx.msk [tilespmem:v23+s14+$0x0], $0xffff  }
0x62: {  	v8 =	vld.idx.msk [tilespmem:v26+s15+$0x0], $0xffff;
	v0 =	vadd.f32 v1, v0;
	v1 =	vmul.f32 v5, v3  }
0x63: {  	v3 =	vld.idx.msk [tilespmem:v26+s14+$0x0], $0xffff  }
0x64: {  	v5 =	vld.idx.msk [tilespmem:v27+s15+$0x0], $0xffff;
	v0 =	vadd.f32 v1, v0;
	v1 =	vmul.f32 v6, v4  }
0x65: {  	v4 =	vld.idx.msk [tilespmem:v27+s14+$0x0], $0xffff  }
0x66: {  	v6 =	vld.idx.msk [tilespmem:v28+s15+$0x0], $0xffff;
	v0 =	vadd.f32 v1, v0;
	v1 =	vmul.f32 v7, v2  }
0x67: {  	v2 =	vld.idx.msk [tilespmem:v28+s14+$0x0], $0xffff  }
0x68: {  	v0 =	vadd.f32 v1, v0;
	v1 =	vmul.f32 v8, v3;
	_ =	sdelay $0x1  }
0x69: {  	v0 =	vadd.f32 v1, v0;
	v1 =	vmul.f32 v5, v4;
	_ =	sdelay $0x1  }
0x6a: {  	v0 =	vadd.f32 v1, v0;
	v1 =	vmul.f32 v6, v2;
	_ =	sdelay $0x1  }
0x6b: {  	v0 =	vadd.f32 v1, v0;
	_ =	sdelay $0x1  }
0x6c: {  	v0 =	vmul.f32 $1.442695020e+00, v0;
	_ =	sdelay $0x1  }
0x6d: {  	(erf) = vpow2.f32 v0;
	_ =	sdelay $0x8  }
0x6e: {  	v0 =	vpop (erf)  }
0x6f: {  	[tilespmem:$0xAA0] =	vst v0  }
0x70: {  	v0 =	vld.idx.msk [tilespmem:v29+s14+$0x0], $0xffff  }
0x71: {  	v1 =	vld.idx.msk [tilespmem:v29+s15+$0x0], $0xffff  }
0x72: {  	v2 =	vld.idx.msk [tilespmem:v30+s15+$0x0], $0xffff  }
0x73: {  	v3 =	vld.idx.msk [tilespmem:v30+s14+$0x0], $0xffff  }
0x74: {  	v4 =	vld.idx.msk [tilespmem:v10+s15+$0x0], $0xffff  }
0x75: {  	v5 =	vld.idx.msk [tilespmem:v10+s14+$0x0], $0xffff  }
0x76: {  	v6 =	vld.idx.msk [tilespmem:v12+s15+$0x0], $0xffff;
	v0 =	vmul.f32 v1, v0  }
0x77: {  	v1 =	vld.idx.msk [tilespmem:v12+s14+$0x0], $0xffff  }
0x78: {  	v7 =	vld.idx.msk [tilespmem:v13+s15+$0x0], $0xffff;
	v2 =	vmul.f32 v2, v3;
	v0 =	vadd.f32 $0.0e+00, v0  }
0x79: {  	v3 =	vld.idx.msk [tilespmem:v13+s14+$0x0], $0xffff  }
0x7a: {  	v8 =	vld.idx.msk [tilespmem:v47+s15+$0x0], $0xffff;
	v0 =	vadd.f32 v2, v0;
	v2 =	vmul.f32 v4, v5  }
0x7b: {  	v4 =	vld.idx.msk [tilespmem:v47+s14+$0x0], $0xffff  }
0x7c: {  	v5 =	vld.idx.msk [tilespmem:v48+s15+$0x0], $0xffff;
	v1 =	vmul.f32 v6, v1;
	v0 =	vadd.f32 v2, v0  }
0x7d: {  	v2 =	vld.idx.msk [tilespmem:v48+s14+$0x0], $0xffff  }
0x7e: {  	v6 =	vld.idx.msk [tilespmem:v49+s15+$0x0], $0xffff;
	v0 =	vadd.f32 v1, v0;
	v1 =	vmul.f32 v7, v3  }
0x7f: {  	v3 =	vld.idx.msk [tilespmem:v49+s14+$0x0], $0xffff  }
0x80: {  	v7 =	vld.idx.msk [tilespmem:v9+s15+$0x0], $0xffff;
	v0 =	vadd.f32 v1, v0;
	v1 =	vmul.f32 v8, v4  }
0x81: {  	v4 =	vld.idx.msk [tilespmem:v9+s14+$0x0], $0xffff  }
0x82: {  	v8 =	vld.idx.msk [tilespmem:v11+s15+$0x0], $0xffff;
	v0 =	vadd.f32 v1, v0;
	v1 =	vmul.f32 v5, v2  }
0x83: {  	v2 =	vld.idx.msk [tilespmem:v11+s14+$0x0], $0xffff  }
0x84: {  	v5 =	vld.idx.msk [tilespmem:v52+s15+$0x0], $0xffff;
	v0 =	vadd.f32 v1, v0;
	v1 =	vmul.f32 v6, v3  }
0x85: {  	v3 =	vld.idx.msk [tilespmem:v52+s14+$0x0], $0xffff  }
0x86: {  	v6 =	vld.idx.msk [tilespmem:v53+s15+$0x0], $0xffff;
	v0 =	vadd.f32 v1, v0;
	v1 =	vmul.f32 v7, v4  }
0x87: {  	v4 =	vld.idx.msk [tilespmem:v53+s14+$0x0], $0xffff  }
0x88: {  	v7 =	vld.idx.msk [tilespmem:v54+s15+$0x0], $0xffff;
	v0 =	vadd.f32 v1, v0;
	v1 =	vmul.f32 v8, v2  }
0x89: {  	v2 =	vld.idx.msk [tilespmem:v54+s14+$0x0], $0xffff  }
0x8a: {  	v8 =	vld.idx.msk [tilespmem:v55+s15+$0x0], $0xffff;
	v0 =	vadd.f32 v1, v0;
	v1 =	vmul.f32 v5, v3  }
0x8b: {  	v3 =	vld.idx.msk [tilespmem:v55+s14+$0x0], $0xffff  }
0x8c: {  	v5 =	vld.idx.msk [tilespmem:v56+s15+$0x0], $0xffff;
	v0 =	vadd.f32 v1, v0;
	v1 =	vmul.f32 v6, v4  }
0x8d: {  	v4 =	vld.idx.msk [tilespmem:v56+s14+$0x0], $0xffff  }
0x8e: {  	v6 =	vld.idx.msk [tilespmem:v57+s15+$0x0], $0xffff;
	v0 =	vadd.f32 v1, v0;
	v1 =	vmul.f32 v7, v2  }
0x8f: {  	v2 =	vld.idx.msk [tilespmem:v57+s14+$0x0], $0xffff  }
0x90: {  	v0 =	vadd.f32 v1, v0;
	v1 =	vmul.f32 v8, v3;
	_ =	sdelay $0x1  }
0x91: {  	v0 =	vadd.f32 v1, v0;
	v1 =	vmul.f32 v5, v4;
	_ =	sdelay $0x1  }
0x92: {  	v0 =	vadd.f32 v1, v0;
	v1 =	vmul.f32 v6, v2;
	_ =	sdelay $0x1  }
0x93: {  	v0 =	vadd.f32 v1, v0;
	_ =	sdelay $0x1  }
0x94: {  	v0 =	vmul.f32 $1.442695020e+00, v0;
	_ =	sdelay $0x1  }
0x95: {  	(erf) = vpow2.f32 v0;
	_ =	sdelay $0x8  }
0x96: {  	v0 =	vpop (erf)  }
0x97: {  	[tilespmem:$0xAB0] =	vst v0  }
0x98: {  	v0 =	vld.idx.msk [tilespmem:v58+s14+$0x0], $0xffff  }
0x99: {  	v1 =	vld.idx.msk [tilespmem:v58+s15+$0x0], $0xffff  }
0x9a: {  	v2 =	vld.idx.msk [tilespmem:v59+s15+$0x0], $0xffff  }
0x9b: {  	v3 =	vld.idx.msk [tilespmem:v59+s14+$0x0], $0xffff  }
0x9c: {  	v4 =	vld.idx.msk [tilespmem:v60+s15+$0x0], $0xffff  }
0x9d: {  	v5 =	vld.idx.msk [tilespmem:v60+s14+$0x0], $0xffff  }
0x9e: {  	v6 =	vld.idx.msk [tilespmem:v61+s15+$0x0], $0xffff;
	v0 =	vmul.f32 v1, v0  }
0x9f: {  	v1 =	vld.idx.msk [tilespmem:v61+s14+$0x0], $0xffff  }
0xa0: {  	v7 =	vld.idx.msk [tilespmem:v62+s15+$0x0], $0xffff;
	v2 =	vmul.f32 v2, v3;
	v0 =	vadd.f32 $0.0e+00, v0  }
0xa1: {  	v3 =	vld.idx.msk [tilespmem:v62+s14+$0x0], $0xffff  }
0xa2: {  	v8 =	vld.idx.msk [tilespmem:v63+s14+$0x0], $0xffff;
	v0 =	vadd.f32 v2, v0;
	v2 =	vmul.f32 v4, v5  }
0xa3: {  	v4 =	vld.idx.msk [tilespmem:v63+s15+$0x0], $0xffff  }
0xa4: {  	v5 =	vld.idx.msk [tilespmem:v51+s15+$0x0], $0xffff;
	v1 =	vmul.f32 v6, v1;
	v0 =	vadd.f32 v2, v0  }
0xa5: {  	v2 =	vld.idx.msk [tilespmem:v51+s14+$0x0], $0xffff  }
0xa6: {  	v6 =	vld.idx.msk [tilespmem:v50+s15+$0x0], $0xffff;
	v0 =	vadd.f32 v1, v0;
	v1 =	vmul.f32 v7, v3  }
0xa7: {  	v3 =	vld.idx.msk [tilespmem:v50+s14+$0x0], $0xffff  }
0xa8: {  	v7 =	vld.idx.msk [tilespmem:v31+s15+$0x0], $0xffff;
	v0 =	vadd.f32 v1, v0;
	v1 =	vmul.f32 v4, v8  }
0xa9: {  	v4 =	vld.idx.msk [tilespmem:v31+s14+$0x0], $0xffff  }
0xaa: {  	v8 =	vld.idx.msk [tilespmem:v32+s15+$0x0], $0xffff;
	v0 =	vadd.f32 v1, v0;
	v1 =	vmul.f32 v5, v2  }
0xab: {  	v2 =	vld.idx.msk [tilespmem:v32+s14+$0x0], $0xffff  }
0xac: {  	v5 =	vld.idx.msk [tilespmem:v33+s15+$0x0], $0xffff;
	v0 =	vadd.f32 v1, v0;
	v1 =	vmul.f32 v6, v3  }
0xad: {  	v3 =	vld.idx.msk [tilespmem:v33+s14+$0x0], $0xffff  }
0xae: {  	v6 =	vld.idx.msk [tilespmem:v34+s15+$0x0], $0xffff;
	v0 =	vadd.f32 v1, v0;
	v1 =	vmul.f32 v7, v4  }
0xaf: {  	v4 =	vld.idx.msk [tilespmem:v34+s14+$0x0], $0xffff  }
0xb0: {  	v7 =	vld.idx.msk [tilespmem:v35+s15+$0x0], $0xffff;
	v0 =	vadd.f32 v1, v0;
	v1 =	vmul.f32 v8, v2  }
0xb1: {  	v2 =	vld.idx.msk [tilespmem:v35+s14+$0x0], $0xffff  }
0xb2: {  	v8 =	vld.idx.msk [tilespmem:v36+s15+$0x0], $0xffff;
	v0 =	vadd.f32 v1, v0;
	v1 =	vmul.f32 v5, v3  }
0xb3: {  	v3 =	vld.idx.msk [tilespmem:v36+s14+$0x0], $0xffff  }
0xb4: {  	v5 =	vld.idx.msk [tilespmem:v37+s15+$0x0], $0xffff;
	v0 =	vadd.f32 v1, v0;
	v1 =	vmul.f32 v6, v4  }
0xb5: {  	v4 =	vld.idx.msk [tilespmem:v37+s14+$0x0], $0xffff  }
0xb6: {  	v6 =	vld.idx.msk [tilespmem:v38+s15+$0x0], $0xffff;
	v0 =	vadd.f32 v1, v0;
	v1 =	vmul.f32 v7, v2  }
0xb7: {  	v2 =	vld.idx.msk [tilespmem:v38+s14+$0x0], $0xffff  }
0xb8: {  	v0 =	vadd.f32 v1, v0;
	v1 =	vmul.f32 v8, v3;
	_ =	sdelay $0x1  }
0xb9: {  	v0 =	vadd.f32 v1, v0;
	v1 =	vmul.f32 v5, v4;
	_ =	sdelay $0x1  }
0xba: {  	v0 =	vadd.f32 v1, v0;
	v1 =	vmul.f32 v6, v2;
	_ =	sdelay $0x1  }
0xbb: {  	v0 =	vadd.f32 v1, v0;
	_ =	sdelay $0x1  }
0xbc: {  	v0 =	vmul.f32 $1.442695020e+00, v0;
	_ =	sdelay $0x1  }
0xbd: {  	(erf) = vpow2.f32 v0;
	_ =	sdelay $0x8  }
0xbe: {  	v48 =	vld [tilespmem:$0x1FDE0];
	v0 =	vpop (erf)  }
0xbf: {  	v51 =	vld [tilespmem:$0x1FE00];
	[tilespmem:$0xAC0] =	vst v0  }
0xc0: {  	v0 =	vld.idx.msk [tilespmem:v39+s14+$0x0], $0xffff  }
0xc1: {  	v1 =	vld.idx.msk [tilespmem:v39+s15+$0x0], $0xffff  }
0xc2: {  	v2 =	vld.idx.msk [tilespmem:v40+s14+$0x0], $0xffff  }
0xc3: {  	v3 =	vld.idx.msk [tilespmem:v40+s15+$0x0], $0xffff  }
0xc4: {  	v4 =	vld.idx.msk [tilespmem:v41+s14+$0x0], $0xffff  }
0xc5: {  	v5 =	vld.idx.msk [tilespmem:v41+s15+$0x0], $0xffff  }
0xc6: {  	v6 =	vld.idx.msk [tilespmem:v42+s14+$0x0], $0xffff;
	v0 =	vmul.f32 v1, v0  }
0xc7: {  	v1 =	vld.idx.msk [tilespmem:v42+s15+$0x0], $0xffff  }
0xc8: {  	v7 =	vld.idx.msk [tilespmem:v43+s14+$0x0], $0xffff;
	v2 =	vmul.f32 v3, v2;
	v0 =	vadd.f32 $0.0e+00, v0  }
0xc9: {  	v3 =	vld.idx.msk [tilespmem:v43+s15+$0x0], $0xffff  }
0xca: {  	v8 =	vld.idx.msk [tilespmem:v44+s14+$0x0], $0xffff;
	v0 =	vadd.f32 v2, v0;
	v2 =	vmul.f32 v5, v4  }
0xcb: {  	v4 =	vld.idx.msk [tilespmem:v44+s15+$0x0], $0xffff  }
0xcc: {  	v5 =	vld.idx.msk [tilespmem:v45+s14+$0x0], $0xffff;
	v1 =	vmul.f32 v1, v6;
	v0 =	vadd.f32 v2, v0  }
0xcd: {  	v2 =	vld.idx.msk [tilespmem:v45+s15+$0x0], $0xffff  }
0xce: {  	v0 =	vadd.f32 v1, v0;
	v1 =	vmul.f32 v3, v7  }
0xcf: {  	v49 =	vld [tilespmem:$0x1FDF0]  }
0xd0: {  	v46 =	vld [tilespmem:$0x1FE20];
	v0 =	vadd.f32 v1, v0;
	v1 =	vmul.f32 v4, v8  }
0xd1: {  	v8 =	vld.idx.msk [tilespmem:v51+s14+$0x0], $0xffff  }
0xd2: {  	v0 =	vadd.f32 v1, v0;
	v1 =	vmul.f32 v2, v5;
	v2 =	vld.idx.msk [tilespmem:v51+s15+$0x0], $0xffff  }
0xd3: {  	v51 =	vld [tilespmem:$0x1FE10]  }
0xd4: {  	v47 =	vld [tilespmem:$0x1FE30]  }
0xd5: {  	v6 =	vld.idx.msk [tilespmem:v48+s14+$0x0], $0xffff  }
0xd6: {  	v3 =	vld.idx.msk [tilespmem:v48+s15+$0x0], $0xffff  }
0xd7: {  	v7 =	vld.idx.msk [tilespmem:v49+s14+$0x0], $0xffff  }
0xd8: {  	v4 =	vld.idx.msk [tilespmem:v49+s15+$0x0], $0xffff  }
0xd9: {  	v48 =	vld [tilespmem:$0x1FE40]  }
0xda: {  	v49 =	vld [tilespmem:$0x1FE50]  }
0xdb: {  	v0 =	vadd.f32 v1, v0;
	v1 =	vmul.f32 v3, v6;
	v10 =	vld.idx.msk [tilespmem:v51+s14+$0x0], $0xffff  }
0xdc: {  	v3 =	vld.idx.msk [tilespmem:v51+s15+$0x0], $0xffff  }
0xdd: {  	v6 =	vld.idx.msk [tilespmem:v46+s14+$0x0], $0xffff;
	v0 =	vadd.f32 v1, v0;
	v1 =	vmul.f32 v4, v7  }
0xde: {  	v4 =	vld.idx.msk [tilespmem:v46+s15+$0x0], $0xffff  }
0xdf: {  	v7 =	vld.idx.msk [tilespmem:v47+s14+$0x0], $0xffff;
	v2 =	vmul.f32 v2, v8;
	v0 =	vadd.f32 v1, v0  }
0xe0: {  	v45 =	vor.u32 $0x30F, v19;
	v8 =	vld.idx.msk [tilespmem:v47+s15+$0x0], $0xffff  }
0xe1: {  	v9 =	vld.idx.msk [tilespmem:v48+s14+$0x0], $0xffff;
	v0 =	vadd.f32 v2, v0;
	v2 =	vmul.f32 v3, v10  }
0xe2: {  	v3 =	vld.idx.msk [tilespmem:v48+s15+$0x0], $0xffff  }
0xe3: {  	v5 =	vld.idx.msk [tilespmem:v49+s14+$0x0], $0xffff;
	v0 =	vadd.f32 v2, v0;
	v2 =	vmul.f32 v4, v6  }
0xe4: {  	v4 =	vld.idx.msk [tilespmem:v49+s15+$0x0], $0xffff  }
0xe5: {  	v6 =	vld.idx.msk [tilespmem:v45+s14+$0x0], $0xffff;
	v0 =	vadd.f32 v2, v0;
	v2 =	vmul.f32 v8, v7  }
0xe6: {  	v7 =	vld.idx.msk [tilespmem:v45+s15+$0x0], $0xffff  }
0xe7: {  	v0 =	vadd.f32 v2, v0;
	v2 =	vmul.f32 v3, v9;
	_ =	sdelay $0x1  }
0xe8: {  	v0 =	vadd.f32 v2, v0;
	v2 =	vmul.f32 v4, v5;
	_ =	sdelay $0x1  }
0xe9: {  	v0 =	vadd.f32 v2, v0;
	v2 =	vmul.f32 v7, v6;
	_ =	sdelay $0x1  }
0xea: {  	v0 =	vadd.f32 v2, v0;
	_ =	sdelay $0x1  }
0xeb: {  	v0 =	vmul.f32 $1.442695020e+00, v0;
	_ =	sdelay $0x1  }
0xec: {  	(erf) = vpow2.f32 v0;
	_ =	sdelay $0x5  }
0xed: {  	v2 =	vor.u32 $0x400, v19;
	_ =	sdelay $0x1  }
0xee: {  	v3 =	vor.u32 $0x401, v19  }
0xef: {  	v0 =	vpop (erf)  }
0xf0: {  	v4 =	vor.u32 $0x402, v19;
	[tilespmem:$0xAD0] =	vst v0  }
0xf1: {  	v0 =	vld.idx.msk [tilespmem:v2+s14+$0x0], $0xffff  }
0xf2: {  	v5 =	vor.u32 $0x403, v19;
	v8 =	vld.idx.msk [tilespmem:v2+s15+$0x0], $0xffff  }
0xf3: {  	v9 =	vld.idx.msk [tilespmem:v3+s14+$0x0], $0xffff  }
0xf4: {  	v6 =	vor.u32 $0x404, v19;
	v10 =	vld.idx.msk [tilespmem:v3+s15+$0x0], $0xffff  }
0xf5: {  	v11 =	vld.idx.msk [tilespmem:v4+s14+$0x0], $0xffff  }
0xf6: {  	v7 =	vor.u32 $0x405, v19;
	v12 =	vld.idx.msk [tilespmem:v4+s15+$0x0], $0xffff  }
0xf7: {  	v13 =	vld.idx.msk [tilespmem:v5+s14+$0x0], $0xffff;
	v0 =	vmul.f32 v8, v0  }
0xf8: {  	v14 =	vld.idx.msk [tilespmem:v5+s15+$0x0], $0xffff;
	v8 =	vor.u32 $0x406, v19  }
0xf9: {  	v15 =	vld.idx.msk [tilespmem:v6+s14+$0x0], $0xffff;
	v10 =	vmul.f32 v10, v9;
	v0 =	vadd.f32 $0.0e+00, v0  }
0xfa: {  	v16 =	vld.idx.msk [tilespmem:v6+s15+$0x0], $0xffff;
	v9 =	vor.u32 $0x407, v19  }
0xfb: {  	v17 =	vld.idx.msk [tilespmem:v7+s14+$0x0], $0xffff;
	v11 =	vmul.f32 v12, v11;
	v0 =	vadd.f32 v10, v0  }
0xfc: {  	v12 =	vld.idx.msk [tilespmem:v7+s15+$0x0], $0xffff;
	v10 =	vor.u32 $0x408, v19  }
0xfd: {  	v13 =	vmul.f32 v14, v13;
	v18 =	vld.idx.msk [tilespmem:v8+s14+$0x0], $0xffff;
	v0 =	vadd.f32 v11, v0  }
0xfe: {  	v14 =	vld.idx.msk [tilespmem:v8+s15+$0x0], $0xffff;
	v11 =	vor.u32 $0x409, v19  }
0xff: {  	v15 =	vmul.f32 v16, v15;
	v21 =	vld.idx.msk [tilespmem:v9+s14+$0x0], $0xffff;
	v13 =	vadd.f32 v13, v0  }
0x100: {  	v16 =	vld.idx.msk [tilespmem:v9+s15+$0x0], $0xffff;
	v0 =	vor.u32 $0x40A, v19  }
0x101: {  	v23 =	vld.idx.msk [tilespmem:v10+s14+$0x0], $0xffff;
	v13 =	vadd.f32 v15, v13;
	v15 =	vmul.f32 v12, v17  }
0x102: {  	v26 =	vld.idx.msk [tilespmem:v10+s15+$0x0], $0xffff;
	v12 =	vor.u32 $0x40B, v19  }
0x103: {  	v14 =	vmul.f32 v14, v18;
	v17 =	vld.idx.msk [tilespmem:v11+s14+$0x0], $0xffff;
	v15 =	vadd.f32 v15, v13  }
0x104: {  	v27 =	vld.idx.msk [tilespmem:v11+s15+$0x0], $0xffff;
	v13 =	vor.u32 $0x40C, v19  }
0x105: {  	v16 =	vmul.f32 v16, v21;
	v18 =	vld.idx.msk [tilespmem:v0+s14+$0x0], $0xffff;
	v15 =	vadd.f32 v14, v15  }
0x106: {  	v28 =	vld.idx.msk [tilespmem:v0+s15+$0x0], $0xffff;
	v14 =	vor.u32 $0x40D, v19  }
0x107: {  	v21 =	vld.idx.msk [tilespmem:v12+s14+$0x0], $0xffff;
	v29 =	vadd.f32 v16, v15;
	v16 =	vmul.f32 v26, v23  }
0x108: {  	v26 =	vld.idx.msk [tilespmem:v12+s15+$0x0], $0xffff;
	v15 =	vor.u32 $0x40E, v19  }
0x109: {  	v27 =	vmul.f32 v27, v17;
	v23 =	vld.idx.msk [tilespmem:v13+s14+$0x0], $0xffff;
	v29 =	vadd.f32 v16, v29  }
0x10a: {  	v17 =	vld.idx.msk [tilespmem:v13+s15+$0x0], $0xffff;
	v16 =	vor.u32 $0x40F, v19  }
0x10b: {  	v28 =	vmul.f32 v28, v18;
	v18 =	vld.idx.msk [tilespmem:v14+s15+$0x0], $0xffff;
	v29 =	vadd.f32 v27, v29  }
0x10c: {  	v27 =	vld.idx.msk [tilespmem:v14+s14+$0x0], $0xffff  }
0x10d: {  	v26 =	vmul.f32 v26, v21;
	v21 =	vld.idx.msk [tilespmem:v15+s15+$0x0], $0xffff;
	v29 =	vadd.f32 v28, v29  }
0x10e: {  	v28 =	vld.idx.msk [tilespmem:v15+s14+$0x0], $0xffff  }
0x10f: {  	v17 =	vmul.f32 v17, v23;
	v23 =	vld.idx.msk [tilespmem:v16+s15+$0x0], $0xffff;
	v29 =	vadd.f32 v26, v29  }
0x110: {  	v26 =	vld.idx.msk [tilespmem:v16+s14+$0x0], $0xffff  }
0x111: {  	v29 =	vadd.f32 v17, v29;
	v17 =	vmul.f32 v18, v27;
	_ =	sdelay $0x1  }
0x112: {  	v18 =	vadd.f32 v17, v29;
	v17 =	vmul.f32 v21, v28;
	_ =	sdelay $0x1  }
0x113: {  	v18 =	vadd.f32 v17, v18;
	v17 =	vmul.f32 v23, v26;
	_ =	sdelay $0x1  }
0x114: {  	v17 =	vadd.f32 v17, v18;
	_ =	sdelay $0x1  }
0x115: {  	v17 =	vmul.f32 $1.442695020e+00, v17;
	_ =	sdelay $0x1  }
0x116: {  	(erf) = vpow2.f32 v17;
	_ =	sdelay $0x8  }
0x117: {  	v37 =	vld [tilespmem:$0x1FFE0];
	v17 =	vpop (erf)  }
0x118: {  	s31 =	sadd.s32 $0x0, s8;
	s22 =	simm.s32 $0xA;
	v38 =	vld [tilespmem:$0x1FFD0];
	[tilespmem:$0xAE0] =	vst v17  }
0x119: {  	v39 =	vld [tilespmem:$0x1FFF0];
	v1 =	vmov v50;
	[hbm4b:s31+s3] =	stream.linear.scatter [tilespmem:s18], [sflag:$0x3], $0x50, $0x38  }
.LBB2_4:
0x11a: {  	_ =	swait.ge [sflag:s12], $0x50  }
0x11b: {  	[sflag:s12] =	ssyncset.done $0x0  }
0x11c: {  	[sflag:s12] =	ssyncadd.s32 $0xFFFFFFB0  }
0x11d: {  	[spmem:s0] =	stream.indirect.scatter.add.f32 [tilespmem:s18], [sflag:$0x3], $0x1, s13, s13, $0xb8;
	[tilespmem:$0x23F0] =	vst v63  }
0x11e: {  	_ =	swait.ge [sflag:s12], $0x50  }
0x11f: {  	s23 =	smov.u32 s22;
	[sflag:s12] =	ssyncset.done $0x0  }
0x120: {  	s24 =	sadd.s32 s23, s10;
	[sflag:s12] =	ssyncadd.s32 $0xFFFFFFB0  }
0x121: {  	[tilespmem:s3], [sflag:$0x3] =	stream.linear.gather [hbm4b:s24+s3], $0x50, $0x38;
	[tilespmem:$0x23F0] =	vst v63  }
0x122: {  	_ =	swait.ge [sflag:s12], $0x50  }
0x123: {  	[sflag:s12] =	ssyncset.done $0x0  }
0x124: {  	s31 =	sadd.s32 s23, s9;
	[sflag:s12] =	ssyncadd.s32 $0xFFFFFFB0  }
0x125: {  	[tilespmem:s13], [sflag:$0x3] =	stream.linear.gather [hbm4b:s31+s3], $0x50, $0x38;
	[tilespmem:$0x23F0] =	vst v63  }
0x126: {  	_ =	swait.ge [sflag:s12], $0x50  }
0x127: {  	[sflag:s12] =	ssyncset.done $0x0  }
0x128: {  	[sflag:s12] =	ssyncadd.s32 $0xFFFFFFB0  }
0x129: {  	[tilespmem:s14], [sflag:$0x1] =	stream.indirect.gather [hbm4b:s4+s13], $0x10, s3, s13, $0xb8;
	[tilespmem:$0x23F0] =	vst v63  }
0x12a: {  	_ = 	snop  }
0x12b: {  	[tilespmem:s15], [sflag:$0x2] =	stream.indirect.gather [hbm4b:s4+s13], $0x10, s13, s13, $0xb8;
	[tilespmem:$0x23F0] =	vst v63  }
0x12c: {  	_ =	swait.ge [sflag:s16], $0x500  }
0x12d: {  	[sflag:s16] =	ssyncset.done $0x0  }
0x12e: {  	[sflag:s16] =	ssyncadd.s32 $0xFFFFFB00  }
0x12f: {  	_ =	swait.ge [sflag:s17], $0x500  }
0x130: {  	[sflag:s17] =	ssyncset.done $0x0  }
0x131: {  	v50 =	vld [tilespmem:$0x1FE70];
	[sflag:s17] =	ssyncadd.s32 $0xFFFFFB00  }
0x132: {  	v17 =	vld.idx.msk [tilespmem:v20+s15+$0x0], $0xffff  }
0x133: {  	v18 =	vld.idx.msk [tilespmem:v19+s14+$0x0], $0xffff  }
0x134: {  	v26 =	vmov v19;
	v19 =	vld.idx.msk [tilespmem:v19+s15+$0x0], $0xffff  }
0x135: {  	v27 =	vmov v20;
	v20 =	vld.idx.msk [tilespmem:v20+s14+$0x0], $0xffff  }
0x136: {  	v21 =	vld.idx.msk [tilespmem:v22+s15+$0x0], $0xffff  }
0x137: {  	v28 =	vmov v22;
	v22 =	vld.idx.msk [tilespmem:v22+s14+$0x0], $0xffff  }
0x138: {  	v23 =	vld.idx.msk [tilespmem:v24+s15+$0x0], $0xffff  }
0x139: {  	v18 =	vmul.f32 v19, v18;
	v19 =	vld.idx.msk [tilespmem:v24+s14+$0x0], $0xffff  }
0x13a: {  	v29 =	vmov v24;
	v24 =	vld.idx.msk [tilespmem:v25+s15+$0x0], $0xffff  }
0x13b: {  	v17 =	vmul.f32 v17, v20;
	v20 =	vld.idx.msk [tilespmem:v25+s14+$0x0], $0xffff;
	v18 =	vadd.f32 $0.0e+00, v18  }
0x13c: {  	v30 =	vmov v25;
	v25 =	vld.idx.msk [tilespmem:v50+s15+$0x0], $0xffff  }
0x13d: {  	v17 =	vadd.f32 v17, v18;
	v18 =	vmul.f32 v21, v22;
	v21 =	vld.idx.msk [tilespmem:v50+s14+$0x0], $0xffff  }
0x13e: {  	v50 =	vld [tilespmem:$0x1FE80];
	_ =	sdelay $0x7  }
0x13f: {  	v22 =	vld.idx.msk [tilespmem:v50+s15+$0x0], $0xffff  }
0x140: {  	v17 =	vadd.f32 v18, v17;
	v18 =	vmul.f32 v23, v19;
	v19 =	vld.idx.msk [tilespmem:v50+s14+$0x0], $0xffff  }
0x141: {  	v50 =	vld [tilespmem:$0x1FE90];
	_ =	sdelay $0x7  }
0x142: {  	v23 =	vld.idx.msk [tilespmem:v50+s15+$0x0], $0xffff  }
0x143: {  	v17 =	vadd.f32 v18, v17;
	v18 =	vmul.f32 v24, v20;
	v20 =	vld.idx.msk [tilespmem:v50+s14+$0x0], $0xffff  }
0x144: {  	v50 =	vld [tilespmem:$0x1FEA0];
	_ =	sdelay $0x7  }
0x145: {  	v24 =	vld.idx.msk [tilespmem:v50+s15+$0x0], $0xffff  }
0x146: {  	v17 =	vadd.f32 v18, v17;
	v18 =	vmul.f32 v25, v21;
	v21 =	vld.idx.msk [tilespmem:v50+s14+$0x0], $0xffff  }
0x147: {  	v50 =	vld [tilespmem:$0x1FEB0];
	_ =	sdelay $0x7  }
0x148: {  	v25 =	vld.idx.msk [tilespmem:v50+s15+$0x0], $0xffff  }
0x149: {  	v17 =	vadd.f32 v18, v17;
	v18 =	vmul.f32 v22, v19;
	v19 =	vld.idx.msk [tilespmem:v50+s14+$0x0], $0xffff  }
0x14a: {  	v50 =	vld [tilespmem:$0x1FEC0];
	_ =	sdelay $0x7  }
0x14b: {  	v22 =	vld.idx.msk [tilespmem:v50+s15+$0x0], $0xffff  }
0x14c: {  	v17 =	vadd.f32 v18, v17;
	v18 =	vmul.f32 v23, v20;
	v20 =	vld.idx.msk [tilespmem:v50+s14+$0x0], $0xffff  }
0x14d: {  	v50 =	vld [tilespmem:$0x1FED0];
	_ =	sdelay $0x7  }
0x14e: {  	v23 =	vld.idx.msk [tilespmem:v50+s15+$0x0], $0xffff  }
0x14f: {  	v17 =	vadd.f32 v18, v17;
	v18 =	vmul.f32 v24, v21;
	v21 =	vld.idx.msk [tilespmem:v50+s14+$0x0], $0xffff  }
0x150: {  	v50 =	vld [tilespmem:$0x1FEE0];
	_ =	sdelay $0x7  }
0x151: {  	v24 =	vld.idx.msk [tilespmem:v50+s15+$0x0], $0xffff  }
0x152: {  	v17 =	vadd.f32 v18, v17;
	v18 =	vmul.f32 v25, v19;
	v19 =	vld.idx.msk [tilespmem:v50+s14+$0x0], $0xffff  }
0x153: {  	v50 =	vld [tilespmem:$0x1FEF0];
	_ =	sdelay $0x7  }
0x154: {  	v25 =	vld.idx.msk [tilespmem:v50+s15+$0x0], $0xffff  }
0x155: {  	v17 =	vadd.f32 v18, v17;
	v18 =	vmul.f32 v22, v20;
	v20 =	vld.idx.msk [tilespmem:v50+s14+$0x0], $0xffff  }
0x156: {  	v50 =	vld [tilespmem:$0x1FF00];
	_ =	sdelay $0x7  }
0x157: {  	v22 =	vld.idx.msk [tilespmem:v50+s15+$0x0], $0xffff  }
0x158: {  	v17 =	vadd.f32 v18, v17;
	v18 =	vmul.f32 v23, v21;
	v21 =	vld.idx.msk [tilespmem:v50+s14+$0x0], $0xffff  }
0x159: {  	v50 =	vld [tilespmem:$0x1FF10];
	_ =	sdelay $0x7  }
0x15a: {  	v17 =	vadd.f32 v18, v17;
	v18 =	vmul.f32 v24, v19;
	v23 =	vld.idx.msk [tilespmem:v50+s15+$0x0], $0xffff  }
0x15b: {  	v19 =	vld.idx.msk [tilespmem:v50+s14+$0x0], $0xffff  }
0x15c: {  	v17 =	vadd.f32 v18, v17;
	v18 =	vmul.f32 v25, v20;
	_ =	sdelay $0x1  }
0x15d: {  	v17 =	vadd.f32 v18, v17;
	v18 =	vmul.f32 v22, v21;
	_ =	sdelay $0x1  }
0x15e: {  	v17 =	vadd.f32 v18, v17;
	v18 =	vmul.f32 v23, v19;
	_ =	sdelay $0x1  }
0x15f: {  	v17 =	vadd.f32 v18, v17;
	_ =	sdelay $0x1  }
0x160: {  	v17 =	vmul.f32 $1.442695020e+00, v17;
	_ =	sdelay $0x1  }
0x161: {  	(erf) = vpow2.f32 v17;
	_ =	sdelay $0x2  }
0x162: {  	v18 =	vld [tilespmem:$0x1FF20];
	_ =	sdelay $0x1  }
0x163: {  	v20 =	vld [tilespmem:$0x1FF30];
	_ =	sdelay $0x1  }
0x164: {  	v22 =	vld [tilespmem:$0x1FF40]  }
0x165: {  	v24 =	vld [tilespmem:$0x1FF50]  }
0x166: {  	v25 =	vld [tilespmem:$0x1FF60];
	v17 =	vpop (erf)  }
0x167: {  	v50 =	vld [tilespmem:$0x1FF70];
	[tilespmem:$0xAA0] =	vst v17  }
0x168: {  	v17 =	vld.idx.msk [tilespmem:v18+s14+$0x0], $0xffff  }
0x169: {  	v18 =	vld.idx.msk [tilespmem:v18+s15+$0x0], $0xffff  }
0x16a: {  	v19 =	vld.idx.msk [tilespmem:v20+s15+$0x0], $0xffff  }
0x16b: {  	v20 =	vld.idx.msk [tilespmem:v20+s14+$0x0], $0xffff  }
0x16c: {  	v21 =	vld.idx.msk [tilespmem:v22+s15+$0x0], $0xffff  }
0x16d: {  	v22 =	vld.idx.msk [tilespmem:v22+s14+$0x0], $0xffff  }
0x16e: {  	v23 =	vld.idx.msk [tilespmem:v24+s15+$0x0], $0xffff  }
0x16f: {  	v17 =	vmul.f32 v18, v17;
	v18 =	vld.idx.msk [tilespmem:v24+s14+$0x0], $0xffff  }
0x170: {  	v24 =	vld.idx.msk [tilespmem:v25+s15+$0x0], $0xffff  }
0x171: {  	v19 =	vmul.f32 v19, v20;
	v20 =	vld.idx.msk [tilespmem:v25+s14+$0x0], $0xffff;
	v17 =	vadd.f32 $0.0e+00, v17  }
0x172: {  	v25 =	vld.idx.msk [tilespmem:v50+s15+$0x0], $0xffff  }
0x173: {  	v17 =	vadd.f32 v19, v17;
	v19 =	vmul.f32 v21, v22;
	v21 =	vld.idx.msk [tilespmem:v50+s14+$0x0], $0xffff  }
0x174: {  	v50 =	vld [tilespmem:$0x1FF80];
	_ =	sdelay $0x7  }
0x175: {  	v22 =	vld.idx.msk [tilespmem:v50+s15+$0x0], $0xffff  }
0x176: {  	v17 =	vadd.f32 v19, v17;
	v19 =	vld.idx.msk [tilespmem:v50+s14+$0x0], $0xffff  }
0x177: {  	v50 =	vld [tilespmem:$0x1FF90];
	_ =	sdelay $0x6  }
0x178: {  	v18 =	vmul.f32 v23, v18  }
0x179: {  	v23 =	vld.idx.msk [tilespmem:v50+s15+$0x0], $0xffff  }
0x17a: {  	v17 =	vadd.f32 v18, v17;
	v18 =	vmul.f32 v24, v20;
	v20 =	vld.idx.msk [tilespmem:v50+s14+$0x0], $0xffff  }
0x17b: {  	v50 =	vld [tilespmem:$0x1FFA0];
	_ =	sdelay $0x7  }
0x17c: {  	v24 =	vld.idx.msk [tilespmem:v50+s15+$0x0], $0xffff  }
0x17d: {  	v17 =	vadd.f32 v18, v17;
	v18 =	vmul.f32 v25, v21;
	v21 =	vld.idx.msk [tilespmem:v50+s14+$0x0], $0xffff  }
0x17e: {  	v50 =	vld [tilespmem:$0x1FFB0];
	_ =	sdelay $0x7  }
0x17f: {  	v17 =	vadd.f32 v18, v17;
	v18 =	vmul.f32 v22, v19;
	v25 =	vld.idx.msk [tilespmem:v50+s15+$0x0], $0xffff  }
0x180: {  	v19 =	vld.idx.msk [tilespmem:v50+s14+$0x0], $0xffff  }
0x181: {  	v22 =	vld.idx.msk [tilespmem:v52+s15+$0x0], $0xffff;
	v17 =	vadd.f32 v18, v17;
	v18 =	vmul.f32 v23, v20  }
0x182: {  	v20 =	vld.idx.msk [tilespmem:v52+s14+$0x0], $0xffff  }
0x183: {  	v23 =	vld.idx.msk [tilespmem:v53+s15+$0x0], $0xffff;
	v17 =	vadd.f32 v18, v17;
	v18 =	vmul.f32 v24, v21  }
0x184: {  	v21 =	vld.idx.msk [tilespmem:v53+s14+$0x0], $0xffff  }
0x185: {  	v24 =	vld.idx.msk [tilespmem:v54+s15+$0x0], $0xffff;
	v17 =	vadd.f32 v18, v17;
	v18 =	vmul.f32 v25, v19  }
0x186: {  	v19 =	vld.idx.msk [tilespmem:v54+s14+$0x0], $0xffff  }
0x187: {  	v25 =	vld.idx.msk [tilespmem:v55+s15+$0x0], $0xffff;
	v17 =	vadd.f32 v18, v17;
	v18 =	vmul.f32 v22, v20  }
0x188: {  	v20 =	vld.idx.msk [tilespmem:v55+s14+$0x0], $0xffff  }
0x189: {  	v22 =	vld.idx.msk [tilespmem:v56+s15+$0x0], $0xffff;
	v17 =	vadd.f32 v18, v17;
	v18 =	vmul.f32 v23, v21  }
0x18a: {  	v21 =	vld.idx.msk [tilespmem:v56+s14+$0x0], $0xffff  }
0x18b: {  	v23 =	vld.idx.msk [tilespmem:v57+s15+$0x0], $0xffff;
	v17 =	vadd.f32 v18, v17;
	v18 =	vmul.f32 v24, v19  }
0x18c: {  	v19 =	vld.idx.msk [tilespmem:v57+s14+$0x0], $0xffff  }
0x18d: {  	v17 =	vadd.f32 v18, v17;
	v18 =	vmul.f32 v25, v20;
	_ =	sdelay $0x1  }
0x18e: {  	v17 =	vadd.f32 v18, v17;
	v18 =	vmul.f32 v22, v21;
	_ =	sdelay $0x1  }
0x18f: {  	v17 =	vadd.f32 v18, v17;
	v18 =	vmul.f32 v23, v19;
	_ =	sdelay $0x1  }
0x190: {  	v17 =	vadd.f32 v18, v17;
	_ =	sdelay $0x1  }
0x191: {  	v17 =	vmul.f32 $1.442695020e+00, v17;
	_ =	sdelay $0x1  }
0x192: {  	(erf) = vpow2.f32 v17;
	_ =	sdelay $0x8  }
0x193: {  	v17 =	vpop (erf)  }
0x194: {  	v50 =	vld [tilespmem:$0x1FFC0];
	[tilespmem:$0xAB0] =	vst v17  }
0x195: {  	v17 =	vld.idx.msk [tilespmem:v58+s14+$0x0], $0xffff  }
0x196: {  	v18 =	vld.idx.msk [tilespmem:v58+s15+$0x0], $0xffff  }
0x197: {  	v19 =	vld.idx.msk [tilespmem:v59+s15+$0x0], $0xffff  }
0x198: {  	v20 =	vld.idx.msk [tilespmem:v59+s14+$0x0], $0xffff  }
0x199: {  	v21 =	vld.idx.msk [tilespmem:v60+s15+$0x0], $0xffff  }
0x19a: {  	v22 =	vld.idx.msk [tilespmem:v60+s14+$0x0], $0xffff  }
0x19b: {  	v23 =	vld.idx.msk [tilespmem:v61+s15+$0x0], $0xffff;
	v17 =	vmul.f32 v18, v17  }
0x19c: {  	v18 =	vld.idx.msk [tilespmem:v61+s14+$0x0], $0xffff  }
0x19d: {  	v24 =	vld.idx.msk [tilespmem:v62+s15+$0x0], $0xffff;
	v19 =	vmul.f32 v19, v20;
	v17 =	vadd.f32 $0.0e+00, v17  }
0x19e: {  	v20 =	vld.idx.msk [tilespmem:v62+s14+$0x0], $0xffff  }
0x19f: {  	v25 =	vld.idx.msk [tilespmem:v63+s14+$0x0], $0xffff;
	v17 =	vadd.f32 v19, v17;
	v19 =	vmul.f32 v21, v22  }
0x1a0: {  	v21 =	vld.idx.msk [tilespmem:v63+s15+$0x0], $0xffff  }
0x1a1: {  	v22 =	vld.idx.msk [tilespmem:v50+s15+$0x0], $0xffff;
	v18 =	vmul.f32 v23, v18;
	v17 =	vadd.f32 v19, v17  }
0x1a2: {  	v19 =	vld.idx.msk [tilespmem:v50+s14+$0x0], $0xffff  }
0x1a3: {  	v23 =	vld.idx.msk [tilespmem:v1+s15+$0x0], $0xffff;
	v17 =	vadd.f32 v18, v17;
	v18 =	vmul.f32 v24, v20  }
0x1a4: {  	v20 =	vld.idx.msk [tilespmem:v1+s14+$0x0], $0xffff  }
0x1a5: {  	v24 =	vld.idx.msk [tilespmem:v31+s15+$0x0], $0xffff;
	v17 =	vadd.f32 v18, v17;
	v18 =	vmul.f32 v21, v25  }
0x1a6: {  	v21 =	vld.idx.msk [tilespmem:v31+s14+$0x0], $0xffff  }
0x1a7: {  	v25 =	vld.idx.msk [tilespmem:v32+s15+$0x0], $0xffff;
	v17 =	vadd.f32 v18, v17;
	v18 =	vmul.f32 v22, v19  }
0x1a8: {  	v19 =	vld.idx.msk [tilespmem:v32+s14+$0x0], $0xffff  }
0x1a9: {  	v22 =	vld.idx.msk [tilespmem:v33+s15+$0x0], $0xffff;
	v17 =	vadd.f32 v18, v17;
	v18 =	vmul.f32 v23, v20  }
0x1aa: {  	v20 =	vld.idx.msk [tilespmem:v33+s14+$0x0], $0xffff  }
0x1ab: {  	v23 =	vld.idx.msk [tilespmem:v34+s15+$0x0], $0xffff;
	v17 =	vadd.f32 v18, v17;
	v18 =	vmul.f32 v24, v21  }
0x1ac: {  	v21 =	vld.idx.msk [tilespmem:v34+s14+$0x0], $0xffff  }
0x1ad: {  	v24 =	vld.idx.msk [tilespmem:v35+s15+$0x0], $0xffff;
	v17 =	vadd.f32 v18, v17;
	v18 =	vmul.f32 v25, v19  }
0x1ae: {  	v19 =	vld.idx.msk [tilespmem:v35+s14+$0x0], $0xffff  }
0x1af: {  	v25 =	vld.idx.msk [tilespmem:v36+s15+$0x0], $0xffff;
	v17 =	vadd.f32 v18, v17;
	v18 =	vmul.f32 v22, v20  }
0x1b0: {  	v20 =	vld.idx.msk [tilespmem:v36+s14+$0x0], $0xffff  }
0x1b1: {  	v22 =	vld.idx.msk [tilespmem:v37+s15+$0x0], $0xffff;
	v17 =	vadd.f32 v18, v17;
	v18 =	vmul.f32 v23, v21  }
0x1b2: {  	v21 =	vld.idx.msk [tilespmem:v37+s14+$0x0], $0xffff  }
0x1b3: {  	v23 =	vld.idx.msk [tilespmem:v38+s15+$0x0], $0xffff;
	v17 =	vadd.f32 v18, v17;
	v18 =	vmul.f32 v24, v19  }
0x1b4: {  	v19 =	vld.idx.msk [tilespmem:v38+s14+$0x0], $0xffff  }
0x1b5: {  	v17 =	vadd.f32 v18, v17;
	v18 =	vmul.f32 v25, v20;
	_ =	sdelay $0x1  }
0x1b6: {  	v17 =	vadd.f32 v18, v17;
	v18 =	vmul.f32 v22, v21;
	_ =	sdelay $0x1  }
0x1b7: {  	v17 =	vadd.f32 v18, v17;
	v18 =	vmul.f32 v23, v19;
	_ =	sdelay $0x1  }
0x1b8: {  	v17 =	vadd.f32 v18, v17;
	_ =	sdelay $0x1  }
0x1b9: {  	v17 =	vmul.f32 $1.442695020e+00, v17;
	_ =	sdelay $0x1  }
0x1ba: {  	(erf) = vpow2.f32 v17;
	_ =	sdelay $0x8  }
0x1bb: {  	v17 =	vpop (erf)  }
0x1bc: {  	v50 =	vld [tilespmem:$0x1FE60];
	[tilespmem:$0xAC0] =	vst v17  }
0x1bd: {  	v17 =	vld.idx.msk [tilespmem:v39+s14+$0x0], $0xffff  }
0x1be: {  	v18 =	vld.idx.msk [tilespmem:v39+s15+$0x0], $0xffff  }
0x1bf: {  	v19 =	vld.idx.msk [tilespmem:v40+s14+$0x0], $0xffff  }
0x1c0: {  	v20 =	vld.idx.msk [tilespmem:v40+s15+$0x0], $0xffff  }
0x1c1: {  	v21 =	vld.idx.msk [tilespmem:v41+s14+$0x0], $0xffff  }
0x1c2: {  	v22 =	vld.idx.msk [tilespmem:v41+s15+$0x0], $0xffff  }
0x1c3: {  	v17 =	vmul.f32 v18, v17;
	_ =	sdelay $0x1  }
0x1c4: {  	v19 =	vmul.f32 v20, v19;
	v17 =	vadd.f32 $0.0e+00, v17;
	_ =	sdelay $0x1  }
0x1c5: {  	v17 =	vadd.f32 v19, v17;
	v19 =	vmul.f32 v22, v21  }
0x1c6: {  	v22 =	vld.idx.msk [tilespmem:v50+s14+$0x0], $0xffff  }
0x1c7: {  	v17 =	vadd.f32 v19, v17;
	v19 =	vld.idx.msk [tilespmem:v50+s15+$0x0], $0xffff  }
0x1c8: {  	v50 =	vld [tilespmem:$0x1FDE0]  }
0x1c9: {  	v23 =	vld.idx.msk [tilespmem:v42+s14+$0x0], $0xffff  }
0x1ca: {  	v18 =	vld.idx.msk [tilespmem:v42+s15+$0x0], $0xffff  }
0x1cb: {  	v24 =	vld.idx.msk [tilespmem:v43+s14+$0x0], $0xffff  }
0x1cc: {  	v20 =	vld.idx.msk [tilespmem:v43+s15+$0x0], $0xffff;
	_ =	sdelay $0x2  }
0x1cd: {  	v18 =	vmul.f32 v18, v23  }
0x1ce: {  	v23 =	vld.idx.msk [tilespmem:v50+s14+$0x0], $0xffff  }
0x1cf: {  	v17 =	vadd.f32 v18, v17;
	v18 =	vmul.f32 v20, v24;
	v20 =	vld.idx.msk [tilespmem:v50+s15+$0x0], $0xffff  }
0x1d0: {  	v50 =	vld [tilespmem:$0x1FDF0];
	_ =	sdelay $0x2  }
0x1d1: {  	v25 =	vld.idx.msk [tilespmem:v44+s14+$0x0], $0xffff  }
0x1d2: {  	v21 =	vld.idx.msk [tilespmem:v44+s15+$0x0], $0xffff;
	_ =	sdelay $0x3  }
0x1d3: {  	v24 =	vld.idx.msk [tilespmem:v50+s14+$0x0], $0xffff  }
0x1d4: {  	v17 =	vadd.f32 v18, v17;
	v18 =	vmul.f32 v21, v25;
	v21 =	vld.idx.msk [tilespmem:v50+s15+$0x0], $0xffff  }
0x1d5: {  	v50 =	vld [tilespmem:$0x1FE00];
	_ =	sdelay $0x7  }
0x1d6: {  	v17 =	vadd.f32 v18, v17;
	v18 =	vmul.f32 v19, v22;
	v25 =	vld.idx.msk [tilespmem:v50+s14+$0x0], $0xffff  }
0x1d7: {  	v19 =	vld.idx.msk [tilespmem:v50+s15+$0x0], $0xffff  }
0x1d8: {  	v22 =	vld.idx.msk [tilespmem:v51+s14+$0x0], $0xffff;
	v17 =	vadd.f32 v18, v17;
	v18 =	vmul.f32 v20, v23  }
0x1d9: {  	v20 =	vld.idx.msk [tilespmem:v51+s15+$0x0], $0xffff  }
0x1da: {  	v23 =	vld.idx.msk [tilespmem:v46+s14+$0x0], $0xffff;
	v17 =	vadd.f32 v18, v17;
	v18 =	vmul.f32 v21, v24  }
0x1db: {  	v21 =	vld.idx.msk [tilespmem:v46+s15+$0x0], $0xffff  }
0x1dc: {  	v24 =	vld.idx.msk [tilespmem:v47+s14+$0x0], $0xffff;
	v17 =	vadd.f32 v18, v17;
	v18 =	vmul.f32 v19, v25  }
0x1dd: {  	v19 =	vld.idx.msk [tilespmem:v47+s15+$0x0], $0xffff  }
0x1de: {  	v25 =	vld.idx.msk [tilespmem:v48+s14+$0x0], $0xffff;
	v17 =	vadd.f32 v18, v17;
	v18 =	vmul.f32 v20, v22  }
0x1df: {  	v20 =	vld.idx.msk [tilespmem:v48+s15+$0x0], $0xffff  }
0x1e0: {  	v22 =	vld.idx.msk [tilespmem:v49+s14+$0x0], $0xffff;
	v17 =	vadd.f32 v18, v17;
	v18 =	vmul.f32 v21, v23  }
0x1e1: {  	v21 =	vld.idx.msk [tilespmem:v49+s15+$0x0], $0xffff  }
0x1e2: {  	v23 =	vld.idx.msk [tilespmem:v45+s14+$0x0], $0xffff;
	v17 =	vadd.f32 v18, v17;
	v18 =	vmul.f32 v19, v24  }
0x1e3: {  	v19 =	vld.idx.msk [tilespmem:v45+s15+$0x0], $0xffff  }
0x1e4: {  	v17 =	vadd.f32 v18, v17;
	v18 =	vmul.f32 v20, v25;
	_ =	sdelay $0x1  }
0x1e5: {  	v17 =	vadd.f32 v18, v17;
	v18 =	vmul.f32 v21, v22;
	_ =	sdelay $0x1  }
0x1e6: {  	v17 =	vadd.f32 v18, v17;
	v18 =	vmul.f32 v19, v23;
	_ =	sdelay $0x1  }
0x1e7: {  	v17 =	vadd.f32 v18, v17;
	_ =	sdelay $0x1  }
0x1e8: {  	v17 =	vmul.f32 $1.442695020e+00, v17;
	_ =	sdelay $0x1  }
0x1e9: {  	(erf) = vpow2.f32 v17;
	_ =	sdelay $0x8  }
0x1ea: {  	v17 =	vpop (erf)  }
0x1eb: {  	[tilespmem:$0xAD0] =	vst v17  }
0x1ec: {  	v17 =	vld.idx.msk [tilespmem:v2+s14+$0x0], $0xffff  }
0x1ed: {  	v18 =	vld.idx.msk [tilespmem:v2+s15+$0x0], $0xffff  }
0x1ee: {  	v19 =	vld.idx.msk [tilespmem:v3+s14+$0x0], $0xffff  }
0x1ef: {  	v20 =	vld.idx.msk [tilespmem:v3+s15+$0x0], $0xffff  }
0x1f0: {  	v21 =	vld.idx.msk [tilespmem:v4+s14+$0x0], $0xffff  }
0x1f1: {  	v22 =	vld.idx.msk [tilespmem:v4+s15+$0x0], $0xffff  }
0x1f2: {  	v23 =	vld.idx.msk [tilespmem:v5+s14+$0x0], $0xffff;
	v17 =	vmul.f32 v18, v17  }
0x1f3: {  	v18 =	vld.idx.msk [tilespmem:v5+s15+$0x0], $0xffff  }
0x1f4: {  	v24 =	vld.idx.msk [tilespmem:v6+s14+$0x0], $0xffff;
	v19 =	vmul.f32 v20, v19;
	v17 =	vadd.f32 $0.0e+00, v17  }
0x1f5: {  	v20 =	vld.idx.msk [tilespmem:v6+s15+$0x0], $0xffff  }
0x1f6: {  	v25 =	vld.idx.msk [tilespmem:v7+s14+$0x0], $0xffff;
	v17 =	vadd.f32 v19, v17;
	v19 =	vmul.f32 v22, v21  }
0x1f7: {  	v21 =	vld.idx.msk [tilespmem:v7+s15+$0x0], $0xffff  }
0x1f8: {  	v22 =	vld.idx.msk [tilespmem:v8+s14+$0x0], $0xffff;
	v18 =	vmul.f32 v18, v23;
	v17 =	vadd.f32 v19, v17  }
0x1f9: {  	v19 =	vld.idx.msk [tilespmem:v8+s15+$0x0], $0xffff  }
0x1fa: {  	v23 =	vld.idx.msk [tilespmem:v9+s14+$0x0], $0xffff;
	v17 =	vadd.f32 v18, v17;
	v18 =	vmul.f32 v20, v24  }
0x1fb: {  	v20 =	vld.idx.msk [tilespmem:v9+s15+$0x0], $0xffff  }
0x1fc: {  	v24 =	vld.idx.msk [tilespmem:v10+s14+$0x0], $0xffff;
	v17 =	vadd.f32 v18, v17;
	v18 =	vmul.f32 v21, v25  }
0x1fd: {  	v21 =	vld.idx.msk [tilespmem:v10+s15+$0x0], $0xffff  }
0x1fe: {  	v25 =	vld.idx.msk [tilespmem:v11+s14+$0x0], $0xffff;
	v17 =	vadd.f32 v18, v17;
	v18 =	vmul.f32 v19, v22  }
0x1ff: {  	v19 =	vld.idx.msk [tilespmem:v11+s15+$0x0], $0xffff  }
0x200: {  	v22 =	vld.idx.msk [tilespmem:v0+s14+$0x0], $0xffff;
	v17 =	vadd.f32 v18, v17;
	v18 =	vmul.f32 v20, v23  }
0x201: {  	v20 =	vld.idx.msk [tilespmem:v0+s15+$0x0], $0xffff  }
0x202: {  	v23 =	vld.idx.msk [tilespmem:v12+s14+$0x0], $0xffff;
	v17 =	vadd.f32 v18, v17;
	v18 =	vmul.f32 v21, v24  }
0x203: {  	v21 =	vld.idx.msk [tilespmem:v12+s15+$0x0], $0xffff  }
0x204: {  	v24 =	vld.idx.msk [tilespmem:v13+s14+$0x0], $0xffff;
	v17 =	vadd.f32 v18, v17;
	v18 =	vmul.f32 v19, v25  }
0x205: {  	v19 =	vld.idx.msk [tilespmem:v13+s15+$0x0], $0xffff  }
0x206: {  	v25 =	vld.idx.msk [tilespmem:v14+s14+$0x0], $0xffff;
	v17 =	vadd.f32 v18, v17;
	v18 =	vmul.f32 v20, v22  }
0x207: {  	v20 =	vld.idx.msk [tilespmem:v14+s15+$0x0], $0xffff  }
0x208: {  	v22 =	vld.idx.msk [tilespmem:v15+s14+$0x0], $0xffff;
	v17 =	vadd.f32 v18, v17;
	v18 =	vmul.f32 v21, v23  }
0x209: {  	v21 =	vld.idx.msk [tilespmem:v15+s15+$0x0], $0xffff  }
0x20a: {  	v23 =	vld.idx.msk [tilespmem:v16+s14+$0x0], $0xffff;
	v17 =	vadd.f32 v18, v17;
	v18 =	vmul.f32 v19, v24  }
0x20b: {  	v19 =	vld.idx.msk [tilespmem:v16+s15+$0x0], $0xffff  }
0x20c: {  	v17 =	vadd.f32 v18, v17;
	v18 =	vmul.f32 v20, v25;
	_ =	sdelay $0x1  }
0x20d: {  	v17 =	vadd.f32 v18, v17;
	v18 =	vmul.f32 v21, v22;
	_ =	sdelay $0x1  }
0x20e: {  	v17 =	vadd.f32 v18, v17;
	v18 =	vmul.f32 v19, v23;
	_ =	sdelay $0x1  }
0x20f: {  	v17 =	vadd.f32 v18, v17;
	_ =	sdelay $0x1  }
0x210: {  	v17 =	vmul.f32 $1.442695020e+00, v17;
	_ =	sdelay $0x1  }
0x211: {  	(erf) = vpow2.f32 v17;
	_ =	sdelay $0x5  }
0x212: {  	p0 =	sne.s32 s22, $0x30CA  }
.Ltmp1:
0x213: {  	_ = 	snop;
	(pc) =	sbr.rel @p0 .LBB2_4-.Ltmp1, $4  }
0x214: {  	_ = 	snop  }
0x215: {  	v17 =	vpop (erf)  }
0x216: {  	s22 =	sadd.s32 $0xA, s22;
	s23 =	sadd.s32 s23, s8;
	[tilespmem:$0xAE0] =	vst v17  }
0x217: {  	v24 =	vmovc v29;
	v25 =	vmovc v30;
	v20 =	vmov v27;
	v22 =	vmov v28;
	v19 =	vmov v26;
	[hbm4b:s23+s3] =	stream.linear.scatter [tilespmem:s18], [sflag:$0x3], $0x50, $0x38;
	[tilespmem:$0x23F0] =	vst v63  }
0x218: {  	_ =	swait.ge [sflag:s12], $0x50  }
0x219: {  	[sflag:s12] =	ssyncset.done $0x0  }
0x21a: {  	[sflag:s12] =	ssyncadd.s32 $0xFFFFFFB0  }
0x21b: {  	[spmem:s0] =	stream.indirect.scatter.add.f32 [tilespmem:s18], [sflag:$0x3], $0x1, s13, s13, $0xb8;
	[tilespmem:$0x23F0] =	vst v63  }
0x21c: {  	_ =	swait.ge [sflag:s12], $0x50  }
0x21d: {  	[sflag:s12] =	ssyncset.done $0x0  }
0x21e: {  	[sflag:s12] =	ssyncadd.s32 $0xFFFFFFB0  }
0x21f: {  	[bflag:$0x0] =	sbarrier.arrive $0xFFFF  }
0x220: {  	[hbm:s6], [sflag:s19] =	dma.local [spmem:s20], $0x316  }
0x221: {  	_ =	swait.ge [sflag:s12], $0x316  }
0x222: {  	v14 =	vld [tilespmem:$0x1FE70]  }
0x223: {  	v46 =	vld [tilespmem:$0x1FE80]  }
0x224: {  	v15 =	vld [tilespmem:$0x1FE90]  }
0x225: {  	v16 =	vld [tilespmem:$0x1FEA0]  }
0x226: {  	v17 =	vld [tilespmem:$0x1FEB0]  }
0x227: {  	v18 =	vld [tilespmem:$0x1FEC0]  }
0x228: {  	v21 =	vld [tilespmem:$0x1FED0]  }
0x229: {  	v23 =	vld [tilespmem:$0x1FEE0]  }
0x22a: {  	v26 =	vld [tilespmem:$0x1FEF0]  }
0x22b: {  	v27 =	vld [tilespmem:$0x1FF00]  }
0x22c: {  	v28 =	vld [tilespmem:$0x1FF10]  }
0x22d: {  	v29 =	vld [tilespmem:$0x1FF20]  }
0x22e: {  	v30 =	vld [tilespmem:$0x1FF30]  }
0x22f: {  	v10 =	vld [tilespmem:$0x1FF40]  }
0x230: {  	v12 =	vld [tilespmem:$0x1FF50]  }
0x231: {  	v13 =	vld [tilespmem:$0x1FF60]  }
0x232: {  	s21 =	sadd.s32 $0x1, s21;
	v47 =	vld [tilespmem:$0x1FF70]  }
0x233: {  	p0 =	sne.s32 s21, s7;
	v48 =	vld [tilespmem:$0x1FF80]  }
.Ltmp2:
0x234: {  	v49 =	vld [tilespmem:$0x1FF90];
	(pc) =	sbr.rel @p0 .LBB2_1-.Ltmp2, $4  }
0x235: {  	v9 =	vld [tilespmem:$0x1FFA0]  }
0x236: {  	v11 =	vld [tilespmem:$0x1FFB0]  }
0x237: {  	[sflag:s12] =	ssyncset.done $0x0;
	v51 =	vld [tilespmem:$0x1FFC0]  }
0x238: {  	v50 =	vmov v1;
	v45 =	vld [tilespmem:$0x1FE60];
	[sflag:s12] =	ssyncadd.s32 $0xFFFFFCEA  }
0x239: {  	_ =	sfence.sel $0x180000  }
0x23a: {  	[bflag:$0x0] =	sbarrier.arrive $0xFFFF  }
0x23b: {  	p0 =	sne.s32 s1, $0x0;
	_ =	strace $0x90000047  }
0x23c: {  	s0 =	sadd.s32 @!p0 $0x100000, s2;
	[bflag:$0x2] =	sbarrier.arrive $0xFFFF  }
0x23d: {  	[sflag:s0] =	ssyncadd.tile.s32 @!p0 $0x1;
	_ =	shalt  }
.Lfunc_end2:
_tile_overlayer_lowered:
.L_overlay_start_2:
0x23e: {  	(tag) =	ssettag $0x2  }
0x23f: {  	s0 =	rddreg [dreg:$0x0];
	s2 =	stileid.u32  }
0x240: {  	s1 =	rddreg [dreg:$0x1];
	p0 =	sne.s32 s2, $0x0  }
0x241: {  	s3 =	rddreg [dreg:$0x2];
	[bflag:$0x3] =	sbarrier.arrive $0xFFFF;
	s2 =	simm.s32 @!p0 $0x1C03  }
0x242: {  	[timem:s3], [sflag:s2] =	dma.local @!p0 [hbm:s0], s1  }
0x243: {  	s0 =	simm.s32 @!p0 $0x3  }
0x244: {  	_ =	swait.ge @!p0 [sflag:s0], s1  }
0x245: {  	s1 =	ssub.s32 @!p0 $0x0, s1;
	[sflag:s0] =	ssyncset.done @!p0 $0x0  }
0x246: {  	[sflag:s0] =	ssyncadd.s32 @!p0 s1  }
0x247: {  	[bflag:$0x3] =	sbarrier.arrive $0xFFFF  }
0x248: {  	_ =	shalt  }

// kernel: kernel.13.cloned.1.call-start
scs
__scs_entry_jumppad:
0x0: {  	(pc) =	sbr.rel $0x88, $3  }
0x1: {  	(tag) =	ssettag $0x0;
	lr =	simm.s32 $0x1  }
0x2: {  	[smem:$0x3F96] =	sst lr;
	_ =	strace $0xD0000000  }
0x3: {  	_ = 	snop  }
0x4: {  	_ = 	snop  }
0x5: {  	_ = 	snop  }
0x6: {  	_ = 	snop  }
0x7: {  	_ = 	snop  }
__scs_overlays_trampoline_lowered:
0x8: {  	[smem:$0x3FA5] =	sst s0  }
0x9: {  	[smem:$0x3FA6] =	sst s1  }
0xa: {  	[smem:$0x3FA7] =	sst s2  }
0xb: {  	[smem:$0x3FA8] =	sst s3  }
0xc: {  	[smem:$0x3FA9] =	sst s4  }
0xd: {  	[smem:$0x3FAA] =	sst s5  }
0xe: {  	[smem:$0x3FAB] =	sst s6  }
0xf: {  	[smem:$0x3FAC] =	sst s7  }
0x10: {  	[smem:$0x3FAD] =	sst s8  }
0x11: {  	[smem:$0x3FAE] =	sst s9;
	s0 =	simm.s32 @!p0 $0x0  }
0x12: {  	s1 =	sld [smem:$0x3F94];
	s0 =	simm.s32 @p0 $0x1  }
0x13: {  	[smem:$0x3FAF] =	sst s0;
	s0 =	simm.s32 @!p1 $0x0  }
0x14: {  	s2 =	sld [smem:$0x3F93];
	s0 =	simm.s32 @p1 $0x1  }
0x15: {  	[smem:$0x3FB0] =	sst s0;
	s0 =	simm.s32 @!p2 $0x0  }
0x16: {  	s3 =	sld [smem:$0x3FDB];
	s0 =	simm.s32 @p2 $0x1  }
0x17: {  	s4 =	simm.s32 $0x1BF5;
	[smem:$0x3FB2] =	sst s0  }
0x18: {  	s0 =	sld [smem:$0x3F95];
	_ =	swait.ge [sflag:s4], $0x0  }
0x19: {  	s7 =	sld [smem:$0x3F96]  }
0x1a: {  	s8 =	sadd.s32 $0xFFFFE003, lr  }
0x1b: {  	s9 =	sadd.s32 $0xFFFFFEF7, lr;
	s5 =	simm.s32 $0xFFFFFFFF;
	p2 =	slt.u32 s8, $0xFFFFF086  }
0x1c: {  	p1 =	slt.u32 s9, $0xF7A;
	s5 =	simm.s32 @!p2 $0x0  }
0x1d: {  	s5 =	simm.s32 @p1 $0x1;
	p0 =	seq.s32 s7, s2  }
0x1e: {  	s7 =	smul.u32 @!p0 $0xF7A, s2;
	p2 =	seq.s32 @!p0 s5, $0x0  }
0x1f: {  	s9 =	smul.u32 $0xF7A, s1;
	s8 =	simm.s32 @!p0 $0x1BF5;
	p2 =	por !p2, p0  }
0x20: {  	[sflag:s8] =	ssyncset.s32 @!p0 $0xFFFFF086;
	s6 =	sadd.s32 @!p0 s3, s7;
	s7 =	simm.s32 @!p0 $0x108  }
0x21: {  	s3 =	sadd.s32 s3, s9;
	s6 =	sadd.s32 @!p0 $0x88, s6;
	s7 =	simm.s32 @p2 $0x1082  }
0x22: {  	[simem:s7], [sflag:s8] =	dma.local @!p0 [hbm:s6], $0xF7A  }
0x23: {  	s9 =	sor.u32 $0xD0000000, s2;
	s6 =	simm.s32 $0x108;
	_ =	swait.ge @!p0 [sflag:s8], $0x0  }
0x24: {  	s3 =	sadd.s32 $0x88, s3;
	s6 =	simm.s32 @!p1 $0x1082;
	[sflag:s4] =	ssyncset.s32 $0xFFFFF086  }
0x25: {  	[simem:s6], [sflag:s4] =	dma.local [hbm:s3], $0xF7A  }
0x26: {  	[smem:$0x3F96] =	sst s1;
	(tag) =	ssettag s2;
	_ =	strace s9  }
0x27: {  	s1 =	sld [smem:$0x3FA6]  }
0x28: {  	s2 =	sld [smem:$0x3FA7]  }
0x29: {  	s4 =	sld [smem:$0x3FA9]  }
0x2a: {  	p0 =	seq.s32 s5, $0x0;
	s5 =	sld [smem:$0x3FAA]  }
0x2b: {  	s6 =	sld [smem:$0x3FAB]  }
0x2c: {  	s7 =	sld [smem:$0x3FAC]  }
0x2d: {  	s3 =	simm.s32 $0x108;
	s8 =	sld [smem:$0x3FAD]  }
0x2e: {  	s3 =	simm.s32 @!p0 $0x1082;
	s9 =	sld [smem:$0x3FAE]  }
0x2f: {  	lr =	sadd.s32 s0, s3;
	s0 =	sld [smem:$0x3FA5]  }
0x30: {  	s3 =	sld [smem:$0x3FA8]  }
0x31: {  	[smem:$0x3FB1] =	sst s10  }
0x32: {  	s10 =	sld [smem:$0x3FAF];
	_ =	sdelay $0x3  }
0x33: {  	p0 =	seq.s32 s10, $0x1;
	s10 =	sld [smem:$0x3FB1];
	_ =	sdelay $0x3  }
0x34: {  	[smem:$0x3FB1] =	sst s10  }
0x35: {  	s10 =	sld [smem:$0x3FB0];
	_ =	sdelay $0x3  }
0x36: {  	p1 =	seq.s32 s10, $0x1;
	s10 =	sld [smem:$0x3FB1];
	_ =	sdelay $0x3  }
0x37: {  	[smem:$0x3FB1] =	sst s10  }
0x38: {  	s10 =	sld [smem:$0x3FB2]  }
0x39: {  	_ = 	snop;
	(pc) =	sbr.ind lr, $3  }
0x3a: {  	_ = 	snop  }
0x3b: {  	_ = 	snop  }
0x3c: {  	p2 =	seq.s32 s10, $0x1;
	s10 =	sld [smem:$0x3FB1]  }
0x3d: {  	_ =	shalt  }
0x3e: {  	_ =	shalt  }
0x3f: {  	_ =	shalt  }
0x40: {  	_ =	shalt  }
0x41: {  	_ =	shalt  }
0x42: {  	_ =	shalt  }
0x43: {  	_ =	shalt  }
0x44: {  	_ =	shalt  }
0x45: {  	_ =	shalt  }
0x46: {  	_ =	shalt  }
0x47: {  	_ =	shalt  }
0x48: {  	_ =	shalt  }
0x49: {  	_ =	shalt  }
0x4a: {  	_ =	shalt  }
0x4b: {  	_ =	shalt  }
0x4c: {  	_ =	shalt  }
0x4d: {  	_ =	shalt  }
0x4e: {  	_ =	shalt  }
0x4f: {  	_ =	shalt  }
0x50: {  	_ =	shalt  }
0x51: {  	_ =	shalt  }
0x52: {  	_ =	shalt  }
0x53: {  	_ =	shalt  }
0x54: {  	_ =	shalt  }
0x55: {  	_ =	shalt  }
0x56: {  	_ =	shalt  }
0x57: {  	_ =	shalt  }
0x58: {  	_ =	shalt  }
0x59: {  	_ =	shalt  }
0x5a: {  	_ =	shalt  }
0x5b: {  	_ =	shalt  }
0x5c: {  	_ =	shalt  }
0x5d: {  	_ =	shalt  }
0x5e: {  	_ =	shalt  }
0x5f: {  	_ =	shalt  }
0x60: {  	_ =	shalt  }
0x61: {  	_ =	shalt  }
0x62: {  	_ =	shalt  }
0x63: {  	_ =	shalt  }
0x64: {  	_ =	shalt  }
0x65: {  	_ =	shalt  }
0x66: {  	_ =	shalt  }
0x67: {  	_ =	shalt  }
0x68: {  	_ =	shalt  }
0x69: {  	_ =	shalt  }
0x6a: {  	_ =	shalt  }
0x6b: {  	_ =	shalt  }
0x6c: {  	_ =	shalt  }
0x6d: {  	_ =	shalt  }
0x6e: {  	_ =	shalt  }
0x6f: {  	_ =	shalt  }
0x70: {  	_ =	shalt  }
0x71: {  	_ =	shalt  }
0x72: {  	_ =	shalt  }
0x73: {  	_ =	shalt  }
0x74: {  	_ =	shalt  }
0x75: {  	_ =	shalt  }
0x76: {  	_ =	shalt  }
0x77: {  	_ =	shalt  }
0x78: {  	_ =	shalt  }
0x79: {  	_ =	shalt  }
0x7a: {  	_ =	shalt  }
0x7b: {  	_ =	shalt  }
0x7c: {  	_ =	shalt  }
0x7d: {  	_ =	shalt  }
0x7e: {  	_ =	shalt  }
0x7f: {  	_ =	shalt  }
0x80: {  	_ =	shalt  }
0x81: {  	_ =	shalt  }
0x82: {  	_ =	shalt  }
0x83: {  	_ =	shalt  }
0x84: {  	_ =	shalt  }
0x85: {  	_ =	shalt  }
0x86: {  	_ =	shalt  }
0x87: {  	_ =	shalt  }
.Lfunc_end0:
.L_simem_size_0:
called_computation.1_lowered:
.L_overlay_start_0:
0x88: {  	s2 =	sld [smem:$0x3FD9]  }
0x89: {  	s3 =	sld [smem:$0x3FFE];
	_ =	sdelay $0x1  }
0x8a: {  	s1 =	srdreg.scid  }
0x8b: {  	s0 =	sand.u32 $0x1, s1  }
0x8c: {  	s16 =	sshll.u32 s0, $0xA;
	s2 =	sadd.s32 s3, s2  }
0x8d: {  	s2 =	sadd.s32 s2, s16  }
0x8e: {  	[smem:$0x3FBD] =	sst s2  }
0x8f: {  	_ = 	snop  }
0x90: {  	(tm) =	ssettm $0x1  }
0x91: {  	s17 =	sld [smem:$0x3FFB];
	_ =	sdelay $0x3  }
0x92: {  	_ =	strace s17  }
0x93: {  	s2 =	sld [smem:$0x3FFC];
	_ =	sdelay $0x3  }
0x94: {  	_ =	strace s2  }
0x95: {  	s2 =	sld [smem:$0x3FFD];
	_ =	sdelay $0x3  }
0x96: {  	_ =	strace s2  }
0x97: {  	_ =	strace $0x8FFFFFFF  }
0x98: {  	s18 =	sld [smem:$0x3FDB];
	_ =	sdelay $0x1  }
0x99: {  	s19 =	simm.s32 $_scs_section_size  }
0x9a: {  	s4 =	simm.s32 $_size__tile_overlayer_lowered;
	s5 =	simm.s32 $_tile_overlayer_lowered  }
0x9b: {  	s22 =	simm.s32 $0x1BFF;
	s21 =	sshll.u32 s5, $0x1;
	s2 =	sadd.s32 s19, s18  }
0x9c: {  	s6 =	simm.s32 $0x0;
	s20 =	sshll.u32 s4, $0x1;
	s4 =	sadd.s32 s21, s2  }
0x9d: {  	[timem:s6], [sflag:s22] =	dma.local [hbm:s4], s20  }
0x9e: {  	_ =	swait.ge [sflag:s22], s20  }
0x9f: {  	s3 =	ssub.s32 $0x0, s20;
	[sflag:s22] =	ssyncset.done $0x0  }
0xa0: {  	[sflag:s22] =	ssyncadd.s32 s3;
	_ =	sdelay $0x1  }
0xa1: {  	s23 =	simm.s32 $0x1B8B  }
0xa2: {  	_ =	swait.ge [sflag:s23], $0x1  }
0xa3: {  	[sflag:s23] =	ssyncset.done $0x0  }
0xa4: {  	s25 =	simm.s32 $0x1B8E;
	s24 =	sld [smem:$0x3FFE];
	[sflag:s23] =	ssyncadd.s32 $0xFFFFFFFF  }
0xa5: {  	s26 =	simm.s32 $execute0_lowered;
	[smem:$0x3FD2] =	sst s25  }
0xa6: {  	s4 =	sshll.u32 s26, $0x1;
	_ =	strace $0x80000049;
	[dreg:$0x1] =	wrdreg $0xFFFFFFFF  }
0xa7: {  	s28 =	simm.s32 $_size_execute0_lowered;
	s2 =	sadd.s32 s2, s4;
	[dreg:$0x0] =	wrdreg $0x0  }
0xa8: {  	s4 =	sshll.u32 s28, $0x1;
	[dreg:$0x2] =	wrdreg s2  }
0xa9: {  	[dreg:$0x3] =	wrdreg s4  }
0xaa: {  	[dreg:$0x4] =	wrdreg $0xC0  }
0xab: {  	_ =	task [dreg:s6], $0x5FFFF  }
0xac: {  	[dreg:$0x1] =	wrdreg $0xFFFFFFFF  }
0xad: {  	[dreg:$0x0] =	wrdreg $0x60  }
0xae: {  	[dreg:$0x2] =	wrdreg s24  }
0xaf: {  	[dreg:$0x3] =	wrdreg $0xB900  }
0xb0: {  	[dreg:$0x4] =	wrdreg $0x24400  }
0xb1: {  	[dreg:$0x5] =	wrdreg $0x9  }
0xb2: {  	_ =	task.clear_ibuf [dreg:s6], $0x6FFFF;
	_ =	strace $0x90000049  }
0xb3: {  	s29 =	simm.s32 $0x9;
	_ =	strace $0x8000004B  }
0xb4: {  	_ =	swait.ge [sflag:s29], $0x1  }
0xb5: {  	[sflag:s29] =	ssyncadd.s32 $0xFFFFFFFF  }
0xb6: {  	_ =	strace $0x9000004B  }
0xb7: {  	_ =	sfence  }
0xb8: {  	s30 =	sld [smem:$0x0];
	_ =	sdelay $0x2  }
0xb9: {  	s31 =	sshll.u32 s1, $0xD;
	s1 =	sshrl.u32 s1, $0x2  }
0xba: {  	s3 =	sand.u32 $0x4000, s31;
	s1 =	sadd.s32 s1, s30  }
0xbb: {  	s0 =	sor.u32 s3, s0;
	s1 =	sshll.u32 s1, $0x11  }
0xbc: {  	s0 =	sor.u32 s1, s0  }
0xbd: {  	s0 =	sadd.s32 $0x8F2B, s0  }
0xbe: {  	[sflag:s0] =	ssyncadd.remote.s32 $0x1  }
0xbf: {  	_ =	sfence.sel $0xFFFF  }
0xc0: {  	[dreg:$0x0] =	wrdreg $0xFFFFFFFF;
	(pc) =	sbr.abs _section_cstart, $3  }
0xc1: {  	[dreg:$0x1] =	wrdreg $0xFFFFFFFF  }
0xc2: {  	_ =	task.clear_ibuf [dreg:s6], $0x2FFFF;
	_ =	strace $0x9FFFFFFF  }
0xc3: {  	(tm) =	ssettm $0x7FFFFFFF  }
tec
execute0_lowered:
.L_overlay_start_1:
0x0: {  	(tag) =	ssettag $0x1  }
0x1: {  	v0 =	vlaneseq.u32  }
0x2: {  	v0 =	vmul.u32 $0x10, v0;
	_ =	sdelay $0x1  }
0x3: {  	v5 =	vor.u32 $0x1, v0;
	v4 =	vor.u32 $0x2, v0  }
0x4: {  	s6 =	rddreg [dreg:$0x0];
	v7 =	vor.u32 $0x3, v0;
	v6 =	vor.u32 $0x4, v0;
	v1 =	vor.u32 $0x7, v0  }
0x5: {  	s0 =	rddreg [dreg:$0x1];
	v12 =	vor.u32 $0xA, v0;
	v14 =	vor.u32 $0xC, v0;
	v16 =	vor.u32 $0xE, v0  }
0x6: {  	s3 =	rddreg [dreg:$0x2];
	v17 =	vor.u32 $0xF, v0;
	v18 =	vor.u32 $0x100, v0;
	v19 =	vor.u32 $0x101, v0  }
0x7: {  	s1 =	srdreg.scid;
	s2 =	rddreg [dreg:$0x3];
	v20 =	vor.u32 $0x102, v0;
	v21 =	vor.u32 $0x103, v0;
	v22 =	vor.u32 $0x104, v0  }
0x8: {  	s4 =	simm.s32 $0x0;
	s16 =	simm.s32 $0x3;
	s7 =	sand.u32 $0x1, s1;
	v23 =	vor.u32 $0x105, v0;
	v24 =	vor.u32 $0x106, v0;
	v25 =	vor.u32 $0x107, v0  }
0x9: {  	s17 =	simm.s32 $0x690;
	s1 =	stileid.u32;
	s5 =	smul.u32 $0x186A00, s7;
	v26 =	vor.u32 $0x108, v0;
	v27 =	vor.u32 $0x109, v0;
	v28 =	vor.u32 $0x10A, v0  }
0xa: {  	s18 =	simm.s32 $0x50;
	s19 =	simm.s32 $0xA0;
	s8 =	smul.u32 $0x186A0, s1;
	v29 =	vor.u32 $0x10B, v0;
	v30 =	vor.u32 $0x10C, v0;
	v31 =	vor.u32 $0x10D, v0  }
0xb: {  	s20 =	simm.s32 $0x190;
	s21 =	simm.s32 $0x140;
	s9 =	smul.u32 $0x18B000, s7;
	v32 =	vor.u32 $0x10E, v0;
	v33 =	vor.u32 $0x10F, v0;
	v34 =	vor.u32 $0x200, v0  }
0xc: {  	s22 =	simm.s32 $0x1;
	s23 =	simm.s32 $0x2;
	s10 =	smul.u32 $0x18B00, s1;
	v35 =	vor.u32 $0x201, v0;
	v36 =	vor.u32 $0x202, v0;
	v37 =	vor.u32 $0x203, v0  }
0xd: {  	s24 =	simm.s32 $0xF0;
	[smem:$0x7FF] =	sst s4;
	s11 =	smul.u32 $0x18B0, s1;
	v38 =	vor.u32 $0x204, v0;
	v3 =	vor.u32 $0x205, v0;
	v40 =	vor.u32 $0x206, v0  }
0xe: {  	s7 =	ssub.s32 $0x2, s7;
	s30 =	sshll.u32 s1, $0x6;
	s13 =	smul.u32 $0x62C00, s1;
	v41 =	vor.u32 $0x207, v0;
	v42 =	vor.u32 $0x208, v0;
	v43 =	vor.u32 $0x209, v0  }
0xf: {  	s29 =	sshrl.u32 s7, $0x1;
	v44 =	vor.u32 $0x20A, v0;
	v45 =	vor.u32 $0x20B, v0;
	v46 =	vor.u32 $0x20C, v0;
	s5 =	sadd.s32 s8, s5;
	s26 =	sadd.s32 s10, s9  }
0x10: {  	v47 =	vor.u32 $0x20D, v0;
	v48 =	vor.u32 $0x20E, v0;
	v49 =	vor.u32 $0x20F, v0;
	s28 =	sshrl.u32 s11, $0x3;
	s12 =	ssub.s32 s7, s29;
	s15 =	sadd.s32 s11, s0  }
0x11: {  	v50 =	vor.u32 $0x300, v0;
	v51 =	vor.u32 $0x301, v0;
	v52 =	vor.u32 $0x302, v0;
	s7 =	sor.u32 $0x1C03, s30;
	s25 =	sadd.s32 s10, s3;
	s31 =	sshrl.u32 s13, $0x2  }
0x12: {  	v53 =	vor.u32 $0x303, v0;
	v54 =	vor.u32 $0x304, v0;
	v55 =	vor.u32 $0x305, v0;
	s8 =	sshrl.u32 s5, $0x3;
	s5 =	sadd.s32 $0x251A00, s6;
	s9 =	sadd.s32 s28, s6  }
0x13: {  	v56 =	vor.u32 $0x306, v0;
	v57 =	vor.u32 $0x307, v0;
	[tilespmem:$0x1FFC0] =	vst v1;
	v1 =	vor.u32 $0x9, v0;
	s10 =	sadd.s32 s31, s3;
	s15 =	sshrl.u32 s15, $0x3;
	s25 =	sshrl.u32 s25, $0x3  }
0x14: {  	v58 =	vor.u32 $0x308, v0;
	v59 =	vor.u32 $0x309, v0;
	[tilespmem:$0x1FFD0] =	vst v1;
	v1 =	vor.u32 $0xB, v0;
	s14 =	sadd.s32 s8, s6;
	s8 =	sshrl.u32 s26, $0x3;
	s26 =	simm.s32 $0x0  }
0x15: {  	v60 =	vor.u32 $0x30A, v0;
	v61 =	vor.u32 $0x30B, v0;
	[tilespmem:$0x1FFE0] =	vst v1;
	v1 =	vor.u32 $0xD, v0;
	s8 =	sadd.s32 s8, s6;
	s6 =	sadd.s32 $0xC7000, s9;
	s9 =	smax.u32 s12, $0x1  }
0x16: {  	v9 =	vor.u32 $0x5, v0;
	v8 =	vor.u32 $0x6, v0;
	v62 =	vor.u32 $0x30C, v0;
	[tilespmem:$0x1FFF0] =	vst v1;
	s11 =	sadd.s32 $0x191C00, s14;
	s12 =	sadd.s32 $0xCD400, s14;
	s13 =	sadd.s32 $0x3800, s14  }
0x17: {  	v10 =	vor.u32 $0x8, v0;
	v15 =	vor.u32 $0x30D, v0;
	v13 =	vor.u32 $0x30E, v0;
	s14 =	sadd.s32 $0x65400, s14;
	_ =	strace $0x8000004A;
	s8 =	sadd.s32 $0x12F000, s8  }
.LBB2_1:
0x18: {  	v1 =	vimm.f32 $0.0e+00  }
0x19: {  	[tilespmem:$0x690] =	vst v1  }
0x1a: {  	[tilespmem:$0x6A0] =	vst v1  }
0x1b: {  	[tilespmem:$0x6B0] =	vst v1  }
0x1c: {  	[tilespmem:$0x6C0] =	vst v1  }
0x1d: {  	[tilespmem:$0x6D0] =	vst v1  }
0x1e: {  	[tilespmem:$0x6E0] =	vst v1  }
0x1f: {  	[tilespmem:$0x6F0] =	vst v1  }
0x20: {  	[tilespmem:$0x700] =	vst v1  }
0x21: {  	[tilespmem:$0x710] =	vst v1  }
0x22: {  	[tilespmem:$0x720] =	vst v1  }
0x23: {  	[tilespmem:$0x730] =	vst v1  }
0x24: {  	[tilespmem:$0x740] =	vst v1  }
0x25: {  	[tilespmem:$0x750] =	vst v1  }
0x26: {  	[tilespmem:$0x760] =	vst v1  }
0x27: {  	[tilespmem:$0x770] =	vst v1  }
0x28: {  	[tilespmem:$0x780] =	vst v1  }
0x29: {  	[tilespmem:$0x790] =	vst v1  }
0x2a: {  	[tilespmem:$0x7A0] =	vst v1  }
0x2b: {  	[tilespmem:$0x7B0] =	vst v1  }
0x2c: {  	[tilespmem:$0x7C0] =	vst v1  }
0x2d: {  	[tilespmem:$0x7D0] =	vst v1  }
0x2e: {  	[tilespmem:$0x7E0] =	vst v1  }
0x2f: {  	[tilespmem:$0x7F0] =	vst v1  }
0x30: {  	[tilespmem:$0x800] =	vst v1  }
0x31: {  	[tilespmem:$0x810] =	vst v1  }
0x32: {  	[tilespmem:$0x820] =	vst v1  }
0x33: {  	[tilespmem:$0x830] =	vst v1  }
0x34: {  	[tilespmem:$0x840] =	vst v1  }
0x35: {  	[tilespmem:$0x850] =	vst v1  }
0x36: {  	[tilespmem:$0x860] =	vst v1  }
0x37: {  	[tilespmem:$0x870] =	vst v1  }
0x38: {  	[tilespmem:$0x880] =	vst v1  }
0x39: {  	[tilespmem:$0x890] =	vst v1  }
0x3a: {  	[tilespmem:$0x8A0] =	vst v1  }
0x3b: {  	[tilespmem:$0x8B0] =	vst v1  }
0x3c: {  	[tilespmem:$0x8C0] =	vst v1  }
0x3d: {  	[tilespmem:$0x8D0] =	vst v1  }
0x3e: {  	[tilespmem:$0x8E0] =	vst v1  }
0x3f: {  	[tilespmem:$0x8F0] =	vst v1  }
0x40: {  	[tilespmem:$0x900] =	vst v1  }
0x41: {  	[tilespmem:$0x910] =	vst v1  }
0x42: {  	[tilespmem:$0x920] =	vst v1  }
0x43: {  	[tilespmem:$0x930] =	vst v1  }
0x44: {  	[tilespmem:$0x940] =	vst v1  }
0x45: {  	[tilespmem:$0x950] =	vst v1  }
0x46: {  	[tilespmem:$0x960] =	vst v1  }
0x47: {  	[tilespmem:$0x970] =	vst v1  }
0x48: {  	[tilespmem:$0x980] =	vst v1  }
0x49: {  	[tilespmem:$0x990] =	vst v1  }
0x4a: {  	[tilespmem:$0x9A0] =	vst v1  }
0x4b: {  	[tilespmem:$0x9B0] =	vst v1  }
0x4c: {  	[tilespmem:$0x9C0] =	vst v1  }
0x4d: {  	[tilespmem:$0x9D0] =	vst v1  }
0x4e: {  	[tilespmem:$0x9E0] =	vst v1  }
0x4f: {  	[tilespmem:$0x9F0] =	vst v1  }
0x50: {  	[tilespmem:$0xA00] =	vst v1  }
0x51: {  	[tilespmem:$0xA10] =	vst v1  }
0x52: {  	[tilespmem:$0xA20] =	vst v1  }
0x53: {  	[tilespmem:$0xA30] =	vst v1  }
0x54: {  	[tilespmem:$0xA40] =	vst v1  }
0x55: {  	[tilespmem:$0xA50] =	vst v1  }
0x56: {  	[tilespmem:$0xA60] =	vst v1  }
0x57: {  	[tilespmem:$0xA70] =	vst v1  }
0x58: {  	[tilespmem:$0xA80] =	vst v1  }
0x59: {  	[tilespmem:$0xA90] =	vst v1  }
0x5a: {  	[tilespmem:$0xAA0] =	vst v1  }
0x5b: {  	[tilespmem:$0xAB0] =	vst v1  }
0x5c: {  	[tilespmem:$0xAC0] =	vst v1  }
0x5d: {  	[tilespmem:$0xAD0] =	vst v1  }
0x5e: {  	[tilespmem:$0xAE0] =	vst v1  }
0x5f: {  	[tilespmem:$0xAF0] =	vst v1  }
0x60: {  	[tilespmem:$0xB00] =	vst v1  }
0x61: {  	[tilespmem:$0xB10] =	vst v1  }
0x62: {  	[tilespmem:$0xB20] =	vst v1  }
0x63: {  	[tilespmem:$0xB30] =	vst v1  }
0x64: {  	[tilespmem:$0xB40] =	vst v1  }
0x65: {  	[tilespmem:$0xB50] =	vst v1  }
0x66: {  	[tilespmem:$0xB60] =	vst v1  }
0x67: {  	[tilespmem:$0xB70] =	vst v1  }
0x68: {  	[tilespmem:$0xB80] =	vst v1  }
0x69: {  	[spmem:s15], [sflag:s7] =	dma.local [hbm:s6], $0x316  }
0x6a: {  	_ =	swait.ge [sflag:s16], $0x316  }
0x6b: {  	[sflag:s16] =	ssyncset.done $0x0  }
0x6c: {  	s28 =	sadd.s32 $0x0, s10;
	[sflag:s16] =	ssyncadd.s32 $0xFFFFFCEA  }
0x6d: {  	[spmem:s28] =	stream.linear.scatter [tilespmem:s17], [sflag:$0x3], $0x500, $0x38;
	[tilespmem:$0x1AF40] =	vst v63  }
0x6e: {  	s28 =	simm.s32 $0x1400;
	_ =	swait.ge [sflag:s16], $0x500  }
.LBB2_2:
0x6f: {  	s29 =	sshra.s32 s28, $0x2;
	[sflag:s16] =	ssyncset.done $0x0;
	p0 =	sne.s32 s28, $0x61800  }
.Ltmp0:
0x70: {  	s29 =	sadd.s32 s29, s10;
	[sflag:s16] =	ssyncadd.s32 $0xFFFFFB00;
	(pc) =	sbr.rel @p0 .LBB2_2-.Ltmp0, $3  }
0x71: {  	[spmem:s29] =	stream.linear.scatter [tilespmem:s17], [sflag:$0x3], $0x500, $0x38;
	[tilespmem:$0x1AF40] =	vst v63  }
0x72: {  	s28 =	sadd.s32 $0x1400, s28;
	_ =	sdelay $0x1  }
0x73: {  	_ =	swait.ge [sflag:s16], $0x500  }
0x74: {  	[sflag:s16] =	ssyncset.done $0x0  }
0x75: {  	[sflag:s16] =	ssyncadd.s32 $0xFFFFFB00  }
0x76: {  	s28 =	simm.s32 $0x0;
	[bflag:$0x0] =	sbarrier.arrive $0xFFFF  }
.LBB2_4:
0x77: {  	s29 =	sadd.s32 s28, s14  }
0x78: {  	[tilespmem:s4], [sflag:$0x3] =	stream.linear.gather [hbm4b:s29+s4], $0x50, $0x38;
	[tilespmem:$0x1AF40] =	vst v63  }
0x79: {  	_ =	swait.ge [sflag:s16], $0x50  }
0x7a: {  	[sflag:s16] =	ssyncset.done $0x0  }
0x7b: {  	s31 =	sadd.s32 s28, s13;
	[sflag:s16] =	ssyncadd.s32 $0xFFFFFFB0  }
0x7c: {  	[tilespmem:s18], [sflag:$0x3] =	stream.linear.gather [hbm4b:s31+s4], $0x50, $0x38;
	[tilespmem:$0x1AF40] =	vst v63  }
0x7d: {  	_ =	swait.ge [sflag:s16], $0x50  }
0x7e: {  	[sflag:s16] =	ssyncset.done $0x0  }
0x7f: {  	s30 =	sadd.s32 s28, s12;
	[sflag:s16] =	ssyncadd.s32 $0xFFFFFFB0  }
0x80: {  	[tilespmem:s19], [sflag:$0x3] =	stream.linear.gather [hbm4b:s30+s4], $0x50, $0x38;
	[tilespmem:$0x1AF40] =	vst v63  }
0x81: {  	_ =	swait.ge [sflag:s16], $0x50  }
0x82: {  	[sflag:s16] =	ssyncset.done $0x0  }
0x83: {  	[sflag:s16] =	ssyncadd.s32 $0xFFFFFFB0  }
0x84: {  	[tilespmem:s20], [sflag:$0x1] =	stream.indirect.gather [hbm4b:s5+s18], $0x10, s4, s18, $0xb8;
	[tilespmem:$0x1AF40] =	vst v63  }
0x85: {  	_ = 	snop  }
0x86: {  	[tilespmem:s21], [sflag:$0x2] =	stream.indirect.gather [spmem:s0], $0x1, s18, s18, $0xb8;
	[tilespmem:$0x1AF40] =	vst v63  }
0x87: {  	_ =	swait.ge [sflag:s22], $0x500  }
0x88: {  	[sflag:s22] =	ssyncset.done $0x0  }
0x89: {  	[sflag:s22] =	ssyncadd.s32 $0xFFFFFB00  }
0x8a: {  	_ =	swait.ge [sflag:s23], $0x50  }
0x8b: {  	[sflag:s23] =	ssyncset.done $0x0  }
0x8c: {  	[sflag:s23] =	ssyncadd.s32 $0xFFFFFFB0  }
0x8d: {  	v1 =	vld [tilespmem:$0xA0]  }
0x8e: {  	v2 =	vld [tilespmem:$0x140];
	_ =	sdelay $0x4  }
0x8f: {  	v1 =	vmul.f32 v2, v1;
	_ =	sdelay $0x1  }
0x90: {  	[tilespmem:$0xF0] =	vst v1  }
0x91: {  	v2 =	vld.idx.msk [tilespmem:v0+s20+$0x0], $0xffff;
	_ =	sdelay $0x4  }
0x92: {  	v2 =	vmul.f32 v2, v1;
	_ =	sdelay $0x1  }
0x93: {  	[tilespmem:v0+s20+$0x0] =	vst.idx.msk $0xffff, v2  }
0x94: {  	v2 =	vld.idx.msk [tilespmem:v5+s20+$0x0], $0xffff;
	_ =	sdelay $0x4  }
0x95: {  	v2 =	vmul.f32 v2, v1;
	_ =	sdelay $0x1  }
0x96: {  	[tilespmem:v5+s20+$0x0] =	vst.idx.msk $0xffff, v2  }
0x97: {  	v2 =	vld.idx.msk [tilespmem:v4+s20+$0x0], $0xffff;
	_ =	sdelay $0x4  }
0x98: {  	v2 =	vmul.f32 v2, v1;
	_ =	sdelay $0x1  }
0x99: {  	[tilespmem:v4+s20+$0x0] =	vst.idx.msk $0xffff, v2  }
0x9a: {  	v2 =	vld.idx.msk [tilespmem:v7+s20+$0x0], $0xffff;
	_ =	sdelay $0x4  }
0x9b: {  	v2 =	vmul.f32 v2, v1;
	_ =	sdelay $0x1  }
0x9c: {  	[tilespmem:v7+s20+$0x0] =	vst.idx.msk $0xffff, v2  }
0x9d: {  	v2 =	vld.idx.msk [tilespmem:v6+s20+$0x0], $0xffff;
	_ =	sdelay $0x4  }
0x9e: {  	v2 =	vmul.f32 v2, v1;
	_ =	sdelay $0x1  }
0x9f: {  	[tilespmem:v6+s20+$0x0] =	vst.idx.msk $0xffff, v2  }
0xa0: {  	v2 =	vld.idx.msk [tilespmem:v9+s20+$0x0], $0xffff;
	_ =	sdelay $0x4  }
0xa1: {  	v2 =	vmul.f32 v2, v1;
	_ =	sdelay $0x1  }
0xa2: {  	v39 =	vld [tilespmem:$0x1FFC0];
	[tilespmem:v9+s20+$0x0] =	vst.idx.msk $0xffff, v2  }
0xa3: {  	v2 =	vld.idx.msk [tilespmem:v8+s20+$0x0], $0xffff;
	_ =	sdelay $0x4  }
0xa4: {  	v2 =	vmul.f32 v2, v1;
	_ =	sdelay $0x1  }
0xa5: {  	[tilespmem:v8+s20+$0x0] =	vst.idx.msk $0xffff, v2  }
0xa6: {  	v2 =	vld.idx.msk [tilespmem:v39+s20+$0x0], $0xffff;
	_ =	sdelay $0x4  }
0xa7: {  	v2 =	vmul.f32 v2, v1;
	_ =	sdelay $0x1  }
0xa8: {  	v11 =	vld [tilespmem:$0x1FFD0];
	[tilespmem:v39+s20+$0x0] =	vst.idx.msk $0xffff, v2  }
0xa9: {  	v2 =	vld.idx.msk [tilespmem:v10+s20+$0x0], $0xffff;
	_ =	sdelay $0x4  }
0xaa: {  	v2 =	vmul.f32 v2, v1;
	_ =	sdelay $0x1  }
0xab: {  	[tilespmem:v10+s20+$0x0] =	vst.idx.msk $0xffff, v2  }
0xac: {  	v2 =	vld.idx.msk [tilespmem:v11+s20+$0x0], $0xffff;
	_ =	sdelay $0x4  }
0xad: {  	v2 =	vmul.f32 v2, v1;
	_ =	sdelay $0x1  }
0xae: {  	[tilespmem:v11+s20+$0x0] =	vst.idx.msk $0xffff, v2;
	v11 =	vld [tilespmem:$0x1FFE0]  }
0xaf: {  	v2 =	vld.idx.msk [tilespmem:v12+s20+$0x0], $0xffff;
	_ =	sdelay $0x4  }
0xb0: {  	v2 =	vmul.f32 v2, v1;
	_ =	sdelay $0x1  }
0xb1: {  	[tilespmem:v12+s20+$0x0] =	vst.idx.msk $0xffff, v2  }
0xb2: {  	v2 =	vld.idx.msk [tilespmem:v11+s20+$0x0], $0xffff;
	_ =	sdelay $0x4  }
0xb3: {  	v2 =	vmul.f32 v2, v1;
	_ =	sdelay $0x1  }
0xb4: {  	[tilespmem:v11+s20+$0x0] =	vst.idx.msk $0xffff, v2;
	v11 =	vld [tilespmem:$0x1FFF0]  }
0xb5: {  	v2 =	vld.idx.msk [tilespmem:v14+s20+$0x0], $0xffff;
	_ =	sdelay $0x4  }
0xb6: {  	v2 =	vmul.f32 v2, v1;
	_ =	sdelay $0x1  }
0xb7: {  	[tilespmem:v14+s20+$0x0] =	vst.idx.msk $0xffff, v2  }
0xb8: {  	v2 =	vld.idx.msk [tilespmem:v11+s20+$0x0], $0xffff;
	_ =	sdelay $0x4  }
0xb9: {  	v2 =	vmul.f32 v2, v1;
	_ =	sdelay $0x1  }
0xba: {  	[tilespmem:v11+s20+$0x0] =	vst.idx.msk $0xffff, v2  }
0xbb: {  	v2 =	vld.idx.msk [tilespmem:v16+s20+$0x0], $0xffff;
	_ =	sdelay $0x4  }
0xbc: {  	v2 =	vmul.f32 v2, v1;
	_ =	sdelay $0x1  }
0xbd: {  	[tilespmem:v16+s20+$0x0] =	vst.idx.msk $0xffff, v2  }
0xbe: {  	v2 =	vld.idx.msk [tilespmem:v17+s20+$0x0], $0xffff;
	_ =	sdelay $0x4  }
0xbf: {  	v1 =	vmul.f32 v2, v1;
	_ =	sdelay $0x1  }
0xc0: {  	[tilespmem:v17+s20+$0x0] =	vst.idx.msk $0xffff, v1  }
0xc1: {  	v1 =	vld [tilespmem:$0xB0]  }
0xc2: {  	v2 =	vld [tilespmem:$0x150];
	_ =	sdelay $0x4  }
0xc3: {  	v1 =	vmul.f32 v2, v1;
	_ =	sdelay $0x1  }
0xc4: {  	[tilespmem:$0x100] =	vst v1  }
0xc5: {  	v2 =	vld.idx.msk [tilespmem:v18+s20+$0x0], $0xffff;
	_ =	sdelay $0x4  }
0xc6: {  	v2 =	vmul.f32 v2, v1;
	_ =	sdelay $0x1  }
0xc7: {  	[tilespmem:v18+s20+$0x0] =	vst.idx.msk $0xffff, v2  }
0xc8: {  	v2 =	vld.idx.msk [tilespmem:v19+s20+$0x0], $0xffff;
	_ =	sdelay $0x4  }
0xc9: {  	v2 =	vmul.f32 v2, v1;
	_ =	sdelay $0x1  }
0xca: {  	[tilespmem:v19+s20+$0x0] =	vst.idx.msk $0xffff, v2  }
0xcb: {  	v2 =	vld.idx.msk [tilespmem:v20+s20+$0x0], $0xffff;
	_ =	sdelay $0x4  }
0xcc: {  	v2 =	vmul.f32 v2, v1;
	_ =	sdelay $0x1  }
0xcd: {  	[tilespmem:v20+s20+$0x0] =	vst.idx.msk $0xffff, v2  }
0xce: {  	v2 =	vld.idx.msk [tilespmem:v21+s20+$0x0], $0xffff;
	_ =	sdelay $0x4  }
0xcf: {  	v2 =	vmul.f32 v2, v1;
	_ =	sdelay $0x1  }
0xd0: {  	[tilespmem:v21+s20+$0x0] =	vst.idx.msk $0xffff, v2  }
0xd1: {  	v2 =	vld.idx.msk [tilespmem:v22+s20+$0x0], $0xffff;
	_ =	sdelay $0x4  }
0xd2: {  	v2 =	vmul.f32 v2, v1;
	_ =	sdelay $0x1  }
0xd3: {  	[tilespmem:v22+s20+$0x0] =	vst.idx.msk $0xffff, v2  }
0xd4: {  	v2 =	vld.idx.msk [tilespmem:v23+s20+$0x0], $0xffff;
	_ =	sdelay $0x4  }
0xd5: {  	v2 =	vmul.f32 v2, v1;
	_ =	sdelay $0x1  }
0xd6: {  	[tilespmem:v23+s20+$0x0] =	vst.idx.msk $0xffff, v2  }
0xd7: {  	v2 =	vld.idx.msk [tilespmem:v24+s20+$0x0], $0xffff;
	_ =	sdelay $0x4  }
0xd8: {  	v2 =	vmul.f32 v2, v1;
	_ =	sdelay $0x1  }
0xd9: {  	[tilespmem:v24+s20+$0x0] =	vst.idx.msk $0xffff, v2  }
0xda: {  	v2 =	vld.idx.msk [tilespmem:v25+s20+$0x0], $0xffff;
	_ =	sdelay $0x4  }
0xdb: {  	v2 =	vmul.f32 v2, v1;
	_ =	sdelay $0x1  }
0xdc: {  	[tilespmem:v25+s20+$0x0] =	vst.idx.msk $0xffff, v2  }
0xdd: {  	v2 =	vld.idx.msk [tilespmem:v26+s20+$0x0], $0xffff;
	_ =	sdelay $0x4  }
0xde: {  	v2 =	vmul.f32 v2, v1;
	_ =	sdelay $0x1  }
0xdf: {  	[tilespmem:v26+s20+$0x0] =	vst.idx.msk $0xffff, v2  }
0xe0: {  	v2 =	vld.idx.msk [tilespmem:v27+s20+$0x0], $0xffff;
	_ =	sdelay $0x4  }
0xe1: {  	v2 =	vmul.f32 v2, v1;
	_ =	sdelay $0x1  }
0xe2: {  	[tilespmem:v27+s20+$0x0] =	vst.idx.msk $0xffff, v2  }
0xe3: {  	v2 =	vld.idx.msk [tilespmem:v28+s20+$0x0], $0xffff;
	_ =	sdelay $0x4  }
0xe4: {  	v2 =	vmul.f32 v2, v1;
	_ =	sdelay $0x1  }
0xe5: {  	[tilespmem:v28+s20+$0x0] =	vst.idx.msk $0xffff, v2  }
0xe6: {  	v2 =	vld.idx.msk [tilespmem:v29+s20+$0x0], $0xffff;
	_ =	sdelay $0x4  }
0xe7: {  	v2 =	vmul.f32 v2, v1;
	_ =	sdelay $0x1  }
0xe8: {  	[tilespmem:v29+s20+$0x0] =	vst.idx.msk $0xffff, v2  }
0xe9: {  	v2 =	vld.idx.msk [tilespmem:v30+s20+$0x0], $0xffff;
	_ =	sdelay $0x4  }
0xea: {  	v2 =	vmul.f32 v2, v1;
	_ =	sdelay $0x1  }
0xeb: {  	[tilespmem:v30+s20+$0x0] =	vst.idx.msk $0xffff, v2  }
0xec: {  	v2 =	vld.idx.msk [tilespmem:v31+s20+$0x0], $0xffff;
	_ =	sdelay $0x4  }
0xed: {  	v2 =	vmul.f32 v2, v1;
	_ =	sdelay $0x1  }
0xee: {  	[tilespmem:v31+s20+$0x0] =	vst.idx.msk $0xffff, v2  }
0xef: {  	v2 =	vld.idx.msk [tilespmem:v32+s20+$0x0], $0xffff;
	_ =	sdelay $0x4  }
0xf0: {  	v2 =	vmul.f32 v2, v1;
	_ =	sdelay $0x1  }
0xf1: {  	[tilespmem:v32+s20+$0x0] =	vst.idx.msk $0xffff, v2  }
0xf2: {  	v2 =	vld.idx.msk [tilespmem:v33+s20+$0x0], $0xffff;
	_ =	sdelay $0x4  }
0xf3: {  	v1 =	vmul.f32 v2, v1;
	_ =	sdelay $0x1  }
0xf4: {  	[tilespmem:v33+s20+$0x0] =	vst.idx.msk $0xffff, v1  }
0xf5: {  	v1 =	vld [tilespmem:$0xC0]  }
0xf6: {  	v2 =	vld [tilespmem:$0x160];
	_ =	sdelay $0x4  }
0xf7: {  	v1 =	vmul.f32 v2, v1;
	_ =	sdelay $0x1  }
0xf8: {  	[tilespmem:$0x110] =	vst v1  }
0xf9: {  	v2 =	vld.idx.msk [tilespmem:v34+s20+$0x0], $0xffff;
	_ =	sdelay $0x4  }
0xfa: {  	v2 =	vmul.f32 v2, v1;
	_ =	sdelay $0x1  }
0xfb: {  	[tilespmem:v34+s20+$0x0] =	vst.idx.msk $0xffff, v2  }
0xfc: {  	v2 =	vld.idx.msk [tilespmem:v35+s20+$0x0], $0xffff;
	_ =	sdelay $0x4  }
0xfd: {  	v2 =	vmul.f32 v2, v1;
	_ =	sdelay $0x1  }
0xfe: {  	[tilespmem:v35+s20+$0x0] =	vst.idx.msk $0xffff, v2  }
0xff: {  	v2 =	vld.idx.msk [tilespmem:v36+s20+$0x0], $0xffff;
	_ =	sdelay $0x4  }
0x100: {  	v2 =	vmul.f32 v2, v1;
	_ =	sdelay $0x1  }
0x101: {  	[tilespmem:v36+s20+$0x0] =	vst.idx.msk $0xffff, v2  }
0x102: {  	v2 =	vld.idx.msk [tilespmem:v37+s20+$0x0], $0xffff;
	_ =	sdelay $0x4  }
0x103: {  	v2 =	vmul.f32 v2, v1;
	_ =	sdelay $0x1  }
0x104: {  	[tilespmem:v37+s20+$0x0] =	vst.idx.msk $0xffff, v2  }
0x105: {  	v2 =	vld.idx.msk [tilespmem:v38+s20+$0x0], $0xffff;
	_ =	sdelay $0x4  }
0x106: {  	v2 =	vmul.f32 v2, v1;
	_ =	sdelay $0x1  }
0x107: {  	[tilespmem:v38+s20+$0x0] =	vst.idx.msk $0xffff, v2  }
0x108: {  	v2 =	vld.idx.msk [tilespmem:v3+s20+$0x0], $0xffff;
	_ =	sdelay $0x4  }
0x109: {  	v2 =	vmul.f32 v2, v1;
	_ =	sdelay $0x1  }
0x10a: {  	[tilespmem:v3+s20+$0x0] =	vst.idx.msk $0xffff, v2  }
0x10b: {  	v2 =	vld.idx.msk [tilespmem:v40+s20+$0x0], $0xffff;
	_ =	sdelay $0x4  }
0x10c: {  	v2 =	vmul.f32 v2, v1;
	_ =	sdelay $0x1  }
0x10d: {  	[tilespmem:v40+s20+$0x0] =	vst.idx.msk $0xffff, v2  }
0x10e: {  	v2 =	vld.idx.msk [tilespmem:v41+s20+$0x0], $0xffff;
	_ =	sdelay $0x4  }
0x10f: {  	v2 =	vmul.f32 v2, v1;
	_ =	sdelay $0x1  }
0x110: {  	[tilespmem:v41+s20+$0x0] =	vst.idx.msk $0xffff, v2  }
0x111: {  	v2 =	vld.idx.msk [tilespmem:v42+s20+$0x0], $0xffff;
	_ =	sdelay $0x4  }
0x112: {  	v2 =	vmul.f32 v2, v1;
	_ =	sdelay $0x1  }
0x113: {  	[tilespmem:v42+s20+$0x0] =	vst.idx.msk $0xffff, v2  }
0x114: {  	v2 =	vld.idx.msk [tilespmem:v43+s20+$0x0], $0xffff;
	_ =	sdelay $0x4  }
0x115: {  	v2 =	vmul.f32 v2, v1;
	_ =	sdelay $0x1  }
0x116: {  	[tilespmem:v43+s20+$0x0] =	vst.idx.msk $0xffff, v2  }
0x117: {  	v2 =	vld.idx.msk [tilespmem:v44+s20+$0x0], $0xffff;
	_ =	sdelay $0x4  }
0x118: {  	v2 =	vmul.f32 v2, v1;
	_ =	sdelay $0x1  }
0x119: {  	[tilespmem:v44+s20+$0x0] =	vst.idx.msk $0xffff, v2  }
0x11a: {  	v2 =	vld.idx.msk [tilespmem:v45+s20+$0x0], $0xffff;
	_ =	sdelay $0x4  }
0x11b: {  	v2 =	vmul.f32 v2, v1;
	_ =	sdelay $0x1  }
0x11c: {  	[tilespmem:v45+s20+$0x0] =	vst.idx.msk $0xffff, v2  }
0x11d: {  	v2 =	vld.idx.msk [tilespmem:v46+s20+$0x0], $0xffff;
	_ =	sdelay $0x4  }
0x11e: {  	v2 =	vmul.f32 v2, v1;
	_ =	sdelay $0x1  }
0x11f: {  	[tilespmem:v46+s20+$0x0] =	vst.idx.msk $0xffff, v2  }
0x120: {  	v2 =	vld.idx.msk [tilespmem:v47+s20+$0x0], $0xffff;
	_ =	sdelay $0x4  }
0x121: {  	v2 =	vmul.f32 v2, v1;
	_ =	sdelay $0x1  }
0x122: {  	[tilespmem:v47+s20+$0x0] =	vst.idx.msk $0xffff, v2  }
0x123: {  	v2 =	vld.idx.msk [tilespmem:v48+s20+$0x0], $0xffff;
	_ =	sdelay $0x4  }
0x124: {  	v2 =	vmul.f32 v2, v1;
	_ =	sdelay $0x1  }
0x125: {  	[tilespmem:v48+s20+$0x0] =	vst.idx.msk $0xffff, v2  }
0x126: {  	v2 =	vld.idx.msk [tilespmem:v49+s20+$0x0], $0xffff;
	_ =	sdelay $0x4  }
0x127: {  	v1 =	vmul.f32 v2, v1;
	_ =	sdelay $0x1  }
0x128: {  	[tilespmem:v49+s20+$0x0] =	vst.idx.msk $0xffff, v1  }
0x129: {  	v1 =	vld [tilespmem:$0xD0]  }
0x12a: {  	v2 =	vld [tilespmem:$0x170];
	_ =	sdelay $0x4  }
0x12b: {  	v1 =	vmul.f32 v2, v1;
	_ =	sdelay $0x1  }
0x12c: {  	[tilespmem:$0x120] =	vst v1  }
0x12d: {  	v2 =	vld.idx.msk [tilespmem:v50+s20+$0x0], $0xffff;
	_ =	sdelay $0x4  }
0x12e: {  	v2 =	vmul.f32 v2, v1;
	_ =	sdelay $0x1  }
0x12f: {  	[tilespmem:v50+s20+$0x0] =	vst.idx.msk $0xffff, v2  }
0x130: {  	v2 =	vld.idx.msk [tilespmem:v51+s20+$0x0], $0xffff;
	_ =	sdelay $0x4  }
0x131: {  	v2 =	vmul.f32 v2, v1;
	_ =	sdelay $0x1  }
0x132: {  	[tilespmem:v51+s20+$0x0] =	vst.idx.msk $0xffff, v2  }
0x133: {  	v2 =	vld.idx.msk [tilespmem:v52+s20+$0x0], $0xffff;
	_ =	sdelay $0x4  }
0x134: {  	v2 =	vmul.f32 v2, v1;
	_ =	sdelay $0x1  }
0x135: {  	[tilespmem:v52+s20+$0x0] =	vst.idx.msk $0xffff, v2  }
0x136: {  	v2 =	vld.idx.msk [tilespmem:v53+s20+$0x0], $0xffff;
	_ =	sdelay $0x4  }
0x137: {  	v2 =	vmul.f32 v2, v1;
	_ =	sdelay $0x1  }
0x138: {  	[tilespmem:v53+s20+$0x0] =	vst.idx.msk $0xffff, v2  }
0x139: {  	v2 =	vld.idx.msk [tilespmem:v54+s20+$0x0], $0xffff;
	_ =	sdelay $0x4  }
0x13a: {  	v2 =	vmul.f32 v2, v1;
	_ =	sdelay $0x1  }
0x13b: {  	[tilespmem:v54+s20+$0x0] =	vst.idx.msk $0xffff, v2  }
0x13c: {  	v2 =	vld.idx.msk [tilespmem:v55+s20+$0x0], $0xffff;
	_ =	sdelay $0x4  }
0x13d: {  	v2 =	vmul.f32 v2, v1;
	_ =	sdelay $0x1  }
0x13e: {  	[tilespmem:v55+s20+$0x0] =	vst.idx.msk $0xffff, v2  }
0x13f: {  	v2 =	vld.idx.msk [tilespmem:v56+s20+$0x0], $0xffff;
	_ =	sdelay $0x4  }
0x140: {  	v2 =	vmul.f32 v2, v1;
	_ =	sdelay $0x1  }
0x141: {  	[tilespmem:v56+s20+$0x0] =	vst.idx.msk $0xffff, v2  }
0x142: {  	v2 =	vld.idx.msk [tilespmem:v57+s20+$0x0], $0xffff;
	_ =	sdelay $0x4  }
0x143: {  	v2 =	vmul.f32 v2, v1;
	_ =	sdelay $0x1  }
0x144: {  	[tilespmem:v57+s20+$0x0] =	vst.idx.msk $0xffff, v2  }
0x145: {  	v2 =	vld.idx.msk [tilespmem:v58+s20+$0x0], $0xffff;
	_ =	sdelay $0x4  }
0x146: {  	v2 =	vmul.f32 v2, v1;
	_ =	sdelay $0x1  }
0x147: {  	[tilespmem:v58+s20+$0x0] =	vst.idx.msk $0xffff, v2  }
0x148: {  	v2 =	vld.idx.msk [tilespmem:v59+s20+$0x0], $0xffff;
	_ =	sdelay $0x4  }
0x149: {  	v2 =	vmul.f32 v2, v1;
	_ =	sdelay $0x1  }
0x14a: {  	[tilespmem:v59+s20+$0x0] =	vst.idx.msk $0xffff, v2  }
0x14b: {  	v2 =	vld.idx.msk [tilespmem:v60+s20+$0x0], $0xffff;
	_ =	sdelay $0x4  }
0x14c: {  	v2 =	vmul.f32 v2, v1;
	_ =	sdelay $0x1  }
0x14d: {  	[tilespmem:v60+s20+$0x0] =	vst.idx.msk $0xffff, v2  }
0x14e: {  	v2 =	vld.idx.msk [tilespmem:v61+s20+$0x0], $0xffff;
	_ =	sdelay $0x4  }
0x14f: {  	v2 =	vmul.f32 v2, v1;
	_ =	sdelay $0x1  }
0x150: {  	[tilespmem:v61+s20+$0x0] =	vst.idx.msk $0xffff, v2  }
0x151: {  	v2 =	vld.idx.msk [tilespmem:v62+s20+$0x0], $0xffff;
	_ =	sdelay $0x4  }
0x152: {  	v2 =	vmul.f32 v2, v1;
	_ =	sdelay $0x1  }
0x153: {  	[tilespmem:v62+s20+$0x0] =	vst.idx.msk $0xffff, v2  }
0x154: {  	v2 =	vld.idx.msk [tilespmem:v15+s20+$0x0], $0xffff;
	_ =	sdelay $0x4  }
0x155: {  	v2 =	vmul.f32 v2, v1;
	_ =	sdelay $0x1  }
0x156: {  	[tilespmem:v15+s20+$0x0] =	vst.idx.msk $0xffff, v2  }
0x157: {  	v2 =	vld.idx.msk [tilespmem:v13+s20+$0x0], $0xffff  }
0x158: {  	v63 =	vmov v61;
	v61 =	vmov v59;
	v59 =	vmov v57  }
0x159: {  	v57 =	vmovc v55;
	v55 =	vmovc v53;
	v53 =	vmov v51;
	v51 =	vmov v49;
	v49 =	vmov v47  }
0x15a: {  	v47 =	vmovc v45;
	v45 =	vmovc v43;
	v43 =	vmov v41;
	v41 =	vmov v3;
	v3 =	vor.u32 $0x30F, v0;
	_ =	sdelay $0x1  }
0x15b: {  	v2 =	vmul.f32 v2, v1;
	_ =	sdelay $0x1  }
0x15c: {  	[tilespmem:v13+s20+$0x0] =	vst.idx.msk $0xffff, v2  }
0x15d: {  	v2 =	vld.idx.msk [tilespmem:v3+s20+$0x0], $0xffff;
	_ =	sdelay $0x4  }
0x15e: {  	v1 =	vmul.f32 v2, v1;
	_ =	sdelay $0x1  }
0x15f: {  	[tilespmem:v3+s20+$0x0] =	vst.idx.msk $0xffff, v1  }
0x160: {  	v1 =	vld [tilespmem:$0xE0]  }
0x161: {  	v2 =	vld [tilespmem:$0x180];
	_ =	sdelay $0x2  }
0x162: {  	v3 =	vor.u32 $0x400, v0;
	_ =	sdelay $0x1  }
0x163: {  	v39 =	vmov v62;
	v1 =	vmul.f32 v2, v1  }
0x164: {  	v62 =	vmovc v60;
	v60 =	vmovc v58;
	v58 =	vmov v56;
	v56 =	vmov v54;
	v54 =	vmov v52  }
0x165: {  	v52 =	vmovc v50;
	v50 =	vmovc v48;
	v48 =	vmov v46;
	v46 =	vmov v44;
	v44 =	vmov v42;
	[tilespmem:$0x130] =	vst v1  }
0x166: {  	v42 =	vmovc v40;
	v40 =	vmovc v38;
	v38 =	vmov v36;
	v36 =	vmov v34;
	v34 =	vmov v32;
	v2 =	vld.idx.msk [tilespmem:v3+s20+$0x0], $0xffff  }
0x167: {  	v32 =	vmovc v30;
	v30 =	vmovc v28;
	v28 =	vmov v26;
	v26 =	vmov v24;
	v24 =	vmov v22  }
0x168: {  	v22 =	vmovc v20;
	v20 =	vmovc v18;
	v18 =	vmov v16;
	v16 =	vmov v14;
	v14 =	vmov v12  }
0x169: {  	v12 =	vmovc v10;
	v10 =	vmovc v8;
	v8 =	vmov v6;
	v6 =	vmov v4;
	v4 =	vor.u32 $0x401, v0;
	_ =	sdelay $0x1  }
0x16a: {  	v2 =	vmul.f32 v2, v1;
	_ =	sdelay $0x1  }
0x16b: {  	[tilespmem:v3+s20+$0x0] =	vst.idx.msk $0xffff, v2  }
0x16c: {  	v2 =	vld.idx.msk [tilespmem:v4+s20+$0x0], $0xffff;
	_ =	sdelay $0x2  }
0x16d: {  	v3 =	vor.u32 $0x402, v0;
	_ =	sdelay $0x1  }
0x16e: {  	v2 =	vmul.f32 v2, v1;
	_ =	sdelay $0x1  }
0x16f: {  	[tilespmem:v4+s20+$0x0] =	vst.idx.msk $0xffff, v2  }
0x170: {  	v2 =	vld.idx.msk [tilespmem:v3+s20+$0x0], $0xffff;
	_ =	sdelay $0x2  }
0x171: {  	v4 =	vor.u32 $0x403, v0;
	_ =	sdelay $0x1  }
0x172: {  	v2 =	vmul.f32 v2, v1;
	_ =	sdelay $0x1  }
0x173: {  	[tilespmem:v3+s20+$0x0] =	vst.idx.msk $0xffff, v2  }
0x174: {  	v2 =	vld.idx.msk [tilespmem:v4+s20+$0x0], $0xffff;
	_ =	sdelay $0x2  }
0x175: {  	v3 =	vor.u32 $0x404, v0;
	_ =	sdelay $0x1  }
0x176: {  	v2 =	vmul.f32 v2, v1;
	_ =	sdelay $0x1  }
0x177: {  	[tilespmem:v4+s20+$0x0] =	vst.idx.msk $0xffff, v2  }
0x178: {  	v2 =	vld.idx.msk [tilespmem:v3+s20+$0x0], $0xffff;
	_ =	sdelay $0x2  }
0x179: {  	v4 =	vor.u32 $0x405, v0;
	_ =	sdelay $0x1  }
0x17a: {  	v2 =	vmul.f32 v2, v1;
	_ =	sdelay $0x1  }
0x17b: {  	[tilespmem:v3+s20+$0x0] =	vst.idx.msk $0xffff, v2  }
0x17c: {  	v2 =	vld.idx.msk [tilespmem:v4+s20+$0x0], $0xffff;
	_ =	sdelay $0x2  }
0x17d: {  	v3 =	vor.u32 $0x406, v0;
	_ =	sdelay $0x1  }
0x17e: {  	v2 =	vmul.f32 v2, v1;
	_ =	sdelay $0x1  }
0x17f: {  	[tilespmem:v4+s20+$0x0] =	vst.idx.msk $0xffff, v2  }
0x180: {  	v2 =	vld.idx.msk [tilespmem:v3+s20+$0x0], $0xffff;
	_ =	sdelay $0x2  }
0x181: {  	v4 =	vor.u32 $0x407, v0;
	_ =	sdelay $0x1  }
0x182: {  	v2 =	vmul.f32 v2, v1;
	_ =	sdelay $0x1  }
0x183: {  	[tilespmem:v3+s20+$0x0] =	vst.idx.msk $0xffff, v2  }
0x184: {  	v2 =	vld.idx.msk [tilespmem:v4+s20+$0x0], $0xffff;
	_ =	sdelay $0x2  }
0x185: {  	v3 =	vor.u32 $0x408, v0;
	_ =	sdelay $0x1  }
0x186: {  	v2 =	vmul.f32 v2, v1;
	_ =	sdelay $0x1  }
0x187: {  	[tilespmem:v4+s20+$0x0] =	vst.idx.msk $0xffff, v2  }
0x188: {  	v2 =	vld.idx.msk [tilespmem:v3+s20+$0x0], $0xffff;
	_ =	sdelay $0x2  }
0x189: {  	v4 =	vor.u32 $0x409, v0;
	_ =	sdelay $0x1  }
0x18a: {  	v2 =	vmul.f32 v2, v1;
	_ =	sdelay $0x1  }
0x18b: {  	[tilespmem:v3+s20+$0x0] =	vst.idx.msk $0xffff, v2  }
0x18c: {  	v2 =	vld.idx.msk [tilespmem:v4+s20+$0x0], $0xffff;
	_ =	sdelay $0x2  }
0x18d: {  	v3 =	vor.u32 $0x40A, v0;
	_ =	sdelay $0x1  }
0x18e: {  	v2 =	vmul.f32 v2, v1;
	_ =	sdelay $0x1  }
0x18f: {  	[tilespmem:v4+s20+$0x0] =	vst.idx.msk $0xffff, v2  }
0x190: {  	v2 =	vld.idx.msk [tilespmem:v3+s20+$0x0], $0xffff;
	_ =	sdelay $0x2  }
0x191: {  	v4 =	vor.u32 $0x40B, v0;
	_ =	sdelay $0x1  }
0x192: {  	v2 =	vmul.f32 v2, v1;
	_ =	sdelay $0x1  }
0x193: {  	[tilespmem:v3+s20+$0x0] =	vst.idx.msk $0xffff, v2  }
0x194: {  	v2 =	vld.idx.msk [tilespmem:v4+s20+$0x0], $0xffff;
	_ =	sdelay $0x2  }
0x195: {  	v3 =	vor.u32 $0x40C, v0;
	_ =	sdelay $0x1  }
0x196: {  	v2 =	vmul.f32 v2, v1;
	_ =	sdelay $0x1  }
0x197: {  	[tilespmem:v4+s20+$0x0] =	vst.idx.msk $0xffff, v2  }
0x198: {  	v2 =	vld.idx.msk [tilespmem:v3+s20+$0x0], $0xffff;
	_ =	sdelay $0x2  }
0x199: {  	v4 =	vor.u32 $0x40D, v0;
	_ =	sdelay $0x1  }
0x19a: {  	v2 =	vmul.f32 v2, v1;
	_ =	sdelay $0x1  }
0x19b: {  	[tilespmem:v3+s20+$0x0] =	vst.idx.msk $0xffff, v2  }
0x19c: {  	v2 =	vld.idx.msk [tilespmem:v4+s20+$0x0], $0xffff;
	_ =	sdelay $0x2  }
0x19d: {  	v3 =	vor.u32 $0x40E, v0;
	_ =	sdelay $0x1  }
0x19e: {  	v2 =	vmul.f32 v2, v1;
	_ =	sdelay $0x1  }
0x19f: {  	[tilespmem:v4+s20+$0x0] =	vst.idx.msk $0xffff, v2  }
0x1a0: {  	v2 =	vld.idx.msk [tilespmem:v3+s20+$0x0], $0xffff;
	_ =	sdelay $0x2  }
0x1a1: {  	v4 =	vor.u32 $0x40F, v0;
	_ =	sdelay $0x1  }
0x1a2: {  	v2 =	vmul.f32 v2, v1;
	_ =	sdelay $0x1  }
0x1a3: {  	[tilespmem:v3+s20+$0x0] =	vst.idx.msk $0xffff, v2  }
0x1a4: {  	v2 =	vld.idx.msk [tilespmem:v4+s20+$0x0], $0xffff;
	_ =	sdelay $0x1  }
0x1a5: {  	v11 =	vmovc v37;
	v37 =	vmov v35;
	v35 =	vmov v33;
	v33 =	vmov v31  }
0x1a6: {  	v31 =	vmovc v29;
	v29 =	vmovc v27;
	v27 =	vmov v25;
	v25 =	vmov v23;
	v23 =	vmov v21;
	_ =	sdelay $0x1  }
0x1a7: {  	v21 =	vmov v23;
	v1 =	vmul.f32 v2, v1  }
0x1a8: {  	v23 =	vmovc v25;
	v25 =	vmovc v27;
	v27 =	vmov v29;
	v29 =	vmov v31;
	v31 =	vmov v33  }
0x1a9: {  	s31 =	sadd.s32 s28, s11;
	v33 =	vmovc v35;
	v35 =	vmovc v37;
	v37 =	vmov v11;
	v3 =	vmov v41;
	v41 =	vmov v43;
	[tilespmem:v4+s20+$0x0] =	vst.idx.msk $0xffff, v1  }
0x1aa: {  	v43 =	vmovc v45;
	v45 =	vmovc v47;
	v47 =	vmov v49;
	v49 =	vmov v51;
	v51 =	vmov v53;
	[hbm4b:s31+s4] =	stream.linear.scatter [tilespmem:s24], [sflag:$0x3], $0x50, $0x38;
	[tilespmem:$0x1AF40] =	vst v63  }
0x1ab: {  	v53 =	vmovc v55;
	v55 =	vmovc v57;
	v57 =	vmov v59;
	v59 =	vmov v61;
	v61 =	vmov v63;
	_ =	swait.ge [sflag:s16], $0x50  }
0x1ac: {  	p0 =	sne.s32 s28, $0x30CA;
	v4 =	vmovc v6;
	v6 =	vmovc v8;
	v8 =	vmov v10;
	v10 =	vmov v12;
	v12 =	vmov v14;
	[sflag:s16] =	ssyncset.done $0x0  }
.Ltmp1:
0x1ad: {  	v14 =	vmovc v16;
	v16 =	vmovc v18;
	v18 =	vmov v20;
	v20 =	vmov v22;
	v22 =	vmov v24;
	[sflag:s16] =	ssyncadd.s32 $0xFFFFFFB0;
	(pc) =	sbr.rel @p0 .LBB2_4-.Ltmp1, $4  }
0x1ae: {  	v24 =	vmovc v26;
	v26 =	vmovc v28;
	v28 =	vmov v30;
	v30 =	vmov v32;
	v32 =	vmov v34;
	[spmem:s3] =	stream.indirect.scatter.add.f32 [tilespmem:s20], [sflag:$0x3], $0x10, s18, s18, $0xb8;
	[tilespmem:$0x1AF40] =	vst v63  }
0x1af: {  	v34 =	vmovc v36;
	v36 =	vmovc v38;
	v38 =	vmov v40;
	v40 =	vmov v42;
	v42 =	vmov v44;
	_ =	swait.ge [sflag:s16], $0x500  }
0x1b0: {  	v44 =	vmovc v46;
	v46 =	vmovc v48;
	v48 =	vmov v50;
	v50 =	vmov v52;
	v52 =	vmov v54;
	[sflag:s16] =	ssyncset.done $0x0  }
0x1b1: {  	s28 =	sadd.s32 $0xA, s28;
	v54 =	vmovc v56;
	v56 =	vmovc v58;
	v58 =	vmov v60;
	v60 =	vmov v62;
	v62 =	vmov v39;
	[sflag:s16] =	ssyncadd.s32 $0xFFFFFB00  }
0x1b2: {  	s26 =	sadd.s32 $0x1, s26  }
0x1b3: {  	p0 =	sne.s32 s26, s9  }
.Ltmp2:
0x1b4: {  	[bflag:$0x0] =	sbarrier.arrive $0xFFFF;
	(pc) =	sbr.rel @p0 .LBB2_1-.Ltmp2, $4  }
0x1b5: {  	[hbm:s8], [sflag:s7] =	dma.local [spmem:s25], $0x3160  }
0x1b6: {  	_ =	swait.ge [sflag:s16], $0x3160  }
0x1b7: {  	[sflag:s16] =	ssyncset.done $0x0  }
0x1b8: {  	[sflag:s16] =	ssyncadd.s32 $0xFFFFCEA0  }
0x1b9: {  	_ =	sfence.sel $0x180000  }
0x1ba: {  	[bflag:$0x0] =	sbarrier.arrive $0xFFFF  }
0x1bb: {  	p0 =	sne.s32 s1, $0x0;
	_ =	strace $0x9000004A  }
0x1bc: {  	s0 =	sadd.s32 @!p0 $0x100000, s2;
	[bflag:$0x2] =	sbarrier.arrive $0xFFFF  }
0x1bd: {  	[sflag:s0] =	ssyncadd.tile.s32 @!p0 $0x1;
	_ =	shalt  }
.Lfunc_end2:
_tile_overlayer_lowered:
.L_overlay_start_2:
0x1be: {  	(tag) =	ssettag $0x2  }
0x1bf: {  	s0 =	rddreg [dreg:$0x0];
	s2 =	stileid.u32  }
0x1c0: {  	s1 =	rddreg [dreg:$0x1];
	p0 =	sne.s32 s2, $0x0  }
0x1c1: {  	s3 =	rddreg [dreg:$0x2];
	[bflag:$0x3] =	sbarrier.arrive $0xFFFF;
	s2 =	simm.s32 @!p0 $0x1C03  }
0x1c2: {  	[timem:s3], [sflag:s2] =	dma.local @!p0 [hbm:s0], s1  }
0x1c3: {  	s0 =	simm.s32 @!p0 $0x3  }
0x1c4: {  	_ =	swait.ge @!p0 [sflag:s0], s1  }
0x1c5: {  	s1 =	ssub.s32 @!p0 $0x0, s1;
	[sflag:s0] =	ssyncset.done @!p0 $0x0  }
0x1c6: {  	[sflag:s0] =	ssyncadd.s32 @!p0 s1  }
0x1c7: {  	[bflag:$0x3] =	sbarrier.arrive $0xFFFF  }
0x1c8: {  	_ =	shalt  }

// kernel: kernel.16.cloned.1.call-start
scs
__scs_entry_jumppad:
0x0: {  	(pc) =	sbr.rel $0x88, $3  }
0x1: {  	(tag) =	ssettag $0x0;
	lr =	simm.s32 $0x1  }
0x2: {  	[smem:$0x3F96] =	sst lr;
	_ =	strace $0xD0000000  }
0x3: {  	_ = 	snop  }
0x4: {  	_ = 	snop  }
0x5: {  	_ = 	snop  }
0x6: {  	_ = 	snop  }
0x7: {  	_ = 	snop  }
__scs_overlays_trampoline_lowered:
0x8: {  	[smem:$0x3FA5] =	sst s0  }
0x9: {  	[smem:$0x3FA6] =	sst s1  }
0xa: {  	[smem:$0x3FA7] =	sst s2  }
0xb: {  	[smem:$0x3FA8] =	sst s3  }
0xc: {  	[smem:$0x3FA9] =	sst s4  }
0xd: {  	[smem:$0x3FAA] =	sst s5  }
0xe: {  	[smem:$0x3FAB] =	sst s6  }
0xf: {  	[smem:$0x3FAC] =	sst s7  }
0x10: {  	[smem:$0x3FAD] =	sst s8  }
0x11: {  	[smem:$0x3FAE] =	sst s9;
	s0 =	simm.s32 @!p0 $0x0  }
0x12: {  	s1 =	sld [smem:$0x3F94];
	s0 =	simm.s32 @p0 $0x1  }
0x13: {  	[smem:$0x3FAF] =	sst s0;
	s0 =	simm.s32 @!p1 $0x0  }
0x14: {  	s2 =	sld [smem:$0x3F93];
	s0 =	simm.s32 @p1 $0x1  }
0x15: {  	[smem:$0x3FB0] =	sst s0;
	s0 =	simm.s32 @!p2 $0x0  }
0x16: {  	s3 =	sld [smem:$0x3FDB];
	s0 =	simm.s32 @p2 $0x1  }
0x17: {  	s4 =	simm.s32 $0x1BF5;
	[smem:$0x3FB2] =	sst s0  }
0x18: {  	s0 =	sld [smem:$0x3F95];
	_ =	swait.ge [sflag:s4], $0x0  }
0x19: {  	s7 =	sld [smem:$0x3F96]  }
0x1a: {  	s8 =	sadd.s32 $0xFFFFE003, lr  }
0x1b: {  	s9 =	sadd.s32 $0xFFFFFEF7, lr;
	s5 =	simm.s32 $0xFFFFFFFF;
	p2 =	slt.u32 s8, $0xFFFFF086  }
0x1c: {  	p1 =	slt.u32 s9, $0xF7A;
	s5 =	simm.s32 @!p2 $0x0  }
0x1d: {  	s5 =	simm.s32 @p1 $0x1;
	p0 =	seq.s32 s7, s2  }
0x1e: {  	s7 =	smul.u32 @!p0 $0xF7A, s2;
	p2 =	seq.s32 @!p0 s5, $0x0  }
0x1f: {  	s9 =	smul.u32 $0xF7A, s1;
	s8 =	simm.s32 @!p0 $0x1BF5;
	p2 =	por !p2, p0  }
0x20: {  	[sflag:s8] =	ssyncset.s32 @!p0 $0xFFFFF086;
	s6 =	sadd.s32 @!p0 s3, s7;
	s7 =	simm.s32 @!p0 $0x108  }
0x21: {  	s3 =	sadd.s32 s3, s9;
	s6 =	sadd.s32 @!p0 $0x88, s6;
	s7 =	simm.s32 @p2 $0x1082  }
0x22: {  	[simem:s7], [sflag:s8] =	dma.local @!p0 [hbm:s6], $0xF7A  }
0x23: {  	s9 =	sor.u32 $0xD0000000, s2;
	s6 =	simm.s32 $0x108;
	_ =	swait.ge @!p0 [sflag:s8], $0x0  }
0x24: {  	s3 =	sadd.s32 $0x88, s3;
	s6 =	simm.s32 @!p1 $0x1082;
	[sflag:s4] =	ssyncset.s32 $0xFFFFF086  }
0x25: {  	[simem:s6], [sflag:s4] =	dma.local [hbm:s3], $0xF7A  }
0x26: {  	[smem:$0x3F96] =	sst s1;
	(tag) =	ssettag s2;
	_ =	strace s9  }
0x27: {  	s1 =	sld [smem:$0x3FA6]  }
0x28: {  	s2 =	sld [smem:$0x3FA7]  }
0x29: {  	s4 =	sld [smem:$0x3FA9]  }
0x2a: {  	p0 =	seq.s32 s5, $0x0;
	s5 =	sld [smem:$0x3FAA]  }
0x2b: {  	s6 =	sld [smem:$0x3FAB]  }
0x2c: {  	s7 =	sld [smem:$0x3FAC]  }
0x2d: {  	s3 =	simm.s32 $0x108;
	s8 =	sld [smem:$0x3FAD]  }
0x2e: {  	s3 =	simm.s32 @!p0 $0x1082;
	s9 =	sld [smem:$0x3FAE]  }
0x2f: {  	lr =	sadd.s32 s0, s3;
	s0 =	sld [smem:$0x3FA5]  }
0x30: {  	s3 =	sld [smem:$0x3FA8]  }
0x31: {  	[smem:$0x3FB1] =	sst s10  }
0x32: {  	s10 =	sld [smem:$0x3FAF];
	_ =	sdelay $0x3  }
0x33: {  	p0 =	seq.s32 s10, $0x1;
	s10 =	sld [smem:$0x3FB1];
	_ =	sdelay $0x3  }
0x34: {  	[smem:$0x3FB1] =	sst s10  }
0x35: {  	s10 =	sld [smem:$0x3FB0];
	_ =	sdelay $0x3  }
0x36: {  	p1 =	seq.s32 s10, $0x1;
	s10 =	sld [smem:$0x3FB1];
	_ =	sdelay $0x3  }
0x37: {  	[smem:$0x3FB1] =	sst s10  }
0x38: {  	s10 =	sld [smem:$0x3FB2]  }
0x39: {  	_ = 	snop;
	(pc) =	sbr.ind lr, $3  }
0x3a: {  	_ = 	snop  }
0x3b: {  	_ = 	snop  }
0x3c: {  	p2 =	seq.s32 s10, $0x1;
	s10 =	sld [smem:$0x3FB1]  }
0x3d: {  	_ =	shalt  }
0x3e: {  	_ =	shalt  }
0x3f: {  	_ =	shalt  }
0x40: {  	_ =	shalt  }
0x41: {  	_ =	shalt  }
0x42: {  	_ =	shalt  }
0x43: {  	_ =	shalt  }
0x44: {  	_ =	shalt  }
0x45: {  	_ =	shalt  }
0x46: {  	_ =	shalt  }
0x47: {  	_ =	shalt  }
0x48: {  	_ =	shalt  }
0x49: {  	_ =	shalt  }
0x4a: {  	_ =	shalt  }
0x4b: {  	_ =	shalt  }
0x4c: {  	_ =	shalt  }
0x4d: {  	_ =	shalt  }
0x4e: {  	_ =	shalt  }
0x4f: {  	_ =	shalt  }
0x50: {  	_ =	shalt  }
0x51: {  	_ =	shalt  }
0x52: {  	_ =	shalt  }
0x53: {  	_ =	shalt  }
0x54: {  	_ =	shalt  }
0x55: {  	_ =	shalt  }
0x56: {  	_ =	shalt  }
0x57: {  	_ =	shalt  }
0x58: {  	_ =	shalt  }
0x59: {  	_ =	shalt  }
0x5a: {  	_ =	shalt  }
0x5b: {  	_ =	shalt  }
0x5c: {  	_ =	shalt  }
0x5d: {  	_ =	shalt  }
0x5e: {  	_ =	shalt  }
0x5f: {  	_ =	shalt  }
0x60: {  	_ =	shalt  }
0x61: {  	_ =	shalt  }
0x62: {  	_ =	shalt  }
0x63: {  	_ =	shalt  }
0x64: {  	_ =	shalt  }
0x65: {  	_ =	shalt  }
0x66: {  	_ =	shalt  }
0x67: {  	_ =	shalt  }
0x68: {  	_ =	shalt  }
0x69: {  	_ =	shalt  }
0x6a: {  	_ =	shalt  }
0x6b: {  	_ =	shalt  }
0x6c: {  	_ =	shalt  }
0x6d: {  	_ =	shalt  }
0x6e: {  	_ =	shalt  }
0x6f: {  	_ =	shalt  }
0x70: {  	_ =	shalt  }
0x71: {  	_ =	shalt  }
0x72: {  	_ =	shalt  }
0x73: {  	_ =	shalt  }
0x74: {  	_ =	shalt  }
0x75: {  	_ =	shalt  }
0x76: {  	_ =	shalt  }
0x77: {  	_ =	shalt  }
0x78: {  	_ =	shalt  }
0x79: {  	_ =	shalt  }
0x7a: {  	_ =	shalt  }
0x7b: {  	_ =	shalt  }
0x7c: {  	_ =	shalt  }
0x7d: {  	_ =	shalt  }
0x7e: {  	_ =	shalt  }
0x7f: {  	_ =	shalt  }
0x80: {  	_ =	shalt  }
0x81: {  	_ =	shalt  }
0x82: {  	_ =	shalt  }
0x83: {  	_ =	shalt  }
0x84: {  	_ =	shalt  }
0x85: {  	_ =	shalt  }
0x86: {  	_ =	shalt  }
0x87: {  	_ =	shalt  }
.Lfunc_end0:
.L_simem_size_0:
called_computation.2_lowered:
.L_overlay_start_0:
0x88: {  	s2 =	sld [smem:$0x3FD9]  }
0x89: {  	s3 =	sld [smem:$0x3FFE];
	_ =	sdelay $0x1  }
0x8a: {  	s1 =	srdreg.scid  }
0x8b: {  	s0 =	sand.u32 $0x1, s1  }
0x8c: {  	s16 =	sshll.u32 s0, $0xA;
	s2 =	sadd.s32 s3, s2  }
0x8d: {  	s2 =	sadd.s32 s2, s16  }
0x8e: {  	[smem:$0x3FBD] =	sst s2  }
0x8f: {  	_ = 	snop  }
0x90: {  	(tm) =	ssettm $0x1  }
0x91: {  	s17 =	sld [smem:$0x3FFB];
	_ =	sdelay $0x3  }
0x92: {  	_ =	strace s17  }
0x93: {  	s2 =	sld [smem:$0x3FFC];
	_ =	sdelay $0x3  }
0x94: {  	_ =	strace s2  }
0x95: {  	s2 =	sld [smem:$0x3FFD];
	_ =	sdelay $0x3  }
0x96: {  	_ =	strace s2  }
0x97: {  	_ =	strace $0x8FFFFFFF  }
0x98: {  	s18 =	sld [smem:$0x3FDB];
	_ =	sdelay $0x1  }
0x99: {  	s19 =	simm.s32 $_scs_section_size  }
0x9a: {  	s4 =	simm.s32 $_size__tile_overlayer_lowered;
	s5 =	simm.s32 $_tile_overlayer_lowered  }
0x9b: {  	s22 =	simm.s32 $0x1BFF;
	s21 =	sshll.u32 s5, $0x1;
	s2 =	sadd.s32 s19, s18  }
0x9c: {  	s6 =	simm.s32 $0x0;
	s20 =	sshll.u32 s4, $0x1;
	s4 =	sadd.s32 s21, s2  }
0x9d: {  	[timem:s6], [sflag:s22] =	dma.local [hbm:s4], s20  }
0x9e: {  	_ =	swait.ge [sflag:s22], s20  }
0x9f: {  	s3 =	ssub.s32 $0x0, s20;
	[sflag:s22] =	ssyncset.done $0x0  }
0xa0: {  	[sflag:s22] =	ssyncadd.s32 s3;
	_ =	sdelay $0x1  }
0xa1: {  	s23 =	simm.s32 $0x1B8B  }
0xa2: {  	_ =	swait.ge [sflag:s23], $0x1  }
0xa3: {  	[sflag:s23] =	ssyncset.done $0x0  }
0xa4: {  	s25 =	simm.s32 $0x1B8E;
	s24 =	sld [smem:$0x3FFE];
	[sflag:s23] =	ssyncadd.s32 $0xFFFFFFFF  }
0xa5: {  	s26 =	simm.s32 $execute0_lowered;
	[smem:$0x3FD2] =	sst s25  }
0xa6: {  	s4 =	sshll.u32 s26, $0x1;
	_ =	strace $0x8000004C;
	[dreg:$0x1] =	wrdreg $0xFFFFFFFF  }
0xa7: {  	s28 =	simm.s32 $_size_execute0_lowered;
	s2 =	sadd.s32 s2, s4;
	[dreg:$0x0] =	wrdreg $0x0  }
0xa8: {  	s4 =	sshll.u32 s28, $0x1;
	[dreg:$0x2] =	wrdreg s2  }
0xa9: {  	[dreg:$0x3] =	wrdreg s4  }
0xaa: {  	[dreg:$0x4] =	wrdreg $0xC0  }
0xab: {  	_ =	task [dreg:s6], $0x5FFFF  }
0xac: {  	[dreg:$0x1] =	wrdreg $0xFFFFFFFF  }
0xad: {  	[dreg:$0x0] =	wrdreg $0x60  }
0xae: {  	[dreg:$0x2] =	wrdreg s24  }
0xaf: {  	[dreg:$0x3] =	wrdreg $0xAF00  }
0xb0: {  	[dreg:$0x4] =	wrdreg $0x9  }
0xb1: {  	_ =	task.clear_ibuf [dreg:s6], $0x5FFFF;
	_ =	strace $0x9000004C  }
0xb2: {  	s29 =	simm.s32 $0x9;
	_ =	strace $0x8000004E  }
0xb3: {  	_ =	swait.ge [sflag:s29], $0x1  }
0xb4: {  	[sflag:s29] =	ssyncadd.s32 $0xFFFFFFFF  }
0xb5: {  	_ =	strace $0x9000004E  }
0xb6: {  	_ =	sfence  }
0xb7: {  	s30 =	sld [smem:$0x0];
	_ =	sdelay $0x2  }
0xb8: {  	s31 =	sshll.u32 s1, $0xD;
	s1 =	sshrl.u32 s1, $0x2  }
0xb9: {  	s3 =	sand.u32 $0x4000, s31;
	s1 =	sadd.s32 s1, s30  }
0xba: {  	s0 =	sor.u32 s3, s0;
	s1 =	sshll.u32 s1, $0x11  }
0xbb: {  	s0 =	sor.u32 s1, s0  }
0xbc: {  	s0 =	sadd.s32 $0x8F2B, s0  }
0xbd: {  	[sflag:s0] =	ssyncadd.remote.s32 $0x1  }
0xbe: {  	_ =	sfence.sel $0xFFFF  }
0xbf: {  	[dreg:$0x0] =	wrdreg $0xFFFFFFFF;
	(pc) =	sbr.abs _section_cstart, $3  }
0xc0: {  	[dreg:$0x1] =	wrdreg $0xFFFFFFFF  }
0xc1: {  	_ =	task.clear_ibuf [dreg:s6], $0x2FFFF;
	_ =	strace $0x9FFFFFFF  }
0xc2: {  	(tm) =	ssettm $0x7FFFFFFF  }
0xc3: {  	_ =	shalt  }
tec
execute0_lowered:
.L_overlay_start_1:
0x0: {  	(tag) =	ssettag $0x1  }
0x1: {  	v0 =	vlaneseq.u32  }
0x2: {  	v0 =	vmul.u32 $0x10, v0;
	_ =	sdelay $0x1  }
0x3: {  	v3 =	vor.u32 $0x1, v0;
	v6 =	vor.u32 $0x2, v0  }
0x4: {  	v5 =	vor.u32 $0x3, v0;
	v8 =	vor.u32 $0x4, v0;
	v7 =	vor.u32 $0x5, v0  }
0x5: {  	v1 =	vor.u32 $0x8, v0;
	v11 =	vor.u32 $0x9, v0;
	v12 =	vor.u32 $0xA, v0  }
0x6: {  	v13 =	vor.u32 $0xB, v0;
	v14 =	vor.u32 $0xC, v0;
	v15 =	vor.u32 $0xD, v0  }
0x7: {  	v16 =	vor.u32 $0xE, v0;
	v17 =	vor.u32 $0xF, v0;
	v18 =	vor.u32 $0x100, v0  }
0x8: {  	v19 =	vor.u32 $0x101, v0;
	v20 =	vor.u32 $0x102, v0;
	v21 =	vor.u32 $0x103, v0  }
0x9: {  	s5 =	rddreg [dreg:$0x0];
	v22 =	vor.u32 $0x104, v0;
	v23 =	vor.u32 $0x105, v0;
	v24 =	vor.u32 $0x106, v0  }
0xa: {  	s0 =	srdreg.scid;
	s2 =	rddreg [dreg:$0x1];
	v25 =	vor.u32 $0x107, v0;
	v26 =	vor.u32 $0x108, v0;
	v27 =	vor.u32 $0x109, v0  }
0xb: {  	s1 =	rddreg [dreg:$0x2];
	s3 =	simm.s32 $0x0;
	s6 =	sand.u32 $0x1, s0;
	v28 =	vor.u32 $0x10A, v0;
	v29 =	vor.u32 $0x10B, v0;
	v31 =	vor.u32 $0x10C, v0  }
0xc: {  	s13 =	simm.s32 $0x50;
	s0 =	stileid.u32;
	s7 =	smul.u32 $0x186A00, s6;
	v30 =	vor.u32 $0x10D, v0;
	v32 =	vor.u32 $0x10E, v0;
	v33 =	vor.u32 $0x10F, v0  }
0xd: {  	s14 =	simm.s32 $0xA0;
	s15 =	simm.s32 $0xF0;
	s8 =	smul.u32 $0x186A0, s0;
	v34 =	vor.u32 $0x200, v0;
	v35 =	vor.u32 $0x201, v0;
	v36 =	vor.u32 $0x202, v0  }
0xe: {  	s16 =	simm.s32 $0x1;
	s19 =	simm.s32 $0x0;
	s9 =	smul.u32 $0x18B000, s6;
	v37 =	vor.u32 $0x203, v0;
	v39 =	vor.u32 $0x204, v0;
	v38 =	vor.u32 $0x205, v0  }
0xf: {  	[smem:$0x7FF] =	sst s3;
	s4 =	sadd.s32 $0xC7000, s5;
	s10 =	smul.u32 $0x18B00, s0;
	v40 =	vor.u32 $0x206, v0;
	v41 =	vor.u32 $0x207, v0;
	v43 =	vor.u32 $0x208, v0  }
0x10: {  	s6 =	ssub.s32 $0x2, s6;
	s11 =	smul.u32 $0x62C00, s0;
	s17 =	sshll.u32 s0, $0x6;
	v42 =	vor.u32 $0x209, v0;
	v44 =	vor.u32 $0x20A, v0;
	v45 =	vor.u32 $0x20B, v0  }
0x11: {  	s30 =	sshrl.u32 s6, $0x1;
	v46 =	vor.u32 $0x20C, v0;
	v47 =	vor.u32 $0x20D, v0;
	v48 =	vor.u32 $0x20E, v0;
	s17 =	sor.u32 $0x1C02, s17;
	s7 =	sadd.s32 s8, s7  }
0x12: {  	v49 =	vor.u32 $0x20F, v0;
	v51 =	vor.u32 $0x300, v0;
	v50 =	vor.u32 $0x301, v0;
	[tilespmem:$0x1FFC0] =	vst v1;
	s29 =	sadd.s32 s10, s9;
	s6 =	ssub.s32 s6, s30;
	s18 =	sadd.s32 s10, s2  }
0x13: {  	v52 =	vor.u32 $0x302, v0;
	v53 =	vor.u32 $0x303, v0;
	v55 =	vor.u32 $0x304, v0;
	s31 =	sshrl.u32 s11, $0x2;
	s11 =	simm.s32 $0x5F0;
	_ =	strace $0x8000004D  }
0x14: {  	v54 =	vor.u32 $0x305, v0;
	v56 =	vor.u32 $0x306, v0;
	v1 =	vor.u32 $0x30E, v0;
	s7 =	sshrl.u32 s7, $0x3;
	s8 =	sshrl.u32 s29, $0x3;
	s6 =	smax.u32 s6, $0x1  }
0x15: {  	v57 =	vor.u32 $0x307, v0;
	v58 =	vor.u32 $0x308, v0;
	v61 =	vor.u32 $0x30B, v0;
	[tilespmem:$0x1FFD0] =	vst v1;
	s18 =	sshrl.u32 s18, $0x3;
	s12 =	sadd.s32 s7, s5;
	s5 =	sadd.s32 s8, s5  }
0x16: {  	v10 =	vor.u32 $0x6, v0;
	v9 =	vor.u32 $0x7, v0;
	v63 =	vor.u32 $0x30C, v0;
	[tilespmem:$0x1FFE0] =	vst v61;
	s7 =	sadd.s32 s31, s2;
	s5 =	sadd.s32 $0x129C00, s5;
	s8 =	sadd.s32 $0x191C00, s12  }
0x17: {  	v59 =	vor.u32 $0x309, v0;
	v60 =	vor.u32 $0x30A, v0;
	v62 =	vor.u32 $0x30D, v0;
	[tilespmem:$0x1FFF0] =	vst v63;
	s9 =	sadd.s32 $0x3800, s12;
	s10 =	sadd.s32 $0x65400, s12;
	s12 =	simm.s32 $0x2  }
.LBB2_1:
0x18: {  	v1 =	vimm.f32 $0.0e+00  }
0x19: {  	[tilespmem:$0x5F0] =	vst v1  }
0x1a: {  	[tilespmem:$0x600] =	vst v1  }
0x1b: {  	[tilespmem:$0x610] =	vst v1  }
0x1c: {  	[tilespmem:$0x620] =	vst v1  }
0x1d: {  	[tilespmem:$0x630] =	vst v1  }
0x1e: {  	[tilespmem:$0x640] =	vst v1  }
0x1f: {  	[tilespmem:$0x650] =	vst v1  }
0x20: {  	[tilespmem:$0x660] =	vst v1  }
0x21: {  	[tilespmem:$0x670] =	vst v1  }
0x22: {  	[tilespmem:$0x680] =	vst v1  }
0x23: {  	[tilespmem:$0x690] =	vst v1  }
0x24: {  	[tilespmem:$0x6A0] =	vst v1  }
0x25: {  	[tilespmem:$0x6B0] =	vst v1  }
0x26: {  	[tilespmem:$0x6C0] =	vst v1  }
0x27: {  	[tilespmem:$0x6D0] =	vst v1  }
0x28: {  	[tilespmem:$0x6E0] =	vst v1  }
0x29: {  	[tilespmem:$0x6F0] =	vst v1  }
0x2a: {  	[tilespmem:$0x700] =	vst v1  }
0x2b: {  	[tilespmem:$0x710] =	vst v1  }
0x2c: {  	[tilespmem:$0x720] =	vst v1  }
0x2d: {  	[tilespmem:$0x730] =	vst v1  }
0x2e: {  	[tilespmem:$0x740] =	vst v1  }
0x2f: {  	[tilespmem:$0x750] =	vst v1  }
0x30: {  	[tilespmem:$0x760] =	vst v1  }
0x31: {  	[tilespmem:$0x770] =	vst v1  }
0x32: {  	[tilespmem:$0x780] =	vst v1  }
0x33: {  	[tilespmem:$0x790] =	vst v1  }
0x34: {  	[tilespmem:$0x7A0] =	vst v1  }
0x35: {  	[tilespmem:$0x7B0] =	vst v1  }
0x36: {  	[tilespmem:$0x7C0] =	vst v1  }
0x37: {  	[tilespmem:$0x7D0] =	vst v1  }
0x38: {  	[tilespmem:$0x7E0] =	vst v1  }
0x39: {  	[tilespmem:$0x7F0] =	vst v1  }
0x3a: {  	[tilespmem:$0x800] =	vst v1  }
0x3b: {  	[tilespmem:$0x810] =	vst v1  }
0x3c: {  	[tilespmem:$0x820] =	vst v1  }
0x3d: {  	[tilespmem:$0x830] =	vst v1  }
0x3e: {  	[tilespmem:$0x840] =	vst v1  }
0x3f: {  	[tilespmem:$0x850] =	vst v1  }
0x40: {  	[tilespmem:$0x860] =	vst v1  }
0x41: {  	[tilespmem:$0x870] =	vst v1  }
0x42: {  	[tilespmem:$0x880] =	vst v1  }
0x43: {  	[tilespmem:$0x890] =	vst v1  }
0x44: {  	[tilespmem:$0x8A0] =	vst v1  }
0x45: {  	[tilespmem:$0x8B0] =	vst v1  }
0x46: {  	[tilespmem:$0x8C0] =	vst v1  }
0x47: {  	[tilespmem:$0x8D0] =	vst v1  }
0x48: {  	[tilespmem:$0x8E0] =	vst v1  }
0x49: {  	[tilespmem:$0x8F0] =	vst v1  }
0x4a: {  	[tilespmem:$0x900] =	vst v1  }
0x4b: {  	[tilespmem:$0x910] =	vst v1  }
0x4c: {  	[tilespmem:$0x920] =	vst v1  }
0x4d: {  	[tilespmem:$0x930] =	vst v1  }
0x4e: {  	[tilespmem:$0x940] =	vst v1  }
0x4f: {  	[tilespmem:$0x950] =	vst v1  }
0x50: {  	[tilespmem:$0x960] =	vst v1  }
0x51: {  	[tilespmem:$0x970] =	vst v1  }
0x52: {  	[tilespmem:$0x980] =	vst v1  }
0x53: {  	[tilespmem:$0x990] =	vst v1  }
0x54: {  	[tilespmem:$0x9A0] =	vst v1  }
0x55: {  	[tilespmem:$0x9B0] =	vst v1  }
0x56: {  	[tilespmem:$0x9C0] =	vst v1  }
0x57: {  	[tilespmem:$0x9D0] =	vst v1  }
0x58: {  	[tilespmem:$0x9E0] =	vst v1  }
0x59: {  	[tilespmem:$0x9F0] =	vst v1  }
0x5a: {  	[tilespmem:$0xA00] =	vst v1  }
0x5b: {  	[tilespmem:$0xA10] =	vst v1  }
0x5c: {  	[tilespmem:$0xA20] =	vst v1  }
0x5d: {  	[tilespmem:$0xA30] =	vst v1  }
0x5e: {  	[tilespmem:$0xA40] =	vst v1  }
0x5f: {  	[tilespmem:$0xA50] =	vst v1  }
0x60: {  	[tilespmem:$0xA60] =	vst v1  }
0x61: {  	[tilespmem:$0xA70] =	vst v1  }
0x62: {  	[tilespmem:$0xA80] =	vst v1  }
0x63: {  	[tilespmem:$0xA90] =	vst v1  }
0x64: {  	[tilespmem:$0xAA0] =	vst v1  }
0x65: {  	[tilespmem:$0xAB0] =	vst v1  }
0x66: {  	[tilespmem:$0xAC0] =	vst v1  }
0x67: {  	[tilespmem:$0xAD0] =	vst v1  }
0x68: {  	s20 =	sadd.s32 $0x0, s7;
	[tilespmem:$0xAE0] =	vst v1  }
0x69: {  	[spmem:s20] =	stream.linear.scatter [tilespmem:s11], [sflag:$0x2], $0x500, $0x38;
	[tilespmem:$0x195F0] =	vst v63  }
0x6a: {  	s20 =	simm.s32 $0x1400;
	_ =	swait.ge [sflag:s12], $0x500  }
.LBB2_2:
0x6b: {  	s21 =	sshra.s32 s20, $0x2;
	[sflag:s12] =	ssyncset.done $0x0;
	p0 =	sne.s32 s20, $0x61800  }
.Ltmp0:
0x6c: {  	s21 =	sadd.s32 s21, s7;
	[sflag:s12] =	ssyncadd.s32 $0xFFFFFB00;
	(pc) =	sbr.rel @p0 .LBB2_2-.Ltmp0, $3  }
0x6d: {  	[spmem:s21] =	stream.linear.scatter [tilespmem:s11], [sflag:$0x2], $0x500, $0x38;
	[tilespmem:$0x195F0] =	vst v63  }
0x6e: {  	s20 =	sadd.s32 $0x1400, s20;
	_ =	sdelay $0x1  }
0x6f: {  	_ =	swait.ge [sflag:s12], $0x500  }
0x70: {  	[sflag:s12] =	ssyncset.done $0x0  }
0x71: {  	[sflag:s12] =	ssyncadd.s32 $0xFFFFFB00  }
0x72: {  	s20 =	simm.s32 $0x0;
	[bflag:$0x0] =	sbarrier.arrive $0xFFFF  }
.LBB2_4:
0x73: {  	s21 =	sadd.s32 s20, s10  }
0x74: {  	[tilespmem:s3], [sflag:$0x2] =	stream.linear.gather [hbm4b:s21+s3], $0x50, $0x38;
	[tilespmem:$0x195F0] =	vst v63  }
0x75: {  	_ =	swait.ge [sflag:s12], $0x50  }
0x76: {  	[sflag:s12] =	ssyncset.done $0x0  }
0x77: {  	s30 =	sadd.s32 s20, s9;
	[sflag:s12] =	ssyncadd.s32 $0xFFFFFFB0  }
0x78: {  	[tilespmem:s13], [sflag:$0x2] =	stream.linear.gather [hbm4b:s30+s3], $0x50, $0x38;
	[tilespmem:$0x195F0] =	vst v63  }
0x79: {  	_ =	swait.ge [sflag:s12], $0x50  }
0x7a: {  	[sflag:s12] =	ssyncset.done $0x0  }
0x7b: {  	s31 =	sadd.s32 s20, s8;
	[sflag:s12] =	ssyncadd.s32 $0xFFFFFFB0  }
0x7c: {  	[tilespmem:s14], [sflag:$0x2] =	stream.linear.gather [hbm4b:s31+s3], $0x50, $0x38;
	[tilespmem:$0x195F0] =	vst v63  }
0x7d: {  	_ =	swait.ge [sflag:s12], $0x50  }
0x7e: {  	[sflag:s12] =	ssyncset.done $0x0  }
0x7f: {  	[sflag:s12] =	ssyncadd.s32 $0xFFFFFFB0  }
0x80: {  	[tilespmem:s15], [sflag:$0x1] =	stream.indirect.gather [hbm4b:s4+s13], $0x10, s3, s13, $0xb8;
	[tilespmem:$0x195F0] =	vst v63  }
0x81: {  	_ =	swait.ge [sflag:s16], $0x500  }
0x82: {  	[sflag:s16] =	ssyncset.done $0x0  }
0x83: {  	[sflag:s16] =	ssyncadd.s32 $0xFFFFFB00  }
0x84: {  	v1 =	vld [tilespmem:$0xA0]  }
0x85: {  	v2 =	vld.idx.msk [tilespmem:v0+s15+$0x0], $0xffff;
	_ =	sdelay $0x4  }
0x86: {  	v2 =	vmul.f32 v2, v1;
	_ =	sdelay $0x1  }
0x87: {  	[tilespmem:v0+s15+$0x0] =	vst.idx.msk $0xffff, v2  }
0x88: {  	v2 =	vld.idx.msk [tilespmem:v3+s15+$0x0], $0xffff;
	_ =	sdelay $0x4  }
0x89: {  	v2 =	vmul.f32 v2, v1;
	_ =	sdelay $0x1  }
0x8a: {  	[tilespmem:v3+s15+$0x0] =	vst.idx.msk $0xffff, v2  }
0x8b: {  	v2 =	vld.idx.msk [tilespmem:v6+s15+$0x0], $0xffff;
	_ =	sdelay $0x4  }
0x8c: {  	v2 =	vmul.f32 v2, v1;
	_ =	sdelay $0x1  }
0x8d: {  	[tilespmem:v6+s15+$0x0] =	vst.idx.msk $0xffff, v2  }
0x8e: {  	v2 =	vld.idx.msk [tilespmem:v5+s15+$0x0], $0xffff;
	_ =	sdelay $0x4  }
0x8f: {  	v2 =	vmul.f32 v2, v1;
	_ =	sdelay $0x1  }
0x90: {  	[tilespmem:v5+s15+$0x0] =	vst.idx.msk $0xffff, v2  }
0x91: {  	v2 =	vld.idx.msk [tilespmem:v8+s15+$0x0], $0xffff;
	_ =	sdelay $0x4  }
0x92: {  	v2 =	vmul.f32 v2, v1;
	_ =	sdelay $0x1  }
0x93: {  	[tilespmem:v8+s15+$0x0] =	vst.idx.msk $0xffff, v2  }
0x94: {  	v2 =	vld.idx.msk [tilespmem:v7+s15+$0x0], $0xffff;
	_ =	sdelay $0x4  }
0x95: {  	v2 =	vmul.f32 v2, v1;
	_ =	sdelay $0x1  }
0x96: {  	[tilespmem:v7+s15+$0x0] =	vst.idx.msk $0xffff, v2  }
0x97: {  	v2 =	vld.idx.msk [tilespmem:v10+s15+$0x0], $0xffff;
	_ =	sdelay $0x4  }
0x98: {  	v2 =	vmul.f32 v2, v1;
	_ =	sdelay $0x1  }
0x99: {  	v4 =	vld [tilespmem:$0x1FFC0];
	[tilespmem:v10+s15+$0x0] =	vst.idx.msk $0xffff, v2  }
0x9a: {  	v2 =	vld.idx.msk [tilespmem:v9+s15+$0x0], $0xffff;
	_ =	sdelay $0x4  }
0x9b: {  	v2 =	vmul.f32 v2, v1;
	_ =	sdelay $0x1  }
0x9c: {  	[tilespmem:v9+s15+$0x0] =	vst.idx.msk $0xffff, v2  }
0x9d: {  	v2 =	vld.idx.msk [tilespmem:v4+s15+$0x0], $0xffff;
	_ =	sdelay $0x4  }
0x9e: {  	v2 =	vmul.f32 v2, v1;
	_ =	sdelay $0x1  }
0x9f: {  	[tilespmem:v4+s15+$0x0] =	vst.idx.msk $0xffff, v2  }
0xa0: {  	v2 =	vld.idx.msk [tilespmem:v11+s15+$0x0], $0xffff;
	_ =	sdelay $0x4  }
0xa1: {  	v2 =	vmul.f32 v2, v1;
	_ =	sdelay $0x1  }
0xa2: {  	[tilespmem:v11+s15+$0x0] =	vst.idx.msk $0xffff, v2  }
0xa3: {  	v2 =	vld.idx.msk [tilespmem:v12+s15+$0x0], $0xffff;
	_ =	sdelay $0x4  }
0xa4: {  	v2 =	vmul.f32 v2, v1;
	_ =	sdelay $0x1  }
0xa5: {  	[tilespmem:v12+s15+$0x0] =	vst.idx.msk $0xffff, v2  }
0xa6: {  	v2 =	vld.idx.msk [tilespmem:v13+s15+$0x0], $0xffff;
	_ =	sdelay $0x4  }
0xa7: {  	v2 =	vmul.f32 v2, v1;
	_ =	sdelay $0x1  }
0xa8: {  	[tilespmem:v13+s15+$0x0] =	vst.idx.msk $0xffff, v2  }
0xa9: {  	v2 =	vld.idx.msk [tilespmem:v14+s15+$0x0], $0xffff;
	_ =	sdelay $0x4  }
0xaa: {  	v2 =	vmul.f32 v2, v1;
	_ =	sdelay $0x1  }
0xab: {  	[tilespmem:v14+s15+$0x0] =	vst.idx.msk $0xffff, v2  }
0xac: {  	v2 =	vld.idx.msk [tilespmem:v15+s15+$0x0], $0xffff;
	_ =	sdelay $0x4  }
0xad: {  	v2 =	vmul.f32 v2, v1;
	_ =	sdelay $0x1  }
0xae: {  	[tilespmem:v15+s15+$0x0] =	vst.idx.msk $0xffff, v2  }
0xaf: {  	v2 =	vld.idx.msk [tilespmem:v16+s15+$0x0], $0xffff;
	_ =	sdelay $0x4  }
0xb0: {  	v2 =	vmul.f32 v2, v1;
	_ =	sdelay $0x1  }
0xb1: {  	[tilespmem:v16+s15+$0x0] =	vst.idx.msk $0xffff, v2  }
0xb2: {  	v2 =	vld.idx.msk [tilespmem:v17+s15+$0x0], $0xffff;
	_ =	sdelay $0x4  }
0xb3: {  	v1 =	vmul.f32 v2, v1;
	_ =	sdelay $0x1  }
0xb4: {  	[tilespmem:v17+s15+$0x0] =	vst.idx.msk $0xffff, v1  }
0xb5: {  	v1 =	vld [tilespmem:$0xB0]  }
0xb6: {  	v2 =	vld.idx.msk [tilespmem:v18+s15+$0x0], $0xffff;
	_ =	sdelay $0x4  }
0xb7: {  	v2 =	vmul.f32 v2, v1;
	_ =	sdelay $0x1  }
0xb8: {  	[tilespmem:v18+s15+$0x0] =	vst.idx.msk $0xffff, v2  }
0xb9: {  	v2 =	vld.idx.msk [tilespmem:v19+s15+$0x0], $0xffff;
	_ =	sdelay $0x4  }
0xba: {  	v2 =	vmul.f32 v2, v1;
	_ =	sdelay $0x1  }
0xbb: {  	[tilespmem:v19+s15+$0x0] =	vst.idx.msk $0xffff, v2  }
0xbc: {  	v2 =	vld.idx.msk [tilespmem:v20+s15+$0x0], $0xffff;
	_ =	sdelay $0x4  }
0xbd: {  	v2 =	vmul.f32 v2, v1;
	_ =	sdelay $0x1  }
0xbe: {  	[tilespmem:v20+s15+$0x0] =	vst.idx.msk $0xffff, v2  }
0xbf: {  	v2 =	vld.idx.msk [tilespmem:v21+s15+$0x0], $0xffff;
	_ =	sdelay $0x4  }
0xc0: {  	v2 =	vmul.f32 v2, v1;
	_ =	sdelay $0x1  }
0xc1: {  	[tilespmem:v21+s15+$0x0] =	vst.idx.msk $0xffff, v2  }
0xc2: {  	v2 =	vld.idx.msk [tilespmem:v22+s15+$0x0], $0xffff;
	_ =	sdelay $0x4  }
0xc3: {  	v2 =	vmul.f32 v2, v1;
	_ =	sdelay $0x1  }
0xc4: {  	[tilespmem:v22+s15+$0x0] =	vst.idx.msk $0xffff, v2  }
0xc5: {  	v2 =	vld.idx.msk [tilespmem:v23+s15+$0x0], $0xffff;
	_ =	sdelay $0x4  }
0xc6: {  	v2 =	vmul.f32 v2, v1;
	_ =	sdelay $0x1  }
0xc7: {  	[tilespmem:v23+s15+$0x0] =	vst.idx.msk $0xffff, v2  }
0xc8: {  	v2 =	vld.idx.msk [tilespmem:v24+s15+$0x0], $0xffff;
	_ =	sdelay $0x4  }
0xc9: {  	v2 =	vmul.f32 v2, v1;
	_ =	sdelay $0x1  }
0xca: {  	[tilespmem:v24+s15+$0x0] =	vst.idx.msk $0xffff, v2  }
0xcb: {  	v2 =	vld.idx.msk [tilespmem:v25+s15+$0x0], $0xffff;
	_ =	sdelay $0x4  }
0xcc: {  	v2 =	vmul.f32 v2, v1;
	_ =	sdelay $0x1  }
0xcd: {  	[tilespmem:v25+s15+$0x0] =	vst.idx.msk $0xffff, v2  }
0xce: {  	v2 =	vld.idx.msk [tilespmem:v26+s15+$0x0], $0xffff;
	_ =	sdelay $0x4  }
0xcf: {  	v2 =	vmul.f32 v2, v1;
	_ =	sdelay $0x1  }
0xd0: {  	[tilespmem:v26+s15+$0x0] =	vst.idx.msk $0xffff, v2  }
0xd1: {  	v2 =	vld.idx.msk [tilespmem:v27+s15+$0x0], $0xffff;
	_ =	sdelay $0x4  }
0xd2: {  	v2 =	vmul.f32 v2, v1;
	_ =	sdelay $0x1  }
0xd3: {  	[tilespmem:v27+s15+$0x0] =	vst.idx.msk $0xffff, v2  }
0xd4: {  	v2 =	vld.idx.msk [tilespmem:v28+s15+$0x0], $0xffff;
	_ =	sdelay $0x4  }
0xd5: {  	v2 =	vmul.f32 v2, v1;
	_ =	sdelay $0x1  }
0xd6: {  	[tilespmem:v28+s15+$0x0] =	vst.idx.msk $0xffff, v2  }
0xd7: {  	v2 =	vld.idx.msk [tilespmem:v29+s15+$0x0], $0xffff;
	_ =	sdelay $0x4  }
0xd8: {  	v2 =	vmul.f32 v2, v1;
	_ =	sdelay $0x1  }
0xd9: {  	[tilespmem:v29+s15+$0x0] =	vst.idx.msk $0xffff, v2  }
0xda: {  	v2 =	vld.idx.msk [tilespmem:v31+s15+$0x0], $0xffff;
	_ =	sdelay $0x4  }
0xdb: {  	v2 =	vmul.f32 v2, v1;
	_ =	sdelay $0x1  }
0xdc: {  	[tilespmem:v31+s15+$0x0] =	vst.idx.msk $0xffff, v2  }
0xdd: {  	v2 =	vld.idx.msk [tilespmem:v30+s15+$0x0], $0xffff;
	_ =	sdelay $0x4  }
0xde: {  	v2 =	vmul.f32 v2, v1;
	_ =	sdelay $0x1  }
0xdf: {  	[tilespmem:v30+s15+$0x0] =	vst.idx.msk $0xffff, v2  }
0xe0: {  	v2 =	vld.idx.msk [tilespmem:v32+s15+$0x0], $0xffff;
	_ =	sdelay $0x4  }
0xe1: {  	v2 =	vmul.f32 v2, v1;
	_ =	sdelay $0x1  }
0xe2: {  	[tilespmem:v32+s15+$0x0] =	vst.idx.msk $0xffff, v2  }
0xe3: {  	v2 =	vld.idx.msk [tilespmem:v33+s15+$0x0], $0xffff;
	_ =	sdelay $0x4  }
0xe4: {  	v1 =	vmul.f32 v2, v1;
	_ =	sdelay $0x1  }
0xe5: {  	[tilespmem:v33+s15+$0x0] =	vst.idx.msk $0xffff, v1  }
0xe6: {  	v1 =	vld [tilespmem:$0xC0]  }
0xe7: {  	v2 =	vld.idx.msk [tilespmem:v34+s15+$0x0], $0xffff;
	_ =	sdelay $0x4  }
0xe8: {  	v2 =	vmul.f32 v2, v1;
	_ =	sdelay $0x1  }
0xe9: {  	[tilespmem:v34+s15+$0x0] =	vst.idx.msk $0xffff, v2  }
0xea: {  	v2 =	vld.idx.msk [tilespmem:v35+s15+$0x0], $0xffff;
	_ =	sdelay $0x4  }
0xeb: {  	v2 =	vmul.f32 v2, v1;
	_ =	sdelay $0x1  }
0xec: {  	[tilespmem:v35+s15+$0x0] =	vst.idx.msk $0xffff, v2  }
0xed: {  	v2 =	vld.idx.msk [tilespmem:v36+s15+$0x0], $0xffff;
	_ =	sdelay $0x4  }
0xee: {  	v2 =	vmul.f32 v2, v1;
	_ =	sdelay $0x1  }
0xef: {  	[tilespmem:v36+s15+$0x0] =	vst.idx.msk $0xffff, v2  }
0xf0: {  	v2 =	vld.idx.msk [tilespmem:v37+s15+$0x0], $0xffff;
	_ =	sdelay $0x4  }
0xf1: {  	v2 =	vmul.f32 v2, v1;
	_ =	sdelay $0x1  }
0xf2: {  	[tilespmem:v37+s15+$0x0] =	vst.idx.msk $0xffff, v2  }
0xf3: {  	v2 =	vld.idx.msk [tilespmem:v39+s15+$0x0], $0xffff;
	_ =	sdelay $0x4  }
0xf4: {  	v2 =	vmul.f32 v2, v1;
	_ =	sdelay $0x1  }
0xf5: {  	[tilespmem:v39+s15+$0x0] =	vst.idx.msk $0xffff, v2  }
0xf6: {  	v2 =	vld.idx.msk [tilespmem:v38+s15+$0x0], $0xffff;
	_ =	sdelay $0x4  }
0xf7: {  	v2 =	vmul.f32 v2, v1;
	_ =	sdelay $0x1  }
0xf8: {  	[tilespmem:v38+s15+$0x0] =	vst.idx.msk $0xffff, v2  }
0xf9: {  	v2 =	vld.idx.msk [tilespmem:v40+s15+$0x0], $0xffff;
	_ =	sdelay $0x4  }
0xfa: {  	v2 =	vmul.f32 v2, v1;
	_ =	sdelay $0x1  }
0xfb: {  	[tilespmem:v40+s15+$0x0] =	vst.idx.msk $0xffff, v2  }
0xfc: {  	v2 =	vld.idx.msk [tilespmem:v41+s15+$0x0], $0xffff;
	_ =	sdelay $0x4  }
0xfd: {  	v2 =	vmul.f32 v2, v1;
	_ =	sdelay $0x1  }
0xfe: {  	[tilespmem:v41+s15+$0x0] =	vst.idx.msk $0xffff, v2  }
0xff: {  	v2 =	vld.idx.msk [tilespmem:v43+s15+$0x0], $0xffff;
	_ =	sdelay $0x4  }
0x100: {  	v2 =	vmul.f32 v2, v1;
	_ =	sdelay $0x1  }
0x101: {  	[tilespmem:v43+s15+$0x0] =	vst.idx.msk $0xffff, v2  }
0x102: {  	v2 =	vld.idx.msk [tilespmem:v42+s15+$0x0], $0xffff;
	_ =	sdelay $0x4  }
0x103: {  	v2 =	vmul.f32 v2, v1;
	_ =	sdelay $0x1  }
0x104: {  	[tilespmem:v42+s15+$0x0] =	vst.idx.msk $0xffff, v2  }
0x105: {  	v2 =	vld.idx.msk [tilespmem:v44+s15+$0x0], $0xffff;
	_ =	sdelay $0x4  }
0x106: {  	v2 =	vmul.f32 v2, v1;
	_ =	sdelay $0x1  }
0x107: {  	[tilespmem:v44+s15+$0x0] =	vst.idx.msk $0xffff, v2  }
0x108: {  	v2 =	vld.idx.msk [tilespmem:v45+s15+$0x0], $0xffff;
	_ =	sdelay $0x4  }
0x109: {  	v2 =	vmul.f32 v2, v1;
	_ =	sdelay $0x1  }
0x10a: {  	[tilespmem:v45+s15+$0x0] =	vst.idx.msk $0xffff, v2  }
0x10b: {  	v2 =	vld.idx.msk [tilespmem:v46+s15+$0x0], $0xffff;
	_ =	sdelay $0x4  }
0x10c: {  	v2 =	vmul.f32 v2, v1;
	_ =	sdelay $0x1  }
0x10d: {  	[tilespmem:v46+s15+$0x0] =	vst.idx.msk $0xffff, v2  }
0x10e: {  	v2 =	vld.idx.msk [tilespmem:v47+s15+$0x0], $0xffff;
	_ =	sdelay $0x4  }
0x10f: {  	v2 =	vmul.f32 v2, v1;
	_ =	sdelay $0x1  }
0x110: {  	[tilespmem:v47+s15+$0x0] =	vst.idx.msk $0xffff, v2  }
0x111: {  	v2 =	vld.idx.msk [tilespmem:v48+s15+$0x0], $0xffff;
	_ =	sdelay $0x4  }
0x112: {  	v2 =	vmul.f32 v2, v1;
	_ =	sdelay $0x1  }
0x113: {  	[tilespmem:v48+s15+$0x0] =	vst.idx.msk $0xffff, v2  }
0x114: {  	v2 =	vld.idx.msk [tilespmem:v49+s15+$0x0], $0xffff;
	_ =	sdelay $0x4  }
0x115: {  	v1 =	vmul.f32 v2, v1;
	_ =	sdelay $0x1  }
0x116: {  	[tilespmem:v49+s15+$0x0] =	vst.idx.msk $0xffff, v1  }
0x117: {  	v1 =	vld [tilespmem:$0xD0]  }
0x118: {  	v2 =	vld.idx.msk [tilespmem:v51+s15+$0x0], $0xffff;
	_ =	sdelay $0x4  }
0x119: {  	v2 =	vmul.f32 v2, v1;
	_ =	sdelay $0x1  }
0x11a: {  	[tilespmem:v51+s15+$0x0] =	vst.idx.msk $0xffff, v2  }
0x11b: {  	v2 =	vld.idx.msk [tilespmem:v50+s15+$0x0], $0xffff;
	_ =	sdelay $0x4  }
0x11c: {  	v2 =	vmul.f32 v2, v1;
	_ =	sdelay $0x1  }
0x11d: {  	[tilespmem:v50+s15+$0x0] =	vst.idx.msk $0xffff, v2  }
0x11e: {  	v2 =	vld.idx.msk [tilespmem:v52+s15+$0x0], $0xffff;
	_ =	sdelay $0x4  }
0x11f: {  	v2 =	vmul.f32 v2, v1;
	_ =	sdelay $0x1  }
0x120: {  	[tilespmem:v52+s15+$0x0] =	vst.idx.msk $0xffff, v2  }
0x121: {  	v2 =	vld.idx.msk [tilespmem:v53+s15+$0x0], $0xffff;
	_ =	sdelay $0x4  }
0x122: {  	v2 =	vmul.f32 v2, v1;
	_ =	sdelay $0x1  }
0x123: {  	[tilespmem:v53+s15+$0x0] =	vst.idx.msk $0xffff, v2  }
0x124: {  	v2 =	vld.idx.msk [tilespmem:v55+s15+$0x0], $0xffff;
	_ =	sdelay $0x4  }
0x125: {  	v2 =	vmul.f32 v2, v1;
	_ =	sdelay $0x1  }
0x126: {  	[tilespmem:v55+s15+$0x0] =	vst.idx.msk $0xffff, v2  }
0x127: {  	v2 =	vld.idx.msk [tilespmem:v54+s15+$0x0], $0xffff;
	_ =	sdelay $0x4  }
0x128: {  	v2 =	vmul.f32 v2, v1;
	_ =	sdelay $0x1  }
0x129: {  	[tilespmem:v54+s15+$0x0] =	vst.idx.msk $0xffff, v2  }
0x12a: {  	v2 =	vld.idx.msk [tilespmem:v56+s15+$0x0], $0xffff;
	_ =	sdelay $0x4  }
0x12b: {  	v2 =	vmul.f32 v2, v1;
	_ =	sdelay $0x1  }
0x12c: {  	[tilespmem:v56+s15+$0x0] =	vst.idx.msk $0xffff, v2  }
0x12d: {  	v2 =	vld.idx.msk [tilespmem:v57+s15+$0x0], $0xffff;
	_ =	sdelay $0x4  }
0x12e: {  	v2 =	vmul.f32 v2, v1;
	_ =	sdelay $0x1  }
0x12f: {  	[tilespmem:v57+s15+$0x0] =	vst.idx.msk $0xffff, v2  }
0x130: {  	v2 =	vld.idx.msk [tilespmem:v58+s15+$0x0], $0xffff;
	_ =	sdelay $0x4  }
0x131: {  	v2 =	vmul.f32 v2, v1;
	_ =	sdelay $0x1  }
0x132: {  	[tilespmem:v58+s15+$0x0] =	vst.idx.msk $0xffff, v2  }
0x133: {  	v2 =	vld.idx.msk [tilespmem:v59+s15+$0x0], $0xffff;
	_ =	sdelay $0x4  }
0x134: {  	v2 =	vmul.f32 v2, v1;
	_ =	sdelay $0x1  }
0x135: {  	[tilespmem:v59+s15+$0x0] =	vst.idx.msk $0xffff, v2  }
0x136: {  	v2 =	vld.idx.msk [tilespmem:v60+s15+$0x0], $0xffff;
	_ =	sdelay $0x4  }
0x137: {  	v2 =	vmul.f32 v2, v1;
	_ =	sdelay $0x1  }
0x138: {  	[tilespmem:v60+s15+$0x0] =	vst.idx.msk $0xffff, v2  }
0x139: {  	v2 =	vld.idx.msk [tilespmem:v61+s15+$0x0], $0xffff;
	_ =	sdelay $0x4  }
0x13a: {  	v2 =	vmul.f32 v2, v1;
	_ =	sdelay $0x1  }
0x13b: {  	[tilespmem:v61+s15+$0x0] =	vst.idx.msk $0xffff, v2  }
0x13c: {  	v2 =	vld.idx.msk [tilespmem:v63+s15+$0x0], $0xffff;
	_ =	sdelay $0x4  }
0x13d: {  	v2 =	vmul.f32 v2, v1;
	_ =	sdelay $0x1  }
0x13e: {  	v4 =	vld [tilespmem:$0x1FFD0];
	[tilespmem:v63+s15+$0x0] =	vst.idx.msk $0xffff, v2  }
0x13f: {  	v2 =	vld.idx.msk [tilespmem:v62+s15+$0x0], $0xffff;
	_ =	sdelay $0x4  }
0x140: {  	v2 =	vmul.f32 v2, v1;
	_ =	sdelay $0x1  }
0x141: {  	[tilespmem:v62+s15+$0x0] =	vst.idx.msk $0xffff, v2  }
0x142: {  	v63 =	vmov v59;
	v2 =	vld.idx.msk [tilespmem:v4+s15+$0x0], $0xffff  }
0x143: {  	v59 =	vmovc v55;
	v55 =	vmovc v51;
	v51 =	vmov v47;
	v47 =	vmov v43;
	v43 =	vmov v39  }
0x144: {  	v39 =	vmovc v35;
	v35 =	vmovc v31;
	v31 =	vmov v27;
	v27 =	vmov v23;
	v23 =	vmov v19  }
0x145: {  	v19 =	vmovc v15;
	v15 =	vmovc v11;
	v11 =	vmov v7;
	v7 =	vmov v3;
	v3 =	vor.u32 $0x30F, v0;
	_ =	sdelay $0x1  }
0x146: {  	v2 =	vmul.f32 v2, v1;
	_ =	sdelay $0x1  }
0x147: {  	[tilespmem:v4+s15+$0x0] =	vst.idx.msk $0xffff, v2  }
0x148: {  	v2 =	vld.idx.msk [tilespmem:v3+s15+$0x0], $0xffff;
	_ =	sdelay $0x3  }
0x149: {  	v4 =	vor.u32 $0x400, v0  }
0x14a: {  	v1 =	vmul.f32 v2, v1;
	_ =	sdelay $0x1  }
0x14b: {  	[tilespmem:v3+s15+$0x0] =	vst.idx.msk $0xffff, v1  }
0x14c: {  	v1 =	vld [tilespmem:$0xE0]  }
0x14d: {  	v2 =	vld.idx.msk [tilespmem:v4+s15+$0x0], $0xffff;
	_ =	sdelay $0x2  }
0x14e: {  	v3 =	vor.u32 $0x401, v0;
	_ =	sdelay $0x1  }
0x14f: {  	v2 =	vmul.f32 v2, v1;
	_ =	sdelay $0x1  }
0x150: {  	[tilespmem:v4+s15+$0x0] =	vst.idx.msk $0xffff, v2  }
0x151: {  	v2 =	vld.idx.msk [tilespmem:v3+s15+$0x0], $0xffff;
	_ =	sdelay $0x2  }
0x152: {  	v4 =	vor.u32 $0x402, v0;
	_ =	sdelay $0x1  }
0x153: {  	v2 =	vmul.f32 v2, v1;
	_ =	sdelay $0x1  }
0x154: {  	[tilespmem:v3+s15+$0x0] =	vst.idx.msk $0xffff, v2  }
0x155: {  	v2 =	vld.idx.msk [tilespmem:v4+s15+$0x0], $0xffff;
	_ =	sdelay $0x2  }
0x156: {  	v3 =	vor.u32 $0x403, v0;
	_ =	sdelay $0x1  }
0x157: {  	v2 =	vmul.f32 v2, v1;
	_ =	sdelay $0x1  }
0x158: {  	[tilespmem:v4+s15+$0x0] =	vst.idx.msk $0xffff, v2  }
0x159: {  	v2 =	vld.idx.msk [tilespmem:v3+s15+$0x0], $0xffff;
	_ =	sdelay $0x2  }
0x15a: {  	v4 =	vor.u32 $0x404, v0;
	_ =	sdelay $0x1  }
0x15b: {  	v2 =	vmul.f32 v2, v1;
	_ =	sdelay $0x1  }
0x15c: {  	[tilespmem:v3+s15+$0x0] =	vst.idx.msk $0xffff, v2  }
0x15d: {  	v2 =	vld.idx.msk [tilespmem:v4+s15+$0x0], $0xffff;
	_ =	sdelay $0x2  }
0x15e: {  	v3 =	vor.u32 $0x405, v0;
	_ =	sdelay $0x1  }
0x15f: {  	v2 =	vmul.f32 v2, v1;
	_ =	sdelay $0x1  }
0x160: {  	[tilespmem:v4+s15+$0x0] =	vst.idx.msk $0xffff, v2  }
0x161: {  	v2 =	vld.idx.msk [tilespmem:v3+s15+$0x0], $0xffff;
	_ =	sdelay $0x2  }
0x162: {  	v4 =	vor.u32 $0x406, v0;
	_ =	sdelay $0x1  }
0x163: {  	v2 =	vmul.f32 v2, v1;
	_ =	sdelay $0x1  }
0x164: {  	[tilespmem:v3+s15+$0x0] =	vst.idx.msk $0xffff, v2  }
0x165: {  	v2 =	vld.idx.msk [tilespmem:v4+s15+$0x0], $0xffff;
	_ =	sdelay $0x2  }
0x166: {  	v3 =	vor.u32 $0x407, v0;
	_ =	sdelay $0x1  }
0x167: {  	v2 =	vmul.f32 v2, v1;
	_ =	sdelay $0x1  }
0x168: {  	[tilespmem:v4+s15+$0x0] =	vst.idx.msk $0xffff, v2  }
0x169: {  	v2 =	vld.idx.msk [tilespmem:v3+s15+$0x0], $0xffff;
	_ =	sdelay $0x2  }
0x16a: {  	v4 =	vor.u32 $0x408, v0;
	_ =	sdelay $0x1  }
0x16b: {  	v2 =	vmul.f32 v2, v1;
	_ =	sdelay $0x1  }
0x16c: {  	[tilespmem:v3+s15+$0x0] =	vst.idx.msk $0xffff, v2  }
0x16d: {  	v2 =	vld.idx.msk [tilespmem:v4+s15+$0x0], $0xffff;
	_ =	sdelay $0x2  }
0x16e: {  	v3 =	vor.u32 $0x409, v0;
	_ =	sdelay $0x1  }
0x16f: {  	v2 =	vmul.f32 v2, v1;
	_ =	sdelay $0x1  }
0x170: {  	[tilespmem:v4+s15+$0x0] =	vst.idx.msk $0xffff, v2  }
0x171: {  	v2 =	vld.idx.msk [tilespmem:v3+s15+$0x0], $0xffff;
	_ =	sdelay $0x2  }
0x172: {  	v4 =	vor.u32 $0x40A, v0;
	_ =	sdelay $0x1  }
0x173: {  	v2 =	vmul.f32 v2, v1;
	_ =	sdelay $0x1  }
0x174: {  	[tilespmem:v3+s15+$0x0] =	vst.idx.msk $0xffff, v2  }
0x175: {  	v2 =	vld.idx.msk [tilespmem:v4+s15+$0x0], $0xffff;
	_ =	sdelay $0x2  }
0x176: {  	v3 =	vor.u32 $0x40B, v0;
	_ =	sdelay $0x1  }
0x177: {  	v2 =	vmul.f32 v2, v1;
	_ =	sdelay $0x1  }
0x178: {  	[tilespmem:v4+s15+$0x0] =	vst.idx.msk $0xffff, v2  }
0x179: {  	v2 =	vld.idx.msk [tilespmem:v3+s15+$0x0], $0xffff;
	_ =	sdelay $0x2  }
0x17a: {  	v4 =	vor.u32 $0x40C, v0;
	_ =	sdelay $0x1  }
0x17b: {  	v2 =	vmul.f32 v2, v1;
	_ =	sdelay $0x1  }
0x17c: {  	[tilespmem:v3+s15+$0x0] =	vst.idx.msk $0xffff, v2  }
0x17d: {  	v2 =	vld.idx.msk [tilespmem:v4+s15+$0x0], $0xffff;
	_ =	sdelay $0x2  }
0x17e: {  	v3 =	vor.u32 $0x40D, v0;
	_ =	sdelay $0x1  }
0x17f: {  	v2 =	vmul.f32 v2, v1;
	_ =	sdelay $0x1  }
0x180: {  	[tilespmem:v4+s15+$0x0] =	vst.idx.msk $0xffff, v2  }
0x181: {  	v2 =	vld.idx.msk [tilespmem:v3+s15+$0x0], $0xffff;
	_ =	sdelay $0x2  }
0x182: {  	v4 =	vor.u32 $0x40E, v0;
	_ =	sdelay $0x1  }
0x183: {  	v2 =	vmul.f32 v2, v1;
	_ =	sdelay $0x1  }
0x184: {  	[tilespmem:v3+s15+$0x0] =	vst.idx.msk $0xffff, v2  }
0x185: {  	v2 =	vld.idx.msk [tilespmem:v4+s15+$0x0], $0xffff;
	_ =	sdelay $0x2  }
0x186: {  	v3 =	vor.u32 $0x40F, v0;
	_ =	sdelay $0x1  }
0x187: {  	v2 =	vmul.f32 v2, v1;
	_ =	sdelay $0x1  }
0x188: {  	v61 =	vmovc v57;
	v57 =	vmov v53;
	v53 =	vmov v49;
	v49 =	vmov v45;
	[tilespmem:v4+s15+$0x0] =	vst.idx.msk $0xffff, v2  }
0x189: {  	v45 =	vmovc v41;
	v41 =	vmovc v37;
	v37 =	vmov v33;
	v33 =	vmov v29;
	v29 =	vmov v25;
	v2 =	vld.idx.msk [tilespmem:v3+s15+$0x0], $0xffff  }
0x18a: {  	v25 =	vmovc v21;
	v21 =	vmovc v17;
	v17 =	vmov v13;
	v13 =	vmov v9;
	v9 =	vmov v5;
	_ =	sdelay $0x2  }
0x18b: {  	v5 =	vmovc v9;
	v9 =	vmovc v13;
	v13 =	vmov v17;
	v17 =	vmov v21;
	v21 =	vmov v25  }
0x18c: {  	v25 =	vmovc v29;
	v29 =	vmovc v33;
	v33 =	vmov v37;
	v37 =	vmov v41;
	v1 =	vmul.f32 v2, v1  }
0x18d: {  	p0 =	sne.s32 s20, $0x30CA;
	v41 =	vmovc v45;
	v45 =	vmovc v49;
	v49 =	vmov v53;
	v53 =	vmov v57;
	v57 =	vmov v61  }
.Ltmp1:
0x18e: {  	[tilespmem:v3+s15+$0x0] =	vst.idx.msk $0xffff, v1;
	v3 =	vmovc v7;
	v7 =	vmovc v11;
	v11 =	vmov v15;
	v15 =	vmov v19;
	v19 =	vmov v23;
	(pc) =	sbr.rel @p0 .LBB2_4-.Ltmp1, $4  }
0x18f: {  	v61 =	vld [tilespmem:$0x1FFE0];
	v23 =	vmovc v27;
	v27 =	vmovc v31;
	v31 =	vmov v35;
	v35 =	vmov v39;
	v39 =	vmov v43;
	[spmem:s2] =	stream.indirect.scatter.add.f32 [tilespmem:s15], [sflag:$0x2], $0x10, s13, s13, $0xb8  }
0x190: {  	v43 =	vmovc v47;
	v47 =	vmovc v51;
	v51 =	vmov v55;
	v55 =	vmov v59;
	v59 =	vmov v63;
	v63 =	vld [tilespmem:$0x1FFF0];
	_ =	swait.ge [sflag:s12], $0x500  }
0x191: {  	[sflag:s12] =	ssyncset.done $0x0  }
0x192: {  	s20 =	sadd.s32 $0xA, s20;
	[sflag:s12] =	ssyncadd.s32 $0xFFFFFB00  }
0x193: {  	s19 =	sadd.s32 $0x1, s19  }
0x194: {  	p0 =	sne.s32 s19, s6  }
.Ltmp2:
0x195: {  	[bflag:$0x0] =	sbarrier.arrive $0xFFFF;
	(pc) =	sbr.rel @p0 .LBB2_1-.Ltmp2, $4  }
0x196: {  	[hbm:s5], [sflag:s17] =	dma.local [spmem:s18], $0x3160  }
0x197: {  	_ =	swait.ge [sflag:s12], $0x3160  }
0x198: {  	[sflag:s12] =	ssyncset.done $0x0  }
0x199: {  	[sflag:s12] =	ssyncadd.s32 $0xFFFFCEA0  }
0x19a: {  	_ =	sfence.sel $0x180000  }
0x19b: {  	[bflag:$0x0] =	sbarrier.arrive $0xFFFF  }
0x19c: {  	p0 =	sne.s32 s0, $0x0;
	_ =	strace $0x9000004D  }
0x19d: {  	s0 =	sadd.s32 @!p0 $0x100000, s1;
	[bflag:$0x2] =	sbarrier.arrive $0xFFFF  }
0x19e: {  	[sflag:s0] =	ssyncadd.tile.s32 @!p0 $0x1;
	_ =	shalt  }
.Lfunc_end2:
_tile_overlayer_lowered:
.L_overlay_start_2:
0x19f: {  	(tag) =	ssettag $0x2  }
0x1a0: {  	s0 =	rddreg [dreg:$0x0];
	s2 =	stileid.u32  }
0x1a1: {  	s1 =	rddreg [dreg:$0x1];
	p0 =	sne.s32 s2, $0x0  }
0x1a2: {  	s3 =	rddreg [dreg:$0x2];
	[bflag:$0x3] =	sbarrier.arrive $0xFFFF;
	s2 =	simm.s32 @!p0 $0x1C02  }
0x1a3: {  	[timem:s3], [sflag:s2] =	dma.local @!p0 [hbm:s0], s1  }
0x1a4: {  	s0 =	simm.s32 @!p0 $0x2  }
0x1a5: {  	_ =	swait.ge @!p0 [sflag:s0], s1  }
0x1a6: {  	s1 =	ssub.s32 @!p0 $0x0, s1;
	[sflag:s0] =	ssyncset.done @!p0 $0x0  }
0x1a7: {  	[sflag:s0] =	ssyncadd.s32 @!p0 s1  }
0x1a8: {  	[bflag:$0x3] =	sbarrier.arrive $0xFFFF  }
0x1a9: {  	_ =	shalt  }

// kernel: kernel.19.cloned.1.call-start
scs
__scs_entry_jumppad:
0x0: {  	(pc) =	sbr.rel $0x88, $3  }
0x1: {  	(tag) =	ssettag $0x0;
	lr =	simm.s32 $0x1  }
0x2: {  	[smem:$0x3F96] =	sst lr;
	_ =	strace $0xD0000000  }
0x3: {  	_ = 	snop  }
0x4: {  	_ = 	snop  }
0x5: {  	_ = 	snop  }
0x6: {  	_ = 	snop  }
0x7: {  	_ = 	snop  }
__scs_overlays_trampoline_lowered:
0x8: {  	[smem:$0x3FA5] =	sst s0  }
0x9: {  	[smem:$0x3FA6] =	sst s1  }
0xa: {  	[smem:$0x3FA7] =	sst s2  }
0xb: {  	[smem:$0x3FA8] =	sst s3  }
0xc: {  	[smem:$0x3FA9] =	sst s4  }
0xd: {  	[smem:$0x3FAA] =	sst s5  }
0xe: {  	[smem:$0x3FAB] =	sst s6  }
0xf: {  	[smem:$0x3FAC] =	sst s7  }
0x10: {  	[smem:$0x3FAD] =	sst s8  }
0x11: {  	[smem:$0x3FAE] =	sst s9;
	s0 =	simm.s32 @!p0 $0x0  }
0x12: {  	s1 =	sld [smem:$0x3F94];
	s0 =	simm.s32 @p0 $0x1  }
0x13: {  	[smem:$0x3FAF] =	sst s0;
	s0 =	simm.s32 @!p1 $0x0  }
0x14: {  	s2 =	sld [smem:$0x3F93];
	s0 =	simm.s32 @p1 $0x1  }
0x15: {  	[smem:$0x3FB0] =	sst s0;
	s0 =	simm.s32 @!p2 $0x0  }
0x16: {  	s3 =	sld [smem:$0x3FDB];
	s0 =	simm.s32 @p2 $0x1  }
0x17: {  	s4 =	simm.s32 $0x1BF5;
	[smem:$0x3FB2] =	sst s0  }
0x18: {  	s0 =	sld [smem:$0x3F95];
	_ =	swait.ge [sflag:s4], $0x0  }
0x19: {  	s7 =	sld [smem:$0x3F96]  }
0x1a: {  	s8 =	sadd.s32 $0xFFFFE003, lr  }
0x1b: {  	s9 =	sadd.s32 $0xFFFFFEF7, lr;
	s5 =	simm.s32 $0xFFFFFFFF;
	p2 =	slt.u32 s8, $0xFFFFF086  }
0x1c: {  	p1 =	slt.u32 s9, $0xF7A;
	s5 =	simm.s32 @!p2 $0x0  }
0x1d: {  	s5 =	simm.s32 @p1 $0x1;
	p0 =	seq.s32 s7, s2  }
0x1e: {  	s7 =	smul.u32 @!p0 $0xF7A, s2;
	p2 =	seq.s32 @!p0 s5, $0x0  }
0x1f: {  	s9 =	smul.u32 $0xF7A, s1;
	s8 =	simm.s32 @!p0 $0x1BF5;
	p2 =	por !p2, p0  }
0x20: {  	[sflag:s8] =	ssyncset.s32 @!p0 $0xFFFFF086;
	s6 =	sadd.s32 @!p0 s3, s7;
	s7 =	simm.s32 @!p0 $0x108  }
0x21: {  	s3 =	sadd.s32 s3, s9;
	s6 =	sadd.s32 @!p0 $0x88, s6;
	s7 =	simm.s32 @p2 $0x1082  }
0x22: {  	[simem:s7], [sflag:s8] =	dma.local @!p0 [hbm:s6], $0xF7A  }
0x23: {  	s9 =	sor.u32 $0xD0000000, s2;
	s6 =	simm.s32 $0x108;
	_ =	swait.ge @!p0 [sflag:s8], $0x0  }
0x24: {  	s3 =	sadd.s32 $0x88, s3;
	s6 =	simm.s32 @!p1 $0x1082;
	[sflag:s4] =	ssyncset.s32 $0xFFFFF086  }
0x25: {  	[simem:s6], [sflag:s4] =	dma.local [hbm:s3], $0xF7A  }
0x26: {  	[smem:$0x3F96] =	sst s1;
	(tag) =	ssettag s2;
	_ =	strace s9  }
0x27: {  	s1 =	sld [smem:$0x3FA6]  }
0x28: {  	s2 =	sld [smem:$0x3FA7]  }
0x29: {  	s4 =	sld [smem:$0x3FA9]  }
0x2a: {  	p0 =	seq.s32 s5, $0x0;
	s5 =	sld [smem:$0x3FAA]  }
0x2b: {  	s6 =	sld [smem:$0x3FAB]  }
0x2c: {  	s7 =	sld [smem:$0x3FAC]  }
0x2d: {  	s3 =	simm.s32 $0x108;
	s8 =	sld [smem:$0x3FAD]  }
0x2e: {  	s3 =	simm.s32 @!p0 $0x1082;
	s9 =	sld [smem:$0x3FAE]  }
0x2f: {  	lr =	sadd.s32 s0, s3;
	s0 =	sld [smem:$0x3FA5]  }
0x30: {  	s3 =	sld [smem:$0x3FA8]  }
0x31: {  	[smem:$0x3FB1] =	sst s10  }
0x32: {  	s10 =	sld [smem:$0x3FAF];
	_ =	sdelay $0x3  }
0x33: {  	p0 =	seq.s32 s10, $0x1;
	s10 =	sld [smem:$0x3FB1];
	_ =	sdelay $0x3  }
0x34: {  	[smem:$0x3FB1] =	sst s10  }
0x35: {  	s10 =	sld [smem:$0x3FB0];
	_ =	sdelay $0x3  }
0x36: {  	p1 =	seq.s32 s10, $0x1;
	s10 =	sld [smem:$0x3FB1];
	_ =	sdelay $0x3  }
0x37: {  	[smem:$0x3FB1] =	sst s10  }
0x38: {  	s10 =	sld [smem:$0x3FB2]  }
0x39: {  	_ = 	snop;
	(pc) =	sbr.ind lr, $3  }
0x3a: {  	_ = 	snop  }
0x3b: {  	_ = 	snop  }
0x3c: {  	p2 =	seq.s32 s10, $0x1;
	s10 =	sld [smem:$0x3FB1]  }
0x3d: {  	_ =	shalt  }
0x3e: {  	_ =	shalt  }
0x3f: {  	_ =	shalt  }
0x40: {  	_ =	shalt  }
0x41: {  	_ =	shalt  }
0x42: {  	_ =	shalt  }
0x43: {  	_ =	shalt  }
0x44: {  	_ =	shalt  }
0x45: {  	_ =	shalt  }
0x46: {  	_ =	shalt  }
0x47: {  	_ =	shalt  }
0x48: {  	_ =	shalt  }
0x49: {  	_ =	shalt  }
0x4a: {  	_ =	shalt  }
0x4b: {  	_ =	shalt  }
0x4c: {  	_ =	shalt  }
0x4d: {  	_ =	shalt  }
0x4e: {  	_ =	shalt  }
0x4f: {  	_ =	shalt  }
0x50: {  	_ =	shalt  }
0x51: {  	_ =	shalt  }
0x52: {  	_ =	shalt  }
0x53: {  	_ =	shalt  }
0x54: {  	_ =	shalt  }
0x55: {  	_ =	shalt  }
0x56: {  	_ =	shalt  }
0x57: {  	_ =	shalt  }
0x58: {  	_ =	shalt  }
0x59: {  	_ =	shalt  }
0x5a: {  	_ =	shalt  }
0x5b: {  	_ =	shalt  }
0x5c: {  	_ =	shalt  }
0x5d: {  	_ =	shalt  }
0x5e: {  	_ =	shalt  }
0x5f: {  	_ =	shalt  }
0x60: {  	_ =	shalt  }
0x61: {  	_ =	shalt  }
0x62: {  	_ =	shalt  }
0x63: {  	_ =	shalt  }
0x64: {  	_ =	shalt  }
0x65: {  	_ =	shalt  }
0x66: {  	_ =	shalt  }
0x67: {  	_ =	shalt  }
0x68: {  	_ =	shalt  }
0x69: {  	_ =	shalt  }
0x6a: {  	_ =	shalt  }
0x6b: {  	_ =	shalt  }
0x6c: {  	_ =	shalt  }
0x6d: {  	_ =	shalt  }
0x6e: {  	_ =	shalt  }
0x6f: {  	_ =	shalt  }
0x70: {  	_ =	shalt  }
0x71: {  	_ =	shalt  }
0x72: {  	_ =	shalt  }
0x73: {  	_ =	shalt  }
0x74: {  	_ =	shalt  }
0x75: {  	_ =	shalt  }
0x76: {  	_ =	shalt  }
0x77: {  	_ =	shalt  }
0x78: {  	_ =	shalt  }
0x79: {  	_ =	shalt  }
0x7a: {  	_ =	shalt  }
0x7b: {  	_ =	shalt  }
0x7c: {  	_ =	shalt  }
0x7d: {  	_ =	shalt  }
0x7e: {  	_ =	shalt  }
0x7f: {  	_ =	shalt  }
0x80: {  	_ =	shalt  }
0x81: {  	_ =	shalt  }
0x82: {  	_ =	shalt  }
0x83: {  	_ =	shalt  }
0x84: {  	_ =	shalt  }
0x85: {  	_ =	shalt  }
0x86: {  	_ =	shalt  }
0x87: {  	_ =	shalt  }
.Lfunc_end0:
.L_simem_size_0:
called_computation.3_lowered:
.L_overlay_start_0:
0x88: {  	s2 =	sld [smem:$0x3FD9]  }
0x89: {  	s3 =	sld [smem:$0x3FFE];
	_ =	sdelay $0x1  }
0x8a: {  	s1 =	srdreg.scid  }
0x8b: {  	s0 =	sand.u32 $0x1, s1  }
0x8c: {  	s17 =	sshll.u32 s0, $0xA;
	s2 =	sadd.s32 s3, s2  }
0x8d: {  	s2 =	sadd.s32 s2, s17  }
0x8e: {  	[smem:$0x3FBD] =	sst s2  }
0x8f: {  	_ = 	snop  }
0x90: {  	s2 =	sld [smem:$0x3FC9]  }
0x91: {  	s18 =	sld [smem:$0x3FC8]  }
0x92: {  	s4 =	sld [smem:$0x3FC7];
	(tm) =	ssettm $0x1  }
0x93: {  	s5 =	sld [smem:$0x3FFB];
	_ =	sdelay $0x3  }
0x94: {  	_ =	strace s5  }
0x95: {  	s5 =	sld [smem:$0x3FFC];
	_ =	sdelay $0x3  }
0x96: {  	_ =	strace s5  }
0x97: {  	s5 =	sld [smem:$0x3FFD];
	_ =	sdelay $0x3  }
0x98: {  	_ =	strace s5  }
0x99: {  	_ =	strace $0x8FFFFFFF  }
0x9a: {  	s19 =	sld [smem:$0x3FDB];
	_ =	sdelay $0x1  }
0x9b: {  	s6 =	simm.s32 $_scs_section_size  }
0x9c: {  	s7 =	simm.s32 $_size__tile_overlayer_lowered;
	s8 =	simm.s32 $_tile_overlayer_lowered  }
0x9d: {  	s22 =	simm.s32 $0x1BFF;
	s21 =	sshll.u32 s8, $0x1;
	s5 =	sadd.s32 s6, s19  }
0x9e: {  	s9 =	simm.s32 $0x0;
	s20 =	sshll.u32 s7, $0x1;
	s7 =	sadd.s32 s21, s5  }
0x9f: {  	[timem:s9], [sflag:s22] =	dma.local [hbm:s7], s20  }
0xa0: {  	_ =	swait.ge [sflag:s22], s20  }
0xa1: {  	s6 =	ssub.s32 $0x0, s20;
	[sflag:s22] =	ssyncset.done $0x0  }
0xa2: {  	[sflag:s22] =	ssyncadd.s32 s6;
	_ =	sdelay $0x1  }
0xa3: {  	s23 =	simm.s32 $0x1B8B  }
0xa4: {  	_ =	swait.ge [sflag:s23], $0x1  }
0xa5: {  	[sflag:s23] =	ssyncset.done $0x0  }
0xa6: {  	s25 =	simm.s32 $0x1B8E;
	s24 =	sld [smem:$0x3FFE];
	[sflag:s23] =	ssyncadd.s32 $0xFFFFFFFF  }
0xa7: {  	s26 =	simm.s32 $execute0_lowered;
	[smem:$0x3FD2] =	sst s25  }
0xa8: {  	s7 =	sshll.u32 s26, $0x1;
	_ =	strace $0x8000004F;
	[dreg:$0x1] =	wrdreg $0xFFFFFFFF  }
0xa9: {  	s28 =	simm.s32 $_size_execute0_lowered;
	s5 =	sadd.s32 s5, s7;
	[dreg:$0x0] =	wrdreg $0x0  }
0xaa: {  	s7 =	sshll.u32 s28, $0x1;
	[dreg:$0x2] =	wrdreg s5  }
0xab: {  	[dreg:$0x3] =	wrdreg s7  }
0xac: {  	[dreg:$0x4] =	wrdreg $0xC0  }
0xad: {  	_ =	task [dreg:s9], $0x5FFFF  }
0xae: {  	[dreg:$0x1] =	wrdreg $0xFFFFFFFF  }
0xaf: {  	[dreg:$0x0] =	wrdreg $0x60  }
0xb0: {  	[dreg:$0x2] =	wrdreg s24  }
0xb1: {  	[dreg:$0x3] =	wrdreg s2  }
0xb2: {  	[dreg:$0x4] =	wrdreg s18  }
0xb3: {  	[dreg:$0x5] =	wrdreg s4  }
0xb4: {  	[dreg:$0x6] =	wrdreg $0x9  }
0xb5: {  	_ =	task.clear_ibuf [dreg:s9], $0x7FFFF;
	_ =	strace $0x9000004F  }
0xb6: {  	s29 =	simm.s32 $0x9;
	_ =	strace $0x80000051  }
0xb7: {  	_ =	swait.ge [sflag:s29], $0x1  }
0xb8: {  	[sflag:s29] =	ssyncadd.s32 $0xFFFFFFFF  }
0xb9: {  	_ =	strace $0x90000051  }
0xba: {  	_ =	sfence  }
0xbb: {  	s30 =	sld [smem:$0x0];
	_ =	sdelay $0x2  }
0xbc: {  	s31 =	sshll.u32 s1, $0xD;
	s1 =	sshrl.u32 s1, $0x2  }
0xbd: {  	s3 =	sand.u32 $0x4000, s31;
	s1 =	sadd.s32 s1, s30  }
0xbe: {  	s0 =	sor.u32 s3, s0;
	s1 =	sshll.u32 s1, $0x11  }
0xbf: {  	s0 =	sor.u32 s1, s0  }
0xc0: {  	s0 =	sadd.s32 $0x8F2B, s0  }
0xc1: {  	[sflag:s0] =	ssyncadd.remote.s32 $0x1  }
0xc2: {  	_ =	sfence.sel $0xFFFF  }
0xc3: {  	[dreg:$0x0] =	wrdreg $0xFFFFFFFF;
	(pc) =	sbr.abs _section_cstart, $3  }
0xc4: {  	[dreg:$0x1] =	wrdreg $0xFFFFFFFF  }
0xc5: {  	_ =	task.clear_ibuf [dreg:s9], $0x2FFFF;
	_ =	strace $0x9FFFFFFF  }
0xc6: {  	(tm) =	ssettm $0x7FFFFFFF  }
0xc7: {  	_ =	shalt  }
tec
execute0_lowered:
.L_overlay_start_1:
0x0: {  	(tag) =	ssettag $0x1  }
0x1: {  	s7 =	rddreg [dreg:$0x0]  }
0x2: {  	s3 =	rddreg [dreg:$0x1];
	s1 =	srdreg.scid  }
0x3: {  	s8 =	rddreg [dreg:$0x2];
	s0 =	stileid.u32  }
0x4: {  	s9 =	rddreg [dreg:$0x3];
	s2 =	simm.s32 $0x0;
	s5 =	sand.u32 $0x1, s1  }
0x5: {  	s6 =	sshll.u32 s0, $0x7;
	s1 =	rddreg [dreg:$0x4];
	s4 =	sshll.u32 s5, $0xB  }
0x6: {  	[smem:$0x7FF] =	sst s2;
	s6 =	sor.u32 s6, s4  }
0x7: {  	_ =	strace $0x80000050;
	s11 =	ssub.s32 $0x2, s5;
	s13 =	sshrl.u32 s6, $0x3  }
0x8: {  	s5 =	simm.s32 $0x80;
	s10 =	sadd.s32 s3, s13;
	s3 =	simm.s32 $0x2  }
0x9: {  	[tilespmem:s2], [sflag:$0x2] =	stream.linear.gather [hbm4b:s10+s2], $0x80, $0x38;
	[tilespmem:$0x880] =	vst v63  }
0xa: {  	s4 =	sadd.s32 $0x3800, s7;
	s14 =	sshrl.u32 s11, $0x1;
	_ =	swait.ge [sflag:s3], $0x80  }
0xb: {  	s12 =	sshll.u32 s6, $0x1;
	s14 =	ssub.s32 s11, s14;
	[sflag:s3] =	ssyncset.done $0x0  }
0xc: {  	s6 =	simm.s32 $0x1;
	s31 =	smax.u32 s14, $0x1;
	[sflag:s3] =	ssyncadd.s32 $0xFFFFFF80  }
0xd: {  	[tilespmem:s5], [sflag:$0x1] =	stream.indirect.gather [hbm4b:s4+s5], $0x10, s2, s5, $0xb8;
	[tilespmem:$0x880] =	vst v63  }
0xe: {  	p0 =	sne.s32 s31, $0x1;
	_ =	swait.ge [sflag:s6], $0x800  }
.Ltmp0:
0xf: {  	s7 =	sadd.s32 s12, s7;
	[sflag:s6] =	ssyncset.done $0x0;
	(pc) =	sbr.rel @!p0 .LBB2_2-.Ltmp0, $4  }
0x10: {  	s11 =	sadd.s32 s8, s13;
	s12 =	sadd.s32 $0x34E00, s7;
	[sflag:s6] =	ssyncadd.s32 $0xFFFFF800  }
0x11: {  	[hbm4b:s12+s2] =	stream.linear.scatter [tilespmem:s5], [sflag:$0x2], $0x800, $0x38;
	[tilespmem:$0x880] =	vst v63  }
0x12: {  	s8 =	sadd.s32 s9, s13;
	s9 =	sadd.s32 $0x36E00, s7;
	_ =	swait.ge [sflag:s3], $0x800  }
0x13: {  	s7 =	sadd.s32 $0x38E00, s7;
	s13 =	sadd.s32 $0xFFFFFFFF, s31;
	[sflag:s3] =	ssyncset.done $0x0  }
.LBB2_1:
0x14: {  	p0 =	sne.s32 s13, $0x1;
	s13 =	sadd.s32 $0xFFFFFFFF, s13  }
0x15: {  	[sflag:s3] =	ssyncadd.s32 $0xFFFFF800  }
0x16: {  	[tilespmem:s2], [sflag:$0x2] =	stream.linear.gather [hbm4b:s11+s2], $0x80, $0x38;
	[tilespmem:$0x880] =	vst v63  }
0x17: {  	_ =	swait.ge [sflag:s3], $0x80  }
0x18: {  	[sflag:s3] =	ssyncset.done $0x0  }
0x19: {  	[sflag:s3] =	ssyncadd.s32 $0xFFFFFF80  }
0x1a: {  	v0 =	vld [tilespmem:$0x40]  }
0x1b: {  	v1 =	vld [tilespmem:$0x60]  }
0x1c: {  	v2 =	vld [tilespmem:$0x30]  }
0x1d: {  	v3 =	vld [tilespmem:$0x70]  }
0x1e: {  	v4 =	vld [tilespmem:$0x20]  }
0x1f: {  	v0 =	vadd.s32 $0xC350, v0;
	v5 =	vld [tilespmem:$0x50]  }
0x20: {  	v6 =	vld [tilespmem:$0x0];
	[tilespmem:$0x40] =	vst v0;
	v0 =	vadd.s32 $0xC350, v1  }
0x21: {  	v1 =	vld [tilespmem:$0x10];
	v2 =	vadd.s32 $0xC350, v2;
	[tilespmem:$0x60] =	vst v0  }
0x22: {  	[tilespmem:$0x30] =	vst v2;
	v0 =	vadd.s32 $0xC350, v3  }
0x23: {  	v2 =	vadd.s32 $0xC350, v4;
	[tilespmem:$0x70] =	vst v0  }
0x24: {  	[tilespmem:$0x20] =	vst v2;
	v0 =	vadd.s32 $0xC350, v5  }
0x25: {  	v2 =	vadd.s32 $0xC350, v6;
	[tilespmem:$0x50] =	vst v0  }
0x26: {  	[tilespmem:$0x0] =	vst v2;
	v0 =	vadd.s32 $0xC350, v1  }
0x27: {  	[tilespmem:$0x10] =	vst v0  }
0x28: {  	[tilespmem:s5], [sflag:$0x1] =	stream.indirect.gather [hbm4b:s4+s5], $0x10, s2, s5, $0xb8;
	[tilespmem:$0x880] =	vst v63  }
0x29: {  	_ =	swait.ge [sflag:s6], $0x800  }
0x2a: {  	[sflag:s6] =	ssyncset.done $0x0  }
0x2b: {  	[sflag:s6] =	ssyncadd.s32 $0xFFFFF800  }
0x2c: {  	[hbm4b:s9+s2] =	stream.linear.scatter [tilespmem:s5], [sflag:$0x2], $0x800, $0x38;
	[tilespmem:$0x880] =	vst v63  }
0x2d: {  	_ =	swait.ge [sflag:s3], $0x800  }
0x2e: {  	[sflag:s3] =	ssyncset.done $0x0  }
0x2f: {  	[sflag:s3] =	ssyncadd.s32 $0xFFFFF800  }
0x30: {  	[tilespmem:s2], [sflag:$0x2] =	stream.linear.gather [hbm4b:s8+s2], $0x80, $0x38;
	[tilespmem:$0x880] =	vst v63  }
0x31: {  	_ =	swait.ge [sflag:s3], $0x80  }
0x32: {  	[sflag:s3] =	ssyncset.done $0x0  }
0x33: {  	[sflag:s3] =	ssyncadd.s32 $0xFFFFFF80  }
0x34: {  	v0 =	vld [tilespmem:$0x70]  }
0x35: {  	v1 =	vld [tilespmem:$0x10]  }
0x36: {  	v2 =	vld [tilespmem:$0x20]  }
0x37: {  	v3 =	vld [tilespmem:$0x30]  }
0x38: {  	v4 =	vld [tilespmem:$0x50]  }
0x39: {  	v5 =	vld [tilespmem:$0x0];
	v0 =	vadd.s32 $0x186A0, v0  }
0x3a: {  	v1 =	vadd.s32 $0x186A0, v1;
	v6 =	vld [tilespmem:$0x40];
	[tilespmem:$0x70] =	vst v0  }
0x3b: {  	[tilespmem:$0x10] =	vst v1;
	v0 =	vadd.s32 $0x186A0, v2;
	v1 =	vld [tilespmem:$0x60]  }
0x3c: {  	[tilespmem:$0x20] =	vst v0;
	v0 =	vadd.s32 $0x186A0, v3  }
0x3d: {  	[tilespmem:$0x30] =	vst v0;
	v0 =	vadd.s32 $0x186A0, v4  }
0x3e: {  	v2 =	vadd.s32 $0x186A0, v5;
	[tilespmem:$0x50] =	vst v0  }
0x3f: {  	[tilespmem:$0x0] =	vst v2;
	v0 =	vadd.s32 $0x186A0, v6  }
0x40: {  	[tilespmem:$0x40] =	vst v0;
	v0 =	vadd.s32 $0x186A0, v1  }
0x41: {  	[tilespmem:$0x60] =	vst v0  }
0x42: {  	[tilespmem:s5], [sflag:$0x1] =	stream.indirect.gather [hbm4b:s4+s5], $0x10, s2, s5, $0xb8;
	[tilespmem:$0x880] =	vst v63  }
0x43: {  	_ =	swait.ge [sflag:s6], $0x800  }
0x44: {  	[sflag:s6] =	ssyncset.done $0x0  }
0x45: {  	[sflag:s6] =	ssyncadd.s32 $0xFFFFF800  }
0x46: {  	[hbm4b:s7+s2] =	stream.linear.scatter [tilespmem:s5], [sflag:$0x2], $0x800, $0x38;
	[tilespmem:$0x880] =	vst v63  }
0x47: {  	_ =	swait.ge [sflag:s3], $0x800  }
0x48: {  	[sflag:s3] =	ssyncset.done $0x0  }
0x49: {  	[sflag:s3] =	ssyncadd.s32 $0xFFFFF800  }
0x4a: {  	[tilespmem:s2], [sflag:$0x2] =	stream.linear.gather [hbm4b:s10+s2], $0x80, $0x38;
	[tilespmem:$0x880] =	vst v63  }
0x4b: {  	_ =	swait.ge [sflag:s3], $0x80  }
0x4c: {  	[sflag:s3] =	ssyncset.done $0x0  }
0x4d: {  	[sflag:s3] =	ssyncadd.s32 $0xFFFFFF80  }
0x4e: {  	[tilespmem:s5], [sflag:$0x1] =	stream.indirect.gather [hbm4b:s4+s5], $0x10, s2, s5, $0xb8;
	[tilespmem:$0x880] =	vst v63  }
0x4f: {  	_ =	swait.ge [sflag:s6], $0x800  }
.Ltmp1:
0x50: {  	[sflag:s6] =	ssyncset.done $0x0;
	(pc) =	sbr.rel @p0 .LBB2_1-.Ltmp1, $4  }
0x51: {  	[sflag:s6] =	ssyncadd.s32 $0xFFFFF800  }
0x52: {  	[hbm4b:s12+s2] =	stream.linear.scatter [tilespmem:s5], [sflag:$0x2], $0x800, $0x38;
	[tilespmem:$0x880] =	vst v63  }
0x53: {  	_ =	swait.ge [sflag:s3], $0x800  }
0x54: {  	[sflag:s3] =	ssyncset.done $0x0  }
.LBB2_2:
0x55: {  	[sflag:s3] =	ssyncadd.s32 $0xFFFFF800  }
0x56: {  	[tilespmem:s2], [sflag:$0x2] =	stream.linear.gather [hbm4b:s11+s2], $0x80, $0x38;
	[tilespmem:$0x880] =	vst v63  }
0x57: {  	_ =	swait.ge [sflag:s3], $0x80  }
0x58: {  	[sflag:s3] =	ssyncset.done $0x0  }
0x59: {  	[sflag:s3] =	ssyncadd.s32 $0xFFFFFF80  }
0x5a: {  	v0 =	vld [tilespmem:$0x40]  }
0x5b: {  	v1 =	vld [tilespmem:$0x60]  }
0x5c: {  	v2 =	vld [tilespmem:$0x30]  }
0x5d: {  	v3 =	vld [tilespmem:$0x70]  }
0x5e: {  	v4 =	vld [tilespmem:$0x20]  }
0x5f: {  	v5 =	vld [tilespmem:$0x50];
	v0 =	vadd.s32 $0xC350, v0  }
0x60: {  	v6 =	vld [tilespmem:$0x0];
	v43 =	vadd.s32 $0xC350, v1;
	[tilespmem:$0x40] =	vst v0  }
0x61: {  	v44 =	vld [tilespmem:$0x10];
	v2 =	vadd.s32 $0xC350, v2;
	[tilespmem:$0x60] =	vst v43  }
0x62: {  	v45 =	vadd.s32 $0xC350, v3;
	[tilespmem:$0x30] =	vst v2  }
0x63: {  	v46 =	vadd.s32 $0xC350, v4;
	[tilespmem:$0x70] =	vst v45  }
0x64: {  	v47 =	vadd.s32 $0xC350, v5;
	[tilespmem:$0x20] =	vst v46  }
0x65: {  	v48 =	vadd.s32 $0xC350, v6;
	[tilespmem:$0x50] =	vst v47  }
0x66: {  	v49 =	vadd.s32 $0xC350, v44;
	[tilespmem:$0x0] =	vst v48  }
0x67: {  	[tilespmem:$0x10] =	vst v49  }
0x68: {  	[tilespmem:s5], [sflag:$0x1] =	stream.indirect.gather [hbm4b:s4+s5], $0x10, s2, s5, $0xb8;
	[tilespmem:$0x880] =	vst v63  }
0x69: {  	_ =	swait.ge [sflag:s6], $0x800  }
0x6a: {  	[sflag:s6] =	ssyncset.done $0x0  }
0x6b: {  	[sflag:s6] =	ssyncadd.s32 $0xFFFFF800  }
0x6c: {  	[hbm4b:s9+s2] =	stream.linear.scatter [tilespmem:s5], [sflag:$0x2], $0x800, $0x38;
	[tilespmem:$0x880] =	vst v63  }
0x6d: {  	_ =	swait.ge [sflag:s3], $0x800  }
0x6e: {  	[sflag:s3] =	ssyncset.done $0x0  }
0x6f: {  	[sflag:s3] =	ssyncadd.s32 $0xFFFFF800  }
0x70: {  	[tilespmem:s2], [sflag:$0x2] =	stream.linear.gather [hbm4b:s8+s2], $0x80, $0x38;
	[tilespmem:$0x880] =	vst v63  }
0x71: {  	_ =	swait.ge [sflag:s3], $0x80  }
0x72: {  	[sflag:s3] =	ssyncset.done $0x0  }
0x73: {  	[sflag:s3] =	ssyncadd.s32 $0xFFFFFF80  }
0x74: {  	v50 =	vld [tilespmem:$0x70]  }
0x75: {  	v51 =	vld [tilespmem:$0x10]  }
0x76: {  	v52 =	vld [tilespmem:$0x20]  }
0x77: {  	v53 =	vld [tilespmem:$0x30]  }
0x78: {  	v54 =	vld [tilespmem:$0x50]  }
0x79: {  	v55 =	vld [tilespmem:$0x0];
	v0 =	vadd.s32 $0x186A0, v50  }
0x7a: {  	v56 =	vld [tilespmem:$0x40];
	v1 =	vadd.s32 $0x186A0, v51;
	[tilespmem:$0x70] =	vst v0  }
0x7b: {  	v58 =	vld [tilespmem:$0x60];
	v57 =	vadd.s32 $0x186A0, v52;
	[tilespmem:$0x10] =	vst v1  }
0x7c: {  	v59 =	vadd.s32 $0x186A0, v53;
	[tilespmem:$0x20] =	vst v57  }
0x7d: {  	v60 =	vadd.s32 $0x186A0, v54;
	[tilespmem:$0x30] =	vst v59  }
0x7e: {  	v61 =	vadd.s32 $0x186A0, v55;
	[tilespmem:$0x50] =	vst v60  }
0x7f: {  	v62 =	vadd.s32 $0x186A0, v56;
	[tilespmem:$0x0] =	vst v61  }
0x80: {  	v63 =	vadd.s32 $0x186A0, v58;
	[tilespmem:$0x40] =	vst v62  }
0x81: {  	[tilespmem:$0x60] =	vst v63  }
0x82: {  	[tilespmem:s5], [sflag:$0x1] =	stream.indirect.gather [hbm4b:s4+s5], $0x10, s2, s5, $0xb8;
	[tilespmem:$0x880] =	vst v63  }
0x83: {  	_ =	swait.ge [sflag:s6], $0x800  }
0x84: {  	[sflag:s6] =	ssyncset.done $0x0  }
0x85: {  	[sflag:s6] =	ssyncadd.s32 $0xFFFFF800  }
0x86: {  	[hbm4b:s7+s2] =	stream.linear.scatter [tilespmem:s5], [sflag:$0x2], $0x800, $0x38;
	[tilespmem:$0x880] =	vst v63  }
0x87: {  	_ =	swait.ge [sflag:s3], $0x800  }
0x88: {  	[sflag:s3] =	ssyncset.done $0x0  }
0x89: {  	[sflag:s3] =	ssyncadd.s32 $0xFFFFF800  }
0x8a: {  	_ =	sfence.sel $0x180000  }
0x8b: {  	[bflag:$0x0] =	sbarrier.arrive $0xFFFF  }
0x8c: {  	p0 =	sne.s32 s0, $0x0;
	_ =	strace $0x90000050  }
0x8d: {  	s0 =	sadd.s32 @!p0 $0x100000, s1;
	[bflag:$0x2] =	sbarrier.arrive $0xFFFF  }
0x8e: {  	[sflag:s0] =	ssyncadd.tile.s32 @!p0 $0x1;
	_ =	shalt  }
.Lfunc_end2:
_tile_overlayer_lowered:
.L_overlay_start_2:
0x8f: {  	(tag) =	ssettag $0x2  }
0x90: {  	s0 =	rddreg [dreg:$0x0];
	s2 =	stileid.u32  }
0x91: {  	s1 =	rddreg [dreg:$0x1];
	p0 =	sne.s32 s2, $0x0  }
0x92: {  	s3 =	rddreg [dreg:$0x2];
	[bflag:$0x3] =	sbarrier.arrive $0xFFFF;
	s2 =	simm.s32 @!p0 $0x1C02  }
0x93: {  	[timem:s3], [sflag:s2] =	dma.local @!p0 [hbm:s0], s1  }
0x94: {  	s0 =	simm.s32 @!p0 $0x2  }
0x95: {  	_ =	swait.ge @!p0 [sflag:s0], s1  }
0x96: {  	s1 =	ssub.s32 @!p0 $0x0, s1;
	[sflag:s0] =	ssyncset.done @!p0 $0x0  }
0x97: {  	[sflag:s0] =	ssyncadd.s32 @!p0 s1  }
0x98: {  	[bflag:$0x3] =	sbarrier.arrive $0xFFFF  }
0x99: {  	_ =	shalt  }

</sc_bundles>
